<compile_context>
chip_gen: v7x
topology: tpu7x:2x2x1
jax: 0.10.2.dev20260603
libtpu: 0.0.44.dev20260713+nightly
codegen_flags: <defaults>
</compile_context>

<pallas_src>
import jax
import jax.numpy as jnp
from jax import lax
from jax.experimental import pallas as pl
from jax.experimental.pallas import tpu as pltpu
from jax.experimental.pallas import tpu_sc as plsc

_NUM_CLASS = 100000
_CTX = 4
_D = 512
_B = 4096
_PRE = 5
_SUF = 68
_SEQ = 77
_L = 16

_NC = 2
_NS = 16
_NW = _NC * _NS
_BPW = _B // _NW

_K = 8
_REP = 128
_NSTAT = _SEQ - _CTX
_MAXROWS = (_NSTAT + _NW - 1) // _NW


def _body(lab_h, tab_h, static_h, prom_o, cls_o,
          lab_v, gbuf, flat, repbuf, keep, gsem):
    c = lax.axis_index("c")
    s = lax.axis_index("s")
    wid = s * _NC + c
    base = wid * _BPW

    pltpu.sync_copy(lab_h.at[pl.ds(base, _BPW)], lab_v)
    pltpu.sync_copy(static_h, repbuf.at[pl.ds(0, 80)])
    for t in range(_MAXROWS):
        ridx = wid + t * _NW

        @pl.when(ridx < _NSTAT)
        def _():
            r = ridx + jnp.where(ridx < _PRE, 0, _CTX)
            for l in range(_D // _L):
                keep[t, pl.ds(l * _L, _L)] = repbuf[r, pl.ds(l * _L, _L)]

    for t in range(_MAXROWS):
        ridx = wid + t * _NW

        @pl.when(ridx < _NSTAT)
        def _():
            r = ridx + jnp.where(ridx < _PRE, 0, _CTX)

            def rep_row(i, carry):
                for l in range(_D // _L):
                    repbuf[i, pl.ds(l * _L, _L)] = keep[t, pl.ds(l * _L, _L)]
                return carry

            lax.fori_loop(0, _REP, rep_row, 0)

            def plane(j, carry):
                pltpu.sync_copy(
                    repbuf, prom_o.at[r, pl.ds(j * _REP, _REP)])
                return carry

            lax.fori_loop(0, _B // _REP, plane, 0)

    def chunk(ci, carry):
        cb = base + ci * _K
        pltpu.async_copy(tab_h.at[lab_v.at[pl.ds(ci * _K, _K)]], gbuf,
                         gsem).wait()

        def item(i, carry2):
            for j in range(_CTX):
                for l in range(_D // _L):
                    flat[i, pl.ds(j * _D + l * _L, _L)] = (
                        gbuf[i, j, pl.ds(l * _L, _L)])
            return carry2

        lax.fori_loop(0, _K, item, 0)
        pltpu.sync_copy(flat, cls_o.at[pl.ds(cb, _K)])
        for j in range(_CTX):
            pltpu.sync_copy(flat.at[:, pl.ds(j * _D, _D)],
                            prom_o.at[_PRE + j, pl.ds(cb, _K)])
        return carry

    lax.fori_loop(0, _BPW // _K, chunk, 0)


@jax.jit
def kernel(label, clsctx, token_prefix, token_suffix):
    label32 = label.astype(jnp.int32)
    pfx = token_prefix.reshape(_PRE, _D)
    sfx = token_suffix.reshape(_SUF, _D)
    z = jnp.zeros((_CTX, _D), jnp.float32)
    static = jnp.concatenate([pfx, z, sfx, z[:3]], axis=0)

    call = pl.kernel(
        _body,
        out_type=(
            jax.ShapeDtypeStruct((_SEQ, _B, _D), jnp.float32),
            jax.ShapeDtypeStruct((_B, _CTX * _D), jnp.float32),
        ),
        mesh=plsc.VectorSubcoreMesh(core_axis_name="c", subcore_axis_name="s",
                                    num_cores=_NC, num_subcores=_NS),
        scratch_types=[
            pltpu.VMEM((_BPW,), jnp.int32),
            pltpu.VMEM((_K, _CTX, _D), jnp.float32),
            pltpu.VMEM((_K, _CTX * _D), jnp.float32),
            pltpu.VMEM((_REP, _D), jnp.float32),
            pltpu.VMEM((_MAXROWS, _D), jnp.float32),
            pltpu.SemaphoreType.DMA,
        ],
    )
    prompts_t, cls = call(label32, clsctx, static)
    return prompts_t.transpose(1, 0, 2), cls

# --- scband reference (transcript-rebuilt; emitter-appended) ---
"""Pipeline reference for scband-prompt-learner-53412213293559 (READ-ONLY COPY).

The authoritative reference and input builder live on the scoring server;
editing this copy changes nothing except your own understanding.
"""

import jax, jax.numpy as jnp
import numpy as np

NUM_CLASS = 100000
N_CLS_CTX = 4
CTX_DIM = 512
N_CTX = 4
SEQ_LEN = 77
BATCH = 4096

def setup_inputs(seed: int = 0) -> dict:
    key = jax.random.key(seed)
    k1, k2, k3 = jax.random.split(key, 3)
    # learned class-context vectors: nn.init.normal_(std=0.02)
    clsctx = jax.random.normal(k1, (NUM_CLASS, N_CLS_CTX, CTX_DIM), dtype=jnp.float32) * 0.02
    # frozen buffers derived from CLIP token embedding of the template prompt
    # token_prefix = embedding[:, :n_ctx+1, :] -> [1, 5, 512]
    # token_suffix = embedding[:, n_ctx+1+n_cls_ctx:, :] -> [1, 68, 512]
    token_prefix = jax.random.normal(k2, (1, N_CTX + 1, CTX_DIM), dtype=jnp.float32)
    token_suffix = jax.random.normal(k3, (1, SEQ_LEN - (N_CTX + 1 + N_CLS_CTX), CTX_DIM), dtype=jnp.float32)
    label = jax.random.randint(jax.random.fold_in(key, 7), (BATCH,), 0, NUM_CLASS, dtype=jnp.int64 if jax.config.jax_enable_x64 else jnp.int32)
    return {"label": label, "clsctx": clsctx, "token_prefix": token_prefix, "token_suffix": token_suffix}

def reference(label, clsctx, token_prefix, token_suffix):
    # cls_ctx = self.clsctx[label]  (embedding-style gather)
    cls_ctx = jnp.take(clsctx, label, axis=0)  # [B, 4, 512]
    b = label.shape[0]
    prefix = jnp.broadcast_to(token_prefix, (b, token_prefix.shape[1], token_prefix.shape[2]))
    suffix = jnp.broadcast_to(token_suffix, (b, token_suffix.shape[1], token_suffix.shape[2]))
    prompts = jnp.concatenate([prefix, cls_ctx, suffix], axis=1)  # [B, 77, 512]
    return (prompts, cls_ctx.reshape(b, -1))

if __name__ == "__main__":
    import jax
    _d = setup_inputs()
    print(jax.jit(kernel)(*tuple(_d.values())))

</pallas_src>

<mosaic_0001>
#map = affine_map<(d0, d1) -> (0)>
#map1 = affine_map<(d0, d1) -> (0, 0, 0)>
#map2 = affine_map<(d0, d1) -> (0, 0)>
module attributes {stable_mosaic.version = 14 : i64} {
  func.func @_body(%arg0: i32, %arg1: i32, %arg2: memref<4096xi32, #tpu.memory_space<hbm>>, %arg3: memref<100000x4x512xf32, #tpu.memory_space<hbm>>, %arg4: memref<80x512xf32, #tpu.memory_space<hbm>>, %arg5: memref<77x4096x512xf32, #tpu.memory_space<hbm>>, %arg6: memref<4096x2048xf32, #tpu.memory_space<hbm>>, %arg7: memref<128xi32, #tpu.memory_space<vmem>>, %arg8: memref<8x4x512xf32, #tpu.memory_space<vmem>>, %arg9: memref<8x2048xf32, #tpu.memory_space<vmem>>, %arg10: memref<128x512xf32, #tpu.memory_space<vmem>>, %arg11: memref<3x512xf32, #tpu.memory_space<vmem>>, %arg12: memref<!tpu.dma_semaphore, #tpu.memory_space<semaphore_mem>>) attributes {dimension_semantics = [#tpu.dimension_semantics<core_parallel>, #tpu.dimension_semantics<subcore_parallel>], iteration_bounds = array<i64: 2, 16>, scalar_prefetch = 0 : i64, scratch_operands = 6 : i64, tpu.core_type = #tpu.core_type<sc_vector_subcore>, window_params = [{transform_indices = #map}, {transform_indices = #map1}, {transform_indices = #map2}, {transform_indices = #map1}, {transform_indices = #map2}]} {
    %mul3A = arith.constant 2 : i32
    %mul3A_0 = arith.muli %arg1, %mul3A : i32
    %add3A = arith.addi %mul3A_0, %arg0 : i32
    %mul3A_1 = arith.constant 128 : i32
    %mul3A_2 = arith.muli %add3A, %mul3A_1 : i32
    "tpu.region"() ({
      %run_scoped3A = tpu.sem_alloc : memref<!tpu.dma_semaphore, #tpu.memory_space<semaphore_mem>>
      %dma_start3A = tpu.memref_slice %arg2[%mul3A_2] : memref<4096xi32, #tpu.memory_space<hbm>> -> memref<128xi32, #tpu.memory_space<hbm>>
      %dma_start3A_47 = tpu.memref_slice %arg2[%mul3A_2] : memref<4096xi32, #tpu.memory_space<hbm>> -> memref<128xi32, #tpu.memory_space<hbm>>
      tpu.enqueue_dma source(%dma_start3A_47 : memref<128xi32, #tpu.memory_space<hbm>>) target(%arg7 : memref<128xi32, #tpu.memory_space<vmem>>) target_semaphore(%run_scoped3A : memref<!tpu.dma_semaphore, #tpu.memory_space<semaphore_mem>>)
      %dma_wait3A = tpu.memref_slice %arg2[%mul3A_2] : memref<4096xi32, #tpu.memory_space<hbm>> -> memref<128xi32, #tpu.memory_space<hbm>>
      %dma_wait3A_48 = tpu.memref_slice %arg2[%mul3A_2] : memref<4096xi32, #tpu.memory_space<hbm>> -> memref<128xi32, #tpu.memory_space<hbm>>
      tpu.wait_dma2 semaphore(%run_scoped3A : memref<!tpu.dma_semaphore, #tpu.memory_space<semaphore_mem>>) src(%dma_wait3A_48 : memref<128xi32, #tpu.memory_space<hbm>>) dst(%arg7 : memref<128xi32, #tpu.memory_space<vmem>>)
      tpu.yield
    }) : () -> ()
    "tpu.region"() ({
      %run_scoped3A = tpu.sem_alloc : memref<!tpu.dma_semaphore, #tpu.memory_space<semaphore_mem>>
      %dma_start3A = arith.constant 0 : i32
      %dma_start3A_47 = arith.constant 0 : i32
      %dma_start3A_48 = tpu.memref_slice %arg10[%dma_start3A, %dma_start3A_47] : memref<128x512xf32, #tpu.memory_space<vmem>> -> memref<80x512xf32, #tpu.memory_space<vmem>>
      %dma_start3A_49 = arith.constant 0 : i32
      %dma_start3A_50 = arith.constant 0 : i32
      %dma_start3A_51 = tpu.memref_slice %arg10[%dma_start3A_49, %dma_start3A_50] : memref<128x512xf32, #tpu.memory_space<vmem>> -> memref<80x512xf32, #tpu.memory_space<vmem>>
      tpu.enqueue_dma source(%arg4 : memref<80x512xf32, #tpu.memory_space<hbm>>) target(%dma_start3A_51 : memref<80x512xf32, #tpu.memory_space<vmem>>) target_semaphore(%run_scoped3A : memref<!tpu.dma_semaphore, #tpu.memory_space<semaphore_mem>>)
      %dma_wait3A = arith.constant 0 : i32
      %dma_wait3A_52 = arith.constant 0 : i32
      %dma_wait3A_53 = tpu.memref_slice %arg10[%dma_wait3A, %dma_wait3A_52] : memref<128x512xf32, #tpu.memory_space<vmem>> -> memref<80x512xf32, #tpu.memory_space<vmem>>
      %dma_wait3A_54 = arith.constant 0 : i32
      %dma_wait3A_55 = arith.constant 0 : i32
      %dma_wait3A_56 = tpu.memref_slice %arg10[%dma_wait3A_54, %dma_wait3A_55] : memref<128x512xf32, #tpu.memory_space<vmem>> -> memref<80x512xf32, #tpu.memory_space<vmem>>
      tpu.wait_dma2 semaphore(%run_scoped3A : memref<!tpu.dma_semaphore, #tpu.memory_space<semaphore_mem>>) src(%arg4 : memref<80x512xf32, #tpu.memory_space<hbm>>) dst(%dma_wait3A_56 : memref<80x512xf32, #tpu.memory_space<vmem>>)
      tpu.yield
    }) : () -> ()
    %add3A_3 = arith.constant 0 : i32
    %add3A_4 = arith.addi %add3A, %add3A_3 : i32
    %lt3A = arith.constant 73 : i32
    %lt3A_5 = arith.cmpi slt, %add3A_4, %lt3A : i32
    %convert_element_type3A = arith.extui %lt3A_5 : i1 to i32
    %cond3A = arith.constant 0 : i32
    %cond3A_6 = arith.cmpi ne, %convert_element_type3A, %cond3A : i32
    scf.if %cond3A_6 {
      %lt3A_47 = arith.constant 5 : i32
      %lt3A_48 = arith.cmpi slt, %add3A_4, %lt3A_47 : i32
      %jit3A = arith.constant 0 : i32
      %jit3A_49 = arith.constant 4 : i32
      %select_n3A = arith.select %lt3A_48, %jit3A, %jit3A_49 : i32
      %add3A_50 = arith.addi %add3A_4, %select_n3A : i32
      %get3A = arith.index_cast %add3A_50 : i32 to index
      %get3A_51 = arith.constant 0 : index
      %get3A_52 = tpu.vector_load %arg10[%get3A, %get3A_51] {strides = array<i32>} : memref<128x512xf32, #tpu.memory_space<vmem>>, vector<1x16xf32>,
      %get3A_53 = vector.shape_cast %get3A_52 : vector<1x16xf32> to vector<16xf32>
      %swap3A = arith.constant 0 : i32
      %swap3A_54 = arith.index_cast %swap3A : i32 to index
      %swap3A_55 = arith.constant 0 : index
      %swap3A_56 = tpu.vector_load %arg11[%swap3A_54, %swap3A_55] {strides = array<i32>} : memref<3x512xf32, #tpu.memory_space<vmem>>, vector<1x16xf32>,
      %swap3A_57 = vector.shape_cast %swap3A_56 : vector<1x16xf32> to vector<16xf32>
      %swap3A_58 = vector.shape_cast %get3A_53 : vector<16xf32> to vector<1x16xf32>
      tpu.vector_store %arg11[%swap3A_54, %swap3A_55], %swap3A_58 {strides = array<i32>} : memref<3x512xf32, #tpu.memory_space<vmem>>, vector<1x16xf32>,
      %get3A_59 = arith.index_cast %add3A_50 : i32 to index
      %get3A_60 = arith.constant 16 : index
      %get3A_61 = tpu.vector_load %arg10[%get3A_59, %get3A_60] {strides = array<i32>} : memref<128x512xf32, #tpu.memory_space<vmem>>, vector<1x16xf32>,
      %get3A_62 = vector.shape_cast %get3A_61 : vector<1x16xf32> to vector<16xf32>
      %swap3A_63 = arith.constant 0 : i32
      %swap3A_64 = arith.index_cast %swap3A_63 : i32 to index
      %swap3A_65 = arith.constant 16 : index
      %swap3A_66 = tpu.vector_load %arg11[%swap3A_64, %swap3A_65] {strides = array<i32>} : memref<3x512xf32, #tpu.memory_space<vmem>>, vector<1x16xf32>,
      %swap3A_67 = vector.shape_cast %swap3A_66 : vector<1x16xf32> to vector<16xf32>
      %swap3A_68 = vector.shape_cast %get3A_62 : vector<16xf32> to vector<1x16xf32>
      tpu.vector_store %arg11[%swap3A_64, %swap3A_65], %swap3A_68 {strides = array<i32>} : memref<3x512xf32, #tpu.memory_space<vmem>>, vector<1x16xf32>,
      %get3A_69 = arith.index_cast %add3A_50 : i32 to index
      %get3A_70 = arith.constant 32 : index
      %get3A_71 = tpu.vector_load %arg10[%get3A_69, %get3A_70] {strides = array<i32>} : memref<128x512xf32, #tpu.memory_space<vmem>>, vector<1x16xf32>,
      %get3A_72 = vector.shape_cast %get3A_71 : vector<1x16xf32> to vector<16xf32>
      %swap3A_73 = arith.constant 0 : i32
      %swap3A_74 = arith.index_cast %swap3A_73 : i32 to index
      %swap3A_75 = arith.constant 32 : index
      %swap3A_76 = tpu.vector_load %arg11[%swap3A_74, %swap3A_75] {strides = array<i32>} : memref<3x512xf32, #tpu.memory_space<vmem>>, vector<1x16xf32>,
      %swap3A_77 = vector.shape_cast %swap3A_76 : vector<1x16xf32> to vector<16xf32>
      %swap3A_78 = vector.shape_cast %get3A_72 : vector<16xf32> to vector<1x16xf32>
      tpu.vector_store %arg11[%swap3A_74, %swap3A_75], %swap3A_78 {strides = array<i32>} : memref<3x512xf32, #tpu.memory_space<vmem>>, vector<1x16xf32>,
      %get3A_79 = arith.index_cast %add3A_50 : i32 to index
      %get3A_80 = arith.constant 48 : index
      %get3A_81 = tpu.vector_load %arg10[%get3A_79, %get3A_80] {strides = array<i32>} : memref<128x512xf32, #tpu.memory_space<vmem>>, vector<1x16xf32>,
      %get3A_82 = vector.shape_cast %get3A_81 : vector<1x16xf32> to vector<16xf32>
      %swap3A_83 = arith.constant 0 : i32
      %swap3A_84 = arith.index_cast %swap3A_83 : i32 to index
      %swap3A_85 = arith.constant 48 : index
      %swap3A_86 = tpu.vector_load %arg11[%swap3A_84, %swap3A_85] {strides = array<i32>} : memref<3x512xf32, #tpu.memory_space<vmem>>, vector<1x16xf32>,
      %swap3A_87 = vector.shape_cast %swap3A_86 : vector<1x16xf32> to vector<16xf32>
      %swap3A_88 = vector.shape_cast %get3A_82 : vector<16xf32> to vector<1x16xf32>
      tpu.vector_store %arg11[%swap3A_84, %swap3A_85], %swap3A_88 {strides = array<i32>} : memref<3x512xf32, #tpu.memory_space<vmem>>, vector<1x16xf32>,
      %get3A_89 = arith.index_cast %add3A_50 : i32 to index
      %get3A_90 = arith.constant 64 : index
      %get3A_91 = tpu.vector_load %arg10[%get3A_89, %get3A_90] {strides = array<i32>} : memref<128x512xf32, #tpu.memory_space<vmem>>, vector<1x16xf32>,
      %get3A_92 = vector.shape_cast %get3A_91 : vector<1x16xf32> to vector<16xf32>
      %swap3A_93 = arith.constant 0 : i32
      %swap3A_94 = arith.index_cast %swap3A_93 : i32 to index
      %swap3A_95 = arith.constant 64 : index
      %swap3A_96 = tpu.vector_load %arg11[%swap3A_94, %swap3A_95] {strides = array<i32>} : memref<3x512xf32, #tpu.memory_space<vmem>>, vector<1x16xf32>,
      %swap3A_97 = vector.shape_cast %swap3A_96 : vector<1x16xf32> to vector<16xf32>
      %swap3A_98 = vector.shape_cast %get3A_92 : vector<16xf32> to vector<1x16xf32>
      tpu.vector_store %arg11[%swap3A_94, %swap3A_95], %swap3A_98 {strides = array<i32>} : memref<3x512xf32, #tpu.memory_space<vmem>>, vector<1x16xf32>,
      %get3A_99 = arith.index_cast %add3A_50 : i32 to index
      %get3A_100 = arith.constant 80 : index
      %get3A_101 = tpu.vector_load %arg10[%get3A_99, %get3A_100] {strides = array<i32>} : memref<128x512xf32, #tpu.memory_space<vmem>>, vector<1x16xf32>,
      %get3A_102 = vector.shape_cast %get3A_101 : vector<1x16xf32> to vector<16xf32>
      %swap3A_103 = arith.constant 0 : i32
      %swap3A_104 = arith.index_cast %swap3A_103 : i32 to index
      %swap3A_105 = arith.constant 80 : index
      %swap3A_106 = tpu.vector_load %arg11[%swap3A_104, %swap3A_105] {strides = array<i32>} : memref<3x512xf32, #tpu.memory_space<vmem>>, vector<1x16xf32>,
      %swap3A_107 = vector.shape_cast %swap3A_106 : vector<1x16xf32> to vector<16xf32>
      %swap3A_108 = vector.shape_cast %get3A_102 : vector<16xf32> to vector<1x16xf32>
      tpu.vector_store %arg11[%swap3A_104, %swap3A_105], %swap3A_108 {strides = array<i32>} : memref<3x512xf32, #tpu.memory_space<vmem>>, vector<1x16xf32>,
      %get3A_109 = arith.index_cast %add3A_50 : i32 to index
      %get3A_110 = arith.constant 96 : index
      %get3A_111 = tpu.vector_load %arg10[%get3A_109, %get3A_110] {strides = array<i32>} : memref<128x512xf32, #tpu.memory_space<vmem>>, vector<1x16xf32>,
      %get3A_112 = vector.shape_cast %get3A_111 : vector<1x16xf32> to vector<16xf32>
      %swap3A_113 = arith.constant 0 : i32
      %swap3A_114 = arith.index_cast %swap3A_113 : i32 to index
      %swap3A_115 = arith.constant 96 : index
      %swap3A_116 = tpu.vector_load %arg11[%swap3A_114, %swap3A_115] {strides = array<i32>} : memref<3x512xf32, #tpu.memory_space<vmem>>, vector<1x16xf32>,
      %swap3A_117 = vector.shape_cast %swap3A_116 : vector<1x16xf32> to vector<16xf32>
      %swap3A_118 = vector.shape_cast %get3A_112 : vector<16xf32> to vector<1x16xf32>
      tpu.vector_store %arg11[%swap3A_114, %swap3A_115], %swap3A_118 {strides = array<i32>} : memref<3x512xf32, #tpu.memory_space<vmem>>, vector<1x16xf32>,
      %get3A_119 = arith.index_cast %add3A_50 : i32 to index
      %get3A_120 = arith.constant 112 : index
      %get3A_121 = tpu.vector_load %arg10[%get3A_119, %get3A_120] {strides = array<i32>} : memref<128x512xf32, #tpu.memory_space<vmem>>, vector<1x16xf32>,
      %get3A_122 = vector.shape_cast %get3A_121 : vector<1x16xf32> to vector<16xf32>
      %swap3A_123 = arith.constant 0 : i32
      %swap3A_124 = arith.index_cast %swap3A_123 : i32 to index
      %swap3A_125 = arith.constant 112 : index
      %swap3A_126 = tpu.vector_load %arg11[%swap3A_124, %swap3A_125] {strides = array<i32>} : memref<3x512xf32, #tpu.memory_space<vmem>>, vector<1x16xf32>,
      %swap3A_127 = vector.shape_cast %swap3A_126 : vector<1x16xf32> to vector<16xf32>
      %swap3A_128 = vector.shape_cast %get3A_122 : vector<16xf32> to vector<1x16xf32>
      tpu.vector_store %arg11[%swap3A_124, %swap3A_125], %swap3A_128 {strides = array<i32>} : memref<3x512xf32, #tpu.memory_space<vmem>>, vector<1x16xf32>,
      %get3A_129 = arith.index_cast %add3A_50 : i32 to index
      %get3A_130 = arith.constant 128 : index
      %get3A_131 = tpu.vector_load %arg10[%get3A_129, %get3A_130] {strides = array<i32>} : memref<128x512xf32, #tpu.memory_space<vmem>>, vector<1x16xf32>,
      %get3A_132 = vector.shape_cast %get3A_131 : vector<1x16xf32> to vector<16xf32>
      %swap3A_133 = arith.constant 0 : i32
      %swap3A_134 = arith.index_cast %swap3A_133 : i32 to index
      %swap3A_135 = arith.constant 128 : index
      %swap3A_136 = tpu.vector_load %arg11[%swap3A_134, %swap3A_135] {strides = array<i32>} : memref<3x512xf32, #tpu.memory_space<vmem>>, vector<1x16xf32>,
      %swap3A_137 = vector.shape_cast %swap3A_136 : vector<1x16xf32> to vector<16xf32>
      %swap3A_138 = vector.shape_cast %get3A_132 : vector<16xf32> to vector<1x16xf32>
      tpu.vector_store %arg11[%swap3A_134, %swap3A_135], %swap3A_138 {strides = array<i32>} : memref<3x512xf32, #tpu.memory_space<vmem>>, vector<1x16xf32>,
      %get3A_139 = arith.index_cast %add3A_50 : i32 to index
      %get3A_140 = arith.constant 144 : index
      %get3A_141 = tpu.vector_load %arg10[%get3A_139, %get3A_140] {strides = array<i32>} : memref<128x512xf32, #tpu.memory_space<vmem>>, vector<1x16xf32>,
      %get3A_142 = vector.shape_cast %get3A_141 : vector<1x16xf32> to vector<16xf32>
      %swap3A_143 = arith.constant 0 : i32
      %swap3A_144 = arith.index_cast %swap3A_143 : i32 to index
      %swap3A_145 = arith.constant 144 : index
      %swap3A_146 = tpu.vector_load %arg11[%swap3A_144, %swap3A_145] {strides = array<i32>} : memref<3x512xf32, #tpu.memory_space<vmem>>, vector<1x16xf32>,
      %swap3A_147 = vector.shape_cast %swap3A_146 : vector<1x16xf32> to vector<16xf32>
      %swap3A_148 = vector.shape_cast %get3A_142 : vector<16xf32> to vector<1x16xf32>
      tpu.vector_store %arg11[%swap3A_144, %swap3A_145], %swap3A_148 {strides = array<i32>} : memref<3x512xf32, #tpu.memory_space<vmem>>, vector<1x16xf32>,
      %get3A_149 = arith.index_cast %add3A_50 : i32 to index
      %get3A_150 = arith.constant 160 : index
      %get3A_151 = tpu.vector_load %arg10[%get3A_149, %get3A_150] {strides = array<i32>} : memref<128x512xf32, #tpu.memory_space<vmem>>, vector<1x16xf32>,
      %get3A_152 = vector.shape_cast %get3A_151 : vector<1x16xf32> to vector<16xf32>
      %swap3A_153 = arith.constant 0 : i32
      %swap3A_154 = arith.index_cast %swap3A_153 : i32 to index
      %swap3A_155 = arith.constant 160 : index
      %swap3A_156 = tpu.vector_load %arg11[%swap3A_154, %swap3A_155] {strides = array<i32>} : memref<3x512xf32, #tpu.memory_space<vmem>>, vector<1x16xf32>,
      %swap3A_157 = vector.shape_cast %swap3A_156 : vector<1x16xf32> to vector<16xf32>
      %swap3A_158 = vector.shape_cast %get3A_152 : vector<16xf32> to vector<1x16xf32>
      tpu.vector_store %arg11[%swap3A_154, %swap3A_155], %swap3A_158 {strides = array<i32>} : memref<3x512xf32, #tpu.memory_space<vmem>>, vector<1x16xf32>,
      %get3A_159 = arith.index_cast %add3A_50 : i32 to index
      %get3A_160 = arith.constant 176 : index
      %get3A_161 = tpu.vector_load %arg10[%get3A_159, %get3A_160] {strides = array<i32>} : memref<128x512xf32, #tpu.memory_space<vmem>>, vector<1x16xf32>,
      %get3A_162 = vector.shape_cast %get3A_161 : vector<1x16xf32> to vector<16xf32>
      %swap3A_163 = arith.constant 0 : i32
      %swap3A_164 = arith.index_cast %swap3A_163 : i32 to index
      %swap3A_165 = arith.constant 176 : index
      %swap3A_166 = tpu.vector_load %arg11[%swap3A_164, %swap3A_165] {strides = array<i32>} : memref<3x512xf32, #tpu.memory_space<vmem>>, vector<1x16xf32>,
      %swap3A_167 = vector.shape_cast %swap3A_166 : vector<1x16xf32> to vector<16xf32>
      %swap3A_168 = vector.shape_cast %get3A_162 : vector<16xf32> to vector<1x16xf32>
      tpu.vector_store %arg11[%swap3A_164, %swap3A_165], %swap3A_168 {strides = array<i32>} : memref<3x512xf32, #tpu.memory_space<vmem>>, vector<1x16xf32>,
      %get3A_169 = arith.index_cast %add3A_50 : i32 to index
      %get3A_170 = arith.constant 192 : index
      %get3A_171 = tpu.vector_load %arg10[%get3A_169, %get3A_170] {strides = array<i32>} : memref<128x512xf32, #tpu.memory_space<vmem>>, vector<1x16xf32>,
      %get3A_172 = vector.shape_cast %get3A_171 : vector<1x16xf32> to vector<16xf32>
      %swap3A_173 = arith.constant 0 : i32
      %swap3A_174 = arith.index_cast %swap3A_173 : i32 to index
      %swap3A_175 = arith.constant 192 : index
      %swap3A_176 = tpu.vector_load %arg11[%swap3A_174, %swap3A_175] {strides = array<i32>} : memref<3x512xf32, #tpu.memory_space<vmem>>, vector<1x16xf32>,
      %swap3A_177 = vector.shape_cast %swap3A_176 : vector<1x16xf32> to vector<16xf32>
      %swap3A_178 = vector.shape_cast %get3A_172 : vector<16xf32> to vector<1x16xf32>
      tpu.vector_store %arg11[%swap3A_174, %swap3A_175], %swap3A_178 {strides = array<i32>} : memref<3x512xf32, #tpu.memory_space<vmem>>, vector<1x16xf32>,
      %get3A_179 = arith.index_cast %add3A_50 : i32 to index
      %get3A_180 = arith.constant 208 : index
      %get3A_181 = tpu.vector_load %arg10[%get3A_179, %get3A_180] {strides = array<i32>} : memref<128x512xf32, #tpu.memory_space<vmem>>, vector<1x16xf32>,
      %get3A_182 = vector.shape_cast %get3A_181 : vector<1x16xf32> to vector<16xf32>
      %swap3A_183 = arith.constant 0 : i32
      %swap3A_184 = arith.index_cast %swap3A_183 : i32 to index
      %swap3A_185 = arith.constant 208 : index
      %swap3A_186 = tpu.vector_load %arg11[%swap3A_184, %swap3A_185] {strides = array<i32>} : memref<3x512xf32, #tpu.memory_space<vmem>>, vector<1x16xf32>,
      %swap3A_187 = vector.shape_cast %swap3A_186 : vector<1x16xf32> to vector<16xf32>
      %swap3A_188 = vector.shape_cast %get3A_182 : vector<16xf32> to vector<1x16xf32>
      tpu.vector_store %arg11[%swap3A_184, %swap3A_185], %swap3A_188 {strides = array<i32>} : memref<3x512xf32, #tpu.memory_space<vmem>>, vector<1x16xf32>,
      %get3A_189 = arith.index_cast %add3A_50 : i32 to index
      %get3A_190 = arith.constant 224 : index
      %get3A_191 = tpu.vector_load %arg10[%get3A_189, %get3A_190] {strides = array<i32>} : memref<128x512xf32, #tpu.memory_space<vmem>>, vector<1x16xf32>,
      %get3A_192 = vector.shape_cast %get3A_191 : vector<1x16xf32> to vector<16xf32>
      %swap3A_193 = arith.constant 0 : i32
      %swap3A_194 = arith.index_cast %swap3A_193 : i32 to index
      %swap3A_195 = arith.constant 224 : index
      %swap3A_196 = tpu.vector_load %arg11[%swap3A_194, %swap3A_195] {strides = array<i32>} : memref<3x512xf32, #tpu.memory_space<vmem>>, vector<1x16xf32>,
      %swap3A_197 = vector.shape_cast %swap3A_196 : vector<1x16xf32> to vector<16xf32>
      %swap3A_198 = vector.shape_cast %get3A_192 : vector<16xf32> to vector<1x16xf32>
      tpu.vector_store %arg11[%swap3A_194, %swap3A_195], %swap3A_198 {strides = array<i32>} : memref<3x512xf32, #tpu.memory_space<vmem>>, vector<1x16xf32>,
      %get3A_199 = arith.index_cast %add3A_50 : i32 to index
      %get3A_200 = arith.constant 240 : index
      %get3A_201 = tpu.vector_load %arg10[%get3A_199, %get3A_200] {strides = array<i32>} : memref<128x512xf32, #tpu.memory_space<vmem>>, vector<1x16xf32>,
      %get3A_202 = vector.shape_cast %get3A_201 : vector<1x16xf32> to vector<16xf32>
      %swap3A_203 = arith.constant 0 : i32
      %swap3A_204 = arith.index_cast %swap3A_203 : i32 to index
      %swap3A_205 = arith.constant 240 : index
      %swap3A_206 = tpu.vector_load %arg11[%swap3A_204, %swap3A_205] {strides = array<i32>} : memref<3x512xf32, #tpu.memory_space<vmem>>, vector<1x16xf32>,
      %swap3A_207 = vector.shape_cast %swap3A_206 : vector<1x16xf32> to vector<16xf32>
      %swap3A_208 = vector.shape_cast %get3A_202 : vector<16xf32> to vector<1x16xf32>
      tpu.vector_store %arg11[%swap3A_204, %swap3A_205], %swap3A_208 {strides = array<i32>} : memref<3x512xf32, #tpu.memory_space<vmem>>, vector<1x16xf32>,
      %get3A_209 = arith.index_cast %add3A_50 : i32 to index
      %get3A_210 = arith.constant 256 : index
      %get3A_211 = tpu.vector_load %arg10[%get3A_209, %get3A_210] {strides = array<i32>} : memref<128x512xf32, #tpu.memory_space<vmem>>, vector<1x16xf32>,
      %get3A_212 = vector.shape_cast %get3A_211 : vector<1x16xf32> to vector<16xf32>
      %swap3A_213 = arith.constant 0 : i32
      %swap3A_214 = arith.index_cast %swap3A_213 : i32 to index
      %swap3A_215 = arith.constant 256 : index
      %swap3A_216 = tpu.vector_load %arg11[%swap3A_214, %swap3A_215] {strides = array<i32>} : memref<3x512xf32, #tpu.memory_space<vmem>>, vector<1x16xf32>,
      %swap3A_217 = vector.shape_cast %swap3A_216 : vector<1x16xf32> to vector<16xf32>
      %swap3A_218 = vector.shape_cast %get3A_212 : vector<16xf32> to vector<1x16xf32>
      tpu.vector_store %arg11[%swap3A_214, %swap3A_215], %swap3A_218 {strides = array<i32>} : memref<3x512xf32, #tpu.memory_space<vmem>>, vector<1x16xf32>,
      %get3A_219 = arith.index_cast %add3A_50 : i32 to index
      %get3A_220 = arith.constant 272 : index
      %get3A_221 = tpu.vector_load %arg10[%get3A_219, %get3A_220] {strides = array<i32>} : memref<128x512xf32, #tpu.memory_space<vmem>>, vector<1x16xf32>,
      %get3A_222 = vector.shape_cast %get3A_221 : vector<1x16xf32> to vector<16xf32>
      %swap3A_223 = arith.constant 0 : i32
      %swap3A_224 = arith.index_cast %swap3A_223 : i32 to index
      %swap3A_225 = arith.constant 272 : index
      %swap3A_226 = tpu.vector_load %arg11[%swap3A_224, %swap3A_225] {strides = array<i32>} : memref<3x512xf32, #tpu.memory_space<vmem>>, vector<1x16xf32>,
      %swap3A_227 = vector.shape_cast %swap3A_226 : vector<1x16xf32> to vector<16xf32>
      %swap3A_228 = vector.shape_cast %get3A_222 : vector<16xf32> to vector<1x16xf32>
      tpu.vector_store %arg11[%swap3A_224, %swap3A_225], %swap3A_228 {strides = array<i32>} : memref<3x512xf32, #tpu.memory_space<vmem>>, vector<1x16xf32>,
      %get3A_229 = arith.index_cast %add3A_50 : i32 to index
      %get3A_230 = arith.constant 288 : index
      %get3A_231 = tpu.vector_load %arg10[%get3A_229, %get3A_230] {strides = array<i32>} : memref<128x512xf32, #tpu.memory_space<vmem>>, vector<1x16xf32>,
      %get3A_232 = vector.shape_cast %get3A_231 : vector<1x16xf32> to vector<16xf32>
      %swap3A_233 = arith.constant 0 : i32
      %swap3A_234 = arith.index_cast %swap3A_233 : i32 to index
      %swap3A_235 = arith.constant 288 : index
      %swap3A_236 = tpu.vector_load %arg11[%swap3A_234, %swap3A_235] {strides = array<i32>} : memref<3x512xf32, #tpu.memory_space<vmem>>, vector<1x16xf32>,
      %swap3A_237 = vector.shape_cast %swap3A_236 : vector<1x16xf32> to vector<16xf32>
      %swap3A_238 = vector.shape_cast %get3A_232 : vector<16xf32> to vector<1x16xf32>
      tpu.vector_store %arg11[%swap3A_234, %swap3A_235], %swap3A_238 {strides = array<i32>} : memref<3x512xf32, #tpu.memory_space<vmem>>, vector<1x16xf32>,
      %get3A_239 = arith.index_cast %add3A_50 : i32 to index
      %get3A_240 = arith.constant 304 : index
      %get3A_241 = tpu.vector_load %arg10[%get3A_239, %get3A_240] {strides = array<i32>} : memref<128x512xf32, #tpu.memory_space<vmem>>, vector<1x16xf32>,
      %get3A_242 = vector.shape_cast %get3A_241 : vector<1x16xf32> to vector<16xf32>
      %swap3A_243 = arith.constant 0 : i32
      %swap3A_244 = arith.index_cast %swap3A_243 : i32 to index
      %swap3A_245 = arith.constant 304 : index
      %swap3A_246 = tpu.vector_load %arg11[%swap3A_244, %swap3A_245] {strides = array<i32>} : memref<3x512xf32, #tpu.memory_space<vmem>>, vector<1x16xf32>,
      %swap3A_247 = vector.shape_cast %swap3A_246 : vector<1x16xf32> to vector<16xf32>
      %swap3A_248 = vector.shape_cast %get3A_242 : vector<16xf32> to vector<1x16xf32>
      tpu.vector_store %arg11[%swap3A_244, %swap3A_245], %swap3A_248 {strides = array<i32>} : memref<3x512xf32, #tpu.memory_space<vmem>>, vector<1x16xf32>,
      %get3A_249 = arith.index_cast %add3A_50 : i32 to index
      %get3A_250 = arith.constant 320 : index
      %get3A_251 = tpu.vector_load %arg10[%get3A_249, %get3A_250] {strides = array<i32>} : memref<128x512xf32, #tpu.memory_space<vmem>>, vector<1x16xf32>,
      %get3A_252 = vector.shape_cast %get3A_251 : vector<1x16xf32> to vector<16xf32>
      %swap3A_253 = arith.constant 0 : i32
      %swap3A_254 = arith.index_cast %swap3A_253 : i32 to index
      %swap3A_255 = arith.constant 320 : index
      %swap3A_256 = tpu.vector_load %arg11[%swap3A_254, %swap3A_255] {strides = array<i32>} : memref<3x512xf32, #tpu.memory_space<vmem>>, vector<1x16xf32>,
      %swap3A_257 = vector.shape_cast %swap3A_256 : vector<1x16xf32> to vector<16xf32>
      %swap3A_258 = vector.shape_cast %get3A_252 : vector<16xf32> to vector<1x16xf32>
      tpu.vector_store %arg11[%swap3A_254, %swap3A_255], %swap3A_258 {strides = array<i32>} : memref<3x512xf32, #tpu.memory_space<vmem>>, vector<1x16xf32>,
      %get3A_259 = arith.index_cast %add3A_50 : i32 to index
      %get3A_260 = arith.constant 336 : index
      %get3A_261 = tpu.vector_load %arg10[%get3A_259, %get3A_260] {strides = array<i32>} : memref<128x512xf32, #tpu.memory_space<vmem>>, vector<1x16xf32>,
      %get3A_262 = vector.shape_cast %get3A_261 : vector<1x16xf32> to vector<16xf32>
      %swap3A_263 = arith.constant 0 : i32
      %swap3A_264 = arith.index_cast %swap3A_263 : i32 to index
      %swap3A_265 = arith.constant 336 : index
      %swap3A_266 = tpu.vector_load %arg11[%swap3A_264, %swap3A_265] {strides = array<i32>} : memref<3x512xf32, #tpu.memory_space<vmem>>, vector<1x16xf32>,
      %swap3A_267 = vector.shape_cast %swap3A_266 : vector<1x16xf32> to vector<16xf32>
      %swap3A_268 = vector.shape_cast %get3A_262 : vector<16xf32> to vector<1x16xf32>
      tpu.vector_store %arg11[%swap3A_264, %swap3A_265], %swap3A_268 {strides = array<i32>} : memref<3x512xf32, #tpu.memory_space<vmem>>, vector<1x16xf32>,
      %get3A_269 = arith.index_cast %add3A_50 : i32 to index
      %get3A_270 = arith.constant 352 : index
      %get3A_271 = tpu.vector_load %arg10[%get3A_269, %get3A_270] {strides = array<i32>} : memref<128x512xf32, #tpu.memory_space<vmem>>, vector<1x16xf32>,
      %get3A_272 = vector.shape_cast %get3A_271 : vector<1x16xf32> to vector<16xf32>
      %swap3A_273 = arith.constant 0 : i32
      %swap3A_274 = arith.index_cast %swap3A_273 : i32 to index
      %swap3A_275 = arith.constant 352 : index
      %swap3A_276 = tpu.vector_load %arg11[%swap3A_274, %swap3A_275] {strides = array<i32>} : memref<3x512xf32, #tpu.memory_space<vmem>>, vector<1x16xf32>,
      %swap3A_277 = vector.shape_cast %swap3A_276 : vector<1x16xf32> to vector<16xf32>
      %swap3A_278 = vector.shape_cast %get3A_272 : vector<16xf32> to vector<1x16xf32>
      tpu.vector_store %arg11[%swap3A_274, %swap3A_275], %swap3A_278 {strides = array<i32>} : memref<3x512xf32, #tpu.memory_space<vmem>>, vector<1x16xf32>,
      %get3A_279 = arith.index_cast %add3A_50 : i32 to index
      %get3A_280 = arith.constant 368 : index
      %get3A_281 = tpu.vector_load %arg10[%get3A_279, %get3A_280] {strides = array<i32>} : memref<128x512xf32, #tpu.memory_space<vmem>>, vector<1x16xf32>,
      %get3A_282 = vector.shape_cast %get3A_281 : vector<1x16xf32> to vector<16xf32>
      %swap3A_283 = arith.constant 0 : i32
      %swap3A_284 = arith.index_cast %swap3A_283 : i32 to index
      %swap3A_285 = arith.constant 368 : index
      %swap3A_286 = tpu.vector_load %arg11[%swap3A_284, %swap3A_285] {strides = array<i32>} : memref<3x512xf32, #tpu.memory_space<vmem>>, vector<1x16xf32>,
      %swap3A_287 = vector.shape_cast %swap3A_286 : vector<1x16xf32> to vector<16xf32>
      %swap3A_288 = vector.shape_cast %get3A_282 : vector<16xf32> to vector<1x16xf32>
      tpu.vector_store %arg11[%swap3A_284, %swap3A_285], %swap3A_288 {strides = array<i32>} : memref<3x512xf32, #tpu.memory_space<vmem>>, vector<1x16xf32>,
      %get3A_289 = arith.index_cast %add3A_50 : i32 to index
      %get3A_290 = arith.constant 384 : index
      %get3A_291 = tpu.vector_load %arg10[%get3A_289, %get3A_290] {strides = array<i32>} : memref<128x512xf32, #tpu.memory_space<vmem>>, vector<1x16xf32>,
      %get3A_292 = vector.shape_cast %get3A_291 : vector<1x16xf32> to vector<16xf32>
      %swap3A_293 = arith.constant 0 : i32
      %swap3A_294 = arith.index_cast %swap3A_293 : i32 to index
      %swap3A_295 = arith.constant 384 : index
      %swap3A_296 = tpu.vector_load %arg11[%swap3A_294, %swap3A_295] {strides = array<i32>} : memref<3x512xf32, #tpu.memory_space<vmem>>, vector<1x16xf32>,
      %swap3A_297 = vector.shape_cast %swap3A_296 : vector<1x16xf32> to vector<16xf32>
      %swap3A_298 = vector.shape_cast %get3A_292 : vector<16xf32> to vector<1x16xf32>
      tpu.vector_store %arg11[%swap3A_294, %swap3A_295], %swap3A_298 {strides = array<i32>} : memref<3x512xf32, #tpu.memory_space<vmem>>, vector<1x16xf32>,
      %get3A_299 = arith.index_cast %add3A_50 : i32 to index
      %get3A_300 = arith.constant 400 : index
      %get3A_301 = tpu.vector_load %arg10[%get3A_299, %get3A_300] {strides = array<i32>} : memref<128x512xf32, #tpu.memory_space<vmem>>, vector<1x16xf32>,
      %get3A_302 = vector.shape_cast %get3A_301 : vector<1x16xf32> to vector<16xf32>
      %swap3A_303 = arith.constant 0 : i32
      %swap3A_304 = arith.index_cast %swap3A_303 : i32 to index
      %swap3A_305 = arith.constant 400 : index
      %swap3A_306 = tpu.vector_load %arg11[%swap3A_304, %swap3A_305] {strides = array<i32>} : memref<3x512xf32, #tpu.memory_space<vmem>>, vector<1x16xf32>,
      %swap3A_307 = vector.shape_cast %swap3A_306 : vector<1x16xf32> to vector<16xf32>
      %swap3A_308 = vector.shape_cast %get3A_302 : vector<16xf32> to vector<1x16xf32>
      tpu.vector_store %arg11[%swap3A_304, %swap3A_305], %swap3A_308 {strides = array<i32>} : memref<3x512xf32, #tpu.memory_space<vmem>>, vector<1x16xf32>,
      %get3A_309 = arith.index_cast %add3A_50 : i32 to index
      %get3A_310 = arith.constant 416 : index
      %get3A_311 = tpu.vector_load %arg10[%get3A_309, %get3A_310] {strides = array<i32>} : memref<128x512xf32, #tpu.memory_space<vmem>>, vector<1x16xf32>,
      %get3A_312 = vector.shape_cast %get3A_311 : vector<1x16xf32> to vector<16xf32>
      %swap3A_313 = arith.constant 0 : i32
      %swap3A_314 = arith.index_cast %swap3A_313 : i32 to index
      %swap3A_315 = arith.constant 416 : index
      %swap3A_316 = tpu.vector_load %arg11[%swap3A_314, %swap3A_315] {strides = array<i32>} : memref<3x512xf32, #tpu.memory_space<vmem>>, vector<1x16xf32>,
      %swap3A_317 = vector.shape_cast %swap3A_316 : vector<1x16xf32> to vector<16xf32>
      %swap3A_318 = vector.shape_cast %get3A_312 : vector<16xf32> to vector<1x16xf32>
      tpu.vector_store %arg11[%swap3A_314, %swap3A_315], %swap3A_318 {strides = array<i32>} : memref<3x512xf32, #tpu.memory_space<vmem>>, vector<1x16xf32>,
      %get3A_319 = arith.index_cast %add3A_50 : i32 to index
      %get3A_320 = arith.constant 432 : index
      %get3A_321 = tpu.vector_load %arg10[%get3A_319, %get3A_320] {strides = array<i32>} : memref<128x512xf32, #tpu.memory_space<vmem>>, vector<1x16xf32>,
      %get3A_322 = vector.shape_cast %get3A_321 : vector<1x16xf32> to vector<16xf32>
      %swap3A_323 = arith.constant 0 : i32
      %swap3A_324 = arith.index_cast %swap3A_323 : i32 to index
      %swap3A_325 = arith.constant 432 : index
      %swap3A_326 = tpu.vector_load %arg11[%swap3A_324, %swap3A_325] {strides = array<i32>} : memref<3x512xf32, #tpu.memory_space<vmem>>, vector<1x16xf32>,
      %swap3A_327 = vector.shape_cast %swap3A_326 : vector<1x16xf32> to vector<16xf32>
      %swap3A_328 = vector.shape_cast %get3A_322 : vector<16xf32> to vector<1x16xf32>
      tpu.vector_store %arg11[%swap3A_324, %swap3A_325], %swap3A_328 {strides = array<i32>} : memref<3x512xf32, #tpu.memory_space<vmem>>, vector<1x16xf32>,
      %get3A_329 = arith.index_cast %add3A_50 : i32 to index
      %get3A_330 = arith.constant 448 : index
      %get3A_331 = tpu.vector_load %arg10[%get3A_329, %get3A_330] {strides = array<i32>} : memref<128x512xf32, #tpu.memory_space<vmem>>, vector<1x16xf32>,
      %get3A_332 = vector.shape_cast %get3A_331 : vector<1x16xf32> to vector<16xf32>
      %swap3A_333 = arith.constant 0 : i32
      %swap3A_334 = arith.index_cast %swap3A_333 : i32 to index
      %swap3A_335 = arith.constant 448 : index
      %swap3A_336 = tpu.vector_load %arg11[%swap3A_334, %swap3A_335] {strides = array<i32>} : memref<3x512xf32, #tpu.memory_space<vmem>>, vector<1x16xf32>,
      %swap3A_337 = vector.shape_cast %swap3A_336 : vector<1x16xf32> to vector<16xf32>
      %swap3A_338 = vector.shape_cast %get3A_332 : vector<16xf32> to vector<1x16xf32>
      tpu.vector_store %arg11[%swap3A_334, %swap3A_335], %swap3A_338 {strides = array<i32>} : memref<3x512xf32, #tpu.memory_space<vmem>>, vector<1x16xf32>,
      %get3A_339 = arith.index_cast %add3A_50 : i32 to index
      %get3A_340 = arith.constant 464 : index
      %get3A_341 = tpu.vector_load %arg10[%get3A_339, %get3A_340] {strides = array<i32>} : memref<128x512xf32, #tpu.memory_space<vmem>>, vector<1x16xf32>,
      %get3A_342 = vector.shape_cast %get3A_341 : vector<1x16xf32> to vector<16xf32>
      %swap3A_343 = arith.constant 0 : i32
      %swap3A_344 = arith.index_cast %swap3A_343 : i32 to index
      %swap3A_345 = arith.constant 464 : index
      %swap3A_346 = tpu.vector_load %arg11[%swap3A_344, %swap3A_345] {strides = array<i32>} : memref<3x512xf32, #tpu.memory_space<vmem>>, vector<1x16xf32>,
      %swap3A_347 = vector.shape_cast %swap3A_346 : vector<1x16xf32> to vector<16xf32>
      %swap3A_348 = vector.shape_cast %get3A_342 : vector<16xf32> to vector<1x16xf32>
      tpu.vector_store %arg11[%swap3A_344, %swap3A_345], %swap3A_348 {strides = array<i32>} : memref<3x512xf32, #tpu.memory_space<vmem>>, vector<1x16xf32>,
      %get3A_349 = arith.index_cast %add3A_50 : i32 to index
      %get3A_350 = arith.constant 480 : index
      %get3A_351 = tpu.vector_load %arg10[%get3A_349, %get3A_350] {strides = array<i32>} : memref<128x512xf32, #tpu.memory_space<vmem>>, vector<1x16xf32>,
      %get3A_352 = vector.shape_cast %get3A_351 : vector<1x16xf32> to vector<16xf32>
      %swap3A_353 = arith.constant 0 : i32
      %swap3A_354 = arith.index_cast %swap3A_353 : i32 to index
      %swap3A_355 = arith.constant 480 : index
      %swap3A_356 = tpu.vector_load %arg11[%swap3A_354, %swap3A_355] {strides = array<i32>} : memref<3x512xf32, #tpu.memory_space<vmem>>, vector<1x16xf32>,
      %swap3A_357 = vector.shape_cast %swap3A_356 : vector<1x16xf32> to vector<16xf32>
      %swap3A_358 = vector.shape_cast %get3A_352 : vector<16xf32> to vector<1x16xf32>
      tpu.vector_store %arg11[%swap3A_354, %swap3A_355], %swap3A_358 {strides = array<i32>} : memref<3x512xf32, #tpu.memory_space<vmem>>, vector<1x16xf32>,
      %get3A_359 = arith.index_cast %add3A_50 : i32 to index
      %get3A_360 = arith.constant 496 : index
      %get3A_361 = tpu.vector_load %arg10[%get3A_359, %get3A_360] {strides = array<i32>} : memref<128x512xf32, #tpu.memory_space<vmem>>, vector<1x16xf32>,
      %get3A_362 = vector.shape_cast %get3A_361 : vector<1x16xf32> to vector<16xf32>
      %swap3A_363 = arith.constant 0 : i32
      %swap3A_364 = arith.index_cast %swap3A_363 : i32 to index
      %swap3A_365 = arith.constant 496 : index
      %swap3A_366 = tpu.vector_load %arg11[%swap3A_364, %swap3A_365] {strides = array<i32>} : memref<3x512xf32, #tpu.memory_space<vmem>>, vector<1x16xf32>,
      %swap3A_367 = vector.shape_cast %swap3A_366 : vector<1x16xf32> to vector<16xf32>
      %swap3A_368 = vector.shape_cast %get3A_362 : vector<16xf32> to vector<1x16xf32>
      tpu.vector_store %arg11[%swap3A_364, %swap3A_365], %swap3A_368 {strides = array<i32>} : memref<3x512xf32, #tpu.memory_space<vmem>>, vector<1x16xf32>,
    } else {
    }
    %add3A_7 = arith.constant 32 : i32
    %add3A_8 = arith.addi %add3A, %add3A_7 : i32
    %lt3A_9 = arith.constant 73 : i32
    %lt3A_10 = arith.cmpi slt, %add3A_8, %lt3A_9 : i32
    %convert_element_type3A_11 = arith.extui %lt3A_10 : i1 to i32
    %cond3A_12 = arith.constant 0 : i32
    %cond3A_13 = arith.cmpi ne, %convert_element_type3A_11, %cond3A_12 : i32
    scf.if %cond3A_13 {
      %lt3A_47 = arith.constant 5 : i32
      %lt3A_48 = arith.cmpi slt, %add3A_8, %lt3A_47 : i32
      %jit3A = arith.constant 0 : i32
      %jit3A_49 = arith.constant 4 : i32
      %select_n3A = arith.select %lt3A_48, %jit3A, %jit3A_49 : i32
      %add3A_50 = arith.addi %add3A_8, %select_n3A : i32
      %get3A = arith.index_cast %add3A_50 : i32 to index
      %get3A_51 = arith.constant 0 : index
      %get3A_52 = tpu.vector_load %arg10[%get3A, %get3A_51] {strides = array<i32>} : memref<128x512xf32, #tpu.memory_space<vmem>>, vector<1x16xf32>,
      %get3A_53 = vector.shape_cast %get3A_52 : vector<1x16xf32> to vector<16xf32>
      %swap3A = arith.constant 1 : i32
      %swap3A_54 = arith.index_cast %swap3A : i32 to index
      %swap3A_55 = arith.constant 0 : index
      %swap3A_56 = tpu.vector_load %arg11[%swap3A_54, %swap3A_55] {strides = array<i32>} : memref<3x512xf32, #tpu.memory_space<vmem>>, vector<1x16xf32>,
      %swap3A_57 = vector.shape_cast %swap3A_56 : vector<1x16xf32> to vector<16xf32>
      %swap3A_58 = vector.shape_cast %get3A_53 : vector<16xf32> to vector<1x16xf32>
      tpu.vector_store %arg11[%swap3A_54, %swap3A_55], %swap3A_58 {strides = array<i32>} : memref<3x512xf32, #tpu.memory_space<vmem>>, vector<1x16xf32>,
      %get3A_59 = arith.index_cast %add3A_50 : i32 to index
      %get3A_60 = arith.constant 16 : index
      %get3A_61 = tpu.vector_load %arg10[%get3A_59, %get3A_60] {strides = array<i32>} : memref<128x512xf32, #tpu.memory_space<vmem>>, vector<1x16xf32>,
      %get3A_62 = vector.shape_cast %get3A_61 : vector<1x16xf32> to vector<16xf32>
      %swap3A_63 = arith.constant 1 : i32
      %swap3A_64 = arith.index_cast %swap3A_63 : i32 to index
      %swap3A_65 = arith.constant 16 : index
      %swap3A_66 = tpu.vector_load %arg11[%swap3A_64, %swap3A_65] {strides = array<i32>} : memref<3x512xf32, #tpu.memory_space<vmem>>, vector<1x16xf32>,
      %swap3A_67 = vector.shape_cast %swap3A_66 : vector<1x16xf32> to vector<16xf32>
      %swap3A_68 = vector.shape_cast %get3A_62 : vector<16xf32> to vector<1x16xf32>
      tpu.vector_store %arg11[%swap3A_64, %swap3A_65], %swap3A_68 {strides = array<i32>} : memref<3x512xf32, #tpu.memory_space<vmem>>, vector<1x16xf32>,
      %get3A_69 = arith.index_cast %add3A_50 : i32 to index
      %get3A_70 = arith.constant 32 : index
      %get3A_71 = tpu.vector_load %arg10[%get3A_69, %get3A_70] {strides = array<i32>} : memref<128x512xf32, #tpu.memory_space<vmem>>, vector<1x16xf32>,
      %get3A_72 = vector.shape_cast %get3A_71 : vector<1x16xf32> to vector<16xf32>
      %swap3A_73 = arith.constant 1 : i32
      %swap3A_74 = arith.index_cast %swap3A_73 : i32 to index
      %swap3A_75 = arith.constant 32 : index
      %swap3A_76 = tpu.vector_load %arg11[%swap3A_74, %swap3A_75] {strides = array<i32>} : memref<3x512xf32, #tpu.memory_space<vmem>>, vector<1x16xf32>,
      %swap3A_77 = vector.shape_cast %swap3A_76 : vector<1x16xf32> to vector<16xf32>
      %swap3A_78 = vector.shape_cast %get3A_72 : vector<16xf32> to vector<1x16xf32>
      tpu.vector_store %arg11[%swap3A_74, %swap3A_75], %swap3A_78 {strides = array<i32>} : memref<3x512xf32, #tpu.memory_space<vmem>>, vector<1x16xf32>,
      %get3A_79 = arith.index_cast %add3A_50 : i32 to index
      %get3A_80 = arith.constant 48 : index
      %get3A_81 = tpu.vector_load %arg10[%get3A_79, %get3A_80] {strides = array<i32>} : memref<128x512xf32, #tpu.memory_space<vmem>>, vector<1x16xf32>,
      %get3A_82 = vector.shape_cast %get3A_81 : vector<1x16xf32> to vector<16xf32>
      %swap3A_83 = arith.constant 1 : i32
      %swap3A_84 = arith.index_cast %swap3A_83 : i32 to index
      %swap3A_85 = arith.constant 48 : index
      %swap3A_86 = tpu.vector_load %arg11[%swap3A_84, %swap3A_85] {strides = array<i32>} : memref<3x512xf32, #tpu.memory_space<vmem>>, vector<1x16xf32>,
      %swap3A_87 = vector.shape_cast %swap3A_86 : vector<1x16xf32> to vector<16xf32>
      %swap3A_88 = vector.shape_cast %get3A_82 : vector<16xf32> to vector<1x16xf32>
      tpu.vector_store %arg11[%swap3A_84, %swap3A_85], %swap3A_88 {strides = array<i32>} : memref<3x512xf32, #tpu.memory_space<vmem>>, vector<1x16xf32>,
      %get3A_89 = arith.index_cast %add3A_50 : i32 to index
      %get3A_90 = arith.constant 64 : index
      %get3A_91 = tpu.vector_load %arg10[%get3A_89, %get3A_90] {strides = array<i32>} : memref<128x512xf32, #tpu.memory_space<vmem>>, vector<1x16xf32>,
      %get3A_92 = vector.shape_cast %get3A_91 : vector<1x16xf32> to vector<16xf32>
      %swap3A_93 = arith.constant 1 : i32
      %swap3A_94 = arith.index_cast %swap3A_93 : i32 to index
      %swap3A_95 = arith.constant 64 : index
      %swap3A_96 = tpu.vector_load %arg11[%swap3A_94, %swap3A_95] {strides = array<i32>} : memref<3x512xf32, #tpu.memory_space<vmem>>, vector<1x16xf32>,
      %swap3A_97 = vector.shape_cast %swap3A_96 : vector<1x16xf32> to vector<16xf32>
      %swap3A_98 = vector.shape_cast %get3A_92 : vector<16xf32> to vector<1x16xf32>
      tpu.vector_store %arg11[%swap3A_94, %swap3A_95], %swap3A_98 {strides = array<i32>} : memref<3x512xf32, #tpu.memory_space<vmem>>, vector<1x16xf32>,
      %get3A_99 = arith.index_cast %add3A_50 : i32 to index
      %get3A_100 = arith.constant 80 : index
      %get3A_101 = tpu.vector_load %arg10[%get3A_99, %get3A_100] {strides = array<i32>} : memref<128x512xf32, #tpu.memory_space<vmem>>, vector<1x16xf32>,
      %get3A_102 = vector.shape_cast %get3A_101 : vector<1x16xf32> to vector<16xf32>
      %swap3A_103 = arith.constant 1 : i32
      %swap3A_104 = arith.index_cast %swap3A_103 : i32 to index
      %swap3A_105 = arith.constant 80 : index
      %swap3A_106 = tpu.vector_load %arg11[%swap3A_104, %swap3A_105] {strides = array<i32>} : memref<3x512xf32, #tpu.memory_space<vmem>>, vector<1x16xf32>,
      %swap3A_107 = vector.shape_cast %swap3A_106 : vector<1x16xf32> to vector<16xf32>
      %swap3A_108 = vector.shape_cast %get3A_102 : vector<16xf32> to vector<1x16xf32>
      tpu.vector_store %arg11[%swap3A_104, %swap3A_105], %swap3A_108 {strides = array<i32>} : memref<3x512xf32, #tpu.memory_space<vmem>>, vector<1x16xf32>,
      %get3A_109 = arith.index_cast %add3A_50 : i32 to index
      %get3A_110 = arith.constant 96 : index
      %get3A_111 = tpu.vector_load %arg10[%get3A_109, %get3A_110] {strides = array<i32>} : memref<128x512xf32, #tpu.memory_space<vmem>>, vector<1x16xf32>,
      %get3A_112 = vector.shape_cast %get3A_111 : vector<1x16xf32> to vector<16xf32>
      %swap3A_113 = arith.constant 1 : i32
      %swap3A_114 = arith.index_cast %swap3A_113 : i32 to index
      %swap3A_115 = arith.constant 96 : index
      %swap3A_116 = tpu.vector_load %arg11[%swap3A_114, %swap3A_115] {strides = array<i32>} : memref<3x512xf32, #tpu.memory_space<vmem>>, vector<1x16xf32>,
      %swap3A_117 = vector.shape_cast %swap3A_116 : vector<1x16xf32> to vector<16xf32>
      %swap3A_118 = vector.shape_cast %get3A_112 : vector<16xf32> to vector<1x16xf32>
      tpu.vector_store %arg11[%swap3A_114, %swap3A_115], %swap3A_118 {strides = array<i32>} : memref<3x512xf32, #tpu.memory_space<vmem>>, vector<1x16xf32>,
      %get3A_119 = arith.index_cast %add3A_50 : i32 to index
      %get3A_120 = arith.constant 112 : index
      %get3A_121 = tpu.vector_load %arg10[%get3A_119, %get3A_120] {strides = array<i32>} : memref<128x512xf32, #tpu.memory_space<vmem>>, vector<1x16xf32>,
      %get3A_122 = vector.shape_cast %get3A_121 : vector<1x16xf32> to vector<16xf32>
      %swap3A_123 = arith.constant 1 : i32
      %swap3A_124 = arith.index_cast %swap3A_123 : i32 to index
      %swap3A_125 = arith.constant 112 : index
      %swap3A_126 = tpu.vector_load %arg11[%swap3A_124, %swap3A_125] {strides = array<i32>} : memref<3x512xf32, #tpu.memory_space<vmem>>, vector<1x16xf32>,
      %swap3A_127 = vector.shape_cast %swap3A_126 : vector<1x16xf32> to vector<16xf32>
      %swap3A_128 = vector.shape_cast %get3A_122 : vector<16xf32> to vector<1x16xf32>
      tpu.vector_store %arg11[%swap3A_124, %swap3A_125], %swap3A_128 {strides = array<i32>} : memref<3x512xf32, #tpu.memory_space<vmem>>, vector<1x16xf32>,
      %get3A_129 = arith.index_cast %add3A_50 : i32 to index
      %get3A_130 = arith.constant 128 : index
      %get3A_131 = tpu.vector_load %arg10[%get3A_129, %get3A_130] {strides = array<i32>} : memref<128x512xf32, #tpu.memory_space<vmem>>, vector<1x16xf32>,
      %get3A_132 = vector.shape_cast %get3A_131 : vector<1x16xf32> to vector<16xf32>
      %swap3A_133 = arith.constant 1 : i32
      %swap3A_134 = arith.index_cast %swap3A_133 : i32 to index
      %swap3A_135 = arith.constant 128 : index
      %swap3A_136 = tpu.vector_load %arg11[%swap3A_134, %swap3A_135] {strides = array<i32>} : memref<3x512xf32, #tpu.memory_space<vmem>>, vector<1x16xf32>,
      %swap3A_137 = vector.shape_cast %swap3A_136 : vector<1x16xf32> to vector<16xf32>
      %swap3A_138 = vector.shape_cast %get3A_132 : vector<16xf32> to vector<1x16xf32>
      tpu.vector_store %arg11[%swap3A_134, %swap3A_135], %swap3A_138 {strides = array<i32>} : memref<3x512xf32, #tpu.memory_space<vmem>>, vector<1x16xf32>,
      %get3A_139 = arith.index_cast %add3A_50 : i32 to index
      %get3A_140 = arith.constant 144 : index
      %get3A_141 = tpu.vector_load %arg10[%get3A_139, %get3A_140] {strides = array<i32>} : memref<128x512xf32, #tpu.memory_space<vmem>>, vector<1x16xf32>,
      %get3A_142 = vector.shape_cast %get3A_141 : vector<1x16xf32> to vector<16xf32>
      %swap3A_143 = arith.constant 1 : i32
      %swap3A_144 = arith.index_cast %swap3A_143 : i32 to index
      %swap3A_145 = arith.constant 144 : index
      %swap3A_146 = tpu.vector_load %arg11[%swap3A_144, %swap3A_145] {strides = array<i32>} : memref<3x512xf32, #tpu.memory_space<vmem>>, vector<1x16xf32>,
      %swap3A_147 = vector.shape_cast %swap3A_146 : vector<1x16xf32> to vector<16xf32>
      %swap3A_148 = vector.shape_cast %get3A_142 : vector<16xf32> to vector<1x16xf32>
      tpu.vector_store %arg11[%swap3A_144, %swap3A_145], %swap3A_148 {strides = array<i32>} : memref<3x512xf32, #tpu.memory_space<vmem>>, vector<1x16xf32>,
      %get3A_149 = arith.index_cast %add3A_50 : i32 to index
      %get3A_150 = arith.constant 160 : index
      %get3A_151 = tpu.vector_load %arg10[%get3A_149, %get3A_150] {strides = array<i32>} : memref<128x512xf32, #tpu.memory_space<vmem>>, vector<1x16xf32>,
      %get3A_152 = vector.shape_cast %get3A_151 : vector<1x16xf32> to vector<16xf32>
      %swap3A_153 = arith.constant 1 : i32
      %swap3A_154 = arith.index_cast %swap3A_153 : i32 to index
      %swap3A_155 = arith.constant 160 : index
      %swap3A_156 = tpu.vector_load %arg11[%swap3A_154, %swap3A_155] {strides = array<i32>} : memref<3x512xf32, #tpu.memory_space<vmem>>, vector<1x16xf32>,
      %swap3A_157 = vector.shape_cast %swap3A_156 : vector<1x16xf32> to vector<16xf32>
      %swap3A_158 = vector.shape_cast %get3A_152 : vector<16xf32> to vector<1x16xf32>
      tpu.vector_store %arg11[%swap3A_154, %swap3A_155], %swap3A_158 {strides = array<i32>} : memref<3x512xf32, #tpu.memory_space<vmem>>, vector<1x16xf32>,
      %get3A_159 = arith.index_cast %add3A_50 : i32 to index
      %get3A_160 = arith.constant 176 : index
      %get3A_161 = tpu.vector_load %arg10[%get3A_159, %get3A_160] {strides = array<i32>} : memref<128x512xf32, #tpu.memory_space<vmem>>, vector<1x16xf32>,
      %get3A_162 = vector.shape_cast %get3A_161 : vector<1x16xf32> to vector<16xf32>
      %swap3A_163 = arith.constant 1 : i32
      %swap3A_164 = arith.index_cast %swap3A_163 : i32 to index
      %swap3A_165 = arith.constant 176 : index
      %swap3A_166 = tpu.vector_load %arg11[%swap3A_164, %swap3A_165] {strides = array<i32>} : memref<3x512xf32, #tpu.memory_space<vmem>>, vector<1x16xf32>,
      %swap3A_167 = vector.shape_cast %swap3A_166 : vector<1x16xf32> to vector<16xf32>
      %swap3A_168 = vector.shape_cast %get3A_162 : vector<16xf32> to vector<1x16xf32>
      tpu.vector_store %arg11[%swap3A_164, %swap3A_165], %swap3A_168 {strides = array<i32>} : memref<3x512xf32, #tpu.memory_space<vmem>>, vector<1x16xf32>,
      %get3A_169 = arith.index_cast %add3A_50 : i32 to index
      %get3A_170 = arith.constant 192 : index
      %get3A_171 = tpu.vector_load %arg10[%get3A_169, %get3A_170] {strides = array<i32>} : memref<128x512xf32, #tpu.memory_space<vmem>>, vector<1x16xf32>,
      %get3A_172 = vector.shape_cast %get3A_171 : vector<1x16xf32> to vector<16xf32>
      %swap3A_173 = arith.constant 1 : i32
      %swap3A_174 = arith.index_cast %swap3A_173 : i32 to index
      %swap3A_175 = arith.constant 192 : index
      %swap3A_176 = tpu.vector_load %arg11[%swap3A_174, %swap3A_175] {strides = array<i32>} : memref<3x512xf32, #tpu.memory_space<vmem>>, vector<1x16xf32>,
      %swap3A_177 = vector.shape_cast %swap3A_176 : vector<1x16xf32> to vector<16xf32>
      %swap3A_178 = vector.shape_cast %get3A_172 : vector<16xf32> to vector<1x16xf32>
      tpu.vector_store %arg11[%swap3A_174, %swap3A_175], %swap3A_178 {strides = array<i32>} : memref<3x512xf32, #tpu.memory_space<vmem>>, vector<1x16xf32>,
      %get3A_179 = arith.index_cast %add3A_50 : i32 to index
      %get3A_180 = arith.constant 208 : index
      %get3A_181 = tpu.vector_load %arg10[%get3A_179, %get3A_180] {strides = array<i32>} : memref<128x512xf32, #tpu.memory_space<vmem>>, vector<1x16xf32>,
      %get3A_182 = vector.shape_cast %get3A_181 : vector<1x16xf32> to vector<16xf32>
      %swap3A_183 = arith.constant 1 : i32
      %swap3A_184 = arith.index_cast %swap3A_183 : i32 to index
      %swap3A_185 = arith.constant 208 : index
      %swap3A_186 = tpu.vector_load %arg11[%swap3A_184, %swap3A_185] {strides = array<i32>} : memref<3x512xf32, #tpu.memory_space<vmem>>, vector<1x16xf32>,
      %swap3A_187 = vector.shape_cast %swap3A_186 : vector<1x16xf32> to vector<16xf32>
      %swap3A_188 = vector.shape_cast %get3A_182 : vector<16xf32> to vector<1x16xf32>
      tpu.vector_store %arg11[%swap3A_184, %swap3A_185], %swap3A_188 {strides = array<i32>} : memref<3x512xf32, #tpu.memory_space<vmem>>, vector<1x16xf32>,
      %get3A_189 = arith.index_cast %add3A_50 : i32 to index
      %get3A_190 = arith.constant 224 : index
      %get3A_191 = tpu.vector_load %arg10[%get3A_189, %get3A_190] {strides = array<i32>} : memref<128x512xf32, #tpu.memory_space<vmem>>, vector<1x16xf32>,
      %get3A_192 = vector.shape_cast %get3A_191 : vector<1x16xf32> to vector<16xf32>
      %swap3A_193 = arith.constant 1 : i32
      %swap3A_194 = arith.index_cast %swap3A_193 : i32 to index
      %swap3A_195 = arith.constant 224 : index
      %swap3A_196 = tpu.vector_load %arg11[%swap3A_194, %swap3A_195] {strides = array<i32>} : memref<3x512xf32, #tpu.memory_space<vmem>>, vector<1x16xf32>,
      %swap3A_197 = vector.shape_cast %swap3A_196 : vector<1x16xf32> to vector<16xf32>
      %swap3A_198 = vector.shape_cast %get3A_192 : vector<16xf32> to vector<1x16xf32>
      tpu.vector_store %arg11[%swap3A_194, %swap3A_195], %swap3A_198 {strides = array<i32>} : memref<3x512xf32, #tpu.memory_space<vmem>>, vector<1x16xf32>,
      %get3A_199 = arith.index_cast %add3A_50 : i32 to index
      %get3A_200 = arith.constant 240 : index
      %get3A_201 = tpu.vector_load %arg10[%get3A_199, %get3A_200] {strides = array<i32>} : memref<128x512xf32, #tpu.memory_space<vmem>>, vector<1x16xf32>,
      %get3A_202 = vector.shape_cast %get3A_201 : vector<1x16xf32> to vector<16xf32>
      %swap3A_203 = arith.constant 1 : i32
      %swap3A_204 = arith.index_cast %swap3A_203 : i32 to index
      %swap3A_205 = arith.constant 240 : index
      %swap3A_206 = tpu.vector_load %arg11[%swap3A_204, %swap3A_205] {strides = array<i32>} : memref<3x512xf32, #tpu.memory_space<vmem>>, vector<1x16xf32>,
      %swap3A_207 = vector.shape_cast %swap3A_206 : vector<1x16xf32> to vector<16xf32>
      %swap3A_208 = vector.shape_cast %get3A_202 : vector<16xf32> to vector<1x16xf32>
      tpu.vector_store %arg11[%swap3A_204, %swap3A_205], %swap3A_208 {strides = array<i32>} : memref<3x512xf32, #tpu.memory_space<vmem>>, vector<1x16xf32>,
      %get3A_209 = arith.index_cast %add3A_50 : i32 to index
      %get3A_210 = arith.constant 256 : index
      %get3A_211 = tpu.vector_load %arg10[%get3A_209, %get3A_210] {strides = array<i32>} : memref<128x512xf32, #tpu.memory_space<vmem>>, vector<1x16xf32>,
      %get3A_212 = vector.shape_cast %get3A_211 : vector<1x16xf32> to vector<16xf32>
      %swap3A_213 = arith.constant 1 : i32
      %swap3A_214 = arith.index_cast %swap3A_213 : i32 to index
      %swap3A_215 = arith.constant 256 : index
      %swap3A_216 = tpu.vector_load %arg11[%swap3A_214, %swap3A_215] {strides = array<i32>} : memref<3x512xf32, #tpu.memory_space<vmem>>, vector<1x16xf32>,
      %swap3A_217 = vector.shape_cast %swap3A_216 : vector<1x16xf32> to vector<16xf32>
      %swap3A_218 = vector.shape_cast %get3A_212 : vector<16xf32> to vector<1x16xf32>
      tpu.vector_store %arg11[%swap3A_214, %swap3A_215], %swap3A_218 {strides = array<i32>} : memref<3x512xf32, #tpu.memory_space<vmem>>, vector<1x16xf32>,
      %get3A_219 = arith.index_cast %add3A_50 : i32 to index
      %get3A_220 = arith.constant 272 : index
      %get3A_221 = tpu.vector_load %arg10[%get3A_219, %get3A_220] {strides = array<i32>} : memref<128x512xf32, #tpu.memory_space<vmem>>, vector<1x16xf32>,
      %get3A_222 = vector.shape_cast %get3A_221 : vector<1x16xf32> to vector<16xf32>
      %swap3A_223 = arith.constant 1 : i32
      %swap3A_224 = arith.index_cast %swap3A_223 : i32 to index
      %swap3A_225 = arith.constant 272 : index
      %swap3A_226 = tpu.vector_load %arg11[%swap3A_224, %swap3A_225] {strides = array<i32>} : memref<3x512xf32, #tpu.memory_space<vmem>>, vector<1x16xf32>,
      %swap3A_227 = vector.shape_cast %swap3A_226 : vector<1x16xf32> to vector<16xf32>
      %swap3A_228 = vector.shape_cast %get3A_222 : vector<16xf32> to vector<1x16xf32>
      tpu.vector_store %arg11[%swap3A_224, %swap3A_225], %swap3A_228 {strides = array<i32>} : memref<3x512xf32, #tpu.memory_space<vmem>>, vector<1x16xf32>,
      %get3A_229 = arith.index_cast %add3A_50 : i32 to index
      %get3A_230 = arith.constant 288 : index
      %get3A_231 = tpu.vector_load %arg10[%get3A_229, %get3A_230] {strides = array<i32>} : memref<128x512xf32, #tpu.memory_space<vmem>>, vector<1x16xf32>,
      %get3A_232 = vector.shape_cast %get3A_231 : vector<1x16xf32> to vector<16xf32>
      %swap3A_233 = arith.constant 1 : i32
      %swap3A_234 = arith.index_cast %swap3A_233 : i32 to index
      %swap3A_235 = arith.constant 288 : index
      %swap3A_236 = tpu.vector_load %arg11[%swap3A_234, %swap3A_235] {strides = array<i32>} : memref<3x512xf32, #tpu.memory_space<vmem>>, vector<1x16xf32>,
      %swap3A_237 = vector.shape_cast %swap3A_236 : vector<1x16xf32> to vector<16xf32>
      %swap3A_238 = vector.shape_cast %get3A_232 : vector<16xf32> to vector<1x16xf32>
      tpu.vector_store %arg11[%swap3A_234, %swap3A_235], %swap3A_238 {strides = array<i32>} : memref<3x512xf32, #tpu.memory_space<vmem>>, vector<1x16xf32>,
      %get3A_239 = arith.index_cast %add3A_50 : i32 to index
      %get3A_240 = arith.constant 304 : index
      %get3A_241 = tpu.vector_load %arg10[%get3A_239, %get3A_240] {strides = array<i32>} : memref<128x512xf32, #tpu.memory_space<vmem>>, vector<1x16xf32>,
      %get3A_242 = vector.shape_cast %get3A_241 : vector<1x16xf32> to vector<16xf32>
      %swap3A_243 = arith.constant 1 : i32
      %swap3A_244 = arith.index_cast %swap3A_243 : i32 to index
      %swap3A_245 = arith.constant 304 : index
      %swap3A_246 = tpu.vector_load %arg11[%swap3A_244, %swap3A_245] {strides = array<i32>} : memref<3x512xf32, #tpu.memory_space<vmem>>, vector<1x16xf32>,
      %swap3A_247 = vector.shape_cast %swap3A_246 : vector<1x16xf32> to vector<16xf32>
      %swap3A_248 = vector.shape_cast %get3A_242 : vector<16xf32> to vector<1x16xf32>
      tpu.vector_store %arg11[%swap3A_244, %swap3A_245], %swap3A_248 {strides = array<i32>} : memref<3x512xf32, #tpu.memory_space<vmem>>, vector<1x16xf32>,
      %get3A_249 = arith.index_cast %add3A_50 : i32 to index
      %get3A_250 = arith.constant 320 : index
      %get3A_251 = tpu.vector_load %arg10[%get3A_249, %get3A_250] {strides = array<i32>} : memref<128x512xf32, #tpu.memory_space<vmem>>, vector<1x16xf32>,
      %get3A_252 = vector.shape_cast %get3A_251 : vector<1x16xf32> to vector<16xf32>
      %swap3A_253 = arith.constant 1 : i32
      %swap3A_254 = arith.index_cast %swap3A_253 : i32 to index
      %swap3A_255 = arith.constant 320 : index
      %swap3A_256 = tpu.vector_load %arg11[%swap3A_254, %swap3A_255] {strides = array<i32>} : memref<3x512xf32, #tpu.memory_space<vmem>>, vector<1x16xf32>,
      %swap3A_257 = vector.shape_cast %swap3A_256 : vector<1x16xf32> to vector<16xf32>
      %swap3A_258 = vector.shape_cast %get3A_252 : vector<16xf32> to vector<1x16xf32>
      tpu.vector_store %arg11[%swap3A_254, %swap3A_255], %swap3A_258 {strides = array<i32>} : memref<3x512xf32, #tpu.memory_space<vmem>>, vector<1x16xf32>,
      %get3A_259 = arith.index_cast %add3A_50 : i32 to index
      %get3A_260 = arith.constant 336 : index
      %get3A_261 = tpu.vector_load %arg10[%get3A_259, %get3A_260] {strides = array<i32>} : memref<128x512xf32, #tpu.memory_space<vmem>>, vector<1x16xf32>,
      %get3A_262 = vector.shape_cast %get3A_261 : vector<1x16xf32> to vector<16xf32>
      %swap3A_263 = arith.constant 1 : i32
      %swap3A_264 = arith.index_cast %swap3A_263 : i32 to index
      %swap3A_265 = arith.constant 336 : index
      %swap3A_266 = tpu.vector_load %arg11[%swap3A_264, %swap3A_265] {strides = array<i32>} : memref<3x512xf32, #tpu.memory_space<vmem>>, vector<1x16xf32>,
      %swap3A_267 = vector.shape_cast %swap3A_266 : vector<1x16xf32> to vector<16xf32>
      %swap3A_268 = vector.shape_cast %get3A_262 : vector<16xf32> to vector<1x16xf32>
      tpu.vector_store %arg11[%swap3A_264, %swap3A_265], %swap3A_268 {strides = array<i32>} : memref<3x512xf32, #tpu.memory_space<vmem>>, vector<1x16xf32>,
      %get3A_269 = arith.index_cast %add3A_50 : i32 to index
      %get3A_270 = arith.constant 352 : index
      %get3A_271 = tpu.vector_load %arg10[%get3A_269, %get3A_270] {strides = array<i32>} : memref<128x512xf32, #tpu.memory_space<vmem>>, vector<1x16xf32>,
      %get3A_272 = vector.shape_cast %get3A_271 : vector<1x16xf32> to vector<16xf32>
      %swap3A_273 = arith.constant 1 : i32
      %swap3A_274 = arith.index_cast %swap3A_273 : i32 to index
      %swap3A_275 = arith.constant 352 : index
      %swap3A_276 = tpu.vector_load %arg11[%swap3A_274, %swap3A_275] {strides = array<i32>} : memref<3x512xf32, #tpu.memory_space<vmem>>, vector<1x16xf32>,
      %swap3A_277 = vector.shape_cast %swap3A_276 : vector<1x16xf32> to vector<16xf32>
      %swap3A_278 = vector.shape_cast %get3A_272 : vector<16xf32> to vector<1x16xf32>
      tpu.vector_store %arg11[%swap3A_274, %swap3A_275], %swap3A_278 {strides = array<i32>} : memref<3x512xf32, #tpu.memory_space<vmem>>, vector<1x16xf32>,
      %get3A_279 = arith.index_cast %add3A_50 : i32 to index
      %get3A_280 = arith.constant 368 : index
      %get3A_281 = tpu.vector_load %arg10[%get3A_279, %get3A_280] {strides = array<i32>} : memref<128x512xf32, #tpu.memory_space<vmem>>, vector<1x16xf32>,
      %get3A_282 = vector.shape_cast %get3A_281 : vector<1x16xf32> to vector<16xf32>
      %swap3A_283 = arith.constant 1 : i32
      %swap3A_284 = arith.index_cast %swap3A_283 : i32 to index
      %swap3A_285 = arith.constant 368 : index
      %swap3A_286 = tpu.vector_load %arg11[%swap3A_284, %swap3A_285] {strides = array<i32>} : memref<3x512xf32, #tpu.memory_space<vmem>>, vector<1x16xf32>,
      %swap3A_287 = vector.shape_cast %swap3A_286 : vector<1x16xf32> to vector<16xf32>
      %swap3A_288 = vector.shape_cast %get3A_282 : vector<16xf32> to vector<1x16xf32>
      tpu.vector_store %arg11[%swap3A_284, %swap3A_285], %swap3A_288 {strides = array<i32>} : memref<3x512xf32, #tpu.memory_space<vmem>>, vector<1x16xf32>,
      %get3A_289 = arith.index_cast %add3A_50 : i32 to index
      %get3A_290 = arith.constant 384 : index
      %get3A_291 = tpu.vector_load %arg10[%get3A_289, %get3A_290] {strides = array<i32>} : memref<128x512xf32, #tpu.memory_space<vmem>>, vector<1x16xf32>,
      %get3A_292 = vector.shape_cast %get3A_291 : vector<1x16xf32> to vector<16xf32>
      %swap3A_293 = arith.constant 1 : i32
      %swap3A_294 = arith.index_cast %swap3A_293 : i32 to index
      %swap3A_295 = arith.constant 384 : index
      %swap3A_296 = tpu.vector_load %arg11[%swap3A_294, %swap3A_295] {strides = array<i32>} : memref<3x512xf32, #tpu.memory_space<vmem>>, vector<1x16xf32>,
      %swap3A_297 = vector.shape_cast %swap3A_296 : vector<1x16xf32> to vector<16xf32>
      %swap3A_298 = vector.shape_cast %get3A_292 : vector<16xf32> to vector<1x16xf32>
      tpu.vector_store %arg11[%swap3A_294, %swap3A_295], %swap3A_298 {strides = array<i32>} : memref<3x512xf32, #tpu.memory_space<vmem>>, vector<1x16xf32>,
      %get3A_299 = arith.index_cast %add3A_50 : i32 to index
      %get3A_300 = arith.constant 400 : index
      %get3A_301 = tpu.vector_load %arg10[%get3A_299, %get3A_300] {strides = array<i32>} : memref<128x512xf32, #tpu.memory_space<vmem>>, vector<1x16xf32>,
      %get3A_302 = vector.shape_cast %get3A_301 : vector<1x16xf32> to vector<16xf32>
      %swap3A_303 = arith.constant 1 : i32
      %swap3A_304 = arith.index_cast %swap3A_303 : i32 to index
      %swap3A_305 = arith.constant 400 : index
      %swap3A_306 = tpu.vector_load %arg11[%swap3A_304, %swap3A_305] {strides = array<i32>} : memref<3x512xf32, #tpu.memory_space<vmem>>, vector<1x16xf32>,
      %swap3A_307 = vector.shape_cast %swap3A_306 : vector<1x16xf32> to vector<16xf32>
      %swap3A_308 = vector.shape_cast %get3A_302 : vector<16xf32> to vector<1x16xf32>
      tpu.vector_store %arg11[%swap3A_304, %swap3A_305], %swap3A_308 {strides = array<i32>} : memref<3x512xf32, #tpu.memory_space<vmem>>, vector<1x16xf32>,
      %get3A_309 = arith.index_cast %add3A_50 : i32 to index
      %get3A_310 = arith.constant 416 : index
      %get3A_311 = tpu.vector_load %arg10[%get3A_309, %get3A_310] {strides = array<i32>} : memref<128x512xf32, #tpu.memory_space<vmem>>, vector<1x16xf32>,
      %get3A_312 = vector.shape_cast %get3A_311 : vector<1x16xf32> to vector<16xf32>
      %swap3A_313 = arith.constant 1 : i32
      %swap3A_314 = arith.index_cast %swap3A_313 : i32 to index
      %swap3A_315 = arith.constant 416 : index
      %swap3A_316 = tpu.vector_load %arg11[%swap3A_314, %swap3A_315] {strides = array<i32>} : memref<3x512xf32, #tpu.memory_space<vmem>>, vector<1x16xf32>,
      %swap3A_317 = vector.shape_cast %swap3A_316 : vector<1x16xf32> to vector<16xf32>
      %swap3A_318 = vector.shape_cast %get3A_312 : vector<16xf32> to vector<1x16xf32>
      tpu.vector_store %arg11[%swap3A_314, %swap3A_315], %swap3A_318 {strides = array<i32>} : memref<3x512xf32, #tpu.memory_space<vmem>>, vector<1x16xf32>,
      %get3A_319 = arith.index_cast %add3A_50 : i32 to index
      %get3A_320 = arith.constant 432 : index
      %get3A_321 = tpu.vector_load %arg10[%get3A_319, %get3A_320] {strides = array<i32>} : memref<128x512xf32, #tpu.memory_space<vmem>>, vector<1x16xf32>,
      %get3A_322 = vector.shape_cast %get3A_321 : vector<1x16xf32> to vector<16xf32>
      %swap3A_323 = arith.constant 1 : i32
      %swap3A_324 = arith.index_cast %swap3A_323 : i32 to index
      %swap3A_325 = arith.constant 432 : index
      %swap3A_326 = tpu.vector_load %arg11[%swap3A_324, %swap3A_325] {strides = array<i32>} : memref<3x512xf32, #tpu.memory_space<vmem>>, vector<1x16xf32>,
      %swap3A_327 = vector.shape_cast %swap3A_326 : vector<1x16xf32> to vector<16xf32>
      %swap3A_328 = vector.shape_cast %get3A_322 : vector<16xf32> to vector<1x16xf32>
      tpu.vector_store %arg11[%swap3A_324, %swap3A_325], %swap3A_328 {strides = array<i32>} : memref<3x512xf32, #tpu.memory_space<vmem>>, vector<1x16xf32>,
      %get3A_329 = arith.index_cast %add3A_50 : i32 to index
      %get3A_330 = arith.constant 448 : index
      %get3A_331 = tpu.vector_load %arg10[%get3A_329, %get3A_330] {strides = array<i32>} : memref<128x512xf32, #tpu.memory_space<vmem>>, vector<1x16xf32>,
      %get3A_332 = vector.shape_cast %get3A_331 : vector<1x16xf32> to vector<16xf32>
      %swap3A_333 = arith.constant 1 : i32
      %swap3A_334 = arith.index_cast %swap3A_333 : i32 to index
      %swap3A_335 = arith.constant 448 : index
      %swap3A_336 = tpu.vector_load %arg11[%swap3A_334, %swap3A_335] {strides = array<i32>} : memref<3x512xf32, #tpu.memory_space<vmem>>, vector<1x16xf32>,
      %swap3A_337 = vector.shape_cast %swap3A_336 : vector<1x16xf32> to vector<16xf32>
      %swap3A_338 = vector.shape_cast %get3A_332 : vector<16xf32> to vector<1x16xf32>
      tpu.vector_store %arg11[%swap3A_334, %swap3A_335], %swap3A_338 {strides = array<i32>} : memref<3x512xf32, #tpu.memory_space<vmem>>, vector<1x16xf32>,
      %get3A_339 = arith.index_cast %add3A_50 : i32 to index
      %get3A_340 = arith.constant 464 : index
      %get3A_341 = tpu.vector_load %arg10[%get3A_339, %get3A_340] {strides = array<i32>} : memref<128x512xf32, #tpu.memory_space<vmem>>, vector<1x16xf32>,
      %get3A_342 = vector.shape_cast %get3A_341 : vector<1x16xf32> to vector<16xf32>
      %swap3A_343 = arith.constant 1 : i32
      %swap3A_344 = arith.index_cast %swap3A_343 : i32 to index
      %swap3A_345 = arith.constant 464 : index
      %swap3A_346 = tpu.vector_load %arg11[%swap3A_344, %swap3A_345] {strides = array<i32>} : memref<3x512xf32, #tpu.memory_space<vmem>>, vector<1x16xf32>,
      %swap3A_347 = vector.shape_cast %swap3A_346 : vector<1x16xf32> to vector<16xf32>
      %swap3A_348 = vector.shape_cast %get3A_342 : vector<16xf32> to vector<1x16xf32>
      tpu.vector_store %arg11[%swap3A_344, %swap3A_345], %swap3A_348 {strides = array<i32>} : memref<3x512xf32, #tpu.memory_space<vmem>>, vector<1x16xf32>,
      %get3A_349 = arith.index_cast %add3A_50 : i32 to index
      %get3A_350 = arith.constant 480 : index
      %get3A_351 = tpu.vector_load %arg10[%get3A_349, %get3A_350] {strides = array<i32>} : memref<128x512xf32, #tpu.memory_space<vmem>>, vector<1x16xf32>,
      %get3A_352 = vector.shape_cast %get3A_351 : vector<1x16xf32> to vector<16xf32>
      %swap3A_353 = arith.constant 1 : i32
      %swap3A_354 = arith.index_cast %swap3A_353 : i32 to index
      %swap3A_355 = arith.constant 480 : index
      %swap3A_356 = tpu.vector_load %arg11[%swap3A_354, %swap3A_355] {strides = array<i32>} : memref<3x512xf32, #tpu.memory_space<vmem>>, vector<1x16xf32>,
      %swap3A_357 = vector.shape_cast %swap3A_356 : vector<1x16xf32> to vector<16xf32>
      %swap3A_358 = vector.shape_cast %get3A_352 : vector<16xf32> to vector<1x16xf32>
      tpu.vector_store %arg11[%swap3A_354, %swap3A_355], %swap3A_358 {strides = array<i32>} : memref<3x512xf32, #tpu.memory_space<vmem>>, vector<1x16xf32>,
      %get3A_359 = arith.index_cast %add3A_50 : i32 to index
      %get3A_360 = arith.constant 496 : index
      %get3A_361 = tpu.vector_load %arg10[%get3A_359, %get3A_360] {strides = array<i32>} : memref<128x512xf32, #tpu.memory_space<vmem>>, vector<1x16xf32>,
      %get3A_362 = vector.shape_cast %get3A_361 : vector<1x16xf32> to vector<16xf32>
      %swap3A_363 = arith.constant 1 : i32
      %swap3A_364 = arith.index_cast %swap3A_363 : i32 to index
      %swap3A_365 = arith.constant 496 : index
      %swap3A_366 = tpu.vector_load %arg11[%swap3A_364, %swap3A_365] {strides = array<i32>} : memref<3x512xf32, #tpu.memory_space<vmem>>, vector<1x16xf32>,
      %swap3A_367 = vector.shape_cast %swap3A_366 : vector<1x16xf32> to vector<16xf32>
      %swap3A_368 = vector.shape_cast %get3A_362 : vector<16xf32> to vector<1x16xf32>
      tpu.vector_store %arg11[%swap3A_364, %swap3A_365], %swap3A_368 {strides = array<i32>} : memref<3x512xf32, #tpu.memory_space<vmem>>, vector<1x16xf32>,
    } else {
    }
    %add3A_14 = arith.constant 64 : i32
    %add3A_15 = arith.addi %add3A, %add3A_14 : i32
    %lt3A_16 = arith.constant 73 : i32
    %lt3A_17 = arith.cmpi slt, %add3A_15, %lt3A_16 : i32
    %convert_element_type3A_18 = arith.extui %lt3A_17 : i1 to i32
    %cond3A_19 = arith.constant 0 : i32
    %cond3A_20 = arith.cmpi ne, %convert_element_type3A_18, %cond3A_19 : i32
    scf.if %cond3A_20 {
      %lt3A_47 = arith.constant 5 : i32
      %lt3A_48 = arith.cmpi slt, %add3A_15, %lt3A_47 : i32
      %jit3A = arith.constant 0 : i32
      %jit3A_49 = arith.constant 4 : i32
      %select_n3A = arith.select %lt3A_48, %jit3A, %jit3A_49 : i32
      %add3A_50 = arith.addi %add3A_15, %select_n3A : i32
      %get3A = arith.index_cast %add3A_50 : i32 to index
      %get3A_51 = arith.constant 0 : index
      %get3A_52 = tpu.vector_load %arg10[%get3A, %get3A_51] {strides = array<i32>} : memref<128x512xf32, #tpu.memory_space<vmem>>, vector<1x16xf32>,
      %get3A_53 = vector.shape_cast %get3A_52 : vector<1x16xf32> to vector<16xf32>
      %swap3A = arith.constant 2 : i32
      %swap3A_54 = arith.index_cast %swap3A : i32 to index
      %swap3A_55 = arith.constant 0 : index
      %swap3A_56 = tpu.vector_load %arg11[%swap3A_54, %swap3A_55] {strides = array<i32>} : memref<3x512xf32, #tpu.memory_space<vmem>>, vector<1x16xf32>,
      %swap3A_57 = vector.shape_cast %swap3A_56 : vector<1x16xf32> to vector<16xf32>
      %swap3A_58 = vector.shape_cast %get3A_53 : vector<16xf32> to vector<1x16xf32>
      tpu.vector_store %arg11[%swap3A_54, %swap3A_55], %swap3A_58 {strides = array<i32>} : memref<3x512xf32, #tpu.memory_space<vmem>>, vector<1x16xf32>,
      %get3A_59 = arith.index_cast %add3A_50 : i32 to index
      %get3A_60 = arith.constant 16 : index
      %get3A_61 = tpu.vector_load %arg10[%get3A_59, %get3A_60] {strides = array<i32>} : memref<128x512xf32, #tpu.memory_space<vmem>>, vector<1x16xf32>,
      %get3A_62 = vector.shape_cast %get3A_61 : vector<1x16xf32> to vector<16xf32>
      %swap3A_63 = arith.constant 2 : i32
      %swap3A_64 = arith.index_cast %swap3A_63 : i32 to index
      %swap3A_65 = arith.constant 16 : index
      %swap3A_66 = tpu.vector_load %arg11[%swap3A_64, %swap3A_65] {strides = array<i32>} : memref<3x512xf32, #tpu.memory_space<vmem>>, vector<1x16xf32>,
      %swap3A_67 = vector.shape_cast %swap3A_66 : vector<1x16xf32> to vector<16xf32>
      %swap3A_68 = vector.shape_cast %get3A_62 : vector<16xf32> to vector<1x16xf32>
      tpu.vector_store %arg11[%swap3A_64, %swap3A_65], %swap3A_68 {strides = array<i32>} : memref<3x512xf32, #tpu.memory_space<vmem>>, vector<1x16xf32>,
      %get3A_69 = arith.index_cast %add3A_50 : i32 to index
      %get3A_70 = arith.constant 32 : index
      %get3A_71 = tpu.vector_load %arg10[%get3A_69, %get3A_70] {strides = array<i32>} : memref<128x512xf32, #tpu.memory_space<vmem>>, vector<1x16xf32>,
      %get3A_72 = vector.shape_cast %get3A_71 : vector<1x16xf32> to vector<16xf32>
      %swap3A_73 = arith.constant 2 : i32
      %swap3A_74 = arith.index_cast %swap3A_73 : i32 to index
      %swap3A_75 = arith.constant 32 : index
      %swap3A_76 = tpu.vector_load %arg11[%swap3A_74, %swap3A_75] {strides = array<i32>} : memref<3x512xf32, #tpu.memory_space<vmem>>, vector<1x16xf32>,
      %swap3A_77 = vector.shape_cast %swap3A_76 : vector<1x16xf32> to vector<16xf32>
      %swap3A_78 = vector.shape_cast %get3A_72 : vector<16xf32> to vector<1x16xf32>
      tpu.vector_store %arg11[%swap3A_74, %swap3A_75], %swap3A_78 {strides = array<i32>} : memref<3x512xf32, #tpu.memory_space<vmem>>, vector<1x16xf32>,
      %get3A_79 = arith.index_cast %add3A_50 : i32 to index
      %get3A_80 = arith.constant 48 : index
      %get3A_81 = tpu.vector_load %arg10[%get3A_79, %get3A_80] {strides = array<i32>} : memref<128x512xf32, #tpu.memory_space<vmem>>, vector<1x16xf32>,
      %get3A_82 = vector.shape_cast %get3A_81 : vector<1x16xf32> to vector<16xf32>
      %swap3A_83 = arith.constant 2 : i32
      %swap3A_84 = arith.index_cast %swap3A_83 : i32 to index
      %swap3A_85 = arith.constant 48 : index
      %swap3A_86 = tpu.vector_load %arg11[%swap3A_84, %swap3A_85] {strides = array<i32>} : memref<3x512xf32, #tpu.memory_space<vmem>>, vector<1x16xf32>,
      %swap3A_87 = vector.shape_cast %swap3A_86 : vector<1x16xf32> to vector<16xf32>
      %swap3A_88 = vector.shape_cast %get3A_82 : vector<16xf32> to vector<1x16xf32>
      tpu.vector_store %arg11[%swap3A_84, %swap3A_85], %swap3A_88 {strides = array<i32>} : memref<3x512xf32, #tpu.memory_space<vmem>>, vector<1x16xf32>,
      %get3A_89 = arith.index_cast %add3A_50 : i32 to index
      %get3A_90 = arith.constant 64 : index
      %get3A_91 = tpu.vector_load %arg10[%get3A_89, %get3A_90] {strides = array<i32>} : memref<128x512xf32, #tpu.memory_space<vmem>>, vector<1x16xf32>,
      %get3A_92 = vector.shape_cast %get3A_91 : vector<1x16xf32> to vector<16xf32>
      %swap3A_93 = arith.constant 2 : i32
      %swap3A_94 = arith.index_cast %swap3A_93 : i32 to index
      %swap3A_95 = arith.constant 64 : index
      %swap3A_96 = tpu.vector_load %arg11[%swap3A_94, %swap3A_95] {strides = array<i32>} : memref<3x512xf32, #tpu.memory_space<vmem>>, vector<1x16xf32>,
      %swap3A_97 = vector.shape_cast %swap3A_96 : vector<1x16xf32> to vector<16xf32>
      %swap3A_98 = vector.shape_cast %get3A_92 : vector<16xf32> to vector<1x16xf32>
      tpu.vector_store %arg11[%swap3A_94, %swap3A_95], %swap3A_98 {strides = array<i32>} : memref<3x512xf32, #tpu.memory_space<vmem>>, vector<1x16xf32>,
      %get3A_99 = arith.index_cast %add3A_50 : i32 to index
      %get3A_100 = arith.constant 80 : index
      %get3A_101 = tpu.vector_load %arg10[%get3A_99, %get3A_100] {strides = array<i32>} : memref<128x512xf32, #tpu.memory_space<vmem>>, vector<1x16xf32>,
      %get3A_102 = vector.shape_cast %get3A_101 : vector<1x16xf32> to vector<16xf32>
      %swap3A_103 = arith.constant 2 : i32
      %swap3A_104 = arith.index_cast %swap3A_103 : i32 to index
      %swap3A_105 = arith.constant 80 : index
      %swap3A_106 = tpu.vector_load %arg11[%swap3A_104, %swap3A_105] {strides = array<i32>} : memref<3x512xf32, #tpu.memory_space<vmem>>, vector<1x16xf32>,
      %swap3A_107 = vector.shape_cast %swap3A_106 : vector<1x16xf32> to vector<16xf32>
      %swap3A_108 = vector.shape_cast %get3A_102 : vector<16xf32> to vector<1x16xf32>
      tpu.vector_store %arg11[%swap3A_104, %swap3A_105], %swap3A_108 {strides = array<i32>} : memref<3x512xf32, #tpu.memory_space<vmem>>, vector<1x16xf32>,
      %get3A_109 = arith.index_cast %add3A_50 : i32 to index
      %get3A_110 = arith.constant 96 : index
      %get3A_111 = tpu.vector_load %arg10[%get3A_109, %get3A_110] {strides = array<i32>} : memref<128x512xf32, #tpu.memory_space<vmem>>, vector<1x16xf32>,
      %get3A_112 = vector.shape_cast %get3A_111 : vector<1x16xf32> to vector<16xf32>
      %swap3A_113 = arith.constant 2 : i32
      %swap3A_114 = arith.index_cast %swap3A_113 : i32 to index
      %swap3A_115 = arith.constant 96 : index
      %swap3A_116 = tpu.vector_load %arg11[%swap3A_114, %swap3A_115] {strides = array<i32>} : memref<3x512xf32, #tpu.memory_space<vmem>>, vector<1x16xf32>,
      %swap3A_117 = vector.shape_cast %swap3A_116 : vector<1x16xf32> to vector<16xf32>
      %swap3A_118 = vector.shape_cast %get3A_112 : vector<16xf32> to vector<1x16xf32>
      tpu.vector_store %arg11[%swap3A_114, %swap3A_115], %swap3A_118 {strides = array<i32>} : memref<3x512xf32, #tpu.memory_space<vmem>>, vector<1x16xf32>,
      %get3A_119 = arith.index_cast %add3A_50 : i32 to index
      %get3A_120 = arith.constant 112 : index
      %get3A_121 = tpu.vector_load %arg10[%get3A_119, %get3A_120] {strides = array<i32>} : memref<128x512xf32, #tpu.memory_space<vmem>>, vector<1x16xf32>,
      %get3A_122 = vector.shape_cast %get3A_121 : vector<1x16xf32> to vector<16xf32>
      %swap3A_123 = arith.constant 2 : i32
      %swap3A_124 = arith.index_cast %swap3A_123 : i32 to index
      %swap3A_125 = arith.constant 112 : index
      %swap3A_126 = tpu.vector_load %arg11[%swap3A_124, %swap3A_125] {strides = array<i32>} : memref<3x512xf32, #tpu.memory_space<vmem>>, vector<1x16xf32>,
      %swap3A_127 = vector.shape_cast %swap3A_126 : vector<1x16xf32> to vector<16xf32>
      %swap3A_128 = vector.shape_cast %get3A_122 : vector<16xf32> to vector<1x16xf32>
      tpu.vector_store %arg11[%swap3A_124, %swap3A_125], %swap3A_128 {strides = array<i32>} : memref<3x512xf32, #tpu.memory_space<vmem>>, vector<1x16xf32>,
      %get3A_129 = arith.index_cast %add3A_50 : i32 to index
      %get3A_130 = arith.constant 128 : index
      %get3A_131 = tpu.vector_load %arg10[%get3A_129, %get3A_130] {strides = array<i32>} : memref<128x512xf32, #tpu.memory_space<vmem>>, vector<1x16xf32>,
      %get3A_132 = vector.shape_cast %get3A_131 : vector<1x16xf32> to vector<16xf32>
      %swap3A_133 = arith.constant 2 : i32
      %swap3A_134 = arith.index_cast %swap3A_133 : i32 to index
      %swap3A_135 = arith.constant 128 : index
      %swap3A_136 = tpu.vector_load %arg11[%swap3A_134, %swap3A_135] {strides = array<i32>} : memref<3x512xf32, #tpu.memory_space<vmem>>, vector<1x16xf32>,
      %swap3A_137 = vector.shape_cast %swap3A_136 : vector<1x16xf32> to vector<16xf32>
      %swap3A_138 = vector.shape_cast %get3A_132 : vector<16xf32> to vector<1x16xf32>
      tpu.vector_store %arg11[%swap3A_134, %swap3A_135], %swap3A_138 {strides = array<i32>} : memref<3x512xf32, #tpu.memory_space<vmem>>, vector<1x16xf32>,
      %get3A_139 = arith.index_cast %add3A_50 : i32 to index
      %get3A_140 = arith.constant 144 : index
      %get3A_141 = tpu.vector_load %arg10[%get3A_139, %get3A_140] {strides = array<i32>} : memref<128x512xf32, #tpu.memory_space<vmem>>, vector<1x16xf32>,
      %get3A_142 = vector.shape_cast %get3A_141 : vector<1x16xf32> to vector<16xf32>
      %swap3A_143 = arith.constant 2 : i32
      %swap3A_144 = arith.index_cast %swap3A_143 : i32 to index
      %swap3A_145 = arith.constant 144 : index
      %swap3A_146 = tpu.vector_load %arg11[%swap3A_144, %swap3A_145] {strides = array<i32>} : memref<3x512xf32, #tpu.memory_space<vmem>>, vector<1x16xf32>,
      %swap3A_147 = vector.shape_cast %swap3A_146 : vector<1x16xf32> to vector<16xf32>
      %swap3A_148 = vector.shape_cast %get3A_142 : vector<16xf32> to vector<1x16xf32>
      tpu.vector_store %arg11[%swap3A_144, %swap3A_145], %swap3A_148 {strides = array<i32>} : memref<3x512xf32, #tpu.memory_space<vmem>>, vector<1x16xf32>,
      %get3A_149 = arith.index_cast %add3A_50 : i32 to index
      %get3A_150 = arith.constant 160 : index
      %get3A_151 = tpu.vector_load %arg10[%get3A_149, %get3A_150] {strides = array<i32>} : memref<128x512xf32, #tpu.memory_space<vmem>>, vector<1x16xf32>,
      %get3A_152 = vector.shape_cast %get3A_151 : vector<1x16xf32> to vector<16xf32>
      %swap3A_153 = arith.constant 2 : i32
      %swap3A_154 = arith.index_cast %swap3A_153 : i32 to index
      %swap3A_155 = arith.constant 160 : index
      %swap3A_156 = tpu.vector_load %arg11[%swap3A_154, %swap3A_155] {strides = array<i32>} : memref<3x512xf32, #tpu.memory_space<vmem>>, vector<1x16xf32>,
      %swap3A_157 = vector.shape_cast %swap3A_156 : vector<1x16xf32> to vector<16xf32>
      %swap3A_158 = vector.shape_cast %get3A_152 : vector<16xf32> to vector<1x16xf32>
      tpu.vector_store %arg11[%swap3A_154, %swap3A_155], %swap3A_158 {strides = array<i32>} : memref<3x512xf32, #tpu.memory_space<vmem>>, vector<1x16xf32>,
      %get3A_159 = arith.index_cast %add3A_50 : i32 to index
      %get3A_160 = arith.constant 176 : index
      %get3A_161 = tpu.vector_load %arg10[%get3A_159, %get3A_160] {strides = array<i32>} : memref<128x512xf32, #tpu.memory_space<vmem>>, vector<1x16xf32>,
      %get3A_162 = vector.shape_cast %get3A_161 : vector<1x16xf32> to vector<16xf32>
      %swap3A_163 = arith.constant 2 : i32
      %swap3A_164 = arith.index_cast %swap3A_163 : i32 to index
      %swap3A_165 = arith.constant 176 : index
      %swap3A_166 = tpu.vector_load %arg11[%swap3A_164, %swap3A_165] {strides = array<i32>} : memref<3x512xf32, #tpu.memory_space<vmem>>, vector<1x16xf32>,
      %swap3A_167 = vector.shape_cast %swap3A_166 : vector<1x16xf32> to vector<16xf32>
      %swap3A_168 = vector.shape_cast %get3A_162 : vector<16xf32> to vector<1x16xf32>
      tpu.vector_store %arg11[%swap3A_164, %swap3A_165], %swap3A_168 {strides = array<i32>} : memref<3x512xf32, #tpu.memory_space<vmem>>, vector<1x16xf32>,
      %get3A_169 = arith.index_cast %add3A_50 : i32 to index
      %get3A_170 = arith.constant 192 : index
      %get3A_171 = tpu.vector_load %arg10[%get3A_169, %get3A_170] {strides = array<i32>} : memref<128x512xf32, #tpu.memory_space<vmem>>, vector<1x16xf32>,
      %get3A_172 = vector.shape_cast %get3A_171 : vector<1x16xf32> to vector<16xf32>
      %swap3A_173 = arith.constant 2 : i32
      %swap3A_174 = arith.index_cast %swap3A_173 : i32 to index
      %swap3A_175 = arith.constant 192 : index
      %swap3A_176 = tpu.vector_load %arg11[%swap3A_174, %swap3A_175] {strides = array<i32>} : memref<3x512xf32, #tpu.memory_space<vmem>>, vector<1x16xf32>,
      %swap3A_177 = vector.shape_cast %swap3A_176 : vector<1x16xf32> to vector<16xf32>
      %swap3A_178 = vector.shape_cast %get3A_172 : vector<16xf32> to vector<1x16xf32>
      tpu.vector_store %arg11[%swap3A_174, %swap3A_175], %swap3A_178 {strides = array<i32>} : memref<3x512xf32, #tpu.memory_space<vmem>>, vector<1x16xf32>,
      %get3A_179 = arith.index_cast %add3A_50 : i32 to index
      %get3A_180 = arith.constant 208 : index
      %get3A_181 = tpu.vector_load %arg10[%get3A_179, %get3A_180] {strides = array<i32>} : memref<128x512xf32, #tpu.memory_space<vmem>>, vector<1x16xf32>,
      %get3A_182 = vector.shape_cast %get3A_181 : vector<1x16xf32> to vector<16xf32>
      %swap3A_183 = arith.constant 2 : i32
      %swap3A_184 = arith.index_cast %swap3A_183 : i32 to index
      %swap3A_185 = arith.constant 208 : index
      %swap3A_186 = tpu.vector_load %arg11[%swap3A_184, %swap3A_185] {strides = array<i32>} : memref<3x512xf32, #tpu.memory_space<vmem>>, vector<1x16xf32>,
      %swap3A_187 = vector.shape_cast %swap3A_186 : vector<1x16xf32> to vector<16xf32>
      %swap3A_188 = vector.shape_cast %get3A_182 : vector<16xf32> to vector<1x16xf32>
      tpu.vector_store %arg11[%swap3A_184, %swap3A_185], %swap3A_188 {strides = array<i32>} : memref<3x512xf32, #tpu.memory_space<vmem>>, vector<1x16xf32>,
      %get3A_189 = arith.index_cast %add3A_50 : i32 to index
      %get3A_190 = arith.constant 224 : index
      %get3A_191 = tpu.vector_load %arg10[%get3A_189, %get3A_190] {strides = array<i32>} : memref<128x512xf32, #tpu.memory_space<vmem>>, vector<1x16xf32>,
      %get3A_192 = vector.shape_cast %get3A_191 : vector<1x16xf32> to vector<16xf32>
      %swap3A_193 = arith.constant 2 : i32
      %swap3A_194 = arith.index_cast %swap3A_193 : i32 to index
      %swap3A_195 = arith.constant 224 : index
      %swap3A_196 = tpu.vector_load %arg11[%swap3A_194, %swap3A_195] {strides = array<i32>} : memref<3x512xf32, #tpu.memory_space<vmem>>, vector<1x16xf32>,
      %swap3A_197 = vector.shape_cast %swap3A_196 : vector<1x16xf32> to vector<16xf32>
      %swap3A_198 = vector.shape_cast %get3A_192 : vector<16xf32> to vector<1x16xf32>
      tpu.vector_store %arg11[%swap3A_194, %swap3A_195], %swap3A_198 {strides = array<i32>} : memref<3x512xf32, #tpu.memory_space<vmem>>, vector<1x16xf32>,
      %get3A_199 = arith.index_cast %add3A_50 : i32 to index
      %get3A_200 = arith.constant 240 : index
      %get3A_201 = tpu.vector_load %arg10[%get3A_199, %get3A_200] {strides = array<i32>} : memref<128x512xf32, #tpu.memory_space<vmem>>, vector<1x16xf32>,
      %get3A_202 = vector.shape_cast %get3A_201 : vector<1x16xf32> to vector<16xf32>
      %swap3A_203 = arith.constant 2 : i32
      %swap3A_204 = arith.index_cast %swap3A_203 : i32 to index
      %swap3A_205 = arith.constant 240 : index
      %swap3A_206 = tpu.vector_load %arg11[%swap3A_204, %swap3A_205] {strides = array<i32>} : memref<3x512xf32, #tpu.memory_space<vmem>>, vector<1x16xf32>,
      %swap3A_207 = vector.shape_cast %swap3A_206 : vector<1x16xf32> to vector<16xf32>
      %swap3A_208 = vector.shape_cast %get3A_202 : vector<16xf32> to vector<1x16xf32>
      tpu.vector_store %arg11[%swap3A_204, %swap3A_205], %swap3A_208 {strides = array<i32>} : memref<3x512xf32, #tpu.memory_space<vmem>>, vector<1x16xf32>,
      %get3A_209 = arith.index_cast %add3A_50 : i32 to index
      %get3A_210 = arith.constant 256 : index
      %get3A_211 = tpu.vector_load %arg10[%get3A_209, %get3A_210] {strides = array<i32>} : memref<128x512xf32, #tpu.memory_space<vmem>>, vector<1x16xf32>,
      %get3A_212 = vector.shape_cast %get3A_211 : vector<1x16xf32> to vector<16xf32>
      %swap3A_213 = arith.constant 2 : i32
      %swap3A_214 = arith.index_cast %swap3A_213 : i32 to index
      %swap3A_215 = arith.constant 256 : index
      %swap3A_216 = tpu.vector_load %arg11[%swap3A_214, %swap3A_215] {strides = array<i32>} : memref<3x512xf32, #tpu.memory_space<vmem>>, vector<1x16xf32>,
      %swap3A_217 = vector.shape_cast %swap3A_216 : vector<1x16xf32> to vector<16xf32>
      %swap3A_218 = vector.shape_cast %get3A_212 : vector<16xf32> to vector<1x16xf32>
      tpu.vector_store %arg11[%swap3A_214, %swap3A_215], %swap3A_218 {strides = array<i32>} : memref<3x512xf32, #tpu.memory_space<vmem>>, vector<1x16xf32>,
      %get3A_219 = arith.index_cast %add3A_50 : i32 to index
      %get3A_220 = arith.constant 272 : index
      %get3A_221 = tpu.vector_load %arg10[%get3A_219, %get3A_220] {strides = array<i32>} : memref<128x512xf32, #tpu.memory_space<vmem>>, vector<1x16xf32>,
      %get3A_222 = vector.shape_cast %get3A_221 : vector<1x16xf32> to vector<16xf32>
      %swap3A_223 = arith.constant 2 : i32
      %swap3A_224 = arith.index_cast %swap3A_223 : i32 to index
      %swap3A_225 = arith.constant 272 : index
      %swap3A_226 = tpu.vector_load %arg11[%swap3A_224, %swap3A_225] {strides = array<i32>} : memref<3x512xf32, #tpu.memory_space<vmem>>, vector<1x16xf32>,
      %swap3A_227 = vector.shape_cast %swap3A_226 : vector<1x16xf32> to vector<16xf32>
      %swap3A_228 = vector.shape_cast %get3A_222 : vector<16xf32> to vector<1x16xf32>
      tpu.vector_store %arg11[%swap3A_224, %swap3A_225], %swap3A_228 {strides = array<i32>} : memref<3x512xf32, #tpu.memory_space<vmem>>, vector<1x16xf32>,
      %get3A_229 = arith.index_cast %add3A_50 : i32 to index
      %get3A_230 = arith.constant 288 : index
      %get3A_231 = tpu.vector_load %arg10[%get3A_229, %get3A_230] {strides = array<i32>} : memref<128x512xf32, #tpu.memory_space<vmem>>, vector<1x16xf32>,
      %get3A_232 = vector.shape_cast %get3A_231 : vector<1x16xf32> to vector<16xf32>
      %swap3A_233 = arith.constant 2 : i32
      %swap3A_234 = arith.index_cast %swap3A_233 : i32 to index
      %swap3A_235 = arith.constant 288 : index
      %swap3A_236 = tpu.vector_load %arg11[%swap3A_234, %swap3A_235] {strides = array<i32>} : memref<3x512xf32, #tpu.memory_space<vmem>>, vector<1x16xf32>,
      %swap3A_237 = vector.shape_cast %swap3A_236 : vector<1x16xf32> to vector<16xf32>
      %swap3A_238 = vector.shape_cast %get3A_232 : vector<16xf32> to vector<1x16xf32>
      tpu.vector_store %arg11[%swap3A_234, %swap3A_235], %swap3A_238 {strides = array<i32>} : memref<3x512xf32, #tpu.memory_space<vmem>>, vector<1x16xf32>,
      %get3A_239 = arith.index_cast %add3A_50 : i32 to index
      %get3A_240 = arith.constant 304 : index
      %get3A_241 = tpu.vector_load %arg10[%get3A_239, %get3A_240] {strides = array<i32>} : memref<128x512xf32, #tpu.memory_space<vmem>>, vector<1x16xf32>,
      %get3A_242 = vector.shape_cast %get3A_241 : vector<1x16xf32> to vector<16xf32>
      %swap3A_243 = arith.constant 2 : i32
      %swap3A_244 = arith.index_cast %swap3A_243 : i32 to index
      %swap3A_245 = arith.constant 304 : index
      %swap3A_246 = tpu.vector_load %arg11[%swap3A_244, %swap3A_245] {strides = array<i32>} : memref<3x512xf32, #tpu.memory_space<vmem>>, vector<1x16xf32>,
      %swap3A_247 = vector.shape_cast %swap3A_246 : vector<1x16xf32> to vector<16xf32>
      %swap3A_248 = vector.shape_cast %get3A_242 : vector<16xf32> to vector<1x16xf32>
      tpu.vector_store %arg11[%swap3A_244, %swap3A_245], %swap3A_248 {strides = array<i32>} : memref<3x512xf32, #tpu.memory_space<vmem>>, vector<1x16xf32>,
      %get3A_249 = arith.index_cast %add3A_50 : i32 to index
      %get3A_250 = arith.constant 320 : index
      %get3A_251 = tpu.vector_load %arg10[%get3A_249, %get3A_250] {strides = array<i32>} : memref<128x512xf32, #tpu.memory_space<vmem>>, vector<1x16xf32>,
      %get3A_252 = vector.shape_cast %get3A_251 : vector<1x16xf32> to vector<16xf32>
      %swap3A_253 = arith.constant 2 : i32
      %swap3A_254 = arith.index_cast %swap3A_253 : i32 to index
      %swap3A_255 = arith.constant 320 : index
      %swap3A_256 = tpu.vector_load %arg11[%swap3A_254, %swap3A_255] {strides = array<i32>} : memref<3x512xf32, #tpu.memory_space<vmem>>, vector<1x16xf32>,
      %swap3A_257 = vector.shape_cast %swap3A_256 : vector<1x16xf32> to vector<16xf32>
      %swap3A_258 = vector.shape_cast %get3A_252 : vector<16xf32> to vector<1x16xf32>
      tpu.vector_store %arg11[%swap3A_254, %swap3A_255], %swap3A_258 {strides = array<i32>} : memref<3x512xf32, #tpu.memory_space<vmem>>, vector<1x16xf32>,
      %get3A_259 = arith.index_cast %add3A_50 : i32 to index
      %get3A_260 = arith.constant 336 : index
      %get3A_261 = tpu.vector_load %arg10[%get3A_259, %get3A_260] {strides = array<i32>} : memref<128x512xf32, #tpu.memory_space<vmem>>, vector<1x16xf32>,
      %get3A_262 = vector.shape_cast %get3A_261 : vector<1x16xf32> to vector<16xf32>
      %swap3A_263 = arith.constant 2 : i32
      %swap3A_264 = arith.index_cast %swap3A_263 : i32 to index
      %swap3A_265 = arith.constant 336 : index
      %swap3A_266 = tpu.vector_load %arg11[%swap3A_264, %swap3A_265] {strides = array<i32>} : memref<3x512xf32, #tpu.memory_space<vmem>>, vector<1x16xf32>,
      %swap3A_267 = vector.shape_cast %swap3A_266 : vector<1x16xf32> to vector<16xf32>
      %swap3A_268 = vector.shape_cast %get3A_262 : vector<16xf32> to vector<1x16xf32>
      tpu.vector_store %arg11[%swap3A_264, %swap3A_265], %swap3A_268 {strides = array<i32>} : memref<3x512xf32, #tpu.memory_space<vmem>>, vector<1x16xf32>,
      %get3A_269 = arith.index_cast %add3A_50 : i32 to index
      %get3A_270 = arith.constant 352 : index
      %get3A_271 = tpu.vector_load %arg10[%get3A_269, %get3A_270] {strides = array<i32>} : memref<128x512xf32, #tpu.memory_space<vmem>>, vector<1x16xf32>,
      %get3A_272 = vector.shape_cast %get3A_271 : vector<1x16xf32> to vector<16xf32>
      %swap3A_273 = arith.constant 2 : i32
      %swap3A_274 = arith.index_cast %swap3A_273 : i32 to index
      %swap3A_275 = arith.constant 352 : index
      %swap3A_276 = tpu.vector_load %arg11[%swap3A_274, %swap3A_275] {strides = array<i32>} : memref<3x512xf32, #tpu.memory_space<vmem>>, vector<1x16xf32>,
      %swap3A_277 = vector.shape_cast %swap3A_276 : vector<1x16xf32> to vector<16xf32>
      %swap3A_278 = vector.shape_cast %get3A_272 : vector<16xf32> to vector<1x16xf32>
      tpu.vector_store %arg11[%swap3A_274, %swap3A_275], %swap3A_278 {strides = array<i32>} : memref<3x512xf32, #tpu.memory_space<vmem>>, vector<1x16xf32>,
      %get3A_279 = arith.index_cast %add3A_50 : i32 to index
      %get3A_280 = arith.constant 368 : index
      %get3A_281 = tpu.vector_load %arg10[%get3A_279, %get3A_280] {strides = array<i32>} : memref<128x512xf32, #tpu.memory_space<vmem>>, vector<1x16xf32>,
      %get3A_282 = vector.shape_cast %get3A_281 : vector<1x16xf32> to vector<16xf32>
      %swap3A_283 = arith.constant 2 : i32
      %swap3A_284 = arith.index_cast %swap3A_283 : i32 to index
      %swap3A_285 = arith.constant 368 : index
      %swap3A_286 = tpu.vector_load %arg11[%swap3A_284, %swap3A_285] {strides = array<i32>} : memref<3x512xf32, #tpu.memory_space<vmem>>, vector<1x16xf32>,
      %swap3A_287 = vector.shape_cast %swap3A_286 : vector<1x16xf32> to vector<16xf32>
      %swap3A_288 = vector.shape_cast %get3A_282 : vector<16xf32> to vector<1x16xf32>
      tpu.vector_store %arg11[%swap3A_284, %swap3A_285], %swap3A_288 {strides = array<i32>} : memref<3x512xf32, #tpu.memory_space<vmem>>, vector<1x16xf32>,
      %get3A_289 = arith.index_cast %add3A_50 : i32 to index
      %get3A_290 = arith.constant 384 : index
      %get3A_291 = tpu.vector_load %arg10[%get3A_289, %get3A_290] {strides = array<i32>} : memref<128x512xf32, #tpu.memory_space<vmem>>, vector<1x16xf32>,
      %get3A_292 = vector.shape_cast %get3A_291 : vector<1x16xf32> to vector<16xf32>
      %swap3A_293 = arith.constant 2 : i32
      %swap3A_294 = arith.index_cast %swap3A_293 : i32 to index
      %swap3A_295 = arith.constant 384 : index
      %swap3A_296 = tpu.vector_load %arg11[%swap3A_294, %swap3A_295] {strides = array<i32>} : memref<3x512xf32, #tpu.memory_space<vmem>>, vector<1x16xf32>,
      %swap3A_297 = vector.shape_cast %swap3A_296 : vector<1x16xf32> to vector<16xf32>
      %swap3A_298 = vector.shape_cast %get3A_292 : vector<16xf32> to vector<1x16xf32>
      tpu.vector_store %arg11[%swap3A_294, %swap3A_295], %swap3A_298 {strides = array<i32>} : memref<3x512xf32, #tpu.memory_space<vmem>>, vector<1x16xf32>,
      %get3A_299 = arith.index_cast %add3A_50 : i32 to index
      %get3A_300 = arith.constant 400 : index
      %get3A_301 = tpu.vector_load %arg10[%get3A_299, %get3A_300] {strides = array<i32>} : memref<128x512xf32, #tpu.memory_space<vmem>>, vector<1x16xf32>,
      %get3A_302 = vector.shape_cast %get3A_301 : vector<1x16xf32> to vector<16xf32>
      %swap3A_303 = arith.constant 2 : i32
      %swap3A_304 = arith.index_cast %swap3A_303 : i32 to index
      %swap3A_305 = arith.constant 400 : index
      %swap3A_306 = tpu.vector_load %arg11[%swap3A_304, %swap3A_305] {strides = array<i32>} : memref<3x512xf32, #tpu.memory_space<vmem>>, vector<1x16xf32>,
      %swap3A_307 = vector.shape_cast %swap3A_306 : vector<1x16xf32> to vector<16xf32>
      %swap3A_308 = vector.shape_cast %get3A_302 : vector<16xf32> to vector<1x16xf32>
      tpu.vector_store %arg11[%swap3A_304, %swap3A_305], %swap3A_308 {strides = array<i32>} : memref<3x512xf32, #tpu.memory_space<vmem>>, vector<1x16xf32>,
      %get3A_309 = arith.index_cast %add3A_50 : i32 to index
      %get3A_310 = arith.constant 416 : index
      %get3A_311 = tpu.vector_load %arg10[%get3A_309, %get3A_310] {strides = array<i32>} : memref<128x512xf32, #tpu.memory_space<vmem>>, vector<1x16xf32>,
      %get3A_312 = vector.shape_cast %get3A_311 : vector<1x16xf32> to vector<16xf32>
      %swap3A_313 = arith.constant 2 : i32
      %swap3A_314 = arith.index_cast %swap3A_313 : i32 to index
      %swap3A_315 = arith.constant 416 : index
      %swap3A_316 = tpu.vector_load %arg11[%swap3A_314, %swap3A_315] {strides = array<i32>} : memref<3x512xf32, #tpu.memory_space<vmem>>, vector<1x16xf32>,
      %swap3A_317 = vector.shape_cast %swap3A_316 : vector<1x16xf32> to vector<16xf32>
      %swap3A_318 = vector.shape_cast %get3A_312 : vector<16xf32> to vector<1x16xf32>
      tpu.vector_store %arg11[%swap3A_314, %swap3A_315], %swap3A_318 {strides = array<i32>} : memref<3x512xf32, #tpu.memory_space<vmem>>, vector<1x16xf32>,
      %get3A_319 = arith.index_cast %add3A_50 : i32 to index
      %get3A_320 = arith.constant 432 : index
      %get3A_321 = tpu.vector_load %arg10[%get3A_319, %get3A_320] {strides = array<i32>} : memref<128x512xf32, #tpu.memory_space<vmem>>, vector<1x16xf32>,
      %get3A_322 = vector.shape_cast %get3A_321 : vector<1x16xf32> to vector<16xf32>
      %swap3A_323 = arith.constant 2 : i32
      %swap3A_324 = arith.index_cast %swap3A_323 : i32 to index
      %swap3A_325 = arith.constant 432 : index
      %swap3A_326 = tpu.vector_load %arg11[%swap3A_324, %swap3A_325] {strides = array<i32>} : memref<3x512xf32, #tpu.memory_space<vmem>>, vector<1x16xf32>,
      %swap3A_327 = vector.shape_cast %swap3A_326 : vector<1x16xf32> to vector<16xf32>
      %swap3A_328 = vector.shape_cast %get3A_322 : vector<16xf32> to vector<1x16xf32>
      tpu.vector_store %arg11[%swap3A_324, %swap3A_325], %swap3A_328 {strides = array<i32>} : memref<3x512xf32, #tpu.memory_space<vmem>>, vector<1x16xf32>,
      %get3A_329 = arith.index_cast %add3A_50 : i32 to index
      %get3A_330 = arith.constant 448 : index
      %get3A_331 = tpu.vector_load %arg10[%get3A_329, %get3A_330] {strides = array<i32>} : memref<128x512xf32, #tpu.memory_space<vmem>>, vector<1x16xf32>,
      %get3A_332 = vector.shape_cast %get3A_331 : vector<1x16xf32> to vector<16xf32>
      %swap3A_333 = arith.constant 2 : i32
      %swap3A_334 = arith.index_cast %swap3A_333 : i32 to index
      %swap3A_335 = arith.constant 448 : index
      %swap3A_336 = tpu.vector_load %arg11[%swap3A_334, %swap3A_335] {strides = array<i32>} : memref<3x512xf32, #tpu.memory_space<vmem>>, vector<1x16xf32>,
      %swap3A_337 = vector.shape_cast %swap3A_336 : vector<1x16xf32> to vector<16xf32>
      %swap3A_338 = vector.shape_cast %get3A_332 : vector<16xf32> to vector<1x16xf32>
      tpu.vector_store %arg11[%swap3A_334, %swap3A_335], %swap3A_338 {strides = array<i32>} : memref<3x512xf32, #tpu.memory_space<vmem>>, vector<1x16xf32>,
      %get3A_339 = arith.index_cast %add3A_50 : i32 to index
      %get3A_340 = arith.constant 464 : index
      %get3A_341 = tpu.vector_load %arg10[%get3A_339, %get3A_340] {strides = array<i32>} : memref<128x512xf32, #tpu.memory_space<vmem>>, vector<1x16xf32>,
      %get3A_342 = vector.shape_cast %get3A_341 : vector<1x16xf32> to vector<16xf32>
      %swap3A_343 = arith.constant 2 : i32
      %swap3A_344 = arith.index_cast %swap3A_343 : i32 to index
      %swap3A_345 = arith.constant 464 : index
      %swap3A_346 = tpu.vector_load %arg11[%swap3A_344, %swap3A_345] {strides = array<i32>} : memref<3x512xf32, #tpu.memory_space<vmem>>, vector<1x16xf32>,
      %swap3A_347 = vector.shape_cast %swap3A_346 : vector<1x16xf32> to vector<16xf32>
      %swap3A_348 = vector.shape_cast %get3A_342 : vector<16xf32> to vector<1x16xf32>
      tpu.vector_store %arg11[%swap3A_344, %swap3A_345], %swap3A_348 {strides = array<i32>} : memref<3x512xf32, #tpu.memory_space<vmem>>, vector<1x16xf32>,
      %get3A_349 = arith.index_cast %add3A_50 : i32 to index
      %get3A_350 = arith.constant 480 : index
      %get3A_351 = tpu.vector_load %arg10[%get3A_349, %get3A_350] {strides = array<i32>} : memref<128x512xf32, #tpu.memory_space<vmem>>, vector<1x16xf32>,
      %get3A_352 = vector.shape_cast %get3A_351 : vector<1x16xf32> to vector<16xf32>
      %swap3A_353 = arith.constant 2 : i32
      %swap3A_354 = arith.index_cast %swap3A_353 : i32 to index
      %swap3A_355 = arith.constant 480 : index
      %swap3A_356 = tpu.vector_load %arg11[%swap3A_354, %swap3A_355] {strides = array<i32>} : memref<3x512xf32, #tpu.memory_space<vmem>>, vector<1x16xf32>,
      %swap3A_357 = vector.shape_cast %swap3A_356 : vector<1x16xf32> to vector<16xf32>
      %swap3A_358 = vector.shape_cast %get3A_352 : vector<16xf32> to vector<1x16xf32>
      tpu.vector_store %arg11[%swap3A_354, %swap3A_355], %swap3A_358 {strides = array<i32>} : memref<3x512xf32, #tpu.memory_space<vmem>>, vector<1x16xf32>,
      %get3A_359 = arith.index_cast %add3A_50 : i32 to index
      %get3A_360 = arith.constant 496 : index
      %get3A_361 = tpu.vector_load %arg10[%get3A_359, %get3A_360] {strides = array<i32>} : memref<128x512xf32, #tpu.memory_space<vmem>>, vector<1x16xf32>,
      %get3A_362 = vector.shape_cast %get3A_361 : vector<1x16xf32> to vector<16xf32>
      %swap3A_363 = arith.constant 2 : i32
      %swap3A_364 = arith.index_cast %swap3A_363 : i32 to index
      %swap3A_365 = arith.constant 496 : index
      %swap3A_366 = tpu.vector_load %arg11[%swap3A_364, %swap3A_365] {strides = array<i32>} : memref<3x512xf32, #tpu.memory_space<vmem>>, vector<1x16xf32>,
      %swap3A_367 = vector.shape_cast %swap3A_366 : vector<1x16xf32> to vector<16xf32>
      %swap3A_368 = vector.shape_cast %get3A_362 : vector<16xf32> to vector<1x16xf32>
      tpu.vector_store %arg11[%swap3A_364, %swap3A_365], %swap3A_368 {strides = array<i32>} : memref<3x512xf32, #tpu.memory_space<vmem>>, vector<1x16xf32>,
    } else {
    }
    %add3A_21 = arith.constant 0 : i32
    %add3A_22 = arith.addi %add3A, %add3A_21 : i32
    %lt3A_23 = arith.constant 73 : i32
    %lt3A_24 = arith.cmpi slt, %add3A_22, %lt3A_23 : i32
    %convert_element_type3A_25 = arith.extui %lt3A_24 : i1 to i32
    %cond3A_26 = arith.constant 0 : i32
    %cond3A_27 = arith.cmpi ne, %convert_element_type3A_25, %cond3A_26 : i32
    scf.if %cond3A_27 {
      %lt3A_47 = arith.constant 5 : i32
      %lt3A_48 = arith.cmpi slt, %add3A_22, %lt3A_47 : i32
      %jit3A = arith.constant 0 : i32
      %jit3A_49 = arith.constant 4 : i32
      %select_n3A = arith.select %lt3A_48, %jit3A, %jit3A_49 : i32
      %add3A_50 = arith.addi %add3A_22, %select_n3A : i32
      %scan3A_51 = arith.constant 0 : i32
      %scan3A_52 = arith.constant 0 : i32
      %scan3A_53 = arith.constant 128 : i32
      %scan3A_54 = arith.addi %scan3A_52, %scan3A_53 : i32
      %scan3A_55 = arith.constant 1 : i32
      scf.for %scan3A_63 = %scan3A_52 to %scan3A_54 step %scan3A_55  : i32 {
        %get3A = arith.constant 0 : i32
        %get3A_64 = arith.index_cast %get3A : i32 to index
        %get3A_65 = arith.constant 0 : index
        %get3A_66 = tpu.vector_load %arg11[%get3A_64, %get3A_65] {strides = array<i32>} : memref<3x512xf32, #tpu.memory_space<vmem>>, vector<1x16xf32>,
        %get3A_67 = vector.shape_cast %get3A_66 : vector<1x16xf32> to vector<16xf32>
        %swap3A = arith.index_cast %scan3A_63 : i32 to index
        %swap3A_68 = arith.constant 0 : index
        %swap3A_69 = tpu.vector_load %arg10[%swap3A, %swap3A_68] {strides = array<i32>} : memref<128x512xf32, #tpu.memory_space<vmem>>, vector<1x16xf32>,
        %swap3A_70 = vector.shape_cast %swap3A_69 : vector<1x16xf32> to vector<16xf32>
        %swap3A_71 = vector.shape_cast %get3A_67 : vector<16xf32> to vector<1x16xf32>
        tpu.vector_store %arg10[%swap3A, %swap3A_68], %swap3A_71 {strides = array<i32>} : memref<128x512xf32, #tpu.memory_space<vmem>>, vector<1x16xf32>,
        %get3A_72 = arith.constant 0 : i32
        %get3A_73 = arith.index_cast %get3A_72 : i32 to index
        %get3A_74 = arith.constant 16 : index
        %get3A_75 = tpu.vector_load %arg11[%get3A_73, %get3A_74] {strides = array<i32>} : memref<3x512xf32, #tpu.memory_space<vmem>>, vector<1x16xf32>,
        %get3A_76 = vector.shape_cast %get3A_75 : vector<1x16xf32> to vector<16xf32>
        %swap3A_77 = arith.index_cast %scan3A_63 : i32 to index
        %swap3A_78 = arith.constant 16 : index
        %swap3A_79 = tpu.vector_load %arg10[%swap3A_77, %swap3A_78] {strides = array<i32>} : memref<128x512xf32, #tpu.memory_space<vmem>>, vector<1x16xf32>,
        %swap3A_80 = vector.shape_cast %swap3A_79 : vector<1x16xf32> to vector<16xf32>
        %swap3A_81 = vector.shape_cast %get3A_76 : vector<16xf32> to vector<1x16xf32>
        tpu.vector_store %arg10[%swap3A_77, %swap3A_78], %swap3A_81 {strides = array<i32>} : memref<128x512xf32, #tpu.memory_space<vmem>>, vector<1x16xf32>,
        %get3A_82 = arith.constant 0 : i32
        %get3A_83 = arith.index_cast %get3A_82 : i32 to index
        %get3A_84 = arith.constant 32 : index
        %get3A_85 = tpu.vector_load %arg11[%get3A_83, %get3A_84] {strides = array<i32>} : memref<3x512xf32, #tpu.memory_space<vmem>>, vector<1x16xf32>,
        %get3A_86 = vector.shape_cast %get3A_85 : vector<1x16xf32> to vector<16xf32>
        %swap3A_87 = arith.index_cast %scan3A_63 : i32 to index
        %swap3A_88 = arith.constant 32 : index
        %swap3A_89 = tpu.vector_load %arg10[%swap3A_87, %swap3A_88] {strides = array<i32>} : memref<128x512xf32, #tpu.memory_space<vmem>>, vector<1x16xf32>,
        %swap3A_90 = vector.shape_cast %swap3A_89 : vector<1x16xf32> to vector<16xf32>
        %swap3A_91 = vector.shape_cast %get3A_86 : vector<16xf32> to vector<1x16xf32>
        tpu.vector_store %arg10[%swap3A_87, %swap3A_88], %swap3A_91 {strides = array<i32>} : memref<128x512xf32, #tpu.memory_space<vmem>>, vector<1x16xf32>,
        %get3A_92 = arith.constant 0 : i32
        %get3A_93 = arith.index_cast %get3A_92 : i32 to index
        %get3A_94 = arith.constant 48 : index
        %get3A_95 = tpu.vector_load %arg11[%get3A_93, %get3A_94] {strides = array<i32>} : memref<3x512xf32, #tpu.memory_space<vmem>>, vector<1x16xf32>,
        %get3A_96 = vector.shape_cast %get3A_95 : vector<1x16xf32> to vector<16xf32>
        %swap3A_97 = arith.index_cast %scan3A_63 : i32 to index
        %swap3A_98 = arith.constant 48 : index
        %swap3A_99 = tpu.vector_load %arg10[%swap3A_97, %swap3A_98] {strides = array<i32>} : memref<128x512xf32, #tpu.memory_space<vmem>>, vector<1x16xf32>,
        %swap3A_100 = vector.shape_cast %swap3A_99 : vector<1x16xf32> to vector<16xf32>
        %swap3A_101 = vector.shape_cast %get3A_96 : vector<16xf32> to vector<1x16xf32>
        tpu.vector_store %arg10[%swap3A_97, %swap3A_98], %swap3A_101 {strides = array<i32>} : memref<128x512xf32, #tpu.memory_space<vmem>>, vector<1x16xf32>,
        %get3A_102 = arith.constant 0 : i32
        %get3A_103 = arith.index_cast %get3A_102 : i32 to index
        %get3A_104 = arith.constant 64 : index
        %get3A_105 = tpu.vector_load %arg11[%get3A_103, %get3A_104] {strides = array<i32>} : memref<3x512xf32, #tpu.memory_space<vmem>>, vector<1x16xf32>,
        %get3A_106 = vector.shape_cast %get3A_105 : vector<1x16xf32> to vector<16xf32>
        %swap3A_107 = arith.index_cast %scan3A_63 : i32 to index
        %swap3A_108 = arith.constant 64 : index
        %swap3A_109 = tpu.vector_load %arg10[%swap3A_107, %swap3A_108] {strides = array<i32>} : memref<128x512xf32, #tpu.memory_space<vmem>>, vector<1x16xf32>,
        %swap3A_110 = vector.shape_cast %swap3A_109 : vector<1x16xf32> to vector<16xf32>
        %swap3A_111 = vector.shape_cast %get3A_106 : vector<16xf32> to vector<1x16xf32>
        tpu.vector_store %arg10[%swap3A_107, %swap3A_108], %swap3A_111 {strides = array<i32>} : memref<128x512xf32, #tpu.memory_space<vmem>>, vector<1x16xf32>,
        %get3A_112 = arith.constant 0 : i32
        %get3A_113 = arith.index_cast %get3A_112 : i32 to index
        %get3A_114 = arith.constant 80 : index
        %get3A_115 = tpu.vector_load %arg11[%get3A_113, %get3A_114] {strides = array<i32>} : memref<3x512xf32, #tpu.memory_space<vmem>>, vector<1x16xf32>,
        %get3A_116 = vector.shape_cast %get3A_115 : vector<1x16xf32> to vector<16xf32>
        %swap3A_117 = arith.index_cast %scan3A_63 : i32 to index
        %swap3A_118 = arith.constant 80 : index
        %swap3A_119 = tpu.vector_load %arg10[%swap3A_117, %swap3A_118] {strides = array<i32>} : memref<128x512xf32, #tpu.memory_space<vmem>>, vector<1x16xf32>,
        %swap3A_120 = vector.shape_cast %swap3A_119 : vector<1x16xf32> to vector<16xf32>
        %swap3A_121 = vector.shape_cast %get3A_116 : vector<16xf32> to vector<1x16xf32>
        tpu.vector_store %arg10[%swap3A_117, %swap3A_118], %swap3A_121 {strides = array<i32>} : memref<128x512xf32, #tpu.memory_space<vmem>>, vector<1x16xf32>,
        %get3A_122 = arith.constant 0 : i32
        %get3A_123 = arith.index_cast %get3A_122 : i32 to index
        %get3A_124 = arith.constant 96 : index
        %get3A_125 = tpu.vector_load %arg11[%get3A_123, %get3A_124] {strides = array<i32>} : memref<3x512xf32, #tpu.memory_space<vmem>>, vector<1x16xf32>,
        %get3A_126 = vector.shape_cast %get3A_125 : vector<1x16xf32> to vector<16xf32>
        %swap3A_127 = arith.index_cast %scan3A_63 : i32 to index
        %swap3A_128 = arith.constant 96 : index
        %swap3A_129 = tpu.vector_load %arg10[%swap3A_127, %swap3A_128] {strides = array<i32>} : memref<128x512xf32, #tpu.memory_space<vmem>>, vector<1x16xf32>,
        %swap3A_130 = vector.shape_cast %swap3A_129 : vector<1x16xf32> to vector<16xf32>
        %swap3A_131 = vector.shape_cast %get3A_126 : vector<16xf32> to vector<1x16xf32>
        tpu.vector_store %arg10[%swap3A_127, %swap3A_128], %swap3A_131 {strides = array<i32>} : memref<128x512xf32, #tpu.memory_space<vmem>>, vector<1x16xf32>,
        %get3A_132 = arith.constant 0 : i32
        %get3A_133 = arith.index_cast %get3A_132 : i32 to index
        %get3A_134 = arith.constant 112 : index
        %get3A_135 = tpu.vector_load %arg11[%get3A_133, %get3A_134] {strides = array<i32>} : memref<3x512xf32, #tpu.memory_space<vmem>>, vector<1x16xf32>,
        %get3A_136 = vector.shape_cast %get3A_135 : vector<1x16xf32> to vector<16xf32>
        %swap3A_137 = arith.index_cast %scan3A_63 : i32 to index
        %swap3A_138 = arith.constant 112 : index
        %swap3A_139 = tpu.vector_load %arg10[%swap3A_137, %swap3A_138] {strides = array<i32>} : memref<128x512xf32, #tpu.memory_space<vmem>>, vector<1x16xf32>,
        %swap3A_140 = vector.shape_cast %swap3A_139 : vector<1x16xf32> to vector<16xf32>
        %swap3A_141 = vector.shape_cast %get3A_136 : vector<16xf32> to vector<1x16xf32>
        tpu.vector_store %arg10[%swap3A_137, %swap3A_138], %swap3A_141 {strides = array<i32>} : memref<128x512xf32, #tpu.memory_space<vmem>>, vector<1x16xf32>,
        %get3A_142 = arith.constant 0 : i32
        %get3A_143 = arith.index_cast %get3A_142 : i32 to index
        %get3A_144 = arith.constant 128 : index
        %get3A_145 = tpu.vector_load %arg11[%get3A_143, %get3A_144] {strides = array<i32>} : memref<3x512xf32, #tpu.memory_space<vmem>>, vector<1x16xf32>,
        %get3A_146 = vector.shape_cast %get3A_145 : vector<1x16xf32> to vector<16xf32>
        %swap3A_147 = arith.index_cast %scan3A_63 : i32 to index
        %swap3A_148 = arith.constant 128 : index
        %swap3A_149 = tpu.vector_load %arg10[%swap3A_147, %swap3A_148] {strides = array<i32>} : memref<128x512xf32, #tpu.memory_space<vmem>>, vector<1x16xf32>,
        %swap3A_150 = vector.shape_cast %swap3A_149 : vector<1x16xf32> to vector<16xf32>
        %swap3A_151 = vector.shape_cast %get3A_146 : vector<16xf32> to vector<1x16xf32>
        tpu.vector_store %arg10[%swap3A_147, %swap3A_148], %swap3A_151 {strides = array<i32>} : memref<128x512xf32, #tpu.memory_space<vmem>>, vector<1x16xf32>,
        %get3A_152 = arith.constant 0 : i32
        %get3A_153 = arith.index_cast %get3A_152 : i32 to index
        %get3A_154 = arith.constant 144 : index
        %get3A_155 = tpu.vector_load %arg11[%get3A_153, %get3A_154] {strides = array<i32>} : memref<3x512xf32, #tpu.memory_space<vmem>>, vector<1x16xf32>,
        %get3A_156 = vector.shape_cast %get3A_155 : vector<1x16xf32> to vector<16xf32>
        %swap3A_157 = arith.index_cast %scan3A_63 : i32 to index
        %swap3A_158 = arith.constant 144 : index
        %swap3A_159 = tpu.vector_load %arg10[%swap3A_157, %swap3A_158] {strides = array<i32>} : memref<128x512xf32, #tpu.memory_space<vmem>>, vector<1x16xf32>,
        %swap3A_160 = vector.shape_cast %swap3A_159 : vector<1x16xf32> to vector<16xf32>
        %swap3A_161 = vector.shape_cast %get3A_156 : vector<16xf32> to vector<1x16xf32>
        tpu.vector_store %arg10[%swap3A_157, %swap3A_158], %swap3A_161 {strides = array<i32>} : memref<128x512xf32, #tpu.memory_space<vmem>>, vector<1x16xf32>,
        %get3A_162 = arith.constant 0 : i32
        %get3A_163 = arith.index_cast %get3A_162 : i32 to index
        %get3A_164 = arith.constant 160 : index
        %get3A_165 = tpu.vector_load %arg11[%get3A_163, %get3A_164] {strides = array<i32>} : memref<3x512xf32, #tpu.memory_space<vmem>>, vector<1x16xf32>,
        %get3A_166 = vector.shape_cast %get3A_165 : vector<1x16xf32> to vector<16xf32>
        %swap3A_167 = arith.index_cast %scan3A_63 : i32 to index
        %swap3A_168 = arith.constant 160 : index
        %swap3A_169 = tpu.vector_load %arg10[%swap3A_167, %swap3A_168] {strides = array<i32>} : memref<128x512xf32, #tpu.memory_space<vmem>>, vector<1x16xf32>,
        %swap3A_170 = vector.shape_cast %swap3A_169 : vector<1x16xf32> to vector<16xf32>
        %swap3A_171 = vector.shape_cast %get3A_166 : vector<16xf32> to vector<1x16xf32>
        tpu.vector_store %arg10[%swap3A_167, %swap3A_168], %swap3A_171 {strides = array<i32>} : memref<128x512xf32, #tpu.memory_space<vmem>>, vector<1x16xf32>,
        %get3A_172 = arith.constant 0 : i32
        %get3A_173 = arith.index_cast %get3A_172 : i32 to index
        %get3A_174 = arith.constant 176 : index
        %get3A_175 = tpu.vector_load %arg11[%get3A_173, %get3A_174] {strides = array<i32>} : memref<3x512xf32, #tpu.memory_space<vmem>>, vector<1x16xf32>,
        %get3A_176 = vector.shape_cast %get3A_175 : vector<1x16xf32> to vector<16xf32>
        %swap3A_177 = arith.index_cast %scan3A_63 : i32 to index
        %swap3A_178 = arith.constant 176 : index
        %swap3A_179 = tpu.vector_load %arg10[%swap3A_177, %swap3A_178] {strides = array<i32>} : memref<128x512xf32, #tpu.memory_space<vmem>>, vector<1x16xf32>,
        %swap3A_180 = vector.shape_cast %swap3A_179 : vector<1x16xf32> to vector<16xf32>
        %swap3A_181 = vector.shape_cast %get3A_176 : vector<16xf32> to vector<1x16xf32>
        tpu.vector_store %arg10[%swap3A_177, %swap3A_178], %swap3A_181 {strides = array<i32>} : memref<128x512xf32, #tpu.memory_space<vmem>>, vector<1x16xf32>,
        %get3A_182 = arith.constant 0 : i32
        %get3A_183 = arith.index_cast %get3A_182 : i32 to index
        %get3A_184 = arith.constant 192 : index
        %get3A_185 = tpu.vector_load %arg11[%get3A_183, %get3A_184] {strides = array<i32>} : memref<3x512xf32, #tpu.memory_space<vmem>>, vector<1x16xf32>,
        %get3A_186 = vector.shape_cast %get3A_185 : vector<1x16xf32> to vector<16xf32>
        %swap3A_187 = arith.index_cast %scan3A_63 : i32 to index
        %swap3A_188 = arith.constant 192 : index
        %swap3A_189 = tpu.vector_load %arg10[%swap3A_187, %swap3A_188] {strides = array<i32>} : memref<128x512xf32, #tpu.memory_space<vmem>>, vector<1x16xf32>,
        %swap3A_190 = vector.shape_cast %swap3A_189 : vector<1x16xf32> to vector<16xf32>
        %swap3A_191 = vector.shape_cast %get3A_186 : vector<16xf32> to vector<1x16xf32>
        tpu.vector_store %arg10[%swap3A_187, %swap3A_188], %swap3A_191 {strides = array<i32>} : memref<128x512xf32, #tpu.memory_space<vmem>>, vector<1x16xf32>,
        %get3A_192 = arith.constant 0 : i32
        %get3A_193 = arith.index_cast %get3A_192 : i32 to index
        %get3A_194 = arith.constant 208 : index
        %get3A_195 = tpu.vector_load %arg11[%get3A_193, %get3A_194] {strides = array<i32>} : memref<3x512xf32, #tpu.memory_space<vmem>>, vector<1x16xf32>,
        %get3A_196 = vector.shape_cast %get3A_195 : vector<1x16xf32> to vector<16xf32>
        %swap3A_197 = arith.index_cast %scan3A_63 : i32 to index
        %swap3A_198 = arith.constant 208 : index
        %swap3A_199 = tpu.vector_load %arg10[%swap3A_197, %swap3A_198] {strides = array<i32>} : memref<128x512xf32, #tpu.memory_space<vmem>>, vector<1x16xf32>,
        %swap3A_200 = vector.shape_cast %swap3A_199 : vector<1x16xf32> to vector<16xf32>
        %swap3A_201 = vector.shape_cast %get3A_196 : vector<16xf32> to vector<1x16xf32>
        tpu.vector_store %arg10[%swap3A_197, %swap3A_198], %swap3A_201 {strides = array<i32>} : memref<128x512xf32, #tpu.memory_space<vmem>>, vector<1x16xf32>,
        %get3A_202 = arith.constant 0 : i32
        %get3A_203 = arith.index_cast %get3A_202 : i32 to index
        %get3A_204 = arith.constant 224 : index
        %get3A_205 = tpu.vector_load %arg11[%get3A_203, %get3A_204] {strides = array<i32>} : memref<3x512xf32, #tpu.memory_space<vmem>>, vector<1x16xf32>,
        %get3A_206 = vector.shape_cast %get3A_205 : vector<1x16xf32> to vector<16xf32>
        %swap3A_207 = arith.index_cast %scan3A_63 : i32 to index
        %swap3A_208 = arith.constant 224 : index
        %swap3A_209 = tpu.vector_load %arg10[%swap3A_207, %swap3A_208] {strides = array<i32>} : memref<128x512xf32, #tpu.memory_space<vmem>>, vector<1x16xf32>,
        %swap3A_210 = vector.shape_cast %swap3A_209 : vector<1x16xf32> to vector<16xf32>
        %swap3A_211 = vector.shape_cast %get3A_206 : vector<16xf32> to vector<1x16xf32>
        tpu.vector_store %arg10[%swap3A_207, %swap3A_208], %swap3A_211 {strides = array<i32>} : memref<128x512xf32, #tpu.memory_space<vmem>>, vector<1x16xf32>,
        %get3A_212 = arith.constant 0 : i32
        %get3A_213 = arith.index_cast %get3A_212 : i32 to index
        %get3A_214 = arith.constant 240 : index
        %get3A_215 = tpu.vector_load %arg11[%get3A_213, %get3A_214] {strides = array<i32>} : memref<3x512xf32, #tpu.memory_space<vmem>>, vector<1x16xf32>,
        %get3A_216 = vector.shape_cast %get3A_215 : vector<1x16xf32> to vector<16xf32>
        %swap3A_217 = arith.index_cast %scan3A_63 : i32 to index
        %swap3A_218 = arith.constant 240 : index
        %swap3A_219 = tpu.vector_load %arg10[%swap3A_217, %swap3A_218] {strides = array<i32>} : memref<128x512xf32, #tpu.memory_space<vmem>>, vector<1x16xf32>,
        %swap3A_220 = vector.shape_cast %swap3A_219 : vector<1x16xf32> to vector<16xf32>
        %swap3A_221 = vector.shape_cast %get3A_216 : vector<16xf32> to vector<1x16xf32>
        tpu.vector_store %arg10[%swap3A_217, %swap3A_218], %swap3A_221 {strides = array<i32>} : memref<128x512xf32, #tpu.memory_space<vmem>>, vector<1x16xf32>,
        %get3A_222 = arith.constant 0 : i32
        %get3A_223 = arith.index_cast %get3A_222 : i32 to index
        %get3A_224 = arith.constant 256 : index
        %get3A_225 = tpu.vector_load %arg11[%get3A_223, %get3A_224] {strides = array<i32>} : memref<3x512xf32, #tpu.memory_space<vmem>>, vector<1x16xf32>,
        %get3A_226 = vector.shape_cast %get3A_225 : vector<1x16xf32> to vector<16xf32>
        %swap3A_227 = arith.index_cast %scan3A_63 : i32 to index
        %swap3A_228 = arith.constant 256 : index
        %swap3A_229 = tpu.vector_load %arg10[%swap3A_227, %swap3A_228] {strides = array<i32>} : memref<128x512xf32, #tpu.memory_space<vmem>>, vector<1x16xf32>,
        %swap3A_230 = vector.shape_cast %swap3A_229 : vector<1x16xf32> to vector<16xf32>
        %swap3A_231 = vector.shape_cast %get3A_226 : vector<16xf32> to vector<1x16xf32>
        tpu.vector_store %arg10[%swap3A_227, %swap3A_228], %swap3A_231 {strides = array<i32>} : memref<128x512xf32, #tpu.memory_space<vmem>>, vector<1x16xf32>,
        %get3A_232 = arith.constant 0 : i32
        %get3A_233 = arith.index_cast %get3A_232 : i32 to index
        %get3A_234 = arith.constant 272 : index
        %get3A_235 = tpu.vector_load %arg11[%get3A_233, %get3A_234] {strides = array<i32>} : memref<3x512xf32, #tpu.memory_space<vmem>>, vector<1x16xf32>,
        %get3A_236 = vector.shape_cast %get3A_235 : vector<1x16xf32> to vector<16xf32>
        %swap3A_237 = arith.index_cast %scan3A_63 : i32 to index
        %swap3A_238 = arith.constant 272 : index
        %swap3A_239 = tpu.vector_load %arg10[%swap3A_237, %swap3A_238] {strides = array<i32>} : memref<128x512xf32, #tpu.memory_space<vmem>>, vector<1x16xf32>,
        %swap3A_240 = vector.shape_cast %swap3A_239 : vector<1x16xf32> to vector<16xf32>
        %swap3A_241 = vector.shape_cast %get3A_236 : vector<16xf32> to vector<1x16xf32>
        tpu.vector_store %arg10[%swap3A_237, %swap3A_238], %swap3A_241 {strides = array<i32>} : memref<128x512xf32, #tpu.memory_space<vmem>>, vector<1x16xf32>,
        %get3A_242 = arith.constant 0 : i32
        %get3A_243 = arith.index_cast %get3A_242 : i32 to index
        %get3A_244 = arith.constant 288 : index
        %get3A_245 = tpu.vector_load %arg11[%get3A_243, %get3A_244] {strides = array<i32>} : memref<3x512xf32, #tpu.memory_space<vmem>>, vector<1x16xf32>,
        %get3A_246 = vector.shape_cast %get3A_245 : vector<1x16xf32> to vector<16xf32>
        %swap3A_247 = arith.index_cast %scan3A_63 : i32 to index
        %swap3A_248 = arith.constant 288 : index
        %swap3A_249 = tpu.vector_load %arg10[%swap3A_247, %swap3A_248] {strides = array<i32>} : memref<128x512xf32, #tpu.memory_space<vmem>>, vector<1x16xf32>,
        %swap3A_250 = vector.shape_cast %swap3A_249 : vector<1x16xf32> to vector<16xf32>
        %swap3A_251 = vector.shape_cast %get3A_246 : vector<16xf32> to vector<1x16xf32>
        tpu.vector_store %arg10[%swap3A_247, %swap3A_248], %swap3A_251 {strides = array<i32>} : memref<128x512xf32, #tpu.memory_space<vmem>>, vector<1x16xf32>,
        %get3A_252 = arith.constant 0 : i32
        %get3A_253 = arith.index_cast %get3A_252 : i32 to index
        %get3A_254 = arith.constant 304 : index
        %get3A_255 = tpu.vector_load %arg11[%get3A_253, %get3A_254] {strides = array<i32>} : memref<3x512xf32, #tpu.memory_space<vmem>>, vector<1x16xf32>,
        %get3A_256 = vector.shape_cast %get3A_255 : vector<1x16xf32> to vector<16xf32>
        %swap3A_257 = arith.index_cast %scan3A_63 : i32 to index
        %swap3A_258 = arith.constant 304 : index
        %swap3A_259 = tpu.vector_load %arg10[%swap3A_257, %swap3A_258] {strides = array<i32>} : memref<128x512xf32, #tpu.memory_space<vmem>>, vector<1x16xf32>,
        %swap3A_260 = vector.shape_cast %swap3A_259 : vector<1x16xf32> to vector<16xf32>
        %swap3A_261 = vector.shape_cast %get3A_256 : vector<16xf32> to vector<1x16xf32>
        tpu.vector_store %arg10[%swap3A_257, %swap3A_258], %swap3A_261 {strides = array<i32>} : memref<128x512xf32, #tpu.memory_space<vmem>>, vector<1x16xf32>,
        %get3A_262 = arith.constant 0 : i32
        %get3A_263 = arith.index_cast %get3A_262 : i32 to index
        %get3A_264 = arith.constant 320 : index
        %get3A_265 = tpu.vector_load %arg11[%get3A_263, %get3A_264] {strides = array<i32>} : memref<3x512xf32, #tpu.memory_space<vmem>>, vector<1x16xf32>,
        %get3A_266 = vector.shape_cast %get3A_265 : vector<1x16xf32> to vector<16xf32>
        %swap3A_267 = arith.index_cast %scan3A_63 : i32 to index
        %swap3A_268 = arith.constant 320 : index
        %swap3A_269 = tpu.vector_load %arg10[%swap3A_267, %swap3A_268] {strides = array<i32>} : memref<128x512xf32, #tpu.memory_space<vmem>>, vector<1x16xf32>,
        %swap3A_270 = vector.shape_cast %swap3A_269 : vector<1x16xf32> to vector<16xf32>
        %swap3A_271 = vector.shape_cast %get3A_266 : vector<16xf32> to vector<1x16xf32>
        tpu.vector_store %arg10[%swap3A_267, %swap3A_268], %swap3A_271 {strides = array<i32>} : memref<128x512xf32, #tpu.memory_space<vmem>>, vector<1x16xf32>,
        %get3A_272 = arith.constant 0 : i32
        %get3A_273 = arith.index_cast %get3A_272 : i32 to index
        %get3A_274 = arith.constant 336 : index
        %get3A_275 = tpu.vector_load %arg11[%get3A_273, %get3A_274] {strides = array<i32>} : memref<3x512xf32, #tpu.memory_space<vmem>>, vector<1x16xf32>,
        %get3A_276 = vector.shape_cast %get3A_275 : vector<1x16xf32> to vector<16xf32>
        %swap3A_277 = arith.index_cast %scan3A_63 : i32 to index
        %swap3A_278 = arith.constant 336 : index
        %swap3A_279 = tpu.vector_load %arg10[%swap3A_277, %swap3A_278] {strides = array<i32>} : memref<128x512xf32, #tpu.memory_space<vmem>>, vector<1x16xf32>,
        %swap3A_280 = vector.shape_cast %swap3A_279 : vector<1x16xf32> to vector<16xf32>
        %swap3A_281 = vector.shape_cast %get3A_276 : vector<16xf32> to vector<1x16xf32>
        tpu.vector_store %arg10[%swap3A_277, %swap3A_278], %swap3A_281 {strides = array<i32>} : memref<128x512xf32, #tpu.memory_space<vmem>>, vector<1x16xf32>,
        %get3A_282 = arith.constant 0 : i32
        %get3A_283 = arith.index_cast %get3A_282 : i32 to index
        %get3A_284 = arith.constant 352 : index
        %get3A_285 = tpu.vector_load %arg11[%get3A_283, %get3A_284] {strides = array<i32>} : memref<3x512xf32, #tpu.memory_space<vmem>>, vector<1x16xf32>,
        %get3A_286 = vector.shape_cast %get3A_285 : vector<1x16xf32> to vector<16xf32>
        %swap3A_287 = arith.index_cast %scan3A_63 : i32 to index
        %swap3A_288 = arith.constant 352 : index
        %swap3A_289 = tpu.vector_load %arg10[%swap3A_287, %swap3A_288] {strides = array<i32>} : memref<128x512xf32, #tpu.memory_space<vmem>>, vector<1x16xf32>,
        %swap3A_290 = vector.shape_cast %swap3A_289 : vector<1x16xf32> to vector<16xf32>
        %swap3A_291 = vector.shape_cast %get3A_286 : vector<16xf32> to vector<1x16xf32>
        tpu.vector_store %arg10[%swap3A_287, %swap3A_288], %swap3A_291 {strides = array<i32>} : memref<128x512xf32, #tpu.memory_space<vmem>>, vector<1x16xf32>,
        %get3A_292 = arith.constant 0 : i32
        %get3A_293 = arith.index_cast %get3A_292 : i32 to index
        %get3A_294 = arith.constant 368 : index
        %get3A_295 = tpu.vector_load %arg11[%get3A_293, %get3A_294] {strides = array<i32>} : memref<3x512xf32, #tpu.memory_space<vmem>>, vector<1x16xf32>,
        %get3A_296 = vector.shape_cast %get3A_295 : vector<1x16xf32> to vector<16xf32>
        %swap3A_297 = arith.index_cast %scan3A_63 : i32 to index
        %swap3A_298 = arith.constant 368 : index
        %swap3A_299 = tpu.vector_load %arg10[%swap3A_297, %swap3A_298] {strides = array<i32>} : memref<128x512xf32, #tpu.memory_space<vmem>>, vector<1x16xf32>,
        %swap3A_300 = vector.shape_cast %swap3A_299 : vector<1x16xf32> to vector<16xf32>
        %swap3A_301 = vector.shape_cast %get3A_296 : vector<16xf32> to vector<1x16xf32>
        tpu.vector_store %arg10[%swap3A_297, %swap3A_298], %swap3A_301 {strides = array<i32>} : memref<128x512xf32, #tpu.memory_space<vmem>>, vector<1x16xf32>,
        %get3A_302 = arith.constant 0 : i32
        %get3A_303 = arith.index_cast %get3A_302 : i32 to index
        %get3A_304 = arith.constant 384 : index
        %get3A_305 = tpu.vector_load %arg11[%get3A_303, %get3A_304] {strides = array<i32>} : memref<3x512xf32, #tpu.memory_space<vmem>>, vector<1x16xf32>,
        %get3A_306 = vector.shape_cast %get3A_305 : vector<1x16xf32> to vector<16xf32>
        %swap3A_307 = arith.index_cast %scan3A_63 : i32 to index
        %swap3A_308 = arith.constant 384 : index
        %swap3A_309 = tpu.vector_load %arg10[%swap3A_307, %swap3A_308] {strides = array<i32>} : memref<128x512xf32, #tpu.memory_space<vmem>>, vector<1x16xf32>,
        %swap3A_310 = vector.shape_cast %swap3A_309 : vector<1x16xf32> to vector<16xf32>
        %swap3A_311 = vector.shape_cast %get3A_306 : vector<16xf32> to vector<1x16xf32>
        tpu.vector_store %arg10[%swap3A_307, %swap3A_308], %swap3A_311 {strides = array<i32>} : memref<128x512xf32, #tpu.memory_space<vmem>>, vector<1x16xf32>,
        %get3A_312 = arith.constant 0 : i32
        %get3A_313 = arith.index_cast %get3A_312 : i32 to index
        %get3A_314 = arith.constant 400 : index
        %get3A_315 = tpu.vector_load %arg11[%get3A_313, %get3A_314] {strides = array<i32>} : memref<3x512xf32, #tpu.memory_space<vmem>>, vector<1x16xf32>,
        %get3A_316 = vector.shape_cast %get3A_315 : vector<1x16xf32> to vector<16xf32>
        %swap3A_317 = arith.index_cast %scan3A_63 : i32 to index
        %swap3A_318 = arith.constant 400 : index
        %swap3A_319 = tpu.vector_load %arg10[%swap3A_317, %swap3A_318] {strides = array<i32>} : memref<128x512xf32, #tpu.memory_space<vmem>>, vector<1x16xf32>,
        %swap3A_320 = vector.shape_cast %swap3A_319 : vector<1x16xf32> to vector<16xf32>
        %swap3A_321 = vector.shape_cast %get3A_316 : vector<16xf32> to vector<1x16xf32>
        tpu.vector_store %arg10[%swap3A_317, %swap3A_318], %swap3A_321 {strides = array<i32>} : memref<128x512xf32, #tpu.memory_space<vmem>>, vector<1x16xf32>,
        %get3A_322 = arith.constant 0 : i32
        %get3A_323 = arith.index_cast %get3A_322 : i32 to index
        %get3A_324 = arith.constant 416 : index
        %get3A_325 = tpu.vector_load %arg11[%get3A_323, %get3A_324] {strides = array<i32>} : memref<3x512xf32, #tpu.memory_space<vmem>>, vector<1x16xf32>,
        %get3A_326 = vector.shape_cast %get3A_325 : vector<1x16xf32> to vector<16xf32>
        %swap3A_327 = arith.index_cast %scan3A_63 : i32 to index
        %swap3A_328 = arith.constant 416 : index
        %swap3A_329 = tpu.vector_load %arg10[%swap3A_327, %swap3A_328] {strides = array<i32>} : memref<128x512xf32, #tpu.memory_space<vmem>>, vector<1x16xf32>,
        %swap3A_330 = vector.shape_cast %swap3A_329 : vector<1x16xf32> to vector<16xf32>
        %swap3A_331 = vector.shape_cast %get3A_326 : vector<16xf32> to vector<1x16xf32>
        tpu.vector_store %arg10[%swap3A_327, %swap3A_328], %swap3A_331 {strides = array<i32>} : memref<128x512xf32, #tpu.memory_space<vmem>>, vector<1x16xf32>,
        %get3A_332 = arith.constant 0 : i32
        %get3A_333 = arith.index_cast %get3A_332 : i32 to index
        %get3A_334 = arith.constant 432 : index
        %get3A_335 = tpu.vector_load %arg11[%get3A_333, %get3A_334] {strides = array<i32>} : memref<3x512xf32, #tpu.memory_space<vmem>>, vector<1x16xf32>,
        %get3A_336 = vector.shape_cast %get3A_335 : vector<1x16xf32> to vector<16xf32>
        %swap3A_337 = arith.index_cast %scan3A_63 : i32 to index
        %swap3A_338 = arith.constant 432 : index
        %swap3A_339 = tpu.vector_load %arg10[%swap3A_337, %swap3A_338] {strides = array<i32>} : memref<128x512xf32, #tpu.memory_space<vmem>>, vector<1x16xf32>,
        %swap3A_340 = vector.shape_cast %swap3A_339 : vector<1x16xf32> to vector<16xf32>
        %swap3A_341 = vector.shape_cast %get3A_336 : vector<16xf32> to vector<1x16xf32>
        tpu.vector_store %arg10[%swap3A_337, %swap3A_338], %swap3A_341 {strides = array<i32>} : memref<128x512xf32, #tpu.memory_space<vmem>>, vector<1x16xf32>,
        %get3A_342 = arith.constant 0 : i32
        %get3A_343 = arith.index_cast %get3A_342 : i32 to index
        %get3A_344 = arith.constant 448 : index
        %get3A_345 = tpu.vector_load %arg11[%get3A_343, %get3A_344] {strides = array<i32>} : memref<3x512xf32, #tpu.memory_space<vmem>>, vector<1x16xf32>,
        %get3A_346 = vector.shape_cast %get3A_345 : vector<1x16xf32> to vector<16xf32>
        %swap3A_347 = arith.index_cast %scan3A_63 : i32 to index
        %swap3A_348 = arith.constant 448 : index
        %swap3A_349 = tpu.vector_load %arg10[%swap3A_347, %swap3A_348] {strides = array<i32>} : memref<128x512xf32, #tpu.memory_space<vmem>>, vector<1x16xf32>,
        %swap3A_350 = vector.shape_cast %swap3A_349 : vector<1x16xf32> to vector<16xf32>
        %swap3A_351 = vector.shape_cast %get3A_346 : vector<16xf32> to vector<1x16xf32>
        tpu.vector_store %arg10[%swap3A_347, %swap3A_348], %swap3A_351 {strides = array<i32>} : memref<128x512xf32, #tpu.memory_space<vmem>>, vector<1x16xf32>,
        %get3A_352 = arith.constant 0 : i32
        %get3A_353 = arith.index_cast %get3A_352 : i32 to index
        %get3A_354 = arith.constant 464 : index
        %get3A_355 = tpu.vector_load %arg11[%get3A_353, %get3A_354] {strides = array<i32>} : memref<3x512xf32, #tpu.memory_space<vmem>>, vector<1x16xf32>,
        %get3A_356 = vector.shape_cast %get3A_355 : vector<1x16xf32> to vector<16xf32>
        %swap3A_357 = arith.index_cast %scan3A_63 : i32 to index
        %swap3A_358 = arith.constant 464 : index
        %swap3A_359 = tpu.vector_load %arg10[%swap3A_357, %swap3A_358] {strides = array<i32>} : memref<128x512xf32, #tpu.memory_space<vmem>>, vector<1x16xf32>,
        %swap3A_360 = vector.shape_cast %swap3A_359 : vector<1x16xf32> to vector<16xf32>
        %swap3A_361 = vector.shape_cast %get3A_356 : vector<16xf32> to vector<1x16xf32>
        tpu.vector_store %arg10[%swap3A_357, %swap3A_358], %swap3A_361 {strides = array<i32>} : memref<128x512xf32, #tpu.memory_space<vmem>>, vector<1x16xf32>,
        %get3A_362 = arith.constant 0 : i32
        %get3A_363 = arith.index_cast %get3A_362 : i32 to index
        %get3A_364 = arith.constant 480 : index
        %get3A_365 = tpu.vector_load %arg11[%get3A_363, %get3A_364] {strides = array<i32>} : memref<3x512xf32, #tpu.memory_space<vmem>>, vector<1x16xf32>,
        %get3A_366 = vector.shape_cast %get3A_365 : vector<1x16xf32> to vector<16xf32>
        %swap3A_367 = arith.index_cast %scan3A_63 : i32 to index
        %swap3A_368 = arith.constant 480 : index
        %swap3A_369 = tpu.vector_load %arg10[%swap3A_367, %swap3A_368] {strides = array<i32>} : memref<128x512xf32, #tpu.memory_space<vmem>>, vector<1x16xf32>,
        %swap3A_370 = vector.shape_cast %swap3A_369 : vector<1x16xf32> to vector<16xf32>
        %swap3A_371 = vector.shape_cast %get3A_366 : vector<16xf32> to vector<1x16xf32>
        tpu.vector_store %arg10[%swap3A_367, %swap3A_368], %swap3A_371 {strides = array<i32>} : memref<128x512xf32, #tpu.memory_space<vmem>>, vector<1x16xf32>,
        %get3A_372 = arith.constant 0 : i32
        %get3A_373 = arith.index_cast %get3A_372 : i32 to index
        %get3A_374 = arith.constant 496 : index
        %get3A_375 = tpu.vector_load %arg11[%get3A_373, %get3A_374] {strides = array<i32>} : memref<3x512xf32, #tpu.memory_space<vmem>>, vector<1x16xf32>,
        %get3A_376 = vector.shape_cast %get3A_375 : vector<1x16xf32> to vector<16xf32>
        %swap3A_377 = arith.index_cast %scan3A_63 : i32 to index
        %swap3A_378 = arith.constant 496 : index
        %swap3A_379 = tpu.vector_load %arg10[%swap3A_377, %swap3A_378] {strides = array<i32>} : memref<128x512xf32, #tpu.memory_space<vmem>>, vector<1x16xf32>,
        %swap3A_380 = vector.shape_cast %swap3A_379 : vector<1x16xf32> to vector<16xf32>
        %swap3A_381 = vector.shape_cast %get3A_376 : vector<16xf32> to vector<1x16xf32>
        tpu.vector_store %arg10[%swap3A_377, %swap3A_378], %swap3A_381 {strides = array<i32>} : memref<128x512xf32, #tpu.memory_space<vmem>>, vector<1x16xf32>,
      }
      %scan3A_56 = arith.constant 128 : i32
      %scan3A_57 = arith.constant 0 : i32
      %scan3A_58 = arith.constant 0 : i32
      %scan3A_59 = arith.constant 32 : i32
      %scan3A_60 = arith.addi %scan3A_58, %scan3A_59 : i32
      %scan3A_61 = arith.constant 1 : i32
      scf.for %scan3A_63 = %scan3A_58 to %scan3A_60 step %scan3A_61  : i32 {
        %mul3A_64 = arith.constant 128 : i32
        %mul3A_65 = arith.muli %scan3A_63, %mul3A_64 : i32
        "tpu.region"() ({
          %run_scoped3A = tpu.sem_alloc : memref<!tpu.dma_semaphore, #tpu.memory_space<semaphore_mem>>
          %dma_start3A = arith.constant 0 : i32
          %dma_start3A_66 = tpu.memref_slice %arg5[%add3A_50, %mul3A_65, %dma_start3A] : memref<77x4096x512xf32, #tpu.memory_space<hbm>> -> memref<1x128x512xf32, #tpu.memory_space<hbm>>
          %dma_start3A_67 = tpu.memref_squeeze %dma_start3A_66 : memref<1x128x512xf32, #tpu.memory_space<hbm>> -> memref<128x512xf32, #tpu.memory_space<hbm>>
          %dma_start3A_68 = arith.constant 0 : i32
          %dma_start3A_69 = tpu.memref_slice %arg5[%add3A_50, %mul3A_65, %dma_start3A_68] : memref<77x4096x512xf32, #tpu.memory_space<hbm>> -> memref<1x128x512xf32, #tpu.memory_space<hbm>>
          %dma_start3A_70 = tpu.memref_squeeze %dma_start3A_69 : memref<1x128x512xf32, #tpu.memory_space<hbm>> -> memref<128x512xf32, #tpu.memory_space<hbm>>
          tpu.enqueue_dma source(%arg10 : memref<128x512xf32, #tpu.memory_space<vmem>>) target(%dma_start3A_70 : memref<128x512xf32, #tpu.memory_space<hbm>>) target_semaphore(%run_scoped3A : memref<!tpu.dma_semaphore, #tpu.memory_space<semaphore_mem>>)
          %dma_wait3A = arith.constant 0 : i32
          %dma_wait3A_71 = tpu.memref_slice %arg5[%add3A_50, %mul3A_65, %dma_wait3A] : memref<77x4096x512xf32, #tpu.memory_space<hbm>> -> memref<1x128x512xf32, #tpu.memory_space<hbm>>
          %dma_wait3A_72 = tpu.memref_squeeze %dma_wait3A_71 : memref<1x128x512xf32, #tpu.memory_space<hbm>> -> memref<128x512xf32, #tpu.memory_space<hbm>>
          %dma_wait3A_73 = arith.constant 0 : i32
          %dma_wait3A_74 = tpu.memref_slice %arg5[%add3A_50, %mul3A_65, %dma_wait3A_73] : memref<77x4096x512xf32, #tpu.memory_space<hbm>> -> memref<1x128x512xf32, #tpu.memory_space<hbm>>
          %dma_wait3A_75 = tpu.memref_squeeze %dma_wait3A_74 : memref<1x128x512xf32, #tpu.memory_space<hbm>> -> memref<128x512xf32, #tpu.memory_space<hbm>>
          tpu.wait_dma2 semaphore(%run_scoped3A : memref<!tpu.dma_semaphore, #tpu.memory_space<semaphore_mem>>) src(%arg10 : memref<128x512xf32, #tpu.memory_space<vmem>>) dst(%dma_wait3A_75 : memref<128x512xf32, #tpu.memory_space<hbm>>)
          tpu.yield
        }) : () -> ()
      }
      %scan3A_62 = arith.constant 32 : i32
    } else {
    }
    %add3A_28 = arith.constant 32 : i32
    %add3A_29 = arith.addi %add3A, %add3A_28 : i32
    %lt3A_30 = arith.constant 73 : i32
    %lt3A_31 = arith.cmpi slt, %add3A_29, %lt3A_30 : i32
    %convert_element_type3A_32 = arith.extui %lt3A_31 : i1 to i32
    %cond3A_33 = arith.constant 0 : i32
    %cond3A_34 = arith.cmpi ne, %convert_element_type3A_32, %cond3A_33 : i32
    scf.if %cond3A_34 {
      %lt3A_47 = arith.constant 5 : i32
      %lt3A_48 = arith.cmpi slt, %add3A_29, %lt3A_47 : i32
      %jit3A = arith.constant 0 : i32
      %jit3A_49 = arith.constant 4 : i32
      %select_n3A = arith.select %lt3A_48, %jit3A, %jit3A_49 : i32
      %add3A_50 = arith.addi %add3A_29, %select_n3A : i32
      %scan3A_51 = arith.constant 0 : i32
      %scan3A_52 = arith.constant 0 : i32
      %scan3A_53 = arith.constant 128 : i32
      %scan3A_54 = arith.addi %scan3A_52, %scan3A_53 : i32
      %scan3A_55 = arith.constant 1 : i32
      scf.for %scan3A_63 = %scan3A_52 to %scan3A_54 step %scan3A_55  : i32 {
        %get3A = arith.constant 1 : i32
        %get3A_64 = arith.index_cast %get3A : i32 to index
        %get3A_65 = arith.constant 0 : index
        %get3A_66 = tpu.vector_load %arg11[%get3A_64, %get3A_65] {strides = array<i32>} : memref<3x512xf32, #tpu.memory_space<vmem>>, vector<1x16xf32>,
        %get3A_67 = vector.shape_cast %get3A_66 : vector<1x16xf32> to vector<16xf32>
        %swap3A = arith.index_cast %scan3A_63 : i32 to index
        %swap3A_68 = arith.constant 0 : index
        %swap3A_69 = tpu.vector_load %arg10[%swap3A, %swap3A_68] {strides = array<i32>} : memref<128x512xf32, #tpu.memory_space<vmem>>, vector<1x16xf32>,
        %swap3A_70 = vector.shape_cast %swap3A_69 : vector<1x16xf32> to vector<16xf32>
        %swap3A_71 = vector.shape_cast %get3A_67 : vector<16xf32> to vector<1x16xf32>
        tpu.vector_store %arg10[%swap3A, %swap3A_68], %swap3A_71 {strides = array<i32>} : memref<128x512xf32, #tpu.memory_space<vmem>>, vector<1x16xf32>,
        %get3A_72 = arith.constant 1 : i32
        %get3A_73 = arith.index_cast %get3A_72 : i32 to index
        %get3A_74 = arith.constant 16 : index
        %get3A_75 = tpu.vector_load %arg11[%get3A_73, %get3A_74] {strides = array<i32>} : memref<3x512xf32, #tpu.memory_space<vmem>>, vector<1x16xf32>,
        %get3A_76 = vector.shape_cast %get3A_75 : vector<1x16xf32> to vector<16xf32>
        %swap3A_77 = arith.index_cast %scan3A_63 : i32 to index
        %swap3A_78 = arith.constant 16 : index
        %swap3A_79 = tpu.vector_load %arg10[%swap3A_77, %swap3A_78] {strides = array<i32>} : memref<128x512xf32, #tpu.memory_space<vmem>>, vector<1x16xf32>,
        %swap3A_80 = vector.shape_cast %swap3A_79 : vector<1x16xf32> to vector<16xf32>
        %swap3A_81 = vector.shape_cast %get3A_76 : vector<16xf32> to vector<1x16xf32>
        tpu.vector_store %arg10[%swap3A_77, %swap3A_78], %swap3A_81 {strides = array<i32>} : memref<128x512xf32, #tpu.memory_space<vmem>>, vector<1x16xf32>,
        %get3A_82 = arith.constant 1 : i32
        %get3A_83 = arith.index_cast %get3A_82 : i32 to index
        %get3A_84 = arith.constant 32 : index
        %get3A_85 = tpu.vector_load %arg11[%get3A_83, %get3A_84] {strides = array<i32>} : memref<3x512xf32, #tpu.memory_space<vmem>>, vector<1x16xf32>,
        %get3A_86 = vector.shape_cast %get3A_85 : vector<1x16xf32> to vector<16xf32>
        %swap3A_87 = arith.index_cast %scan3A_63 : i32 to index
        %swap3A_88 = arith.constant 32 : index
        %swap3A_89 = tpu.vector_load %arg10[%swap3A_87, %swap3A_88] {strides = array<i32>} : memref<128x512xf32, #tpu.memory_space<vmem>>, vector<1x16xf32>,
        %swap3A_90 = vector.shape_cast %swap3A_89 : vector<1x16xf32> to vector<16xf32>
        %swap3A_91 = vector.shape_cast %get3A_86 : vector<16xf32> to vector<1x16xf32>
        tpu.vector_store %arg10[%swap3A_87, %swap3A_88], %swap3A_91 {strides = array<i32>} : memref<128x512xf32, #tpu.memory_space<vmem>>, vector<1x16xf32>,
        %get3A_92 = arith.constant 1 : i32
        %get3A_93 = arith.index_cast %get3A_92 : i32 to index
        %get3A_94 = arith.constant 48 : index
        %get3A_95 = tpu.vector_load %arg11[%get3A_93, %get3A_94] {strides = array<i32>} : memref<3x512xf32, #tpu.memory_space<vmem>>, vector<1x16xf32>,
        %get3A_96 = vector.shape_cast %get3A_95 : vector<1x16xf32> to vector<16xf32>
        %swap3A_97 = arith.index_cast %scan3A_63 : i32 to index
        %swap3A_98 = arith.constant 48 : index
        %swap3A_99 = tpu.vector_load %arg10[%swap3A_97, %swap3A_98] {strides = array<i32>} : memref<128x512xf32, #tpu.memory_space<vmem>>, vector<1x16xf32>,
        %swap3A_100 = vector.shape_cast %swap3A_99 : vector<1x16xf32> to vector<16xf32>
        %swap3A_101 = vector.shape_cast %get3A_96 : vector<16xf32> to vector<1x16xf32>
        tpu.vector_store %arg10[%swap3A_97, %swap3A_98], %swap3A_101 {strides = array<i32>} : memref<128x512xf32, #tpu.memory_space<vmem>>, vector<1x16xf32>,
        %get3A_102 = arith.constant 1 : i32
        %get3A_103 = arith.index_cast %get3A_102 : i32 to index
        %get3A_104 = arith.constant 64 : index
        %get3A_105 = tpu.vector_load %arg11[%get3A_103, %get3A_104] {strides = array<i32>} : memref<3x512xf32, #tpu.memory_space<vmem>>, vector<1x16xf32>,
        %get3A_106 = vector.shape_cast %get3A_105 : vector<1x16xf32> to vector<16xf32>
        %swap3A_107 = arith.index_cast %scan3A_63 : i32 to index
        %swap3A_108 = arith.constant 64 : index
        %swap3A_109 = tpu.vector_load %arg10[%swap3A_107, %swap3A_108] {strides = array<i32>} : memref<128x512xf32, #tpu.memory_space<vmem>>, vector<1x16xf32>,
        %swap3A_110 = vector.shape_cast %swap3A_109 : vector<1x16xf32> to vector<16xf32>
        %swap3A_111 = vector.shape_cast %get3A_106 : vector<16xf32> to vector<1x16xf32>
        tpu.vector_store %arg10[%swap3A_107, %swap3A_108], %swap3A_111 {strides = array<i32>} : memref<128x512xf32, #tpu.memory_space<vmem>>, vector<1x16xf32>,
        %get3A_112 = arith.constant 1 : i32
        %get3A_113 = arith.index_cast %get3A_112 : i32 to index
        %get3A_114 = arith.constant 80 : index
        %get3A_115 = tpu.vector_load %arg11[%get3A_113, %get3A_114] {strides = array<i32>} : memref<3x512xf32, #tpu.memory_space<vmem>>, vector<1x16xf32>,
        %get3A_116 = vector.shape_cast %get3A_115 : vector<1x16xf32> to vector<16xf32>
        %swap3A_117 = arith.index_cast %scan3A_63 : i32 to index
        %swap3A_118 = arith.constant 80 : index
        %swap3A_119 = tpu.vector_load %arg10[%swap3A_117, %swap3A_118] {strides = array<i32>} : memref<128x512xf32, #tpu.memory_space<vmem>>, vector<1x16xf32>,
        %swap3A_120 = vector.shape_cast %swap3A_119 : vector<1x16xf32> to vector<16xf32>
        %swap3A_121 = vector.shape_cast %get3A_116 : vector<16xf32> to vector<1x16xf32>
        tpu.vector_store %arg10[%swap3A_117, %swap3A_118], %swap3A_121 {strides = array<i32>} : memref<128x512xf32, #tpu.memory_space<vmem>>, vector<1x16xf32>,
        %get3A_122 = arith.constant 1 : i32
        %get3A_123 = arith.index_cast %get3A_122 : i32 to index
        %get3A_124 = arith.constant 96 : index
        %get3A_125 = tpu.vector_load %arg11[%get3A_123, %get3A_124] {strides = array<i32>} : memref<3x512xf32, #tpu.memory_space<vmem>>, vector<1x16xf32>,
        %get3A_126 = vector.shape_cast %get3A_125 : vector<1x16xf32> to vector<16xf32>
        %swap3A_127 = arith.index_cast %scan3A_63 : i32 to index
        %swap3A_128 = arith.constant 96 : index
        %swap3A_129 = tpu.vector_load %arg10[%swap3A_127, %swap3A_128] {strides = array<i32>} : memref<128x512xf32, #tpu.memory_space<vmem>>, vector<1x16xf32>,
        %swap3A_130 = vector.shape_cast %swap3A_129 : vector<1x16xf32> to vector<16xf32>
        %swap3A_131 = vector.shape_cast %get3A_126 : vector<16xf32> to vector<1x16xf32>
        tpu.vector_store %arg10[%swap3A_127, %swap3A_128], %swap3A_131 {strides = array<i32>} : memref<128x512xf32, #tpu.memory_space<vmem>>, vector<1x16xf32>,
        %get3A_132 = arith.constant 1 : i32
        %get3A_133 = arith.index_cast %get3A_132 : i32 to index
        %get3A_134 = arith.constant 112 : index
        %get3A_135 = tpu.vector_load %arg11[%get3A_133, %get3A_134] {strides = array<i32>} : memref<3x512xf32, #tpu.memory_space<vmem>>, vector<1x16xf32>,
        %get3A_136 = vector.shape_cast %get3A_135 : vector<1x16xf32> to vector<16xf32>
        %swap3A_137 = arith.index_cast %scan3A_63 : i32 to index
        %swap3A_138 = arith.constant 112 : index
        %swap3A_139 = tpu.vector_load %arg10[%swap3A_137, %swap3A_138] {strides = array<i32>} : memref<128x512xf32, #tpu.memory_space<vmem>>, vector<1x16xf32>,
        %swap3A_140 = vector.shape_cast %swap3A_139 : vector<1x16xf32> to vector<16xf32>
        %swap3A_141 = vector.shape_cast %get3A_136 : vector<16xf32> to vector<1x16xf32>
        tpu.vector_store %arg10[%swap3A_137, %swap3A_138], %swap3A_141 {strides = array<i32>} : memref<128x512xf32, #tpu.memory_space<vmem>>, vector<1x16xf32>,
        %get3A_142 = arith.constant 1 : i32
        %get3A_143 = arith.index_cast %get3A_142 : i32 to index
        %get3A_144 = arith.constant 128 : index
        %get3A_145 = tpu.vector_load %arg11[%get3A_143, %get3A_144] {strides = array<i32>} : memref<3x512xf32, #tpu.memory_space<vmem>>, vector<1x16xf32>,
        %get3A_146 = vector.shape_cast %get3A_145 : vector<1x16xf32> to vector<16xf32>
        %swap3A_147 = arith.index_cast %scan3A_63 : i32 to index
        %swap3A_148 = arith.constant 128 : index
        %swap3A_149 = tpu.vector_load %arg10[%swap3A_147, %swap3A_148] {strides = array<i32>} : memref<128x512xf32, #tpu.memory_space<vmem>>, vector<1x16xf32>,
        %swap3A_150 = vector.shape_cast %swap3A_149 : vector<1x16xf32> to vector<16xf32>
        %swap3A_151 = vector.shape_cast %get3A_146 : vector<16xf32> to vector<1x16xf32>
        tpu.vector_store %arg10[%swap3A_147, %swap3A_148], %swap3A_151 {strides = array<i32>} : memref<128x512xf32, #tpu.memory_space<vmem>>, vector<1x16xf32>,
        %get3A_152 = arith.constant 1 : i32
        %get3A_153 = arith.index_cast %get3A_152 : i32 to index
        %get3A_154 = arith.constant 144 : index
        %get3A_155 = tpu.vector_load %arg11[%get3A_153, %get3A_154] {strides = array<i32>} : memref<3x512xf32, #tpu.memory_space<vmem>>, vector<1x16xf32>,
        %get3A_156 = vector.shape_cast %get3A_155 : vector<1x16xf32> to vector<16xf32>
        %swap3A_157 = arith.index_cast %scan3A_63 : i32 to index
        %swap3A_158 = arith.constant 144 : index
        %swap3A_159 = tpu.vector_load %arg10[%swap3A_157, %swap3A_158] {strides = array<i32>} : memref<128x512xf32, #tpu.memory_space<vmem>>, vector<1x16xf32>,
        %swap3A_160 = vector.shape_cast %swap3A_159 : vector<1x16xf32> to vector<16xf32>
        %swap3A_161 = vector.shape_cast %get3A_156 : vector<16xf32> to vector<1x16xf32>
        tpu.vector_store %arg10[%swap3A_157, %swap3A_158], %swap3A_161 {strides = array<i32>} : memref<128x512xf32, #tpu.memory_space<vmem>>, vector<1x16xf32>,
        %get3A_162 = arith.constant 1 : i32
        %get3A_163 = arith.index_cast %get3A_162 : i32 to index
        %get3A_164 = arith.constant 160 : index
        %get3A_165 = tpu.vector_load %arg11[%get3A_163, %get3A_164] {strides = array<i32>} : memref<3x512xf32, #tpu.memory_space<vmem>>, vector<1x16xf32>,
        %get3A_166 = vector.shape_cast %get3A_165 : vector<1x16xf32> to vector<16xf32>
        %swap3A_167 = arith.index_cast %scan3A_63 : i32 to index
        %swap3A_168 = arith.constant 160 : index
        %swap3A_169 = tpu.vector_load %arg10[%swap3A_167, %swap3A_168] {strides = array<i32>} : memref<128x512xf32, #tpu.memory_space<vmem>>, vector<1x16xf32>,
        %swap3A_170 = vector.shape_cast %swap3A_169 : vector<1x16xf32> to vector<16xf32>
        %swap3A_171 = vector.shape_cast %get3A_166 : vector<16xf32> to vector<1x16xf32>
        tpu.vector_store %arg10[%swap3A_167, %swap3A_168], %swap3A_171 {strides = array<i32>} : memref<128x512xf32, #tpu.memory_space<vmem>>, vector<1x16xf32>,
        %get3A_172 = arith.constant 1 : i32
        %get3A_173 = arith.index_cast %get3A_172 : i32 to index
        %get3A_174 = arith.constant 176 : index
        %get3A_175 = tpu.vector_load %arg11[%get3A_173, %get3A_174] {strides = array<i32>} : memref<3x512xf32, #tpu.memory_space<vmem>>, vector<1x16xf32>,
        %get3A_176 = vector.shape_cast %get3A_175 : vector<1x16xf32> to vector<16xf32>
        %swap3A_177 = arith.index_cast %scan3A_63 : i32 to index
        %swap3A_178 = arith.constant 176 : index
        %swap3A_179 = tpu.vector_load %arg10[%swap3A_177, %swap3A_178] {strides = array<i32>} : memref<128x512xf32, #tpu.memory_space<vmem>>, vector<1x16xf32>,
        %swap3A_180 = vector.shape_cast %swap3A_179 : vector<1x16xf32> to vector<16xf32>
        %swap3A_181 = vector.shape_cast %get3A_176 : vector<16xf32> to vector<1x16xf32>
        tpu.vector_store %arg10[%swap3A_177, %swap3A_178], %swap3A_181 {strides = array<i32>} : memref<128x512xf32, #tpu.memory_space<vmem>>, vector<1x16xf32>,
        %get3A_182 = arith.constant 1 : i32
        %get3A_183 = arith.index_cast %get3A_182 : i32 to index
        %get3A_184 = arith.constant 192 : index
        %get3A_185 = tpu.vector_load %arg11[%get3A_183, %get3A_184] {strides = array<i32>} : memref<3x512xf32, #tpu.memory_space<vmem>>, vector<1x16xf32>,
        %get3A_186 = vector.shape_cast %get3A_185 : vector<1x16xf32> to vector<16xf32>
        %swap3A_187 = arith.index_cast %scan3A_63 : i32 to index
        %swap3A_188 = arith.constant 192 : index
        %swap3A_189 = tpu.vector_load %arg10[%swap3A_187, %swap3A_188] {strides = array<i32>} : memref<128x512xf32, #tpu.memory_space<vmem>>, vector<1x16xf32>,
        %swap3A_190 = vector.shape_cast %swap3A_189 : vector<1x16xf32> to vector<16xf32>
        %swap3A_191 = vector.shape_cast %get3A_186 : vector<16xf32> to vector<1x16xf32>
        tpu.vector_store %arg10[%swap3A_187, %swap3A_188], %swap3A_191 {strides = array<i32>} : memref<128x512xf32, #tpu.memory_space<vmem>>, vector<1x16xf32>,
        %get3A_192 = arith.constant 1 : i32
        %get3A_193 = arith.index_cast %get3A_192 : i32 to index
        %get3A_194 = arith.constant 208 : index
        %get3A_195 = tpu.vector_load %arg11[%get3A_193, %get3A_194] {strides = array<i32>} : memref<3x512xf32, #tpu.memory_space<vmem>>, vector<1x16xf32>,
        %get3A_196 = vector.shape_cast %get3A_195 : vector<1x16xf32> to vector<16xf32>
        %swap3A_197 = arith.index_cast %scan3A_63 : i32 to index
        %swap3A_198 = arith.constant 208 : index
        %swap3A_199 = tpu.vector_load %arg10[%swap3A_197, %swap3A_198] {strides = array<i32>} : memref<128x512xf32, #tpu.memory_space<vmem>>, vector<1x16xf32>,
        %swap3A_200 = vector.shape_cast %swap3A_199 : vector<1x16xf32> to vector<16xf32>
        %swap3A_201 = vector.shape_cast %get3A_196 : vector<16xf32> to vector<1x16xf32>
        tpu.vector_store %arg10[%swap3A_197, %swap3A_198], %swap3A_201 {strides = array<i32>} : memref<128x512xf32, #tpu.memory_space<vmem>>, vector<1x16xf32>,
        %get3A_202 = arith.constant 1 : i32
        %get3A_203 = arith.index_cast %get3A_202 : i32 to index
        %get3A_204 = arith.constant 224 : index
        %get3A_205 = tpu.vector_load %arg11[%get3A_203, %get3A_204] {strides = array<i32>} : memref<3x512xf32, #tpu.memory_space<vmem>>, vector<1x16xf32>,
        %get3A_206 = vector.shape_cast %get3A_205 : vector<1x16xf32> to vector<16xf32>
        %swap3A_207 = arith.index_cast %scan3A_63 : i32 to index
        %swap3A_208 = arith.constant 224 : index
        %swap3A_209 = tpu.vector_load %arg10[%swap3A_207, %swap3A_208] {strides = array<i32>} : memref<128x512xf32, #tpu.memory_space<vmem>>, vector<1x16xf32>,
        %swap3A_210 = vector.shape_cast %swap3A_209 : vector<1x16xf32> to vector<16xf32>
        %swap3A_211 = vector.shape_cast %get3A_206 : vector<16xf32> to vector<1x16xf32>
        tpu.vector_store %arg10[%swap3A_207, %swap3A_208], %swap3A_211 {strides = array<i32>} : memref<128x512xf32, #tpu.memory_space<vmem>>, vector<1x16xf32>,
        %get3A_212 = arith.constant 1 : i32
        %get3A_213 = arith.index_cast %get3A_212 : i32 to index
        %get3A_214 = arith.constant 240 : index
        %get3A_215 = tpu.vector_load %arg11[%get3A_213, %get3A_214] {strides = array<i32>} : memref<3x512xf32, #tpu.memory_space<vmem>>, vector<1x16xf32>,
        %get3A_216 = vector.shape_cast %get3A_215 : vector<1x16xf32> to vector<16xf32>
        %swap3A_217 = arith.index_cast %scan3A_63 : i32 to index
        %swap3A_218 = arith.constant 240 : index
        %swap3A_219 = tpu.vector_load %arg10[%swap3A_217, %swap3A_218] {strides = array<i32>} : memref<128x512xf32, #tpu.memory_space<vmem>>, vector<1x16xf32>,
        %swap3A_220 = vector.shape_cast %swap3A_219 : vector<1x16xf32> to vector<16xf32>
        %swap3A_221 = vector.shape_cast %get3A_216 : vector<16xf32> to vector<1x16xf32>
        tpu.vector_store %arg10[%swap3A_217, %swap3A_218], %swap3A_221 {strides = array<i32>} : memref<128x512xf32, #tpu.memory_space<vmem>>, vector<1x16xf32>,
        %get3A_222 = arith.constant 1 : i32
        %get3A_223 = arith.index_cast %get3A_222 : i32 to index
        %get3A_224 = arith.constant 256 : index
        %get3A_225 = tpu.vector_load %arg11[%get3A_223, %get3A_224] {strides = array<i32>} : memref<3x512xf32, #tpu.memory_space<vmem>>, vector<1x16xf32>,
        %get3A_226 = vector.shape_cast %get3A_225 : vector<1x16xf32> to vector<16xf32>
        %swap3A_227 = arith.index_cast %scan3A_63 : i32 to index
        %swap3A_228 = arith.constant 256 : index
        %swap3A_229 = tpu.vector_load %arg10[%swap3A_227, %swap3A_228] {strides = array<i32>} : memref<128x512xf32, #tpu.memory_space<vmem>>, vector<1x16xf32>,
        %swap3A_230 = vector.shape_cast %swap3A_229 : vector<1x16xf32> to vector<16xf32>
        %swap3A_231 = vector.shape_cast %get3A_226 : vector<16xf32> to vector<1x16xf32>
        tpu.vector_store %arg10[%swap3A_227, %swap3A_228], %swap3A_231 {strides = array<i32>} : memref<128x512xf32, #tpu.memory_space<vmem>>, vector<1x16xf32>,
        %get3A_232 = arith.constant 1 : i32
        %get3A_233 = arith.index_cast %get3A_232 : i32 to index
        %get3A_234 = arith.constant 272 : index
        %get3A_235 = tpu.vector_load %arg11[%get3A_233, %get3A_234] {strides = array<i32>} : memref<3x512xf32, #tpu.memory_space<vmem>>, vector<1x16xf32>,
        %get3A_236 = vector.shape_cast %get3A_235 : vector<1x16xf32> to vector<16xf32>
        %swap3A_237 = arith.index_cast %scan3A_63 : i32 to index
        %swap3A_238 = arith.constant 272 : index
        %swap3A_239 = tpu.vector_load %arg10[%swap3A_237, %swap3A_238] {strides = array<i32>} : memref<128x512xf32, #tpu.memory_space<vmem>>, vector<1x16xf32>,
        %swap3A_240 = vector.shape_cast %swap3A_239 : vector<1x16xf32> to vector<16xf32>
        %swap3A_241 = vector.shape_cast %get3A_236 : vector<16xf32> to vector<1x16xf32>
        tpu.vector_store %arg10[%swap3A_237, %swap3A_238], %swap3A_241 {strides = array<i32>} : memref<128x512xf32, #tpu.memory_space<vmem>>, vector<1x16xf32>,
        %get3A_242 = arith.constant 1 : i32
        %get3A_243 = arith.index_cast %get3A_242 : i32 to index
        %get3A_244 = arith.constant 288 : index
        %get3A_245 = tpu.vector_load %arg11[%get3A_243, %get3A_244] {strides = array<i32>} : memref<3x512xf32, #tpu.memory_space<vmem>>, vector<1x16xf32>,
        %get3A_246 = vector.shape_cast %get3A_245 : vector<1x16xf32> to vector<16xf32>
        %swap3A_247 = arith.index_cast %scan3A_63 : i32 to index
        %swap3A_248 = arith.constant 288 : index
        %swap3A_249 = tpu.vector_load %arg10[%swap3A_247, %swap3A_248] {strides = array<i32>} : memref<128x512xf32, #tpu.memory_space<vmem>>, vector<1x16xf32>,
        %swap3A_250 = vector.shape_cast %swap3A_249 : vector<1x16xf32> to vector<16xf32>
        %swap3A_251 = vector.shape_cast %get3A_246 : vector<16xf32> to vector<1x16xf32>
        tpu.vector_store %arg10[%swap3A_247, %swap3A_248], %swap3A_251 {strides = array<i32>} : memref<128x512xf32, #tpu.memory_space<vmem>>, vector<1x16xf32>,
        %get3A_252 = arith.constant 1 : i32
        %get3A_253 = arith.index_cast %get3A_252 : i32 to index
        %get3A_254 = arith.constant 304 : index
        %get3A_255 = tpu.vector_load %arg11[%get3A_253, %get3A_254] {strides = array<i32>} : memref<3x512xf32, #tpu.memory_space<vmem>>, vector<1x16xf32>,
        %get3A_256 = vector.shape_cast %get3A_255 : vector<1x16xf32> to vector<16xf32>
        %swap3A_257 = arith.index_cast %scan3A_63 : i32 to index
        %swap3A_258 = arith.constant 304 : index
        %swap3A_259 = tpu.vector_load %arg10[%swap3A_257, %swap3A_258] {strides = array<i32>} : memref<128x512xf32, #tpu.memory_space<vmem>>, vector<1x16xf32>,
        %swap3A_260 = vector.shape_cast %swap3A_259 : vector<1x16xf32> to vector<16xf32>
        %swap3A_261 = vector.shape_cast %get3A_256 : vector<16xf32> to vector<1x16xf32>
        tpu.vector_store %arg10[%swap3A_257, %swap3A_258], %swap3A_261 {strides = array<i32>} : memref<128x512xf32, #tpu.memory_space<vmem>>, vector<1x16xf32>,
        %get3A_262 = arith.constant 1 : i32
        %get3A_263 = arith.index_cast %get3A_262 : i32 to index
        %get3A_264 = arith.constant 320 : index
        %get3A_265 = tpu.vector_load %arg11[%get3A_263, %get3A_264] {strides = array<i32>} : memref<3x512xf32, #tpu.memory_space<vmem>>, vector<1x16xf32>,
        %get3A_266 = vector.shape_cast %get3A_265 : vector<1x16xf32> to vector<16xf32>
        %swap3A_267 = arith.index_cast %scan3A_63 : i32 to index
        %swap3A_268 = arith.constant 320 : index
        %swap3A_269 = tpu.vector_load %arg10[%swap3A_267, %swap3A_268] {strides = array<i32>} : memref<128x512xf32, #tpu.memory_space<vmem>>, vector<1x16xf32>,
        %swap3A_270 = vector.shape_cast %swap3A_269 : vector<1x16xf32> to vector<16xf32>
        %swap3A_271 = vector.shape_cast %get3A_266 : vector<16xf32> to vector<1x16xf32>
        tpu.vector_store %arg10[%swap3A_267, %swap3A_268], %swap3A_271 {strides = array<i32>} : memref<128x512xf32, #tpu.memory_space<vmem>>, vector<1x16xf32>,
        %get3A_272 = arith.constant 1 : i32
        %get3A_273 = arith.index_cast %get3A_272 : i32 to index
        %get3A_274 = arith.constant 336 : index
        %get3A_275 = tpu.vector_load %arg11[%get3A_273, %get3A_274] {strides = array<i32>} : memref<3x512xf32, #tpu.memory_space<vmem>>, vector<1x16xf32>,
        %get3A_276 = vector.shape_cast %get3A_275 : vector<1x16xf32> to vector<16xf32>
        %swap3A_277 = arith.index_cast %scan3A_63 : i32 to index
        %swap3A_278 = arith.constant 336 : index
        %swap3A_279 = tpu.vector_load %arg10[%swap3A_277, %swap3A_278] {strides = array<i32>} : memref<128x512xf32, #tpu.memory_space<vmem>>, vector<1x16xf32>,
        %swap3A_280 = vector.shape_cast %swap3A_279 : vector<1x16xf32> to vector<16xf32>
        %swap3A_281 = vector.shape_cast %get3A_276 : vector<16xf32> to vector<1x16xf32>
        tpu.vector_store %arg10[%swap3A_277, %swap3A_278], %swap3A_281 {strides = array<i32>} : memref<128x512xf32, #tpu.memory_space<vmem>>, vector<1x16xf32>,
        %get3A_282 = arith.constant 1 : i32
        %get3A_283 = arith.index_cast %get3A_282 : i32 to index
        %get3A_284 = arith.constant 352 : index
        %get3A_285 = tpu.vector_load %arg11[%get3A_283, %get3A_284] {strides = array<i32>} : memref<3x512xf32, #tpu.memory_space<vmem>>, vector<1x16xf32>,
        %get3A_286 = vector.shape_cast %get3A_285 : vector<1x16xf32> to vector<16xf32>
        %swap3A_287 = arith.index_cast %scan3A_63 : i32 to index
        %swap3A_288 = arith.constant 352 : index
        %swap3A_289 = tpu.vector_load %arg10[%swap3A_287, %swap3A_288] {strides = array<i32>} : memref<128x512xf32, #tpu.memory_space<vmem>>, vector<1x16xf32>,
        %swap3A_290 = vector.shape_cast %swap3A_289 : vector<1x16xf32> to vector<16xf32>
        %swap3A_291 = vector.shape_cast %get3A_286 : vector<16xf32> to vector<1x16xf32>
        tpu.vector_store %arg10[%swap3A_287, %swap3A_288], %swap3A_291 {strides = array<i32>} : memref<128x512xf32, #tpu.memory_space<vmem>>, vector<1x16xf32>,
        %get3A_292 = arith.constant 1 : i32
        %get3A_293 = arith.index_cast %get3A_292 : i32 to index
        %get3A_294 = arith.constant 368 : index
        %get3A_295 = tpu.vector_load %arg11[%get3A_293, %get3A_294] {strides = array<i32>} : memref<3x512xf32, #tpu.memory_space<vmem>>, vector<1x16xf32>,
        %get3A_296 = vector.shape_cast %get3A_295 : vector<1x16xf32> to vector<16xf32>
        %swap3A_297 = arith.index_cast %scan3A_63 : i32 to index
        %swap3A_298 = arith.constant 368 : index
        %swap3A_299 = tpu.vector_load %arg10[%swap3A_297, %swap3A_298] {strides = array<i32>} : memref<128x512xf32, #tpu.memory_space<vmem>>, vector<1x16xf32>,
        %swap3A_300 = vector.shape_cast %swap3A_299 : vector<1x16xf32> to vector<16xf32>
        %swap3A_301 = vector.shape_cast %get3A_296 : vector<16xf32> to vector<1x16xf32>
        tpu.vector_store %arg10[%swap3A_297, %swap3A_298], %swap3A_301 {strides = array<i32>} : memref<128x512xf32, #tpu.memory_space<vmem>>, vector<1x16xf32>,
        %get3A_302 = arith.constant 1 : i32
        %get3A_303 = arith.index_cast %get3A_302 : i32 to index
        %get3A_304 = arith.constant 384 : index
        %get3A_305 = tpu.vector_load %arg11[%get3A_303, %get3A_304] {strides = array<i32>} : memref<3x512xf32, #tpu.memory_space<vmem>>, vector<1x16xf32>,
        %get3A_306 = vector.shape_cast %get3A_305 : vector<1x16xf32> to vector<16xf32>
        %swap3A_307 = arith.index_cast %scan3A_63 : i32 to index
        %swap3A_308 = arith.constant 384 : index
        %swap3A_309 = tpu.vector_load %arg10[%swap3A_307, %swap3A_308] {strides = array<i32>} : memref<128x512xf32, #tpu.memory_space<vmem>>, vector<1x16xf32>,
        %swap3A_310 = vector.shape_cast %swap3A_309 : vector<1x16xf32> to vector<16xf32>
        %swap3A_311 = vector.shape_cast %get3A_306 : vector<16xf32> to vector<1x16xf32>
        tpu.vector_store %arg10[%swap3A_307, %swap3A_308], %swap3A_311 {strides = array<i32>} : memref<128x512xf32, #tpu.memory_space<vmem>>, vector<1x16xf32>,
        %get3A_312 = arith.constant 1 : i32
        %get3A_313 = arith.index_cast %get3A_312 : i32 to index
        %get3A_314 = arith.constant 400 : index
        %get3A_315 = tpu.vector_load %arg11[%get3A_313, %get3A_314] {strides = array<i32>} : memref<3x512xf32, #tpu.memory_space<vmem>>, vector<1x16xf32>,
        %get3A_316 = vector.shape_cast %get3A_315 : vector<1x16xf32> to vector<16xf32>
        %swap3A_317 = arith.index_cast %scan3A_63 : i32 to index
        %swap3A_318 = arith.constant 400 : index
        %swap3A_319 = tpu.vector_load %arg10[%swap3A_317, %swap3A_318] {strides = array<i32>} : memref<128x512xf32, #tpu.memory_space<vmem>>, vector<1x16xf32>,
        %swap3A_320 = vector.shape_cast %swap3A_319 : vector<1x16xf32> to vector<16xf32>
        %swap3A_321 = vector.shape_cast %get3A_316 : vector<16xf32> to vector<1x16xf32>
        tpu.vector_store %arg10[%swap3A_317, %swap3A_318], %swap3A_321 {strides = array<i32>} : memref<128x512xf32, #tpu.memory_space<vmem>>, vector<1x16xf32>,
        %get3A_322 = arith.constant 1 : i32
        %get3A_323 = arith.index_cast %get3A_322 : i32 to index
        %get3A_324 = arith.constant 416 : index
        %get3A_325 = tpu.vector_load %arg11[%get3A_323, %get3A_324] {strides = array<i32>} : memref<3x512xf32, #tpu.memory_space<vmem>>, vector<1x16xf32>,
        %get3A_326 = vector.shape_cast %get3A_325 : vector<1x16xf32> to vector<16xf32>
        %swap3A_327 = arith.index_cast %scan3A_63 : i32 to index
        %swap3A_328 = arith.constant 416 : index
        %swap3A_329 = tpu.vector_load %arg10[%swap3A_327, %swap3A_328] {strides = array<i32>} : memref<128x512xf32, #tpu.memory_space<vmem>>, vector<1x16xf32>,
        %swap3A_330 = vector.shape_cast %swap3A_329 : vector<1x16xf32> to vector<16xf32>
        %swap3A_331 = vector.shape_cast %get3A_326 : vector<16xf32> to vector<1x16xf32>
        tpu.vector_store %arg10[%swap3A_327, %swap3A_328], %swap3A_331 {strides = array<i32>} : memref<128x512xf32, #tpu.memory_space<vmem>>, vector<1x16xf32>,
        %get3A_332 = arith.constant 1 : i32
        %get3A_333 = arith.index_cast %get3A_332 : i32 to index
        %get3A_334 = arith.constant 432 : index
        %get3A_335 = tpu.vector_load %arg11[%get3A_333, %get3A_334] {strides = array<i32>} : memref<3x512xf32, #tpu.memory_space<vmem>>, vector<1x16xf32>,
        %get3A_336 = vector.shape_cast %get3A_335 : vector<1x16xf32> to vector<16xf32>
        %swap3A_337 = arith.index_cast %scan3A_63 : i32 to index
        %swap3A_338 = arith.constant 432 : index
        %swap3A_339 = tpu.vector_load %arg10[%swap3A_337, %swap3A_338] {strides = array<i32>} : memref<128x512xf32, #tpu.memory_space<vmem>>, vector<1x16xf32>,
        %swap3A_340 = vector.shape_cast %swap3A_339 : vector<1x16xf32> to vector<16xf32>
        %swap3A_341 = vector.shape_cast %get3A_336 : vector<16xf32> to vector<1x16xf32>
        tpu.vector_store %arg10[%swap3A_337, %swap3A_338], %swap3A_341 {strides = array<i32>} : memref<128x512xf32, #tpu.memory_space<vmem>>, vector<1x16xf32>,
        %get3A_342 = arith.constant 1 : i32
        %get3A_343 = arith.index_cast %get3A_342 : i32 to index
        %get3A_344 = arith.constant 448 : index
        %get3A_345 = tpu.vector_load %arg11[%get3A_343, %get3A_344] {strides = array<i32>} : memref<3x512xf32, #tpu.memory_space<vmem>>, vector<1x16xf32>,
        %get3A_346 = vector.shape_cast %get3A_345 : vector<1x16xf32> to vector<16xf32>
        %swap3A_347 = arith.index_cast %scan3A_63 : i32 to index
        %swap3A_348 = arith.constant 448 : index
        %swap3A_349 = tpu.vector_load %arg10[%swap3A_347, %swap3A_348] {strides = array<i32>} : memref<128x512xf32, #tpu.memory_space<vmem>>, vector<1x16xf32>,
        %swap3A_350 = vector.shape_cast %swap3A_349 : vector<1x16xf32> to vector<16xf32>
        %swap3A_351 = vector.shape_cast %get3A_346 : vector<16xf32> to vector<1x16xf32>
        tpu.vector_store %arg10[%swap3A_347, %swap3A_348], %swap3A_351 {strides = array<i32>} : memref<128x512xf32, #tpu.memory_space<vmem>>, vector<1x16xf32>,
        %get3A_352 = arith.constant 1 : i32
        %get3A_353 = arith.index_cast %get3A_352 : i32 to index
        %get3A_354 = arith.constant 464 : index
        %get3A_355 = tpu.vector_load %arg11[%get3A_353, %get3A_354] {strides = array<i32>} : memref<3x512xf32, #tpu.memory_space<vmem>>, vector<1x16xf32>,
        %get3A_356 = vector.shape_cast %get3A_355 : vector<1x16xf32> to vector<16xf32>
        %swap3A_357 = arith.index_cast %scan3A_63 : i32 to index
        %swap3A_358 = arith.constant 464 : index
        %swap3A_359 = tpu.vector_load %arg10[%swap3A_357, %swap3A_358] {strides = array<i32>} : memref<128x512xf32, #tpu.memory_space<vmem>>, vector<1x16xf32>,
        %swap3A_360 = vector.shape_cast %swap3A_359 : vector<1x16xf32> to vector<16xf32>
        %swap3A_361 = vector.shape_cast %get3A_356 : vector<16xf32> to vector<1x16xf32>
        tpu.vector_store %arg10[%swap3A_357, %swap3A_358], %swap3A_361 {strides = array<i32>} : memref<128x512xf32, #tpu.memory_space<vmem>>, vector<1x16xf32>,
        %get3A_362 = arith.constant 1 : i32
        %get3A_363 = arith.index_cast %get3A_362 : i32 to index
        %get3A_364 = arith.constant 480 : index
        %get3A_365 = tpu.vector_load %arg11[%get3A_363, %get3A_364] {strides = array<i32>} : memref<3x512xf32, #tpu.memory_space<vmem>>, vector<1x16xf32>,
        %get3A_366 = vector.shape_cast %get3A_365 : vector<1x16xf32> to vector<16xf32>
        %swap3A_367 = arith.index_cast %scan3A_63 : i32 to index
        %swap3A_368 = arith.constant 480 : index
        %swap3A_369 = tpu.vector_load %arg10[%swap3A_367, %swap3A_368] {strides = array<i32>} : memref<128x512xf32, #tpu.memory_space<vmem>>, vector<1x16xf32>,
        %swap3A_370 = vector.shape_cast %swap3A_369 : vector<1x16xf32> to vector<16xf32>
        %swap3A_371 = vector.shape_cast %get3A_366 : vector<16xf32> to vector<1x16xf32>
        tpu.vector_store %arg10[%swap3A_367, %swap3A_368], %swap3A_371 {strides = array<i32>} : memref<128x512xf32, #tpu.memory_space<vmem>>, vector<1x16xf32>,
        %get3A_372 = arith.constant 1 : i32
        %get3A_373 = arith.index_cast %get3A_372 : i32 to index
        %get3A_374 = arith.constant 496 : index
        %get3A_375 = tpu.vector_load %arg11[%get3A_373, %get3A_374] {strides = array<i32>} : memref<3x512xf32, #tpu.memory_space<vmem>>, vector<1x16xf32>,
        %get3A_376 = vector.shape_cast %get3A_375 : vector<1x16xf32> to vector<16xf32>
        %swap3A_377 = arith.index_cast %scan3A_63 : i32 to index
        %swap3A_378 = arith.constant 496 : index
        %swap3A_379 = tpu.vector_load %arg10[%swap3A_377, %swap3A_378] {strides = array<i32>} : memref<128x512xf32, #tpu.memory_space<vmem>>, vector<1x16xf32>,
        %swap3A_380 = vector.shape_cast %swap3A_379 : vector<1x16xf32> to vector<16xf32>
        %swap3A_381 = vector.shape_cast %get3A_376 : vector<16xf32> to vector<1x16xf32>
        tpu.vector_store %arg10[%swap3A_377, %swap3A_378], %swap3A_381 {strides = array<i32>} : memref<128x512xf32, #tpu.memory_space<vmem>>, vector<1x16xf32>,
      }
      %scan3A_56 = arith.constant 128 : i32
      %scan3A_57 = arith.constant 0 : i32
      %scan3A_58 = arith.constant 0 : i32
      %scan3A_59 = arith.constant 32 : i32
      %scan3A_60 = arith.addi %scan3A_58, %scan3A_59 : i32
      %scan3A_61 = arith.constant 1 : i32
      scf.for %scan3A_63 = %scan3A_58 to %scan3A_60 step %scan3A_61  : i32 {
        %mul3A_64 = arith.constant 128 : i32
        %mul3A_65 = arith.muli %scan3A_63, %mul3A_64 : i32
        "tpu.region"() ({
          %run_scoped3A = tpu.sem_alloc : memref<!tpu.dma_semaphore, #tpu.memory_space<semaphore_mem>>
          %dma_start3A = arith.constant 0 : i32
          %dma_start3A_66 = tpu.memref_slice %arg5[%add3A_50, %mul3A_65, %dma_start3A] : memref<77x4096x512xf32, #tpu.memory_space<hbm>> -> memref<1x128x512xf32, #tpu.memory_space<hbm>>
          %dma_start3A_67 = tpu.memref_squeeze %dma_start3A_66 : memref<1x128x512xf32, #tpu.memory_space<hbm>> -> memref<128x512xf32, #tpu.memory_space<hbm>>
          %dma_start3A_68 = arith.constant 0 : i32
          %dma_start3A_69 = tpu.memref_slice %arg5[%add3A_50, %mul3A_65, %dma_start3A_68] : memref<77x4096x512xf32, #tpu.memory_space<hbm>> -> memref<1x128x512xf32, #tpu.memory_space<hbm>>
          %dma_start3A_70 = tpu.memref_squeeze %dma_start3A_69 : memref<1x128x512xf32, #tpu.memory_space<hbm>> -> memref<128x512xf32, #tpu.memory_space<hbm>>
          tpu.enqueue_dma source(%arg10 : memref<128x512xf32, #tpu.memory_space<vmem>>) target(%dma_start3A_70 : memref<128x512xf32, #tpu.memory_space<hbm>>) target_semaphore(%run_scoped3A : memref<!tpu.dma_semaphore, #tpu.memory_space<semaphore_mem>>)
          %dma_wait3A = arith.constant 0 : i32
          %dma_wait3A_71 = tpu.memref_slice %arg5[%add3A_50, %mul3A_65, %dma_wait3A] : memref<77x4096x512xf32, #tpu.memory_space<hbm>> -> memref<1x128x512xf32, #tpu.memory_space<hbm>>
          %dma_wait3A_72 = tpu.memref_squeeze %dma_wait3A_71 : memref<1x128x512xf32, #tpu.memory_space<hbm>> -> memref<128x512xf32, #tpu.memory_space<hbm>>
          %dma_wait3A_73 = arith.constant 0 : i32
          %dma_wait3A_74 = tpu.memref_slice %arg5[%add3A_50, %mul3A_65, %dma_wait3A_73] : memref<77x4096x512xf32, #tpu.memory_space<hbm>> -> memref<1x128x512xf32, #tpu.memory_space<hbm>>
          %dma_wait3A_75 = tpu.memref_squeeze %dma_wait3A_74 : memref<1x128x512xf32, #tpu.memory_space<hbm>> -> memref<128x512xf32, #tpu.memory_space<hbm>>
          tpu.wait_dma2 semaphore(%run_scoped3A : memref<!tpu.dma_semaphore, #tpu.memory_space<semaphore_mem>>) src(%arg10 : memref<128x512xf32, #tpu.memory_space<vmem>>) dst(%dma_wait3A_75 : memref<128x512xf32, #tpu.memory_space<hbm>>)
          tpu.yield
        }) : () -> ()
      }
      %scan3A_62 = arith.constant 32 : i32
    } else {
    }
    %add3A_35 = arith.constant 64 : i32
    %add3A_36 = arith.addi %add3A, %add3A_35 : i32
    %lt3A_37 = arith.constant 73 : i32
    %lt3A_38 = arith.cmpi slt, %add3A_36, %lt3A_37 : i32
    %convert_element_type3A_39 = arith.extui %lt3A_38 : i1 to i32
    %cond3A_40 = arith.constant 0 : i32
    %cond3A_41 = arith.cmpi ne, %convert_element_type3A_39, %cond3A_40 : i32
    scf.if %cond3A_41 {
      %lt3A_47 = arith.constant 5 : i32
      %lt3A_48 = arith.cmpi slt, %add3A_36, %lt3A_47 : i32
      %jit3A = arith.constant 0 : i32
      %jit3A_49 = arith.constant 4 : i32
      %select_n3A = arith.select %lt3A_48, %jit3A, %jit3A_49 : i32
      %add3A_50 = arith.addi %add3A_36, %select_n3A : i32
      %scan3A_51 = arith.constant 0 : i32
      %scan3A_52 = arith.constant 0 : i32
      %scan3A_53 = arith.constant 128 : i32
      %scan3A_54 = arith.addi %scan3A_52, %scan3A_53 : i32
      %scan3A_55 = arith.constant 1 : i32
      scf.for %scan3A_63 = %scan3A_52 to %scan3A_54 step %scan3A_55  : i32 {
        %get3A = arith.constant 2 : i32
        %get3A_64 = arith.index_cast %get3A : i32 to index
        %get3A_65 = arith.constant 0 : index
        %get3A_66 = tpu.vector_load %arg11[%get3A_64, %get3A_65] {strides = array<i32>} : memref<3x512xf32, #tpu.memory_space<vmem>>, vector<1x16xf32>,
        %get3A_67 = vector.shape_cast %get3A_66 : vector<1x16xf32> to vector<16xf32>
        %swap3A = arith.index_cast %scan3A_63 : i32 to index
        %swap3A_68 = arith.constant 0 : index
        %swap3A_69 = tpu.vector_load %arg10[%swap3A, %swap3A_68] {strides = array<i32>} : memref<128x512xf32, #tpu.memory_space<vmem>>, vector<1x16xf32>,
        %swap3A_70 = vector.shape_cast %swap3A_69 : vector<1x16xf32> to vector<16xf32>
        %swap3A_71 = vector.shape_cast %get3A_67 : vector<16xf32> to vector<1x16xf32>
        tpu.vector_store %arg10[%swap3A, %swap3A_68], %swap3A_71 {strides = array<i32>} : memref<128x512xf32, #tpu.memory_space<vmem>>, vector<1x16xf32>,
        %get3A_72 = arith.constant 2 : i32
        %get3A_73 = arith.index_cast %get3A_72 : i32 to index
        %get3A_74 = arith.constant 16 : index
        %get3A_75 = tpu.vector_load %arg11[%get3A_73, %get3A_74] {strides = array<i32>} : memref<3x512xf32, #tpu.memory_space<vmem>>, vector<1x16xf32>,
        %get3A_76 = vector.shape_cast %get3A_75 : vector<1x16xf32> to vector<16xf32>
        %swap3A_77 = arith.index_cast %scan3A_63 : i32 to index
        %swap3A_78 = arith.constant 16 : index
        %swap3A_79 = tpu.vector_load %arg10[%swap3A_77, %swap3A_78] {strides = array<i32>} : memref<128x512xf32, #tpu.memory_space<vmem>>, vector<1x16xf32>,
        %swap3A_80 = vector.shape_cast %swap3A_79 : vector<1x16xf32> to vector<16xf32>
        %swap3A_81 = vector.shape_cast %get3A_76 : vector<16xf32> to vector<1x16xf32>
        tpu.vector_store %arg10[%swap3A_77, %swap3A_78], %swap3A_81 {strides = array<i32>} : memref<128x512xf32, #tpu.memory_space<vmem>>, vector<1x16xf32>,
        %get3A_82 = arith.constant 2 : i32
        %get3A_83 = arith.index_cast %get3A_82 : i32 to index
        %get3A_84 = arith.constant 32 : index
        %get3A_85 = tpu.vector_load %arg11[%get3A_83, %get3A_84] {strides = array<i32>} : memref<3x512xf32, #tpu.memory_space<vmem>>, vector<1x16xf32>,
        %get3A_86 = vector.shape_cast %get3A_85 : vector<1x16xf32> to vector<16xf32>
        %swap3A_87 = arith.index_cast %scan3A_63 : i32 to index
        %swap3A_88 = arith.constant 32 : index
        %swap3A_89 = tpu.vector_load %arg10[%swap3A_87, %swap3A_88] {strides = array<i32>} : memref<128x512xf32, #tpu.memory_space<vmem>>, vector<1x16xf32>,
        %swap3A_90 = vector.shape_cast %swap3A_89 : vector<1x16xf32> to vector<16xf32>
        %swap3A_91 = vector.shape_cast %get3A_86 : vector<16xf32> to vector<1x16xf32>
        tpu.vector_store %arg10[%swap3A_87, %swap3A_88], %swap3A_91 {strides = array<i32>} : memref<128x512xf32, #tpu.memory_space<vmem>>, vector<1x16xf32>,
        %get3A_92 = arith.constant 2 : i32
        %get3A_93 = arith.index_cast %get3A_92 : i32 to index
        %get3A_94 = arith.constant 48 : index
        %get3A_95 = tpu.vector_load %arg11[%get3A_93, %get3A_94] {strides = array<i32>} : memref<3x512xf32, #tpu.memory_space<vmem>>, vector<1x16xf32>,
        %get3A_96 = vector.shape_cast %get3A_95 : vector<1x16xf32> to vector<16xf32>
        %swap3A_97 = arith.index_cast %scan3A_63 : i32 to index
        %swap3A_98 = arith.constant 48 : index
        %swap3A_99 = tpu.vector_load %arg10[%swap3A_97, %swap3A_98] {strides = array<i32>} : memref<128x512xf32, #tpu.memory_space<vmem>>, vector<1x16xf32>,
        %swap3A_100 = vector.shape_cast %swap3A_99 : vector<1x16xf32> to vector<16xf32>
        %swap3A_101 = vector.shape_cast %get3A_96 : vector<16xf32> to vector<1x16xf32>
        tpu.vector_store %arg10[%swap3A_97, %swap3A_98], %swap3A_101 {strides = array<i32>} : memref<128x512xf32, #tpu.memory_space<vmem>>, vector<1x16xf32>,
        %get3A_102 = arith.constant 2 : i32
        %get3A_103 = arith.index_cast %get3A_102 : i32 to index
        %get3A_104 = arith.constant 64 : index
        %get3A_105 = tpu.vector_load %arg11[%get3A_103, %get3A_104] {strides = array<i32>} : memref<3x512xf32, #tpu.memory_space<vmem>>, vector<1x16xf32>,
        %get3A_106 = vector.shape_cast %get3A_105 : vector<1x16xf32> to vector<16xf32>
        %swap3A_107 = arith.index_cast %scan3A_63 : i32 to index
        %swap3A_108 = arith.constant 64 : index
        %swap3A_109 = tpu.vector_load %arg10[%swap3A_107, %swap3A_108] {strides = array<i32>} : memref<128x512xf32, #tpu.memory_space<vmem>>, vector<1x16xf32>,
        %swap3A_110 = vector.shape_cast %swap3A_109 : vector<1x16xf32> to vector<16xf32>
        %swap3A_111 = vector.shape_cast %get3A_106 : vector<16xf32> to vector<1x16xf32>
        tpu.vector_store %arg10[%swap3A_107, %swap3A_108], %swap3A_111 {strides = array<i32>} : memref<128x512xf32, #tpu.memory_space<vmem>>, vector<1x16xf32>,
        %get3A_112 = arith.constant 2 : i32
        %get3A_113 = arith.index_cast %get3A_112 : i32 to index
        %get3A_114 = arith.constant 80 : index
        %get3A_115 = tpu.vector_load %arg11[%get3A_113, %get3A_114] {strides = array<i32>} : memref<3x512xf32, #tpu.memory_space<vmem>>, vector<1x16xf32>,
        %get3A_116 = vector.shape_cast %get3A_115 : vector<1x16xf32> to vector<16xf32>
        %swap3A_117 = arith.index_cast %scan3A_63 : i32 to index
        %swap3A_118 = arith.constant 80 : index
        %swap3A_119 = tpu.vector_load %arg10[%swap3A_117, %swap3A_118] {strides = array<i32>} : memref<128x512xf32, #tpu.memory_space<vmem>>, vector<1x16xf32>,
        %swap3A_120 = vector.shape_cast %swap3A_119 : vector<1x16xf32> to vector<16xf32>
        %swap3A_121 = vector.shape_cast %get3A_116 : vector<16xf32> to vector<1x16xf32>
        tpu.vector_store %arg10[%swap3A_117, %swap3A_118], %swap3A_121 {strides = array<i32>} : memref<128x512xf32, #tpu.memory_space<vmem>>, vector<1x16xf32>,
        %get3A_122 = arith.constant 2 : i32
        %get3A_123 = arith.index_cast %get3A_122 : i32 to index
        %get3A_124 = arith.constant 96 : index
        %get3A_125 = tpu.vector_load %arg11[%get3A_123, %get3A_124] {strides = array<i32>} : memref<3x512xf32, #tpu.memory_space<vmem>>, vector<1x16xf32>,
        %get3A_126 = vector.shape_cast %get3A_125 : vector<1x16xf32> to vector<16xf32>
        %swap3A_127 = arith.index_cast %scan3A_63 : i32 to index
        %swap3A_128 = arith.constant 96 : index
        %swap3A_129 = tpu.vector_load %arg10[%swap3A_127, %swap3A_128] {strides = array<i32>} : memref<128x512xf32, #tpu.memory_space<vmem>>, vector<1x16xf32>,
        %swap3A_130 = vector.shape_cast %swap3A_129 : vector<1x16xf32> to vector<16xf32>
        %swap3A_131 = vector.shape_cast %get3A_126 : vector<16xf32> to vector<1x16xf32>
        tpu.vector_store %arg10[%swap3A_127, %swap3A_128], %swap3A_131 {strides = array<i32>} : memref<128x512xf32, #tpu.memory_space<vmem>>, vector<1x16xf32>,
        %get3A_132 = arith.constant 2 : i32
        %get3A_133 = arith.index_cast %get3A_132 : i32 to index
        %get3A_134 = arith.constant 112 : index
        %get3A_135 = tpu.vector_load %arg11[%get3A_133, %get3A_134] {strides = array<i32>} : memref<3x512xf32, #tpu.memory_space<vmem>>, vector<1x16xf32>,
        %get3A_136 = vector.shape_cast %get3A_135 : vector<1x16xf32> to vector<16xf32>
        %swap3A_137 = arith.index_cast %scan3A_63 : i32 to index
        %swap3A_138 = arith.constant 112 : index
        %swap3A_139 = tpu.vector_load %arg10[%swap3A_137, %swap3A_138] {strides = array<i32>} : memref<128x512xf32, #tpu.memory_space<vmem>>, vector<1x16xf32>,
        %swap3A_140 = vector.shape_cast %swap3A_139 : vector<1x16xf32> to vector<16xf32>
        %swap3A_141 = vector.shape_cast %get3A_136 : vector<16xf32> to vector<1x16xf32>
        tpu.vector_store %arg10[%swap3A_137, %swap3A_138], %swap3A_141 {strides = array<i32>} : memref<128x512xf32, #tpu.memory_space<vmem>>, vector<1x16xf32>,
        %get3A_142 = arith.constant 2 : i32
        %get3A_143 = arith.index_cast %get3A_142 : i32 to index
        %get3A_144 = arith.constant 128 : index
        %get3A_145 = tpu.vector_load %arg11[%get3A_143, %get3A_144] {strides = array<i32>} : memref<3x512xf32, #tpu.memory_space<vmem>>, vector<1x16xf32>,
        %get3A_146 = vector.shape_cast %get3A_145 : vector<1x16xf32> to vector<16xf32>
        %swap3A_147 = arith.index_cast %scan3A_63 : i32 to index
        %swap3A_148 = arith.constant 128 : index
        %swap3A_149 = tpu.vector_load %arg10[%swap3A_147, %swap3A_148] {strides = array<i32>} : memref<128x512xf32, #tpu.memory_space<vmem>>, vector<1x16xf32>,
        %swap3A_150 = vector.shape_cast %swap3A_149 : vector<1x16xf32> to vector<16xf32>
        %swap3A_151 = vector.shape_cast %get3A_146 : vector<16xf32> to vector<1x16xf32>
        tpu.vector_store %arg10[%swap3A_147, %swap3A_148], %swap3A_151 {strides = array<i32>} : memref<128x512xf32, #tpu.memory_space<vmem>>, vector<1x16xf32>,
        %get3A_152 = arith.constant 2 : i32
        %get3A_153 = arith.index_cast %get3A_152 : i32 to index
        %get3A_154 = arith.constant 144 : index
        %get3A_155 = tpu.vector_load %arg11[%get3A_153, %get3A_154] {strides = array<i32>} : memref<3x512xf32, #tpu.memory_space<vmem>>, vector<1x16xf32>,
        %get3A_156 = vector.shape_cast %get3A_155 : vector<1x16xf32> to vector<16xf32>
        %swap3A_157 = arith.index_cast %scan3A_63 : i32 to index
        %swap3A_158 = arith.constant 144 : index
        %swap3A_159 = tpu.vector_load %arg10[%swap3A_157, %swap3A_158] {strides = array<i32>} : memref<128x512xf32, #tpu.memory_space<vmem>>, vector<1x16xf32>,
        %swap3A_160 = vector.shape_cast %swap3A_159 : vector<1x16xf32> to vector<16xf32>
        %swap3A_161 = vector.shape_cast %get3A_156 : vector<16xf32> to vector<1x16xf32>
        tpu.vector_store %arg10[%swap3A_157, %swap3A_158], %swap3A_161 {strides = array<i32>} : memref<128x512xf32, #tpu.memory_space<vmem>>, vector<1x16xf32>,
        %get3A_162 = arith.constant 2 : i32
        %get3A_163 = arith.index_cast %get3A_162 : i32 to index
        %get3A_164 = arith.constant 160 : index
        %get3A_165 = tpu.vector_load %arg11[%get3A_163, %get3A_164] {strides = array<i32>} : memref<3x512xf32, #tpu.memory_space<vmem>>, vector<1x16xf32>,
        %get3A_166 = vector.shape_cast %get3A_165 : vector<1x16xf32> to vector<16xf32>
        %swap3A_167 = arith.index_cast %scan3A_63 : i32 to index
        %swap3A_168 = arith.constant 160 : index
        %swap3A_169 = tpu.vector_load %arg10[%swap3A_167, %swap3A_168] {strides = array<i32>} : memref<128x512xf32, #tpu.memory_space<vmem>>, vector<1x16xf32>,
        %swap3A_170 = vector.shape_cast %swap3A_169 : vector<1x16xf32> to vector<16xf32>
        %swap3A_171 = vector.shape_cast %get3A_166 : vector<16xf32> to vector<1x16xf32>
        tpu.vector_store %arg10[%swap3A_167, %swap3A_168], %swap3A_171 {strides = array<i32>} : memref<128x512xf32, #tpu.memory_space<vmem>>, vector<1x16xf32>,
        %get3A_172 = arith.constant 2 : i32
        %get3A_173 = arith.index_cast %get3A_172 : i32 to index
        %get3A_174 = arith.constant 176 : index
        %get3A_175 = tpu.vector_load %arg11[%get3A_173, %get3A_174] {strides = array<i32>} : memref<3x512xf32, #tpu.memory_space<vmem>>, vector<1x16xf32>,
        %get3A_176 = vector.shape_cast %get3A_175 : vector<1x16xf32> to vector<16xf32>
        %swap3A_177 = arith.index_cast %scan3A_63 : i32 to index
        %swap3A_178 = arith.constant 176 : index
        %swap3A_179 = tpu.vector_load %arg10[%swap3A_177, %swap3A_178] {strides = array<i32>} : memref<128x512xf32, #tpu.memory_space<vmem>>, vector<1x16xf32>,
        %swap3A_180 = vector.shape_cast %swap3A_179 : vector<1x16xf32> to vector<16xf32>
        %swap3A_181 = vector.shape_cast %get3A_176 : vector<16xf32> to vector<1x16xf32>
        tpu.vector_store %arg10[%swap3A_177, %swap3A_178], %swap3A_181 {strides = array<i32>} : memref<128x512xf32, #tpu.memory_space<vmem>>, vector<1x16xf32>,
        %get3A_182 = arith.constant 2 : i32
        %get3A_183 = arith.index_cast %get3A_182 : i32 to index
        %get3A_184 = arith.constant 192 : index
        %get3A_185 = tpu.vector_load %arg11[%get3A_183, %get3A_184] {strides = array<i32>} : memref<3x512xf32, #tpu.memory_space<vmem>>, vector<1x16xf32>,
        %get3A_186 = vector.shape_cast %get3A_185 : vector<1x16xf32> to vector<16xf32>
        %swap3A_187 = arith.index_cast %scan3A_63 : i32 to index
        %swap3A_188 = arith.constant 192 : index
        %swap3A_189 = tpu.vector_load %arg10[%swap3A_187, %swap3A_188] {strides = array<i32>} : memref<128x512xf32, #tpu.memory_space<vmem>>, vector<1x16xf32>,
        %swap3A_190 = vector.shape_cast %swap3A_189 : vector<1x16xf32> to vector<16xf32>
        %swap3A_191 = vector.shape_cast %get3A_186 : vector<16xf32> to vector<1x16xf32>
        tpu.vector_store %arg10[%swap3A_187, %swap3A_188], %swap3A_191 {strides = array<i32>} : memref<128x512xf32, #tpu.memory_space<vmem>>, vector<1x16xf32>,
        %get3A_192 = arith.constant 2 : i32
        %get3A_193 = arith.index_cast %get3A_192 : i32 to index
        %get3A_194 = arith.constant 208 : index
        %get3A_195 = tpu.vector_load %arg11[%get3A_193, %get3A_194] {strides = array<i32>} : memref<3x512xf32, #tpu.memory_space<vmem>>, vector<1x16xf32>,
        %get3A_196 = vector.shape_cast %get3A_195 : vector<1x16xf32> to vector<16xf32>
        %swap3A_197 = arith.index_cast %scan3A_63 : i32 to index
        %swap3A_198 = arith.constant 208 : index
        %swap3A_199 = tpu.vector_load %arg10[%swap3A_197, %swap3A_198] {strides = array<i32>} : memref<128x512xf32, #tpu.memory_space<vmem>>, vector<1x16xf32>,
        %swap3A_200 = vector.shape_cast %swap3A_199 : vector<1x16xf32> to vector<16xf32>
        %swap3A_201 = vector.shape_cast %get3A_196 : vector<16xf32> to vector<1x16xf32>
        tpu.vector_store %arg10[%swap3A_197, %swap3A_198], %swap3A_201 {strides = array<i32>} : memref<128x512xf32, #tpu.memory_space<vmem>>, vector<1x16xf32>,
        %get3A_202 = arith.constant 2 : i32
        %get3A_203 = arith.index_cast %get3A_202 : i32 to index
        %get3A_204 = arith.constant 224 : index
        %get3A_205 = tpu.vector_load %arg11[%get3A_203, %get3A_204] {strides = array<i32>} : memref<3x512xf32, #tpu.memory_space<vmem>>, vector<1x16xf32>,
        %get3A_206 = vector.shape_cast %get3A_205 : vector<1x16xf32> to vector<16xf32>
        %swap3A_207 = arith.index_cast %scan3A_63 : i32 to index
        %swap3A_208 = arith.constant 224 : index
        %swap3A_209 = tpu.vector_load %arg10[%swap3A_207, %swap3A_208] {strides = array<i32>} : memref<128x512xf32, #tpu.memory_space<vmem>>, vector<1x16xf32>,
        %swap3A_210 = vector.shape_cast %swap3A_209 : vector<1x16xf32> to vector<16xf32>
        %swap3A_211 = vector.shape_cast %get3A_206 : vector<16xf32> to vector<1x16xf32>
        tpu.vector_store %arg10[%swap3A_207, %swap3A_208], %swap3A_211 {strides = array<i32>} : memref<128x512xf32, #tpu.memory_space<vmem>>, vector<1x16xf32>,
        %get3A_212 = arith.constant 2 : i32
        %get3A_213 = arith.index_cast %get3A_212 : i32 to index
        %get3A_214 = arith.constant 240 : index
        %get3A_215 = tpu.vector_load %arg11[%get3A_213, %get3A_214] {strides = array<i32>} : memref<3x512xf32, #tpu.memory_space<vmem>>, vector<1x16xf32>,
        %get3A_216 = vector.shape_cast %get3A_215 : vector<1x16xf32> to vector<16xf32>
        %swap3A_217 = arith.index_cast %scan3A_63 : i32 to index
        %swap3A_218 = arith.constant 240 : index
        %swap3A_219 = tpu.vector_load %arg10[%swap3A_217, %swap3A_218] {strides = array<i32>} : memref<128x512xf32, #tpu.memory_space<vmem>>, vector<1x16xf32>,
        %swap3A_220 = vector.shape_cast %swap3A_219 : vector<1x16xf32> to vector<16xf32>
        %swap3A_221 = vector.shape_cast %get3A_216 : vector<16xf32> to vector<1x16xf32>
        tpu.vector_store %arg10[%swap3A_217, %swap3A_218], %swap3A_221 {strides = array<i32>} : memref<128x512xf32, #tpu.memory_space<vmem>>, vector<1x16xf32>,
        %get3A_222 = arith.constant 2 : i32
        %get3A_223 = arith.index_cast %get3A_222 : i32 to index
        %get3A_224 = arith.constant 256 : index
        %get3A_225 = tpu.vector_load %arg11[%get3A_223, %get3A_224] {strides = array<i32>} : memref<3x512xf32, #tpu.memory_space<vmem>>, vector<1x16xf32>,
        %get3A_226 = vector.shape_cast %get3A_225 : vector<1x16xf32> to vector<16xf32>
        %swap3A_227 = arith.index_cast %scan3A_63 : i32 to index
        %swap3A_228 = arith.constant 256 : index
        %swap3A_229 = tpu.vector_load %arg10[%swap3A_227, %swap3A_228] {strides = array<i32>} : memref<128x512xf32, #tpu.memory_space<vmem>>, vector<1x16xf32>,
        %swap3A_230 = vector.shape_cast %swap3A_229 : vector<1x16xf32> to vector<16xf32>
        %swap3A_231 = vector.shape_cast %get3A_226 : vector<16xf32> to vector<1x16xf32>
        tpu.vector_store %arg10[%swap3A_227, %swap3A_228], %swap3A_231 {strides = array<i32>} : memref<128x512xf32, #tpu.memory_space<vmem>>, vector<1x16xf32>,
        %get3A_232 = arith.constant 2 : i32
        %get3A_233 = arith.index_cast %get3A_232 : i32 to index
        %get3A_234 = arith.constant 272 : index
        %get3A_235 = tpu.vector_load %arg11[%get3A_233, %get3A_234] {strides = array<i32>} : memref<3x512xf32, #tpu.memory_space<vmem>>, vector<1x16xf32>,
        %get3A_236 = vector.shape_cast %get3A_235 : vector<1x16xf32> to vector<16xf32>
        %swap3A_237 = arith.index_cast %scan3A_63 : i32 to index
        %swap3A_238 = arith.constant 272 : index
        %swap3A_239 = tpu.vector_load %arg10[%swap3A_237, %swap3A_238] {strides = array<i32>} : memref<128x512xf32, #tpu.memory_space<vmem>>, vector<1x16xf32>,
        %swap3A_240 = vector.shape_cast %swap3A_239 : vector<1x16xf32> to vector<16xf32>
        %swap3A_241 = vector.shape_cast %get3A_236 : vector<16xf32> to vector<1x16xf32>
        tpu.vector_store %arg10[%swap3A_237, %swap3A_238], %swap3A_241 {strides = array<i32>} : memref<128x512xf32, #tpu.memory_space<vmem>>, vector<1x16xf32>,
        %get3A_242 = arith.constant 2 : i32
        %get3A_243 = arith.index_cast %get3A_242 : i32 to index
        %get3A_244 = arith.constant 288 : index
        %get3A_245 = tpu.vector_load %arg11[%get3A_243, %get3A_244] {strides = array<i32>} : memref<3x512xf32, #tpu.memory_space<vmem>>, vector<1x16xf32>,
        %get3A_246 = vector.shape_cast %get3A_245 : vector<1x16xf32> to vector<16xf32>
        %swap3A_247 = arith.index_cast %scan3A_63 : i32 to index
        %swap3A_248 = arith.constant 288 : index
        %swap3A_249 = tpu.vector_load %arg10[%swap3A_247, %swap3A_248] {strides = array<i32>} : memref<128x512xf32, #tpu.memory_space<vmem>>, vector<1x16xf32>,
        %swap3A_250 = vector.shape_cast %swap3A_249 : vector<1x16xf32> to vector<16xf32>
        %swap3A_251 = vector.shape_cast %get3A_246 : vector<16xf32> to vector<1x16xf32>
        tpu.vector_store %arg10[%swap3A_247, %swap3A_248], %swap3A_251 {strides = array<i32>} : memref<128x512xf32, #tpu.memory_space<vmem>>, vector<1x16xf32>,
        %get3A_252 = arith.constant 2 : i32
        %get3A_253 = arith.index_cast %get3A_252 : i32 to index
        %get3A_254 = arith.constant 304 : index
        %get3A_255 = tpu.vector_load %arg11[%get3A_253, %get3A_254] {strides = array<i32>} : memref<3x512xf32, #tpu.memory_space<vmem>>, vector<1x16xf32>,
        %get3A_256 = vector.shape_cast %get3A_255 : vector<1x16xf32> to vector<16xf32>
        %swap3A_257 = arith.index_cast %scan3A_63 : i32 to index
        %swap3A_258 = arith.constant 304 : index
        %swap3A_259 = tpu.vector_load %arg10[%swap3A_257, %swap3A_258] {strides = array<i32>} : memref<128x512xf32, #tpu.memory_space<vmem>>, vector<1x16xf32>,
        %swap3A_260 = vector.shape_cast %swap3A_259 : vector<1x16xf32> to vector<16xf32>
        %swap3A_261 = vector.shape_cast %get3A_256 : vector<16xf32> to vector<1x16xf32>
        tpu.vector_store %arg10[%swap3A_257, %swap3A_258], %swap3A_261 {strides = array<i32>} : memref<128x512xf32, #tpu.memory_space<vmem>>, vector<1x16xf32>,
        %get3A_262 = arith.constant 2 : i32
        %get3A_263 = arith.index_cast %get3A_262 : i32 to index
        %get3A_264 = arith.constant 320 : index
        %get3A_265 = tpu.vector_load %arg11[%get3A_263, %get3A_264] {strides = array<i32>} : memref<3x512xf32, #tpu.memory_space<vmem>>, vector<1x16xf32>,
        %get3A_266 = vector.shape_cast %get3A_265 : vector<1x16xf32> to vector<16xf32>
        %swap3A_267 = arith.index_cast %scan3A_63 : i32 to index
        %swap3A_268 = arith.constant 320 : index
        %swap3A_269 = tpu.vector_load %arg10[%swap3A_267, %swap3A_268] {strides = array<i32>} : memref<128x512xf32, #tpu.memory_space<vmem>>, vector<1x16xf32>,
        %swap3A_270 = vector.shape_cast %swap3A_269 : vector<1x16xf32> to vector<16xf32>
        %swap3A_271 = vector.shape_cast %get3A_266 : vector<16xf32> to vector<1x16xf32>
        tpu.vector_store %arg10[%swap3A_267, %swap3A_268], %swap3A_271 {strides = array<i32>} : memref<128x512xf32, #tpu.memory_space<vmem>>, vector<1x16xf32>,
        %get3A_272 = arith.constant 2 : i32
        %get3A_273 = arith.index_cast %get3A_272 : i32 to index
        %get3A_274 = arith.constant 336 : index
        %get3A_275 = tpu.vector_load %arg11[%get3A_273, %get3A_274] {strides = array<i32>} : memref<3x512xf32, #tpu.memory_space<vmem>>, vector<1x16xf32>,
        %get3A_276 = vector.shape_cast %get3A_275 : vector<1x16xf32> to vector<16xf32>
        %swap3A_277 = arith.index_cast %scan3A_63 : i32 to index
        %swap3A_278 = arith.constant 336 : index
        %swap3A_279 = tpu.vector_load %arg10[%swap3A_277, %swap3A_278] {strides = array<i32>} : memref<128x512xf32, #tpu.memory_space<vmem>>, vector<1x16xf32>,
        %swap3A_280 = vector.shape_cast %swap3A_279 : vector<1x16xf32> to vector<16xf32>
        %swap3A_281 = vector.shape_cast %get3A_276 : vector<16xf32> to vector<1x16xf32>
        tpu.vector_store %arg10[%swap3A_277, %swap3A_278], %swap3A_281 {strides = array<i32>} : memref<128x512xf32, #tpu.memory_space<vmem>>, vector<1x16xf32>,
        %get3A_282 = arith.constant 2 : i32
        %get3A_283 = arith.index_cast %get3A_282 : i32 to index
        %get3A_284 = arith.constant 352 : index
        %get3A_285 = tpu.vector_load %arg11[%get3A_283, %get3A_284] {strides = array<i32>} : memref<3x512xf32, #tpu.memory_space<vmem>>, vector<1x16xf32>,
        %get3A_286 = vector.shape_cast %get3A_285 : vector<1x16xf32> to vector<16xf32>
        %swap3A_287 = arith.index_cast %scan3A_63 : i32 to index
        %swap3A_288 = arith.constant 352 : index
        %swap3A_289 = tpu.vector_load %arg10[%swap3A_287, %swap3A_288] {strides = array<i32>} : memref<128x512xf32, #tpu.memory_space<vmem>>, vector<1x16xf32>,
        %swap3A_290 = vector.shape_cast %swap3A_289 : vector<1x16xf32> to vector<16xf32>
        %swap3A_291 = vector.shape_cast %get3A_286 : vector<16xf32> to vector<1x16xf32>
        tpu.vector_store %arg10[%swap3A_287, %swap3A_288], %swap3A_291 {strides = array<i32>} : memref<128x512xf32, #tpu.memory_space<vmem>>, vector<1x16xf32>,
        %get3A_292 = arith.constant 2 : i32
        %get3A_293 = arith.index_cast %get3A_292 : i32 to index
        %get3A_294 = arith.constant 368 : index
        %get3A_295 = tpu.vector_load %arg11[%get3A_293, %get3A_294] {strides = array<i32>} : memref<3x512xf32, #tpu.memory_space<vmem>>, vector<1x16xf32>,
        %get3A_296 = vector.shape_cast %get3A_295 : vector<1x16xf32> to vector<16xf32>
        %swap3A_297 = arith.index_cast %scan3A_63 : i32 to index
        %swap3A_298 = arith.constant 368 : index
        %swap3A_299 = tpu.vector_load %arg10[%swap3A_297, %swap3A_298] {strides = array<i32>} : memref<128x512xf32, #tpu.memory_space<vmem>>, vector<1x16xf32>,
        %swap3A_300 = vector.shape_cast %swap3A_299 : vector<1x16xf32> to vector<16xf32>
        %swap3A_301 = vector.shape_cast %get3A_296 : vector<16xf32> to vector<1x16xf32>
        tpu.vector_store %arg10[%swap3A_297, %swap3A_298], %swap3A_301 {strides = array<i32>} : memref<128x512xf32, #tpu.memory_space<vmem>>, vector<1x16xf32>,
        %get3A_302 = arith.constant 2 : i32
        %get3A_303 = arith.index_cast %get3A_302 : i32 to index
        %get3A_304 = arith.constant 384 : index
        %get3A_305 = tpu.vector_load %arg11[%get3A_303, %get3A_304] {strides = array<i32>} : memref<3x512xf32, #tpu.memory_space<vmem>>, vector<1x16xf32>,
        %get3A_306 = vector.shape_cast %get3A_305 : vector<1x16xf32> to vector<16xf32>
        %swap3A_307 = arith.index_cast %scan3A_63 : i32 to index
        %swap3A_308 = arith.constant 384 : index
        %swap3A_309 = tpu.vector_load %arg10[%swap3A_307, %swap3A_308] {strides = array<i32>} : memref<128x512xf32, #tpu.memory_space<vmem>>, vector<1x16xf32>,
        %swap3A_310 = vector.shape_cast %swap3A_309 : vector<1x16xf32> to vector<16xf32>
        %swap3A_311 = vector.shape_cast %get3A_306 : vector<16xf32> to vector<1x16xf32>
        tpu.vector_store %arg10[%swap3A_307, %swap3A_308], %swap3A_311 {strides = array<i32>} : memref<128x512xf32, #tpu.memory_space<vmem>>, vector<1x16xf32>,
        %get3A_312 = arith.constant 2 : i32
        %get3A_313 = arith.index_cast %get3A_312 : i32 to index
        %get3A_314 = arith.constant 400 : index
        %get3A_315 = tpu.vector_load %arg11[%get3A_313, %get3A_314] {strides = array<i32>} : memref<3x512xf32, #tpu.memory_space<vmem>>, vector<1x16xf32>,
        %get3A_316 = vector.shape_cast %get3A_315 : vector<1x16xf32> to vector<16xf32>
        %swap3A_317 = arith.index_cast %scan3A_63 : i32 to index
        %swap3A_318 = arith.constant 400 : index
        %swap3A_319 = tpu.vector_load %arg10[%swap3A_317, %swap3A_318] {strides = array<i32>} : memref<128x512xf32, #tpu.memory_space<vmem>>, vector<1x16xf32>,
        %swap3A_320 = vector.shape_cast %swap3A_319 : vector<1x16xf32> to vector<16xf32>
        %swap3A_321 = vector.shape_cast %get3A_316 : vector<16xf32> to vector<1x16xf32>
        tpu.vector_store %arg10[%swap3A_317, %swap3A_318], %swap3A_321 {strides = array<i32>} : memref<128x512xf32, #tpu.memory_space<vmem>>, vector<1x16xf32>,
        %get3A_322 = arith.constant 2 : i32
        %get3A_323 = arith.index_cast %get3A_322 : i32 to index
        %get3A_324 = arith.constant 416 : index
        %get3A_325 = tpu.vector_load %arg11[%get3A_323, %get3A_324] {strides = array<i32>} : memref<3x512xf32, #tpu.memory_space<vmem>>, vector<1x16xf32>,
        %get3A_326 = vector.shape_cast %get3A_325 : vector<1x16xf32> to vector<16xf32>
        %swap3A_327 = arith.index_cast %scan3A_63 : i32 to index
        %swap3A_328 = arith.constant 416 : index
        %swap3A_329 = tpu.vector_load %arg10[%swap3A_327, %swap3A_328] {strides = array<i32>} : memref<128x512xf32, #tpu.memory_space<vmem>>, vector<1x16xf32>,
        %swap3A_330 = vector.shape_cast %swap3A_329 : vector<1x16xf32> to vector<16xf32>
        %swap3A_331 = vector.shape_cast %get3A_326 : vector<16xf32> to vector<1x16xf32>
        tpu.vector_store %arg10[%swap3A_327, %swap3A_328], %swap3A_331 {strides = array<i32>} : memref<128x512xf32, #tpu.memory_space<vmem>>, vector<1x16xf32>,
        %get3A_332 = arith.constant 2 : i32
        %get3A_333 = arith.index_cast %get3A_332 : i32 to index
        %get3A_334 = arith.constant 432 : index
        %get3A_335 = tpu.vector_load %arg11[%get3A_333, %get3A_334] {strides = array<i32>} : memref<3x512xf32, #tpu.memory_space<vmem>>, vector<1x16xf32>,
        %get3A_336 = vector.shape_cast %get3A_335 : vector<1x16xf32> to vector<16xf32>
        %swap3A_337 = arith.index_cast %scan3A_63 : i32 to index
        %swap3A_338 = arith.constant 432 : index
        %swap3A_339 = tpu.vector_load %arg10[%swap3A_337, %swap3A_338] {strides = array<i32>} : memref<128x512xf32, #tpu.memory_space<vmem>>, vector<1x16xf32>,
        %swap3A_340 = vector.shape_cast %swap3A_339 : vector<1x16xf32> to vector<16xf32>
        %swap3A_341 = vector.shape_cast %get3A_336 : vector<16xf32> to vector<1x16xf32>
        tpu.vector_store %arg10[%swap3A_337, %swap3A_338], %swap3A_341 {strides = array<i32>} : memref<128x512xf32, #tpu.memory_space<vmem>>, vector<1x16xf32>,
        %get3A_342 = arith.constant 2 : i32
        %get3A_343 = arith.index_cast %get3A_342 : i32 to index
        %get3A_344 = arith.constant 448 : index
        %get3A_345 = tpu.vector_load %arg11[%get3A_343, %get3A_344] {strides = array<i32>} : memref<3x512xf32, #tpu.memory_space<vmem>>, vector<1x16xf32>,
        %get3A_346 = vector.shape_cast %get3A_345 : vector<1x16xf32> to vector<16xf32>
        %swap3A_347 = arith.index_cast %scan3A_63 : i32 to index
        %swap3A_348 = arith.constant 448 : index
        %swap3A_349 = tpu.vector_load %arg10[%swap3A_347, %swap3A_348] {strides = array<i32>} : memref<128x512xf32, #tpu.memory_space<vmem>>, vector<1x16xf32>,
        %swap3A_350 = vector.shape_cast %swap3A_349 : vector<1x16xf32> to vector<16xf32>
        %swap3A_351 = vector.shape_cast %get3A_346 : vector<16xf32> to vector<1x16xf32>
        tpu.vector_store %arg10[%swap3A_347, %swap3A_348], %swap3A_351 {strides = array<i32>} : memref<128x512xf32, #tpu.memory_space<vmem>>, vector<1x16xf32>,
        %get3A_352 = arith.constant 2 : i32
        %get3A_353 = arith.index_cast %get3A_352 : i32 to index
        %get3A_354 = arith.constant 464 : index
        %get3A_355 = tpu.vector_load %arg11[%get3A_353, %get3A_354] {strides = array<i32>} : memref<3x512xf32, #tpu.memory_space<vmem>>, vector<1x16xf32>,
        %get3A_356 = vector.shape_cast %get3A_355 : vector<1x16xf32> to vector<16xf32>
        %swap3A_357 = arith.index_cast %scan3A_63 : i32 to index
        %swap3A_358 = arith.constant 464 : index
        %swap3A_359 = tpu.vector_load %arg10[%swap3A_357, %swap3A_358] {strides = array<i32>} : memref<128x512xf32, #tpu.memory_space<vmem>>, vector<1x16xf32>,
        %swap3A_360 = vector.shape_cast %swap3A_359 : vector<1x16xf32> to vector<16xf32>
        %swap3A_361 = vector.shape_cast %get3A_356 : vector<16xf32> to vector<1x16xf32>
        tpu.vector_store %arg10[%swap3A_357, %swap3A_358], %swap3A_361 {strides = array<i32>} : memref<128x512xf32, #tpu.memory_space<vmem>>, vector<1x16xf32>,
        %get3A_362 = arith.constant 2 : i32
        %get3A_363 = arith.index_cast %get3A_362 : i32 to index
        %get3A_364 = arith.constant 480 : index
        %get3A_365 = tpu.vector_load %arg11[%get3A_363, %get3A_364] {strides = array<i32>} : memref<3x512xf32, #tpu.memory_space<vmem>>, vector<1x16xf32>,
        %get3A_366 = vector.shape_cast %get3A_365 : vector<1x16xf32> to vector<16xf32>
        %swap3A_367 = arith.index_cast %scan3A_63 : i32 to index
        %swap3A_368 = arith.constant 480 : index
        %swap3A_369 = tpu.vector_load %arg10[%swap3A_367, %swap3A_368] {strides = array<i32>} : memref<128x512xf32, #tpu.memory_space<vmem>>, vector<1x16xf32>,
        %swap3A_370 = vector.shape_cast %swap3A_369 : vector<1x16xf32> to vector<16xf32>
        %swap3A_371 = vector.shape_cast %get3A_366 : vector<16xf32> to vector<1x16xf32>
        tpu.vector_store %arg10[%swap3A_367, %swap3A_368], %swap3A_371 {strides = array<i32>} : memref<128x512xf32, #tpu.memory_space<vmem>>, vector<1x16xf32>,
        %get3A_372 = arith.constant 2 : i32
        %get3A_373 = arith.index_cast %get3A_372 : i32 to index
        %get3A_374 = arith.constant 496 : index
        %get3A_375 = tpu.vector_load %arg11[%get3A_373, %get3A_374] {strides = array<i32>} : memref<3x512xf32, #tpu.memory_space<vmem>>, vector<1x16xf32>,
        %get3A_376 = vector.shape_cast %get3A_375 : vector<1x16xf32> to vector<16xf32>
        %swap3A_377 = arith.index_cast %scan3A_63 : i32 to index
        %swap3A_378 = arith.constant 496 : index
        %swap3A_379 = tpu.vector_load %arg10[%swap3A_377, %swap3A_378] {strides = array<i32>} : memref<128x512xf32, #tpu.memory_space<vmem>>, vector<1x16xf32>,
        %swap3A_380 = vector.shape_cast %swap3A_379 : vector<1x16xf32> to vector<16xf32>
        %swap3A_381 = vector.shape_cast %get3A_376 : vector<16xf32> to vector<1x16xf32>
        tpu.vector_store %arg10[%swap3A_377, %swap3A_378], %swap3A_381 {strides = array<i32>} : memref<128x512xf32, #tpu.memory_space<vmem>>, vector<1x16xf32>,
      }
      %scan3A_56 = arith.constant 128 : i32
      %scan3A_57 = arith.constant 0 : i32
      %scan3A_58 = arith.constant 0 : i32
      %scan3A_59 = arith.constant 32 : i32
      %scan3A_60 = arith.addi %scan3A_58, %scan3A_59 : i32
      %scan3A_61 = arith.constant 1 : i32
      scf.for %scan3A_63 = %scan3A_58 to %scan3A_60 step %scan3A_61  : i32 {
        %mul3A_64 = arith.constant 128 : i32
        %mul3A_65 = arith.muli %scan3A_63, %mul3A_64 : i32
        "tpu.region"() ({
          %run_scoped3A = tpu.sem_alloc : memref<!tpu.dma_semaphore, #tpu.memory_space<semaphore_mem>>
          %dma_start3A = arith.constant 0 : i32
          %dma_start3A_66 = tpu.memref_slice %arg5[%add3A_50, %mul3A_65, %dma_start3A] : memref<77x4096x512xf32, #tpu.memory_space<hbm>> -> memref<1x128x512xf32, #tpu.memory_space<hbm>>
          %dma_start3A_67 = tpu.memref_squeeze %dma_start3A_66 : memref<1x128x512xf32, #tpu.memory_space<hbm>> -> memref<128x512xf32, #tpu.memory_space<hbm>>
          %dma_start3A_68 = arith.constant 0 : i32
          %dma_start3A_69 = tpu.memref_slice %arg5[%add3A_50, %mul3A_65, %dma_start3A_68] : memref<77x4096x512xf32, #tpu.memory_space<hbm>> -> memref<1x128x512xf32, #tpu.memory_space<hbm>>
          %dma_start3A_70 = tpu.memref_squeeze %dma_start3A_69 : memref<1x128x512xf32, #tpu.memory_space<hbm>> -> memref<128x512xf32, #tpu.memory_space<hbm>>
          tpu.enqueue_dma source(%arg10 : memref<128x512xf32, #tpu.memory_space<vmem>>) target(%dma_start3A_70 : memref<128x512xf32, #tpu.memory_space<hbm>>) target_semaphore(%run_scoped3A : memref<!tpu.dma_semaphore, #tpu.memory_space<semaphore_mem>>)
          %dma_wait3A = arith.constant 0 : i32
          %dma_wait3A_71 = tpu.memref_slice %arg5[%add3A_50, %mul3A_65, %dma_wait3A] : memref<77x4096x512xf32, #tpu.memory_space<hbm>> -> memref<1x128x512xf32, #tpu.memory_space<hbm>>
          %dma_wait3A_72 = tpu.memref_squeeze %dma_wait3A_71 : memref<1x128x512xf32, #tpu.memory_space<hbm>> -> memref<128x512xf32, #tpu.memory_space<hbm>>
          %dma_wait3A_73 = arith.constant 0 : i32
          %dma_wait3A_74 = tpu.memref_slice %arg5[%add3A_50, %mul3A_65, %dma_wait3A_73] : memref<77x4096x512xf32, #tpu.memory_space<hbm>> -> memref<1x128x512xf32, #tpu.memory_space<hbm>>
          %dma_wait3A_75 = tpu.memref_squeeze %dma_wait3A_74 : memref<1x128x512xf32, #tpu.memory_space<hbm>> -> memref<128x512xf32, #tpu.memory_space<hbm>>
          tpu.wait_dma2 semaphore(%run_scoped3A : memref<!tpu.dma_semaphore, #tpu.memory_space<semaphore_mem>>) src(%arg10 : memref<128x512xf32, #tpu.memory_space<vmem>>) dst(%dma_wait3A_75 : memref<128x512xf32, #tpu.memory_space<hbm>>)
          tpu.yield
        }) : () -> ()
      }
      %scan3A_62 = arith.constant 32 : i32
    } else {
    }
    %scan3A = arith.constant 0 : i32
    %scan3A_42 = arith.constant 0 : i32
    %scan3A_43 = arith.constant 16 : i32
    %scan3A_44 = arith.addi %scan3A_42, %scan3A_43 : i32
    %scan3A_45 = arith.constant 1 : i32
    scf.for %scan3A_47 = %scan3A_42 to %scan3A_44 step %scan3A_45  : i32 {
      %mul3A_48 = arith.constant 8 : i32
      %mul3A_49 = arith.muli %scan3A_47, %mul3A_48 : i32
      %add3A_50 = arith.addi %mul3A_2, %mul3A_49 : i32
      %mul3A_51 = arith.constant 8 : i32
      %mul3A_52 = arith.muli %scan3A_47, %mul3A_51 : i32
      %dma_start3A = tpu.memref_slice %arg7[%mul3A_52] : memref<128xi32, #tpu.memory_space<vmem>> -> memref<8xi32, #tpu.memory_space<vmem>>
      %dma_start3A_53 = arith.constant 0 : i32
      %dma_start3A_54 = arith.constant 0 : i32
      %dma_start3A_55 = arith.constant 0 : i32
      %dma_start3A_56 = tpu.memref_slice %arg3[%dma_start3A_53, %dma_start3A_54, %dma_start3A_55] : memref<100000x4x512xf32, #tpu.memory_space<hbm>> -> memref<100000x4x512xf32, #tpu.memory_space<hbm>>
      tpu.enqueue_indirect_dma source(%dma_start3A_56 : memref<100000x4x512xf32, #tpu.memory_space<hbm>>) target(%arg8 : memref<8x4x512xf32, #tpu.memory_space<vmem>>) offsets(%dma_start3A : memref<8xi32, #tpu.memory_space<vmem>>) semaphore(%arg12 : memref<!tpu.dma_semaphore, #tpu.memory_space<semaphore_mem>>)
      %dma_wait3A = tpu.memref_slice %arg7[%mul3A_52] : memref<128xi32, #tpu.memory_space<vmem>> -> memref<8xi32, #tpu.memory_space<vmem>>
      %dma_wait3A_57 = arith.constant 0 : i32
      %dma_wait3A_58 = arith.constant 0 : i32
      %dma_wait3A_59 = arith.constant 0 : i32
      %dma_wait3A_60 = tpu.memref_slice %arg3[%dma_wait3A_57, %dma_wait3A_58, %dma_wait3A_59] : memref<100000x4x512xf32, #tpu.memory_space<hbm>> -> memref<100000x4x512xf32, #tpu.memory_space<hbm>>
      tpu.wait_indirect_dma semaphore(%arg12 : memref<!tpu.dma_semaphore, #tpu.memory_space<semaphore_mem>>) src(%dma_wait3A_60 : memref<100000x4x512xf32, #tpu.memory_space<hbm>>) dst(%arg8 : memref<8x4x512xf32, #tpu.memory_space<vmem>>)
      %scan3A_61 = arith.constant 0 : i32
      %scan3A_62 = arith.constant 0 : i32
      %scan3A_63 = arith.constant 8 : i32
      %scan3A_64 = arith.addi %scan3A_62, %scan3A_63 : i32
      %scan3A_65 = arith.constant 1 : i32
      scf.for %scan3A_70 = %scan3A_62 to %scan3A_64 step %scan3A_65  : i32 {
        %get3A = arith.constant 0 : i32
        %get3A_71 = arith.index_cast %scan3A_70 : i32 to index
        %get3A_72 = arith.index_cast %get3A : i32 to index
        %get3A_73 = arith.constant 0 : index
        %get3A_74 = tpu.vector_load %arg8[%get3A_71, %get3A_72, %get3A_73] {strides = array<i32>} : memref<8x4x512xf32, #tpu.memory_space<vmem>>, vector<1x1x16xf32>,
        %get3A_75 = vector.shape_cast %get3A_74 : vector<1x1x16xf32> to vector<16xf32>
        %swap3A = arith.index_cast %scan3A_70 : i32 to index
        %swap3A_76 = arith.constant 0 : index
        %swap3A_77 = tpu.vector_load %arg9[%swap3A, %swap3A_76] {strides = array<i32>} : memref<8x2048xf32, #tpu.memory_space<vmem>>, vector<1x16xf32>,
        %swap3A_78 = vector.shape_cast %swap3A_77 : vector<1x16xf32> to vector<16xf32>
        %swap3A_79 = vector.shape_cast %get3A_75 : vector<16xf32> to vector<1x16xf32>
        tpu.vector_store %arg9[%swap3A, %swap3A_76], %swap3A_79 {strides = array<i32>} : memref<8x2048xf32, #tpu.memory_space<vmem>>, vector<1x16xf32>,
        %get3A_80 = arith.constant 0 : i32
        %get3A_81 = arith.index_cast %scan3A_70 : i32 to index
        %get3A_82 = arith.index_cast %get3A_80 : i32 to index
        %get3A_83 = arith.constant 16 : index
        %get3A_84 = tpu.vector_load %arg8[%get3A_81, %get3A_82, %get3A_83] {strides = array<i32>} : memref<8x4x512xf32, #tpu.memory_space<vmem>>, vector<1x1x16xf32>,
        %get3A_85 = vector.shape_cast %get3A_84 : vector<1x1x16xf32> to vector<16xf32>
        %swap3A_86 = arith.index_cast %scan3A_70 : i32 to index
        %swap3A_87 = arith.constant 16 : index
        %swap3A_88 = tpu.vector_load %arg9[%swap3A_86, %swap3A_87] {strides = array<i32>} : memref<8x2048xf32, #tpu.memory_space<vmem>>, vector<1x16xf32>,
        %swap3A_89 = vector.shape_cast %swap3A_88 : vector<1x16xf32> to vector<16xf32>
        %swap3A_90 = vector.shape_cast %get3A_85 : vector<16xf32> to vector<1x16xf32>
        tpu.vector_store %arg9[%swap3A_86, %swap3A_87], %swap3A_90 {strides = array<i32>} : memref<8x2048xf32, #tpu.memory_space<vmem>>, vector<1x16xf32>,
        %get3A_91 = arith.constant 0 : i32
        %get3A_92 = arith.index_cast %scan3A_70 : i32 to index
        %get3A_93 = arith.index_cast %get3A_91 : i32 to index
        %get3A_94 = arith.constant 32 : index
        %get3A_95 = tpu.vector_load %arg8[%get3A_92, %get3A_93, %get3A_94] {strides = array<i32>} : memref<8x4x512xf32, #tpu.memory_space<vmem>>, vector<1x1x16xf32>,
        %get3A_96 = vector.shape_cast %get3A_95 : vector<1x1x16xf32> to vector<16xf32>
        %swap3A_97 = arith.index_cast %scan3A_70 : i32 to index
        %swap3A_98 = arith.constant 32 : index
        %swap3A_99 = tpu.vector_load %arg9[%swap3A_97, %swap3A_98] {strides = array<i32>} : memref<8x2048xf32, #tpu.memory_space<vmem>>, vector<1x16xf32>,
        %swap3A_100 = vector.shape_cast %swap3A_99 : vector<1x16xf32> to vector<16xf32>
        %swap3A_101 = vector.shape_cast %get3A_96 : vector<16xf32> to vector<1x16xf32>
        tpu.vector_store %arg9[%swap3A_97, %swap3A_98], %swap3A_101 {strides = array<i32>} : memref<8x2048xf32, #tpu.memory_space<vmem>>, vector<1x16xf32>,
        %get3A_102 = arith.constant 0 : i32
        %get3A_103 = arith.index_cast %scan3A_70 : i32 to index
        %get3A_104 = arith.index_cast %get3A_102 : i32 to index
        %get3A_105 = arith.constant 48 : index
        %get3A_106 = tpu.vector_load %arg8[%get3A_103, %get3A_104, %get3A_105] {strides = array<i32>} : memref<8x4x512xf32, #tpu.memory_space<vmem>>, vector<1x1x16xf32>,
        %get3A_107 = vector.shape_cast %get3A_106 : vector<1x1x16xf32> to vector<16xf32>
        %swap3A_108 = arith.index_cast %scan3A_70 : i32 to index
        %swap3A_109 = arith.constant 48 : index
        %swap3A_110 = tpu.vector_load %arg9[%swap3A_108, %swap3A_109] {strides = array<i32>} : memref<8x2048xf32, #tpu.memory_space<vmem>>, vector<1x16xf32>,
        %swap3A_111 = vector.shape_cast %swap3A_110 : vector<1x16xf32> to vector<16xf32>
        %swap3A_112 = vector.shape_cast %get3A_107 : vector<16xf32> to vector<1x16xf32>
        tpu.vector_store %arg9[%swap3A_108, %swap3A_109], %swap3A_112 {strides = array<i32>} : memref<8x2048xf32, #tpu.memory_space<vmem>>, vector<1x16xf32>,
        %get3A_113 = arith.constant 0 : i32
        %get3A_114 = arith.index_cast %scan3A_70 : i32 to index
        %get3A_115 = arith.index_cast %get3A_113 : i32 to index
        %get3A_116 = arith.constant 64 : index
        %get3A_117 = tpu.vector_load %arg8[%get3A_114, %get3A_115, %get3A_116] {strides = array<i32>} : memref<8x4x512xf32, #tpu.memory_space<vmem>>, vector<1x1x16xf32>,
        %get3A_118 = vector.shape_cast %get3A_117 : vector<1x1x16xf32> to vector<16xf32>
        %swap3A_119 = arith.index_cast %scan3A_70 : i32 to index
        %swap3A_120 = arith.constant 64 : index
        %swap3A_121 = tpu.vector_load %arg9[%swap3A_119, %swap3A_120] {strides = array<i32>} : memref<8x2048xf32, #tpu.memory_space<vmem>>, vector<1x16xf32>,
        %swap3A_122 = vector.shape_cast %swap3A_121 : vector<1x16xf32> to vector<16xf32>
        %swap3A_123 = vector.shape_cast %get3A_118 : vector<16xf32> to vector<1x16xf32>
        tpu.vector_store %arg9[%swap3A_119, %swap3A_120], %swap3A_123 {strides = array<i32>} : memref<8x2048xf32, #tpu.memory_space<vmem>>, vector<1x16xf32>,
        %get3A_124 = arith.constant 0 : i32
        %get3A_125 = arith.index_cast %scan3A_70 : i32 to index
        %get3A_126 = arith.index_cast %get3A_124 : i32 to index
        %get3A_127 = arith.constant 80 : index
        %get3A_128 = tpu.vector_load %arg8[%get3A_125, %get3A_126, %get3A_127] {strides = array<i32>} : memref<8x4x512xf32, #tpu.memory_space<vmem>>, vector<1x1x16xf32>,
        %get3A_129 = vector.shape_cast %get3A_128 : vector<1x1x16xf32> to vector<16xf32>
        %swap3A_130 = arith.index_cast %scan3A_70 : i32 to index
        %swap3A_131 = arith.constant 80 : index
        %swap3A_132 = tpu.vector_load %arg9[%swap3A_130, %swap3A_131] {strides = array<i32>} : memref<8x2048xf32, #tpu.memory_space<vmem>>, vector<1x16xf32>,
        %swap3A_133 = vector.shape_cast %swap3A_132 : vector<1x16xf32> to vector<16xf32>
        %swap3A_134 = vector.shape_cast %get3A_129 : vector<16xf32> to vector<1x16xf32>
        tpu.vector_store %arg9[%swap3A_130, %swap3A_131], %swap3A_134 {strides = array<i32>} : memref<8x2048xf32, #tpu.memory_space<vmem>>, vector<1x16xf32>,
        %get3A_135 = arith.constant 0 : i32
        %get3A_136 = arith.index_cast %scan3A_70 : i32 to index
        %get3A_137 = arith.index_cast %get3A_135 : i32 to index
        %get3A_138 = arith.constant 96 : index
        %get3A_139 = tpu.vector_load %arg8[%get3A_136, %get3A_137, %get3A_138] {strides = array<i32>} : memref<8x4x512xf32, #tpu.memory_space<vmem>>, vector<1x1x16xf32>,
        %get3A_140 = vector.shape_cast %get3A_139 : vector<1x1x16xf32> to vector<16xf32>
        %swap3A_141 = arith.index_cast %scan3A_70 : i32 to index
        %swap3A_142 = arith.constant 96 : index
        %swap3A_143 = tpu.vector_load %arg9[%swap3A_141, %swap3A_142] {strides = array<i32>} : memref<8x2048xf32, #tpu.memory_space<vmem>>, vector<1x16xf32>,
        %swap3A_144 = vector.shape_cast %swap3A_143 : vector<1x16xf32> to vector<16xf32>
        %swap3A_145 = vector.shape_cast %get3A_140 : vector<16xf32> to vector<1x16xf32>
        tpu.vector_store %arg9[%swap3A_141, %swap3A_142], %swap3A_145 {strides = array<i32>} : memref<8x2048xf32, #tpu.memory_space<vmem>>, vector<1x16xf32>,
        %get3A_146 = arith.constant 0 : i32
        %get3A_147 = arith.index_cast %scan3A_70 : i32 to index
        %get3A_148 = arith.index_cast %get3A_146 : i32 to index
        %get3A_149 = arith.constant 112 : index
        %get3A_150 = tpu.vector_load %arg8[%get3A_147, %get3A_148, %get3A_149] {strides = array<i32>} : memref<8x4x512xf32, #tpu.memory_space<vmem>>, vector<1x1x16xf32>,
        %get3A_151 = vector.shape_cast %get3A_150 : vector<1x1x16xf32> to vector<16xf32>
        %swap3A_152 = arith.index_cast %scan3A_70 : i32 to index
        %swap3A_153 = arith.constant 112 : index
        %swap3A_154 = tpu.vector_load %arg9[%swap3A_152, %swap3A_153] {strides = array<i32>} : memref<8x2048xf32, #tpu.memory_space<vmem>>, vector<1x16xf32>,
        %swap3A_155 = vector.shape_cast %swap3A_154 : vector<1x16xf32> to vector<16xf32>
        %swap3A_156 = vector.shape_cast %get3A_151 : vector<16xf32> to vector<1x16xf32>
        tpu.vector_store %arg9[%swap3A_152, %swap3A_153], %swap3A_156 {strides = array<i32>} : memref<8x2048xf32, #tpu.memory_space<vmem>>, vector<1x16xf32>,
        %get3A_157 = arith.constant 0 : i32
        %get3A_158 = arith.index_cast %scan3A_70 : i32 to index
        %get3A_159 = arith.index_cast %get3A_157 : i32 to index
        %get3A_160 = arith.constant 128 : index
        %get3A_161 = tpu.vector_load %arg8[%get3A_158, %get3A_159, %get3A_160] {strides = array<i32>} : memref<8x4x512xf32, #tpu.memory_space<vmem>>, vector<1x1x16xf32>,
        %get3A_162 = vector.shape_cast %get3A_161 : vector<1x1x16xf32> to vector<16xf32>
        %swap3A_163 = arith.index_cast %scan3A_70 : i32 to index
        %swap3A_164 = arith.constant 128 : index
        %swap3A_165 = tpu.vector_load %arg9[%swap3A_163, %swap3A_164] {strides = array<i32>} : memref<8x2048xf32, #tpu.memory_space<vmem>>, vector<1x16xf32>,
        %swap3A_166 = vector.shape_cast %swap3A_165 : vector<1x16xf32> to vector<16xf32>
        %swap3A_167 = vector.shape_cast %get3A_162 : vector<16xf32> to vector<1x16xf32>
        tpu.vector_store %arg9[%swap3A_163, %swap3A_164], %swap3A_167 {strides = array<i32>} : memref<8x2048xf32, #tpu.memory_space<vmem>>, vector<1x16xf32>,
        %get3A_168 = arith.constant 0 : i32
        %get3A_169 = arith.index_cast %scan3A_70 : i32 to index
        %get3A_170 = arith.index_cast %get3A_168 : i32 to index
        %get3A_171 = arith.constant 144 : index
        %get3A_172 = tpu.vector_load %arg8[%get3A_169, %get3A_170, %get3A_171] {strides = array<i32>} : memref<8x4x512xf32, #tpu.memory_space<vmem>>, vector<1x1x16xf32>,
        %get3A_173 = vector.shape_cast %get3A_172 : vector<1x1x16xf32> to vector<16xf32>
        %swap3A_174 = arith.index_cast %scan3A_70 : i32 to index
        %swap3A_175 = arith.constant 144 : index
        %swap3A_176 = tpu.vector_load %arg9[%swap3A_174, %swap3A_175] {strides = array<i32>} : memref<8x2048xf32, #tpu.memory_space<vmem>>, vector<1x16xf32>,
        %swap3A_177 = vector.shape_cast %swap3A_176 : vector<1x16xf32> to vector<16xf32>
        %swap3A_178 = vector.shape_cast %get3A_173 : vector<16xf32> to vector<1x16xf32>
        tpu.vector_store %arg9[%swap3A_174, %swap3A_175], %swap3A_178 {strides = array<i32>} : memref<8x2048xf32, #tpu.memory_space<vmem>>, vector<1x16xf32>,
        %get3A_179 = arith.constant 0 : i32
        %get3A_180 = arith.index_cast %scan3A_70 : i32 to index
        %get3A_181 = arith.index_cast %get3A_179 : i32 to index
        %get3A_182 = arith.constant 160 : index
        %get3A_183 = tpu.vector_load %arg8[%get3A_180, %get3A_181, %get3A_182] {strides = array<i32>} : memref<8x4x512xf32, #tpu.memory_space<vmem>>, vector<1x1x16xf32>,
        %get3A_184 = vector.shape_cast %get3A_183 : vector<1x1x16xf32> to vector<16xf32>
        %swap3A_185 = arith.index_cast %scan3A_70 : i32 to index
        %swap3A_186 = arith.constant 160 : index
        %swap3A_187 = tpu.vector_load %arg9[%swap3A_185, %swap3A_186] {strides = array<i32>} : memref<8x2048xf32, #tpu.memory_space<vmem>>, vector<1x16xf32>,
        %swap3A_188 = vector.shape_cast %swap3A_187 : vector<1x16xf32> to vector<16xf32>
        %swap3A_189 = vector.shape_cast %get3A_184 : vector<16xf32> to vector<1x16xf32>
        tpu.vector_store %arg9[%swap3A_185, %swap3A_186], %swap3A_189 {strides = array<i32>} : memref<8x2048xf32, #tpu.memory_space<vmem>>, vector<1x16xf32>,
        %get3A_190 = arith.constant 0 : i32
        %get3A_191 = arith.index_cast %scan3A_70 : i32 to index
        %get3A_192 = arith.index_cast %get3A_190 : i32 to index
        %get3A_193 = arith.constant 176 : index
        %get3A_194 = tpu.vector_load %arg8[%get3A_191, %get3A_192, %get3A_193] {strides = array<i32>} : memref<8x4x512xf32, #tpu.memory_space<vmem>>, vector<1x1x16xf32>,
        %get3A_195 = vector.shape_cast %get3A_194 : vector<1x1x16xf32> to vector<16xf32>
        %swap3A_196 = arith.index_cast %scan3A_70 : i32 to index
        %swap3A_197 = arith.constant 176 : index
        %swap3A_198 = tpu.vector_load %arg9[%swap3A_196, %swap3A_197] {strides = array<i32>} : memref<8x2048xf32, #tpu.memory_space<vmem>>, vector<1x16xf32>,
        %swap3A_199 = vector.shape_cast %swap3A_198 : vector<1x16xf32> to vector<16xf32>
        %swap3A_200 = vector.shape_cast %get3A_195 : vector<16xf32> to vector<1x16xf32>
        tpu.vector_store %arg9[%swap3A_196, %swap3A_197], %swap3A_200 {strides = array<i32>} : memref<8x2048xf32, #tpu.memory_space<vmem>>, vector<1x16xf32>,
        %get3A_201 = arith.constant 0 : i32
        %get3A_202 = arith.index_cast %scan3A_70 : i32 to index
        %get3A_203 = arith.index_cast %get3A_201 : i32 to index
        %get3A_204 = arith.constant 192 : index
        %get3A_205 = tpu.vector_load %arg8[%get3A_202, %get3A_203, %get3A_204] {strides = array<i32>} : memref<8x4x512xf32, #tpu.memory_space<vmem>>, vector<1x1x16xf32>,
        %get3A_206 = vector.shape_cast %get3A_205 : vector<1x1x16xf32> to vector<16xf32>
        %swap3A_207 = arith.index_cast %scan3A_70 : i32 to index
        %swap3A_208 = arith.constant 192 : index
        %swap3A_209 = tpu.vector_load %arg9[%swap3A_207, %swap3A_208] {strides = array<i32>} : memref<8x2048xf32, #tpu.memory_space<vmem>>, vector<1x16xf32>,
        %swap3A_210 = vector.shape_cast %swap3A_209 : vector<1x16xf32> to vector<16xf32>
        %swap3A_211 = vector.shape_cast %get3A_206 : vector<16xf32> to vector<1x16xf32>
        tpu.vector_store %arg9[%swap3A_207, %swap3A_208], %swap3A_211 {strides = array<i32>} : memref<8x2048xf32, #tpu.memory_space<vmem>>, vector<1x16xf32>,
        %get3A_212 = arith.constant 0 : i32
        %get3A_213 = arith.index_cast %scan3A_70 : i32 to index
        %get3A_214 = arith.index_cast %get3A_212 : i32 to index
        %get3A_215 = arith.constant 208 : index
        %get3A_216 = tpu.vector_load %arg8[%get3A_213, %get3A_214, %get3A_215] {strides = array<i32>} : memref<8x4x512xf32, #tpu.memory_space<vmem>>, vector<1x1x16xf32>,
        %get3A_217 = vector.shape_cast %get3A_216 : vector<1x1x16xf32> to vector<16xf32>
        %swap3A_218 = arith.index_cast %scan3A_70 : i32 to index
        %swap3A_219 = arith.constant 208 : index
        %swap3A_220 = tpu.vector_load %arg9[%swap3A_218, %swap3A_219] {strides = array<i32>} : memref<8x2048xf32, #tpu.memory_space<vmem>>, vector<1x16xf32>,
        %swap3A_221 = vector.shape_cast %swap3A_220 : vector<1x16xf32> to vector<16xf32>
        %swap3A_222 = vector.shape_cast %get3A_217 : vector<16xf32> to vector<1x16xf32>
        tpu.vector_store %arg9[%swap3A_218, %swap3A_219], %swap3A_222 {strides = array<i32>} : memref<8x2048xf32, #tpu.memory_space<vmem>>, vector<1x16xf32>,
        %get3A_223 = arith.constant 0 : i32
        %get3A_224 = arith.index_cast %scan3A_70 : i32 to index
        %get3A_225 = arith.index_cast %get3A_223 : i32 to index
        %get3A_226 = arith.constant 224 : index
        %get3A_227 = tpu.vector_load %arg8[%get3A_224, %get3A_225, %get3A_226] {strides = array<i32>} : memref<8x4x512xf32, #tpu.memory_space<vmem>>, vector<1x1x16xf32>,
        %get3A_228 = vector.shape_cast %get3A_227 : vector<1x1x16xf32> to vector<16xf32>
        %swap3A_229 = arith.index_cast %scan3A_70 : i32 to index
        %swap3A_230 = arith.constant 224 : index
        %swap3A_231 = tpu.vector_load %arg9[%swap3A_229, %swap3A_230] {strides = array<i32>} : memref<8x2048xf32, #tpu.memory_space<vmem>>, vector<1x16xf32>,
        %swap3A_232 = vector.shape_cast %swap3A_231 : vector<1x16xf32> to vector<16xf32>
        %swap3A_233 = vector.shape_cast %get3A_228 : vector<16xf32> to vector<1x16xf32>
        tpu.vector_store %arg9[%swap3A_229, %swap3A_230], %swap3A_233 {strides = array<i32>} : memref<8x2048xf32, #tpu.memory_space<vmem>>, vector<1x16xf32>,
        %get3A_234 = arith.constant 0 : i32
        %get3A_235 = arith.index_cast %scan3A_70 : i32 to index
        %get3A_236 = arith.index_cast %get3A_234 : i32 to index
        %get3A_237 = arith.constant 240 : index
        %get3A_238 = tpu.vector_load %arg8[%get3A_235, %get3A_236, %get3A_237] {strides = array<i32>} : memref<8x4x512xf32, #tpu.memory_space<vmem>>, vector<1x1x16xf32>,
        %get3A_239 = vector.shape_cast %get3A_238 : vector<1x1x16xf32> to vector<16xf32>
        %swap3A_240 = arith.index_cast %scan3A_70 : i32 to index
        %swap3A_241 = arith.constant 240 : index
        %swap3A_242 = tpu.vector_load %arg9[%swap3A_240, %swap3A_241] {strides = array<i32>} : memref<8x2048xf32, #tpu.memory_space<vmem>>, vector<1x16xf32>,
        %swap3A_243 = vector.shape_cast %swap3A_242 : vector<1x16xf32> to vector<16xf32>
        %swap3A_244 = vector.shape_cast %get3A_239 : vector<16xf32> to vector<1x16xf32>
        tpu.vector_store %arg9[%swap3A_240, %swap3A_241], %swap3A_244 {strides = array<i32>} : memref<8x2048xf32, #tpu.memory_space<vmem>>, vector<1x16xf32>,
        %get3A_245 = arith.constant 0 : i32
        %get3A_246 = arith.index_cast %scan3A_70 : i32 to index
        %get3A_247 = arith.index_cast %get3A_245 : i32 to index
        %get3A_248 = arith.constant 256 : index
        %get3A_249 = tpu.vector_load %arg8[%get3A_246, %get3A_247, %get3A_248] {strides = array<i32>} : memref<8x4x512xf32, #tpu.memory_space<vmem>>, vector<1x1x16xf32>,
        %get3A_250 = vector.shape_cast %get3A_249 : vector<1x1x16xf32> to vector<16xf32>
        %swap3A_251 = arith.index_cast %scan3A_70 : i32 to index
        %swap3A_252 = arith.constant 256 : index
        %swap3A_253 = tpu.vector_load %arg9[%swap3A_251, %swap3A_252] {strides = array<i32>} : memref<8x2048xf32, #tpu.memory_space<vmem>>, vector<1x16xf32>,
        %swap3A_254 = vector.shape_cast %swap3A_253 : vector<1x16xf32> to vector<16xf32>
        %swap3A_255 = vector.shape_cast %get3A_250 : vector<16xf32> to vector<1x16xf32>
        tpu.vector_store %arg9[%swap3A_251, %swap3A_252], %swap3A_255 {strides = array<i32>} : memref<8x2048xf32, #tpu.memory_space<vmem>>, vector<1x16xf32>,
        %get3A_256 = arith.constant 0 : i32
        %get3A_257 = arith.index_cast %scan3A_70 : i32 to index
        %get3A_258 = arith.index_cast %get3A_256 : i32 to index
        %get3A_259 = arith.constant 272 : index
        %get3A_260 = tpu.vector_load %arg8[%get3A_257, %get3A_258, %get3A_259] {strides = array<i32>} : memref<8x4x512xf32, #tpu.memory_space<vmem>>, vector<1x1x16xf32>,
        %get3A_261 = vector.shape_cast %get3A_260 : vector<1x1x16xf32> to vector<16xf32>
        %swap3A_262 = arith.index_cast %scan3A_70 : i32 to index
        %swap3A_263 = arith.constant 272 : index
        %swap3A_264 = tpu.vector_load %arg9[%swap3A_262, %swap3A_263] {strides = array<i32>} : memref<8x2048xf32, #tpu.memory_space<vmem>>, vector<1x16xf32>,
        %swap3A_265 = vector.shape_cast %swap3A_264 : vector<1x16xf32> to vector<16xf32>
        %swap3A_266 = vector.shape_cast %get3A_261 : vector<16xf32> to vector<1x16xf32>
        tpu.vector_store %arg9[%swap3A_262, %swap3A_263], %swap3A_266 {strides = array<i32>} : memref<8x2048xf32, #tpu.memory_space<vmem>>, vector<1x16xf32>,
        %get3A_267 = arith.constant 0 : i32
        %get3A_268 = arith.index_cast %scan3A_70 : i32 to index
        %get3A_269 = arith.index_cast %get3A_267 : i32 to index
        %get3A_270 = arith.constant 288 : index
        %get3A_271 = tpu.vector_load %arg8[%get3A_268, %get3A_269, %get3A_270] {strides = array<i32>} : memref<8x4x512xf32, #tpu.memory_space<vmem>>, vector<1x1x16xf32>,
        %get3A_272 = vector.shape_cast %get3A_271 : vector<1x1x16xf32> to vector<16xf32>
        %swap3A_273 = arith.index_cast %scan3A_70 : i32 to index
        %swap3A_274 = arith.constant 288 : index
        %swap3A_275 = tpu.vector_load %arg9[%swap3A_273, %swap3A_274] {strides = array<i32>} : memref<8x2048xf32, #tpu.memory_space<vmem>>, vector<1x16xf32>,
        %swap3A_276 = vector.shape_cast %swap3A_275 : vector<1x16xf32> to vector<16xf32>
        %swap3A_277 = vector.shape_cast %get3A_272 : vector<16xf32> to vector<1x16xf32>
        tpu.vector_store %arg9[%swap3A_273, %swap3A_274], %swap3A_277 {strides = array<i32>} : memref<8x2048xf32, #tpu.memory_space<vmem>>, vector<1x16xf32>,
        %get3A_278 = arith.constant 0 : i32
        %get3A_279 = arith.index_cast %scan3A_70 : i32 to index
        %get3A_280 = arith.index_cast %get3A_278 : i32 to index
        %get3A_281 = arith.constant 304 : index
        %get3A_282 = tpu.vector_load %arg8[%get3A_279, %get3A_280, %get3A_281] {strides = array<i32>} : memref<8x4x512xf32, #tpu.memory_space<vmem>>, vector<1x1x16xf32>,
        %get3A_283 = vector.shape_cast %get3A_282 : vector<1x1x16xf32> to vector<16xf32>
        %swap3A_284 = arith.index_cast %scan3A_70 : i32 to index
        %swap3A_285 = arith.constant 304 : index
        %swap3A_286 = tpu.vector_load %arg9[%swap3A_284, %swap3A_285] {strides = array<i32>} : memref<8x2048xf32, #tpu.memory_space<vmem>>, vector<1x16xf32>,
        %swap3A_287 = vector.shape_cast %swap3A_286 : vector<1x16xf32> to vector<16xf32>
        %swap3A_288 = vector.shape_cast %get3A_283 : vector<16xf32> to vector<1x16xf32>
        tpu.vector_store %arg9[%swap3A_284, %swap3A_285], %swap3A_288 {strides = array<i32>} : memref<8x2048xf32, #tpu.memory_space<vmem>>, vector<1x16xf32>,
        %get3A_289 = arith.constant 0 : i32
        %get3A_290 = arith.index_cast %scan3A_70 : i32 to index
        %get3A_291 = arith.index_cast %get3A_289 : i32 to index
        %get3A_292 = arith.constant 320 : index
        %get3A_293 = tpu.vector_load %arg8[%get3A_290, %get3A_291, %get3A_292] {strides = array<i32>} : memref<8x4x512xf32, #tpu.memory_space<vmem>>, vector<1x1x16xf32>,
        %get3A_294 = vector.shape_cast %get3A_293 : vector<1x1x16xf32> to vector<16xf32>
        %swap3A_295 = arith.index_cast %scan3A_70 : i32 to index
        %swap3A_296 = arith.constant 320 : index
        %swap3A_297 = tpu.vector_load %arg9[%swap3A_295, %swap3A_296] {strides = array<i32>} : memref<8x2048xf32, #tpu.memory_space<vmem>>, vector<1x16xf32>,
        %swap3A_298 = vector.shape_cast %swap3A_297 : vector<1x16xf32> to vector<16xf32>
        %swap3A_299 = vector.shape_cast %get3A_294 : vector<16xf32> to vector<1x16xf32>
        tpu.vector_store %arg9[%swap3A_295, %swap3A_296], %swap3A_299 {strides = array<i32>} : memref<8x2048xf32, #tpu.memory_space<vmem>>, vector<1x16xf32>,
        %get3A_300 = arith.constant 0 : i32
        %get3A_301 = arith.index_cast %scan3A_70 : i32 to index
        %get3A_302 = arith.index_cast %get3A_300 : i32 to index
        %get3A_303 = arith.constant 336 : index
        %get3A_304 = tpu.vector_load %arg8[%get3A_301, %get3A_302, %get3A_303] {strides = array<i32>} : memref<8x4x512xf32, #tpu.memory_space<vmem>>, vector<1x1x16xf32>,
        %get3A_305 = vector.shape_cast %get3A_304 : vector<1x1x16xf32> to vector<16xf32>
        %swap3A_306 = arith.index_cast %scan3A_70 : i32 to index
        %swap3A_307 = arith.constant 336 : index
        %swap3A_308 = tpu.vector_load %arg9[%swap3A_306, %swap3A_307] {strides = array<i32>} : memref<8x2048xf32, #tpu.memory_space<vmem>>, vector<1x16xf32>,
        %swap3A_309 = vector.shape_cast %swap3A_308 : vector<1x16xf32> to vector<16xf32>
        %swap3A_310 = vector.shape_cast %get3A_305 : vector<16xf32> to vector<1x16xf32>
        tpu.vector_store %arg9[%swap3A_306, %swap3A_307], %swap3A_310 {strides = array<i32>} : memref<8x2048xf32, #tpu.memory_space<vmem>>, vector<1x16xf32>,
        %get3A_311 = arith.constant 0 : i32
        %get3A_312 = arith.index_cast %scan3A_70 : i32 to index
        %get3A_313 = arith.index_cast %get3A_311 : i32 to index
        %get3A_314 = arith.constant 352 : index
        %get3A_315 = tpu.vector_load %arg8[%get3A_312, %get3A_313, %get3A_314] {strides = array<i32>} : memref<8x4x512xf32, #tpu.memory_space<vmem>>, vector<1x1x16xf32>,
        %get3A_316 = vector.shape_cast %get3A_315 : vector<1x1x16xf32> to vector<16xf32>
        %swap3A_317 = arith.index_cast %scan3A_70 : i32 to index
        %swap3A_318 = arith.constant 352 : index
        %swap3A_319 = tpu.vector_load %arg9[%swap3A_317, %swap3A_318] {strides = array<i32>} : memref<8x2048xf32, #tpu.memory_space<vmem>>, vector<1x16xf32>,
        %swap3A_320 = vector.shape_cast %swap3A_319 : vector<1x16xf32> to vector<16xf32>
        %swap3A_321 = vector.shape_cast %get3A_316 : vector<16xf32> to vector<1x16xf32>
        tpu.vector_store %arg9[%swap3A_317, %swap3A_318], %swap3A_321 {strides = array<i32>} : memref<8x2048xf32, #tpu.memory_space<vmem>>, vector<1x16xf32>,
        %get3A_322 = arith.constant 0 : i32
        %get3A_323 = arith.index_cast %scan3A_70 : i32 to index
        %get3A_324 = arith.index_cast %get3A_322 : i32 to index
        %get3A_325 = arith.constant 368 : index
        %get3A_326 = tpu.vector_load %arg8[%get3A_323, %get3A_324, %get3A_325] {strides = array<i32>} : memref<8x4x512xf32, #tpu.memory_space<vmem>>, vector<1x1x16xf32>,
        %get3A_327 = vector.shape_cast %get3A_326 : vector<1x1x16xf32> to vector<16xf32>
        %swap3A_328 = arith.index_cast %scan3A_70 : i32 to index
        %swap3A_329 = arith.constant 368 : index
        %swap3A_330 = tpu.vector_load %arg9[%swap3A_328, %swap3A_329] {strides = array<i32>} : memref<8x2048xf32, #tpu.memory_space<vmem>>, vector<1x16xf32>,
        %swap3A_331 = vector.shape_cast %swap3A_330 : vector<1x16xf32> to vector<16xf32>
        %swap3A_332 = vector.shape_cast %get3A_327 : vector<16xf32> to vector<1x16xf32>
        tpu.vector_store %arg9[%swap3A_328, %swap3A_329], %swap3A_332 {strides = array<i32>} : memref<8x2048xf32, #tpu.memory_space<vmem>>, vector<1x16xf32>,
        %get3A_333 = arith.constant 0 : i32
        %get3A_334 = arith.index_cast %scan3A_70 : i32 to index
        %get3A_335 = arith.index_cast %get3A_333 : i32 to index
        %get3A_336 = arith.constant 384 : index
        %get3A_337 = tpu.vector_load %arg8[%get3A_334, %get3A_335, %get3A_336] {strides = array<i32>} : memref<8x4x512xf32, #tpu.memory_space<vmem>>, vector<1x1x16xf32>,
        %get3A_338 = vector.shape_cast %get3A_337 : vector<1x1x16xf32> to vector<16xf32>
        %swap3A_339 = arith.index_cast %scan3A_70 : i32 to index
        %swap3A_340 = arith.constant 384 : index
        %swap3A_341 = tpu.vector_load %arg9[%swap3A_339, %swap3A_340] {strides = array<i32>} : memref<8x2048xf32, #tpu.memory_space<vmem>>, vector<1x16xf32>,
        %swap3A_342 = vector.shape_cast %swap3A_341 : vector<1x16xf32> to vector<16xf32>
        %swap3A_343 = vector.shape_cast %get3A_338 : vector<16xf32> to vector<1x16xf32>
        tpu.vector_store %arg9[%swap3A_339, %swap3A_340], %swap3A_343 {strides = array<i32>} : memref<8x2048xf32, #tpu.memory_space<vmem>>, vector<1x16xf32>,
        %get3A_344 = arith.constant 0 : i32
        %get3A_345 = arith.index_cast %scan3A_70 : i32 to index
        %get3A_346 = arith.index_cast %get3A_344 : i32 to index
        %get3A_347 = arith.constant 400 : index
        %get3A_348 = tpu.vector_load %arg8[%get3A_345, %get3A_346, %get3A_347] {strides = array<i32>} : memref<8x4x512xf32, #tpu.memory_space<vmem>>, vector<1x1x16xf32>,
        %get3A_349 = vector.shape_cast %get3A_348 : vector<1x1x16xf32> to vector<16xf32>
        %swap3A_350 = arith.index_cast %scan3A_70 : i32 to index
        %swap3A_351 = arith.constant 400 : index
        %swap3A_352 = tpu.vector_load %arg9[%swap3A_350, %swap3A_351] {strides = array<i32>} : memref<8x2048xf32, #tpu.memory_space<vmem>>, vector<1x16xf32>,
        %swap3A_353 = vector.shape_cast %swap3A_352 : vector<1x16xf32> to vector<16xf32>
        %swap3A_354 = vector.shape_cast %get3A_349 : vector<16xf32> to vector<1x16xf32>
        tpu.vector_store %arg9[%swap3A_350, %swap3A_351], %swap3A_354 {strides = array<i32>} : memref<8x2048xf32, #tpu.memory_space<vmem>>, vector<1x16xf32>,
        %get3A_355 = arith.constant 0 : i32
        %get3A_356 = arith.index_cast %scan3A_70 : i32 to index
        %get3A_357 = arith.index_cast %get3A_355 : i32 to index
        %get3A_358 = arith.constant 416 : index
        %get3A_359 = tpu.vector_load %arg8[%get3A_356, %get3A_357, %get3A_358] {strides = array<i32>} : memref<8x4x512xf32, #tpu.memory_space<vmem>>, vector<1x1x16xf32>,
        %get3A_360 = vector.shape_cast %get3A_359 : vector<1x1x16xf32> to vector<16xf32>
        %swap3A_361 = arith.index_cast %scan3A_70 : i32 to index
        %swap3A_362 = arith.constant 416 : index
        %swap3A_363 = tpu.vector_load %arg9[%swap3A_361, %swap3A_362] {strides = array<i32>} : memref<8x2048xf32, #tpu.memory_space<vmem>>, vector<1x16xf32>,
        %swap3A_364 = vector.shape_cast %swap3A_363 : vector<1x16xf32> to vector<16xf32>
        %swap3A_365 = vector.shape_cast %get3A_360 : vector<16xf32> to vector<1x16xf32>
        tpu.vector_store %arg9[%swap3A_361, %swap3A_362], %swap3A_365 {strides = array<i32>} : memref<8x2048xf32, #tpu.memory_space<vmem>>, vector<1x16xf32>,
        %get3A_366 = arith.constant 0 : i32
        %get3A_367 = arith.index_cast %scan3A_70 : i32 to index
        %get3A_368 = arith.index_cast %get3A_366 : i32 to index
        %get3A_369 = arith.constant 432 : index
        %get3A_370 = tpu.vector_load %arg8[%get3A_367, %get3A_368, %get3A_369] {strides = array<i32>} : memref<8x4x512xf32, #tpu.memory_space<vmem>>, vector<1x1x16xf32>,
        %get3A_371 = vector.shape_cast %get3A_370 : vector<1x1x16xf32> to vector<16xf32>
        %swap3A_372 = arith.index_cast %scan3A_70 : i32 to index
        %swap3A_373 = arith.constant 432 : index
        %swap3A_374 = tpu.vector_load %arg9[%swap3A_372, %swap3A_373] {strides = array<i32>} : memref<8x2048xf32, #tpu.memory_space<vmem>>, vector<1x16xf32>,
        %swap3A_375 = vector.shape_cast %swap3A_374 : vector<1x16xf32> to vector<16xf32>
        %swap3A_376 = vector.shape_cast %get3A_371 : vector<16xf32> to vector<1x16xf32>
        tpu.vector_store %arg9[%swap3A_372, %swap3A_373], %swap3A_376 {strides = array<i32>} : memref<8x2048xf32, #tpu.memory_space<vmem>>, vector<1x16xf32>,
        %get3A_377 = arith.constant 0 : i32
        %get3A_378 = arith.index_cast %scan3A_70 : i32 to index
        %get3A_379 = arith.index_cast %get3A_377 : i32 to index
        %get3A_380 = arith.constant 448 : index
        %get3A_381 = tpu.vector_load %arg8[%get3A_378, %get3A_379, %get3A_380] {strides = array<i32>} : memref<8x4x512xf32, #tpu.memory_space<vmem>>, vector<1x1x16xf32>,
        %get3A_382 = vector.shape_cast %get3A_381 : vector<1x1x16xf32> to vector<16xf32>
        %swap3A_383 = arith.index_cast %scan3A_70 : i32 to index
        %swap3A_384 = arith.constant 448 : index
        %swap3A_385 = tpu.vector_load %arg9[%swap3A_383, %swap3A_384] {strides = array<i32>} : memref<8x2048xf32, #tpu.memory_space<vmem>>, vector<1x16xf32>,
        %swap3A_386 = vector.shape_cast %swap3A_385 : vector<1x16xf32> to vector<16xf32>
        %swap3A_387 = vector.shape_cast %get3A_382 : vector<16xf32> to vector<1x16xf32>
        tpu.vector_store %arg9[%swap3A_383, %swap3A_384], %swap3A_387 {strides = array<i32>} : memref<8x2048xf32, #tpu.memory_space<vmem>>, vector<1x16xf32>,
        %get3A_388 = arith.constant 0 : i32
        %get3A_389 = arith.index_cast %scan3A_70 : i32 to index
        %get3A_390 = arith.index_cast %get3A_388 : i32 to index
        %get3A_391 = arith.constant 464 : index
        %get3A_392 = tpu.vector_load %arg8[%get3A_389, %get3A_390, %get3A_391] {strides = array<i32>} : memref<8x4x512xf32, #tpu.memory_space<vmem>>, vector<1x1x16xf32>,
        %get3A_393 = vector.shape_cast %get3A_392 : vector<1x1x16xf32> to vector<16xf32>
        %swap3A_394 = arith.index_cast %scan3A_70 : i32 to index
        %swap3A_395 = arith.constant 464 : index
        %swap3A_396 = tpu.vector_load %arg9[%swap3A_394, %swap3A_395] {strides = array<i32>} : memref<8x2048xf32, #tpu.memory_space<vmem>>, vector<1x16xf32>,
        %swap3A_397 = vector.shape_cast %swap3A_396 : vector<1x16xf32> to vector<16xf32>
        %swap3A_398 = vector.shape_cast %get3A_393 : vector<16xf32> to vector<1x16xf32>
        tpu.vector_store %arg9[%swap3A_394, %swap3A_395], %swap3A_398 {strides = array<i32>} : memref<8x2048xf32, #tpu.memory_space<vmem>>, vector<1x16xf32>,
        %get3A_399 = arith.constant 0 : i32
        %get3A_400 = arith.index_cast %scan3A_70 : i32 to index
        %get3A_401 = arith.index_cast %get3A_399 : i32 to index
        %get3A_402 = arith.constant 480 : index
        %get3A_403 = tpu.vector_load %arg8[%get3A_400, %get3A_401, %get3A_402] {strides = array<i32>} : memref<8x4x512xf32, #tpu.memory_space<vmem>>, vector<1x1x16xf32>,
        %get3A_404 = vector.shape_cast %get3A_403 : vector<1x1x16xf32> to vector<16xf32>
        %swap3A_405 = arith.index_cast %scan3A_70 : i32 to index
        %swap3A_406 = arith.constant 480 : index
        %swap3A_407 = tpu.vector_load %arg9[%swap3A_405, %swap3A_406] {strides = array<i32>} : memref<8x2048xf32, #tpu.memory_space<vmem>>, vector<1x16xf32>,
        %swap3A_408 = vector.shape_cast %swap3A_407 : vector<1x16xf32> to vector<16xf32>
        %swap3A_409 = vector.shape_cast %get3A_404 : vector<16xf32> to vector<1x16xf32>
        tpu.vector_store %arg9[%swap3A_405, %swap3A_406], %swap3A_409 {strides = array<i32>} : memref<8x2048xf32, #tpu.memory_space<vmem>>, vector<1x16xf32>,
        %get3A_410 = arith.constant 0 : i32
        %get3A_411 = arith.index_cast %scan3A_70 : i32 to index
        %get3A_412 = arith.index_cast %get3A_410 : i32 to index
        %get3A_413 = arith.constant 496 : index
        %get3A_414 = tpu.vector_load %arg8[%get3A_411, %get3A_412, %get3A_413] {strides = array<i32>} : memref<8x4x512xf32, #tpu.memory_space<vmem>>, vector<1x1x16xf32>,
        %get3A_415 = vector.shape_cast %get3A_414 : vector<1x1x16xf32> to vector<16xf32>
        %swap3A_416 = arith.index_cast %scan3A_70 : i32 to index
        %swap3A_417 = arith.constant 496 : index
        %swap3A_418 = tpu.vector_load %arg9[%swap3A_416, %swap3A_417] {strides = array<i32>} : memref<8x2048xf32, #tpu.memory_space<vmem>>, vector<1x16xf32>,
        %swap3A_419 = vector.shape_cast %swap3A_418 : vector<1x16xf32> to vector<16xf32>
        %swap3A_420 = vector.shape_cast %get3A_415 : vector<16xf32> to vector<1x16xf32>
        tpu.vector_store %arg9[%swap3A_416, %swap3A_417], %swap3A_420 {strides = array<i32>} : memref<8x2048xf32, #tpu.memory_space<vmem>>, vector<1x16xf32>,
        %get3A_421 = arith.constant 1 : i32
        %get3A_422 = arith.index_cast %scan3A_70 : i32 to index
        %get3A_423 = arith.index_cast %get3A_421 : i32 to index
        %get3A_424 = arith.constant 0 : index
        %get3A_425 = tpu.vector_load %arg8[%get3A_422, %get3A_423, %get3A_424] {strides = array<i32>} : memref<8x4x512xf32, #tpu.memory_space<vmem>>, vector<1x1x16xf32>,
        %get3A_426 = vector.shape_cast %get3A_425 : vector<1x1x16xf32> to vector<16xf32>
        %swap3A_427 = arith.index_cast %scan3A_70 : i32 to index
        %swap3A_428 = arith.constant 512 : index
        %swap3A_429 = tpu.vector_load %arg9[%swap3A_427, %swap3A_428] {strides = array<i32>} : memref<8x2048xf32, #tpu.memory_space<vmem>>, vector<1x16xf32>,
        %swap3A_430 = vector.shape_cast %swap3A_429 : vector<1x16xf32> to vector<16xf32>
        %swap3A_431 = vector.shape_cast %get3A_426 : vector<16xf32> to vector<1x16xf32>
        tpu.vector_store %arg9[%swap3A_427, %swap3A_428], %swap3A_431 {strides = array<i32>} : memref<8x2048xf32, #tpu.memory_space<vmem>>, vector<1x16xf32>,
        %get3A_432 = arith.constant 1 : i32
        %get3A_433 = arith.index_cast %scan3A_70 : i32 to index
        %get3A_434 = arith.index_cast %get3A_432 : i32 to index
        %get3A_435 = arith.constant 16 : index
        %get3A_436 = tpu.vector_load %arg8[%get3A_433, %get3A_434, %get3A_435] {strides = array<i32>} : memref<8x4x512xf32, #tpu.memory_space<vmem>>, vector<1x1x16xf32>,
        %get3A_437 = vector.shape_cast %get3A_436 : vector<1x1x16xf32> to vector<16xf32>
        %swap3A_438 = arith.index_cast %scan3A_70 : i32 to index
        %swap3A_439 = arith.constant 528 : index
        %swap3A_440 = tpu.vector_load %arg9[%swap3A_438, %swap3A_439] {strides = array<i32>} : memref<8x2048xf32, #tpu.memory_space<vmem>>, vector<1x16xf32>,
        %swap3A_441 = vector.shape_cast %swap3A_440 : vector<1x16xf32> to vector<16xf32>
        %swap3A_442 = vector.shape_cast %get3A_437 : vector<16xf32> to vector<1x16xf32>
        tpu.vector_store %arg9[%swap3A_438, %swap3A_439], %swap3A_442 {strides = array<i32>} : memref<8x2048xf32, #tpu.memory_space<vmem>>, vector<1x16xf32>,
        %get3A_443 = arith.constant 1 : i32
        %get3A_444 = arith.index_cast %scan3A_70 : i32 to index
        %get3A_445 = arith.index_cast %get3A_443 : i32 to index
        %get3A_446 = arith.constant 32 : index
        %get3A_447 = tpu.vector_load %arg8[%get3A_444, %get3A_445, %get3A_446] {strides = array<i32>} : memref<8x4x512xf32, #tpu.memory_space<vmem>>, vector<1x1x16xf32>,
        %get3A_448 = vector.shape_cast %get3A_447 : vector<1x1x16xf32> to vector<16xf32>
        %swap3A_449 = arith.index_cast %scan3A_70 : i32 to index
        %swap3A_450 = arith.constant 544 : index
        %swap3A_451 = tpu.vector_load %arg9[%swap3A_449, %swap3A_450] {strides = array<i32>} : memref<8x2048xf32, #tpu.memory_space<vmem>>, vector<1x16xf32>,
        %swap3A_452 = vector.shape_cast %swap3A_451 : vector<1x16xf32> to vector<16xf32>
        %swap3A_453 = vector.shape_cast %get3A_448 : vector<16xf32> to vector<1x16xf32>
        tpu.vector_store %arg9[%swap3A_449, %swap3A_450], %swap3A_453 {strides = array<i32>} : memref<8x2048xf32, #tpu.memory_space<vmem>>, vector<1x16xf32>,
        %get3A_454 = arith.constant 1 : i32
        %get3A_455 = arith.index_cast %scan3A_70 : i32 to index
        %get3A_456 = arith.index_cast %get3A_454 : i32 to index
        %get3A_457 = arith.constant 48 : index
        %get3A_458 = tpu.vector_load %arg8[%get3A_455, %get3A_456, %get3A_457] {strides = array<i32>} : memref<8x4x512xf32, #tpu.memory_space<vmem>>, vector<1x1x16xf32>,
        %get3A_459 = vector.shape_cast %get3A_458 : vector<1x1x16xf32> to vector<16xf32>
        %swap3A_460 = arith.index_cast %scan3A_70 : i32 to index
        %swap3A_461 = arith.constant 560 : index
        %swap3A_462 = tpu.vector_load %arg9[%swap3A_460, %swap3A_461] {strides = array<i32>} : memref<8x2048xf32, #tpu.memory_space<vmem>>, vector<1x16xf32>,
        %swap3A_463 = vector.shape_cast %swap3A_462 : vector<1x16xf32> to vector<16xf32>
        %swap3A_464 = vector.shape_cast %get3A_459 : vector<16xf32> to vector<1x16xf32>
        tpu.vector_store %arg9[%swap3A_460, %swap3A_461], %swap3A_464 {strides = array<i32>} : memref<8x2048xf32, #tpu.memory_space<vmem>>, vector<1x16xf32>,
        %get3A_465 = arith.constant 1 : i32
        %get3A_466 = arith.index_cast %scan3A_70 : i32 to index
        %get3A_467 = arith.index_cast %get3A_465 : i32 to index
        %get3A_468 = arith.constant 64 : index
        %get3A_469 = tpu.vector_load %arg8[%get3A_466, %get3A_467, %get3A_468] {strides = array<i32>} : memref<8x4x512xf32, #tpu.memory_space<vmem>>, vector<1x1x16xf32>,
        %get3A_470 = vector.shape_cast %get3A_469 : vector<1x1x16xf32> to vector<16xf32>
        %swap3A_471 = arith.index_cast %scan3A_70 : i32 to index
        %swap3A_472 = arith.constant 576 : index
        %swap3A_473 = tpu.vector_load %arg9[%swap3A_471, %swap3A_472] {strides = array<i32>} : memref<8x2048xf32, #tpu.memory_space<vmem>>, vector<1x16xf32>,
        %swap3A_474 = vector.shape_cast %swap3A_473 : vector<1x16xf32> to vector<16xf32>
        %swap3A_475 = vector.shape_cast %get3A_470 : vector<16xf32> to vector<1x16xf32>
        tpu.vector_store %arg9[%swap3A_471, %swap3A_472], %swap3A_475 {strides = array<i32>} : memref<8x2048xf32, #tpu.memory_space<vmem>>, vector<1x16xf32>,
        %get3A_476 = arith.constant 1 : i32
        %get3A_477 = arith.index_cast %scan3A_70 : i32 to index
        %get3A_478 = arith.index_cast %get3A_476 : i32 to index
        %get3A_479 = arith.constant 80 : index
        %get3A_480 = tpu.vector_load %arg8[%get3A_477, %get3A_478, %get3A_479] {strides = array<i32>} : memref<8x4x512xf32, #tpu.memory_space<vmem>>, vector<1x1x16xf32>,
        %get3A_481 = vector.shape_cast %get3A_480 : vector<1x1x16xf32> to vector<16xf32>
        %swap3A_482 = arith.index_cast %scan3A_70 : i32 to index
        %swap3A_483 = arith.constant 592 : index
        %swap3A_484 = tpu.vector_load %arg9[%swap3A_482, %swap3A_483] {strides = array<i32>} : memref<8x2048xf32, #tpu.memory_space<vmem>>, vector<1x16xf32>,
        %swap3A_485 = vector.shape_cast %swap3A_484 : vector<1x16xf32> to vector<16xf32>
        %swap3A_486 = vector.shape_cast %get3A_481 : vector<16xf32> to vector<1x16xf32>
        tpu.vector_store %arg9[%swap3A_482, %swap3A_483], %swap3A_486 {strides = array<i32>} : memref<8x2048xf32, #tpu.memory_space<vmem>>, vector<1x16xf32>,
        %get3A_487 = arith.constant 1 : i32
        %get3A_488 = arith.index_cast %scan3A_70 : i32 to index
        %get3A_489 = arith.index_cast %get3A_487 : i32 to index
        %get3A_490 = arith.constant 96 : index
        %get3A_491 = tpu.vector_load %arg8[%get3A_488, %get3A_489, %get3A_490] {strides = array<i32>} : memref<8x4x512xf32, #tpu.memory_space<vmem>>, vector<1x1x16xf32>,
        %get3A_492 = vector.shape_cast %get3A_491 : vector<1x1x16xf32> to vector<16xf32>
        %swap3A_493 = arith.index_cast %scan3A_70 : i32 to index
        %swap3A_494 = arith.constant 608 : index
        %swap3A_495 = tpu.vector_load %arg9[%swap3A_493, %swap3A_494] {strides = array<i32>} : memref<8x2048xf32, #tpu.memory_space<vmem>>, vector<1x16xf32>,
        %swap3A_496 = vector.shape_cast %swap3A_495 : vector<1x16xf32> to vector<16xf32>
        %swap3A_497 = vector.shape_cast %get3A_492 : vector<16xf32> to vector<1x16xf32>
        tpu.vector_store %arg9[%swap3A_493, %swap3A_494], %swap3A_497 {strides = array<i32>} : memref<8x2048xf32, #tpu.memory_space<vmem>>, vector<1x16xf32>,
        %get3A_498 = arith.constant 1 : i32
        %get3A_499 = arith.index_cast %scan3A_70 : i32 to index
        %get3A_500 = arith.index_cast %get3A_498 : i32 to index
        %get3A_501 = arith.constant 112 : index
        %get3A_502 = tpu.vector_load %arg8[%get3A_499, %get3A_500, %get3A_501] {strides = array<i32>} : memref<8x4x512xf32, #tpu.memory_space<vmem>>, vector<1x1x16xf32>,
        %get3A_503 = vector.shape_cast %get3A_502 : vector<1x1x16xf32> to vector<16xf32>
        %swap3A_504 = arith.index_cast %scan3A_70 : i32 to index
        %swap3A_505 = arith.constant 624 : index
        %swap3A_506 = tpu.vector_load %arg9[%swap3A_504, %swap3A_505] {strides = array<i32>} : memref<8x2048xf32, #tpu.memory_space<vmem>>, vector<1x16xf32>,
        %swap3A_507 = vector.shape_cast %swap3A_506 : vector<1x16xf32> to vector<16xf32>
        %swap3A_508 = vector.shape_cast %get3A_503 : vector<16xf32> to vector<1x16xf32>
        tpu.vector_store %arg9[%swap3A_504, %swap3A_505], %swap3A_508 {strides = array<i32>} : memref<8x2048xf32, #tpu.memory_space<vmem>>, vector<1x16xf32>,
        %get3A_509 = arith.constant 1 : i32
        %get3A_510 = arith.index_cast %scan3A_70 : i32 to index
        %get3A_511 = arith.index_cast %get3A_509 : i32 to index
        %get3A_512 = arith.constant 128 : index
        %get3A_513 = tpu.vector_load %arg8[%get3A_510, %get3A_511, %get3A_512] {strides = array<i32>} : memref<8x4x512xf32, #tpu.memory_space<vmem>>, vector<1x1x16xf32>,
        %get3A_514 = vector.shape_cast %get3A_513 : vector<1x1x16xf32> to vector<16xf32>
        %swap3A_515 = arith.index_cast %scan3A_70 : i32 to index
        %swap3A_516 = arith.constant 640 : index
        %swap3A_517 = tpu.vector_load %arg9[%swap3A_515, %swap3A_516] {strides = array<i32>} : memref<8x2048xf32, #tpu.memory_space<vmem>>, vector<1x16xf32>,
        %swap3A_518 = vector.shape_cast %swap3A_517 : vector<1x16xf32> to vector<16xf32>
        %swap3A_519 = vector.shape_cast %get3A_514 : vector<16xf32> to vector<1x16xf32>
        tpu.vector_store %arg9[%swap3A_515, %swap3A_516], %swap3A_519 {strides = array<i32>} : memref<8x2048xf32, #tpu.memory_space<vmem>>, vector<1x16xf32>,
        %get3A_520 = arith.constant 1 : i32
        %get3A_521 = arith.index_cast %scan3A_70 : i32 to index
        %get3A_522 = arith.index_cast %get3A_520 : i32 to index
        %get3A_523 = arith.constant 144 : index
        %get3A_524 = tpu.vector_load %arg8[%get3A_521, %get3A_522, %get3A_523] {strides = array<i32>} : memref<8x4x512xf32, #tpu.memory_space<vmem>>, vector<1x1x16xf32>,
        %get3A_525 = vector.shape_cast %get3A_524 : vector<1x1x16xf32> to vector<16xf32>
        %swap3A_526 = arith.index_cast %scan3A_70 : i32 to index
        %swap3A_527 = arith.constant 656 : index
        %swap3A_528 = tpu.vector_load %arg9[%swap3A_526, %swap3A_527] {strides = array<i32>} : memref<8x2048xf32, #tpu.memory_space<vmem>>, vector<1x16xf32>,
        %swap3A_529 = vector.shape_cast %swap3A_528 : vector<1x16xf32> to vector<16xf32>
        %swap3A_530 = vector.shape_cast %get3A_525 : vector<16xf32> to vector<1x16xf32>
        tpu.vector_store %arg9[%swap3A_526, %swap3A_527], %swap3A_530 {strides = array<i32>} : memref<8x2048xf32, #tpu.memory_space<vmem>>, vector<1x16xf32>,
        %get3A_531 = arith.constant 1 : i32
        %get3A_532 = arith.index_cast %scan3A_70 : i32 to index
        %get3A_533 = arith.index_cast %get3A_531 : i32 to index
        %get3A_534 = arith.constant 160 : index
        %get3A_535 = tpu.vector_load %arg8[%get3A_532, %get3A_533, %get3A_534] {strides = array<i32>} : memref<8x4x512xf32, #tpu.memory_space<vmem>>, vector<1x1x16xf32>,
        %get3A_536 = vector.shape_cast %get3A_535 : vector<1x1x16xf32> to vector<16xf32>
        %swap3A_537 = arith.index_cast %scan3A_70 : i32 to index
        %swap3A_538 = arith.constant 672 : index
        %swap3A_539 = tpu.vector_load %arg9[%swap3A_537, %swap3A_538] {strides = array<i32>} : memref<8x2048xf32, #tpu.memory_space<vmem>>, vector<1x16xf32>,
        %swap3A_540 = vector.shape_cast %swap3A_539 : vector<1x16xf32> to vector<16xf32>
        %swap3A_541 = vector.shape_cast %get3A_536 : vector<16xf32> to vector<1x16xf32>
        tpu.vector_store %arg9[%swap3A_537, %swap3A_538], %swap3A_541 {strides = array<i32>} : memref<8x2048xf32, #tpu.memory_space<vmem>>, vector<1x16xf32>,
        %get3A_542 = arith.constant 1 : i32
        %get3A_543 = arith.index_cast %scan3A_70 : i32 to index
        %get3A_544 = arith.index_cast %get3A_542 : i32 to index
        %get3A_545 = arith.constant 176 : index
        %get3A_546 = tpu.vector_load %arg8[%get3A_543, %get3A_544, %get3A_545] {strides = array<i32>} : memref<8x4x512xf32, #tpu.memory_space<vmem>>, vector<1x1x16xf32>,
        %get3A_547 = vector.shape_cast %get3A_546 : vector<1x1x16xf32> to vector<16xf32>
        %swap3A_548 = arith.index_cast %scan3A_70 : i32 to index
        %swap3A_549 = arith.constant 688 : index
        %swap3A_550 = tpu.vector_load %arg9[%swap3A_548, %swap3A_549] {strides = array<i32>} : memref<8x2048xf32, #tpu.memory_space<vmem>>, vector<1x16xf32>,
        %swap3A_551 = vector.shape_cast %swap3A_550 : vector<1x16xf32> to vector<16xf32>
        %swap3A_552 = vector.shape_cast %get3A_547 : vector<16xf32> to vector<1x16xf32>
        tpu.vector_store %arg9[%swap3A_548, %swap3A_549], %swap3A_552 {strides = array<i32>} : memref<8x2048xf32, #tpu.memory_space<vmem>>, vector<1x16xf32>,
        %get3A_553 = arith.constant 1 : i32
        %get3A_554 = arith.index_cast %scan3A_70 : i32 to index
        %get3A_555 = arith.index_cast %get3A_553 : i32 to index
        %get3A_556 = arith.constant 192 : index
        %get3A_557 = tpu.vector_load %arg8[%get3A_554, %get3A_555, %get3A_556] {strides = array<i32>} : memref<8x4x512xf32, #tpu.memory_space<vmem>>, vector<1x1x16xf32>,
        %get3A_558 = vector.shape_cast %get3A_557 : vector<1x1x16xf32> to vector<16xf32>
        %swap3A_559 = arith.index_cast %scan3A_70 : i32 to index
        %swap3A_560 = arith.constant 704 : index
        %swap3A_561 = tpu.vector_load %arg9[%swap3A_559, %swap3A_560] {strides = array<i32>} : memref<8x2048xf32, #tpu.memory_space<vmem>>, vector<1x16xf32>,
        %swap3A_562 = vector.shape_cast %swap3A_561 : vector<1x16xf32> to vector<16xf32>
        %swap3A_563 = vector.shape_cast %get3A_558 : vector<16xf32> to vector<1x16xf32>
        tpu.vector_store %arg9[%swap3A_559, %swap3A_560], %swap3A_563 {strides = array<i32>} : memref<8x2048xf32, #tpu.memory_space<vmem>>, vector<1x16xf32>,
        %get3A_564 = arith.constant 1 : i32
        %get3A_565 = arith.index_cast %scan3A_70 : i32 to index
        %get3A_566 = arith.index_cast %get3A_564 : i32 to index
        %get3A_567 = arith.constant 208 : index
        %get3A_568 = tpu.vector_load %arg8[%get3A_565, %get3A_566, %get3A_567] {strides = array<i32>} : memref<8x4x512xf32, #tpu.memory_space<vmem>>, vector<1x1x16xf32>,
        %get3A_569 = vector.shape_cast %get3A_568 : vector<1x1x16xf32> to vector<16xf32>
        %swap3A_570 = arith.index_cast %scan3A_70 : i32 to index
        %swap3A_571 = arith.constant 720 : index
        %swap3A_572 = tpu.vector_load %arg9[%swap3A_570, %swap3A_571] {strides = array<i32>} : memref<8x2048xf32, #tpu.memory_space<vmem>>, vector<1x16xf32>,
        %swap3A_573 = vector.shape_cast %swap3A_572 : vector<1x16xf32> to vector<16xf32>
        %swap3A_574 = vector.shape_cast %get3A_569 : vector<16xf32> to vector<1x16xf32>
        tpu.vector_store %arg9[%swap3A_570, %swap3A_571], %swap3A_574 {strides = array<i32>} : memref<8x2048xf32, #tpu.memory_space<vmem>>, vector<1x16xf32>,
        %get3A_575 = arith.constant 1 : i32
        %get3A_576 = arith.index_cast %scan3A_70 : i32 to index
        %get3A_577 = arith.index_cast %get3A_575 : i32 to index
        %get3A_578 = arith.constant 224 : index
        %get3A_579 = tpu.vector_load %arg8[%get3A_576, %get3A_577, %get3A_578] {strides = array<i32>} : memref<8x4x512xf32, #tpu.memory_space<vmem>>, vector<1x1x16xf32>,
        %get3A_580 = vector.shape_cast %get3A_579 : vector<1x1x16xf32> to vector<16xf32>
        %swap3A_581 = arith.index_cast %scan3A_70 : i32 to index
        %swap3A_582 = arith.constant 736 : index
        %swap3A_583 = tpu.vector_load %arg9[%swap3A_581, %swap3A_582] {strides = array<i32>} : memref<8x2048xf32, #tpu.memory_space<vmem>>, vector<1x16xf32>,
        %swap3A_584 = vector.shape_cast %swap3A_583 : vector<1x16xf32> to vector<16xf32>
        %swap3A_585 = vector.shape_cast %get3A_580 : vector<16xf32> to vector<1x16xf32>
        tpu.vector_store %arg9[%swap3A_581, %swap3A_582], %swap3A_585 {strides = array<i32>} : memref<8x2048xf32, #tpu.memory_space<vmem>>, vector<1x16xf32>,
        %get3A_586 = arith.constant 1 : i32
        %get3A_587 = arith.index_cast %scan3A_70 : i32 to index
        %get3A_588 = arith.index_cast %get3A_586 : i32 to index
        %get3A_589 = arith.constant 240 : index
        %get3A_590 = tpu.vector_load %arg8[%get3A_587, %get3A_588, %get3A_589] {strides = array<i32>} : memref<8x4x512xf32, #tpu.memory_space<vmem>>, vector<1x1x16xf32>,
        %get3A_591 = vector.shape_cast %get3A_590 : vector<1x1x16xf32> to vector<16xf32>
        %swap3A_592 = arith.index_cast %scan3A_70 : i32 to index
        %swap3A_593 = arith.constant 752 : index
        %swap3A_594 = tpu.vector_load %arg9[%swap3A_592, %swap3A_593] {strides = array<i32>} : memref<8x2048xf32, #tpu.memory_space<vmem>>, vector<1x16xf32>,
        %swap3A_595 = vector.shape_cast %swap3A_594 : vector<1x16xf32> to vector<16xf32>
        %swap3A_596 = vector.shape_cast %get3A_591 : vector<16xf32> to vector<1x16xf32>
        tpu.vector_store %arg9[%swap3A_592, %swap3A_593], %swap3A_596 {strides = array<i32>} : memref<8x2048xf32, #tpu.memory_space<vmem>>, vector<1x16xf32>,
        %get3A_597 = arith.constant 1 : i32
        %get3A_598 = arith.index_cast %scan3A_70 : i32 to index
        %get3A_599 = arith.index_cast %get3A_597 : i32 to index
        %get3A_600 = arith.constant 256 : index
        %get3A_601 = tpu.vector_load %arg8[%get3A_598, %get3A_599, %get3A_600] {strides = array<i32>} : memref<8x4x512xf32, #tpu.memory_space<vmem>>, vector<1x1x16xf32>,
        %get3A_602 = vector.shape_cast %get3A_601 : vector<1x1x16xf32> to vector<16xf32>
        %swap3A_603 = arith.index_cast %scan3A_70 : i32 to index
        %swap3A_604 = arith.constant 768 : index
        %swap3A_605 = tpu.vector_load %arg9[%swap3A_603, %swap3A_604] {strides = array<i32>} : memref<8x2048xf32, #tpu.memory_space<vmem>>, vector<1x16xf32>,
        %swap3A_606 = vector.shape_cast %swap3A_605 : vector<1x16xf32> to vector<16xf32>
        %swap3A_607 = vector.shape_cast %get3A_602 : vector<16xf32> to vector<1x16xf32>
        tpu.vector_store %arg9[%swap3A_603, %swap3A_604], %swap3A_607 {strides = array<i32>} : memref<8x2048xf32, #tpu.memory_space<vmem>>, vector<1x16xf32>,
        %get3A_608 = arith.constant 1 : i32
        %get3A_609 = arith.index_cast %scan3A_70 : i32 to index
        %get3A_610 = arith.index_cast %get3A_608 : i32 to index
        %get3A_611 = arith.constant 272 : index
        %get3A_612 = tpu.vector_load %arg8[%get3A_609, %get3A_610, %get3A_611] {strides = array<i32>} : memref<8x4x512xf32, #tpu.memory_space<vmem>>, vector<1x1x16xf32>,
        %get3A_613 = vector.shape_cast %get3A_612 : vector<1x1x16xf32> to vector<16xf32>
        %swap3A_614 = arith.index_cast %scan3A_70 : i32 to index
        %swap3A_615 = arith.constant 784 : index
        %swap3A_616 = tpu.vector_load %arg9[%swap3A_614, %swap3A_615] {strides = array<i32>} : memref<8x2048xf32, #tpu.memory_space<vmem>>, vector<1x16xf32>,
        %swap3A_617 = vector.shape_cast %swap3A_616 : vector<1x16xf32> to vector<16xf32>
        %swap3A_618 = vector.shape_cast %get3A_613 : vector<16xf32> to vector<1x16xf32>
        tpu.vector_store %arg9[%swap3A_614, %swap3A_615], %swap3A_618 {strides = array<i32>} : memref<8x2048xf32, #tpu.memory_space<vmem>>, vector<1x16xf32>,
        %get3A_619 = arith.constant 1 : i32
        %get3A_620 = arith.index_cast %scan3A_70 : i32 to index
        %get3A_621 = arith.index_cast %get3A_619 : i32 to index
        %get3A_622 = arith.constant 288 : index
        %get3A_623 = tpu.vector_load %arg8[%get3A_620, %get3A_621, %get3A_622] {strides = array<i32>} : memref<8x4x512xf32, #tpu.memory_space<vmem>>, vector<1x1x16xf32>,
        %get3A_624 = vector.shape_cast %get3A_623 : vector<1x1x16xf32> to vector<16xf32>
        %swap3A_625 = arith.index_cast %scan3A_70 : i32 to index
        %swap3A_626 = arith.constant 800 : index
        %swap3A_627 = tpu.vector_load %arg9[%swap3A_625, %swap3A_626] {strides = array<i32>} : memref<8x2048xf32, #tpu.memory_space<vmem>>, vector<1x16xf32>,
        %swap3A_628 = vector.shape_cast %swap3A_627 : vector<1x16xf32> to vector<16xf32>
        %swap3A_629 = vector.shape_cast %get3A_624 : vector<16xf32> to vector<1x16xf32>
        tpu.vector_store %arg9[%swap3A_625, %swap3A_626], %swap3A_629 {strides = array<i32>} : memref<8x2048xf32, #tpu.memory_space<vmem>>, vector<1x16xf32>,
        %get3A_630 = arith.constant 1 : i32
        %get3A_631 = arith.index_cast %scan3A_70 : i32 to index
        %get3A_632 = arith.index_cast %get3A_630 : i32 to index
        %get3A_633 = arith.constant 304 : index
        %get3A_634 = tpu.vector_load %arg8[%get3A_631, %get3A_632, %get3A_633] {strides = array<i32>} : memref<8x4x512xf32, #tpu.memory_space<vmem>>, vector<1x1x16xf32>,
        %get3A_635 = vector.shape_cast %get3A_634 : vector<1x1x16xf32> to vector<16xf32>
        %swap3A_636 = arith.index_cast %scan3A_70 : i32 to index
        %swap3A_637 = arith.constant 816 : index
        %swap3A_638 = tpu.vector_load %arg9[%swap3A_636, %swap3A_637] {strides = array<i32>} : memref<8x2048xf32, #tpu.memory_space<vmem>>, vector<1x16xf32>,
        %swap3A_639 = vector.shape_cast %swap3A_638 : vector<1x16xf32> to vector<16xf32>
        %swap3A_640 = vector.shape_cast %get3A_635 : vector<16xf32> to vector<1x16xf32>
        tpu.vector_store %arg9[%swap3A_636, %swap3A_637], %swap3A_640 {strides = array<i32>} : memref<8x2048xf32, #tpu.memory_space<vmem>>, vector<1x16xf32>,
        %get3A_641 = arith.constant 1 : i32
        %get3A_642 = arith.index_cast %scan3A_70 : i32 to index
        %get3A_643 = arith.index_cast %get3A_641 : i32 to index
        %get3A_644 = arith.constant 320 : index
        %get3A_645 = tpu.vector_load %arg8[%get3A_642, %get3A_643, %get3A_644] {strides = array<i32>} : memref<8x4x512xf32, #tpu.memory_space<vmem>>, vector<1x1x16xf32>,
        %get3A_646 = vector.shape_cast %get3A_645 : vector<1x1x16xf32> to vector<16xf32>
        %swap3A_647 = arith.index_cast %scan3A_70 : i32 to index
        %swap3A_648 = arith.constant 832 : index
        %swap3A_649 = tpu.vector_load %arg9[%swap3A_647, %swap3A_648] {strides = array<i32>} : memref<8x2048xf32, #tpu.memory_space<vmem>>, vector<1x16xf32>,
        %swap3A_650 = vector.shape_cast %swap3A_649 : vector<1x16xf32> to vector<16xf32>
        %swap3A_651 = vector.shape_cast %get3A_646 : vector<16xf32> to vector<1x16xf32>
        tpu.vector_store %arg9[%swap3A_647, %swap3A_648], %swap3A_651 {strides = array<i32>} : memref<8x2048xf32, #tpu.memory_space<vmem>>, vector<1x16xf32>,
        %get3A_652 = arith.constant 1 : i32
        %get3A_653 = arith.index_cast %scan3A_70 : i32 to index
        %get3A_654 = arith.index_cast %get3A_652 : i32 to index
        %get3A_655 = arith.constant 336 : index
        %get3A_656 = tpu.vector_load %arg8[%get3A_653, %get3A_654, %get3A_655] {strides = array<i32>} : memref<8x4x512xf32, #tpu.memory_space<vmem>>, vector<1x1x16xf32>,
        %get3A_657 = vector.shape_cast %get3A_656 : vector<1x1x16xf32> to vector<16xf32>
        %swap3A_658 = arith.index_cast %scan3A_70 : i32 to index
        %swap3A_659 = arith.constant 848 : index
        %swap3A_660 = tpu.vector_load %arg9[%swap3A_658, %swap3A_659] {strides = array<i32>} : memref<8x2048xf32, #tpu.memory_space<vmem>>, vector<1x16xf32>,
        %swap3A_661 = vector.shape_cast %swap3A_660 : vector<1x16xf32> to vector<16xf32>
        %swap3A_662 = vector.shape_cast %get3A_657 : vector<16xf32> to vector<1x16xf32>
        tpu.vector_store %arg9[%swap3A_658, %swap3A_659], %swap3A_662 {strides = array<i32>} : memref<8x2048xf32, #tpu.memory_space<vmem>>, vector<1x16xf32>,
        %get3A_663 = arith.constant 1 : i32
        %get3A_664 = arith.index_cast %scan3A_70 : i32 to index
        %get3A_665 = arith.index_cast %get3A_663 : i32 to index
        %get3A_666 = arith.constant 352 : index
        %get3A_667 = tpu.vector_load %arg8[%get3A_664, %get3A_665, %get3A_666] {strides = array<i32>} : memref<8x4x512xf32, #tpu.memory_space<vmem>>, vector<1x1x16xf32>,
        %get3A_668 = vector.shape_cast %get3A_667 : vector<1x1x16xf32> to vector<16xf32>
        %swap3A_669 = arith.index_cast %scan3A_70 : i32 to index
        %swap3A_670 = arith.constant 864 : index
        %swap3A_671 = tpu.vector_load %arg9[%swap3A_669, %swap3A_670] {strides = array<i32>} : memref<8x2048xf32, #tpu.memory_space<vmem>>, vector<1x16xf32>,
        %swap3A_672 = vector.shape_cast %swap3A_671 : vector<1x16xf32> to vector<16xf32>
        %swap3A_673 = vector.shape_cast %get3A_668 : vector<16xf32> to vector<1x16xf32>
        tpu.vector_store %arg9[%swap3A_669, %swap3A_670], %swap3A_673 {strides = array<i32>} : memref<8x2048xf32, #tpu.memory_space<vmem>>, vector<1x16xf32>,
        %get3A_674 = arith.constant 1 : i32
        %get3A_675 = arith.index_cast %scan3A_70 : i32 to index
        %get3A_676 = arith.index_cast %get3A_674 : i32 to index
        %get3A_677 = arith.constant 368 : index
        %get3A_678 = tpu.vector_load %arg8[%get3A_675, %get3A_676, %get3A_677] {strides = array<i32>} : memref<8x4x512xf32, #tpu.memory_space<vmem>>, vector<1x1x16xf32>,
        %get3A_679 = vector.shape_cast %get3A_678 : vector<1x1x16xf32> to vector<16xf32>
        %swap3A_680 = arith.index_cast %scan3A_70 : i32 to index
        %swap3A_681 = arith.constant 880 : index
        %swap3A_682 = tpu.vector_load %arg9[%swap3A_680, %swap3A_681] {strides = array<i32>} : memref<8x2048xf32, #tpu.memory_space<vmem>>, vector<1x16xf32>,
        %swap3A_683 = vector.shape_cast %swap3A_682 : vector<1x16xf32> to vector<16xf32>
        %swap3A_684 = vector.shape_cast %get3A_679 : vector<16xf32> to vector<1x16xf32>
        tpu.vector_store %arg9[%swap3A_680, %swap3A_681], %swap3A_684 {strides = array<i32>} : memref<8x2048xf32, #tpu.memory_space<vmem>>, vector<1x16xf32>,
        %get3A_685 = arith.constant 1 : i32
        %get3A_686 = arith.index_cast %scan3A_70 : i32 to index
        %get3A_687 = arith.index_cast %get3A_685 : i32 to index
        %get3A_688 = arith.constant 384 : index
        %get3A_689 = tpu.vector_load %arg8[%get3A_686, %get3A_687, %get3A_688] {strides = array<i32>} : memref<8x4x512xf32, #tpu.memory_space<vmem>>, vector<1x1x16xf32>,
        %get3A_690 = vector.shape_cast %get3A_689 : vector<1x1x16xf32> to vector<16xf32>
        %swap3A_691 = arith.index_cast %scan3A_70 : i32 to index
        %swap3A_692 = arith.constant 896 : index
        %swap3A_693 = tpu.vector_load %arg9[%swap3A_691, %swap3A_692] {strides = array<i32>} : memref<8x2048xf32, #tpu.memory_space<vmem>>, vector<1x16xf32>,
        %swap3A_694 = vector.shape_cast %swap3A_693 : vector<1x16xf32> to vector<16xf32>
        %swap3A_695 = vector.shape_cast %get3A_690 : vector<16xf32> to vector<1x16xf32>
        tpu.vector_store %arg9[%swap3A_691, %swap3A_692], %swap3A_695 {strides = array<i32>} : memref<8x2048xf32, #tpu.memory_space<vmem>>, vector<1x16xf32>,
        %get3A_696 = arith.constant 1 : i32
        %get3A_697 = arith.index_cast %scan3A_70 : i32 to index
        %get3A_698 = arith.index_cast %get3A_696 : i32 to index
        %get3A_699 = arith.constant 400 : index
        %get3A_700 = tpu.vector_load %arg8[%get3A_697, %get3A_698, %get3A_699] {strides = array<i32>} : memref<8x4x512xf32, #tpu.memory_space<vmem>>, vector<1x1x16xf32>,
        %get3A_701 = vector.shape_cast %get3A_700 : vector<1x1x16xf32> to vector<16xf32>
        %swap3A_702 = arith.index_cast %scan3A_70 : i32 to index
        %swap3A_703 = arith.constant 912 : index
        %swap3A_704 = tpu.vector_load %arg9[%swap3A_702, %swap3A_703] {strides = array<i32>} : memref<8x2048xf32, #tpu.memory_space<vmem>>, vector<1x16xf32>,
        %swap3A_705 = vector.shape_cast %swap3A_704 : vector<1x16xf32> to vector<16xf32>
        %swap3A_706 = vector.shape_cast %get3A_701 : vector<16xf32> to vector<1x16xf32>
        tpu.vector_store %arg9[%swap3A_702, %swap3A_703], %swap3A_706 {strides = array<i32>} : memref<8x2048xf32, #tpu.memory_space<vmem>>, vector<1x16xf32>,
        %get3A_707 = arith.constant 1 : i32
        %get3A_708 = arith.index_cast %scan3A_70 : i32 to index
        %get3A_709 = arith.index_cast %get3A_707 : i32 to index
        %get3A_710 = arith.constant 416 : index
        %get3A_711 = tpu.vector_load %arg8[%get3A_708, %get3A_709, %get3A_710] {strides = array<i32>} : memref<8x4x512xf32, #tpu.memory_space<vmem>>, vector<1x1x16xf32>,
        %get3A_712 = vector.shape_cast %get3A_711 : vector<1x1x16xf32> to vector<16xf32>
        %swap3A_713 = arith.index_cast %scan3A_70 : i32 to index
        %swap3A_714 = arith.constant 928 : index
        %swap3A_715 = tpu.vector_load %arg9[%swap3A_713, %swap3A_714] {strides = array<i32>} : memref<8x2048xf32, #tpu.memory_space<vmem>>, vector<1x16xf32>,
        %swap3A_716 = vector.shape_cast %swap3A_715 : vector<1x16xf32> to vector<16xf32>
        %swap3A_717 = vector.shape_cast %get3A_712 : vector<16xf32> to vector<1x16xf32>
        tpu.vector_store %arg9[%swap3A_713, %swap3A_714], %swap3A_717 {strides = array<i32>} : memref<8x2048xf32, #tpu.memory_space<vmem>>, vector<1x16xf32>,
        %get3A_718 = arith.constant 1 : i32
        %get3A_719 = arith.index_cast %scan3A_70 : i32 to index
        %get3A_720 = arith.index_cast %get3A_718 : i32 to index
        %get3A_721 = arith.constant 432 : index
        %get3A_722 = tpu.vector_load %arg8[%get3A_719, %get3A_720, %get3A_721] {strides = array<i32>} : memref<8x4x512xf32, #tpu.memory_space<vmem>>, vector<1x1x16xf32>,
        %get3A_723 = vector.shape_cast %get3A_722 : vector<1x1x16xf32> to vector<16xf32>
        %swap3A_724 = arith.index_cast %scan3A_70 : i32 to index
        %swap3A_725 = arith.constant 944 : index
        %swap3A_726 = tpu.vector_load %arg9[%swap3A_724, %swap3A_725] {strides = array<i32>} : memref<8x2048xf32, #tpu.memory_space<vmem>>, vector<1x16xf32>,
        %swap3A_727 = vector.shape_cast %swap3A_726 : vector<1x16xf32> to vector<16xf32>
        %swap3A_728 = vector.shape_cast %get3A_723 : vector<16xf32> to vector<1x16xf32>
        tpu.vector_store %arg9[%swap3A_724, %swap3A_725], %swap3A_728 {strides = array<i32>} : memref<8x2048xf32, #tpu.memory_space<vmem>>, vector<1x16xf32>,
        %get3A_729 = arith.constant 1 : i32
        %get3A_730 = arith.index_cast %scan3A_70 : i32 to index
        %get3A_731 = arith.index_cast %get3A_729 : i32 to index
        %get3A_732 = arith.constant 448 : index
        %get3A_733 = tpu.vector_load %arg8[%get3A_730, %get3A_731, %get3A_732] {strides = array<i32>} : memref<8x4x512xf32, #tpu.memory_space<vmem>>, vector<1x1x16xf32>,
        %get3A_734 = vector.shape_cast %get3A_733 : vector<1x1x16xf32> to vector<16xf32>
        %swap3A_735 = arith.index_cast %scan3A_70 : i32 to index
        %swap3A_736 = arith.constant 960 : index
        %swap3A_737 = tpu.vector_load %arg9[%swap3A_735, %swap3A_736] {strides = array<i32>} : memref<8x2048xf32, #tpu.memory_space<vmem>>, vector<1x16xf32>,
        %swap3A_738 = vector.shape_cast %swap3A_737 : vector<1x16xf32> to vector<16xf32>
        %swap3A_739 = vector.shape_cast %get3A_734 : vector<16xf32> to vector<1x16xf32>
        tpu.vector_store %arg9[%swap3A_735, %swap3A_736], %swap3A_739 {strides = array<i32>} : memref<8x2048xf32, #tpu.memory_space<vmem>>, vector<1x16xf32>,
        %get3A_740 = arith.constant 1 : i32
        %get3A_741 = arith.index_cast %scan3A_70 : i32 to index
        %get3A_742 = arith.index_cast %get3A_740 : i32 to index
        %get3A_743 = arith.constant 464 : index
        %get3A_744 = tpu.vector_load %arg8[%get3A_741, %get3A_742, %get3A_743] {strides = array<i32>} : memref<8x4x512xf32, #tpu.memory_space<vmem>>, vector<1x1x16xf32>,
        %get3A_745 = vector.shape_cast %get3A_744 : vector<1x1x16xf32> to vector<16xf32>
        %swap3A_746 = arith.index_cast %scan3A_70 : i32 to index
        %swap3A_747 = arith.constant 976 : index
        %swap3A_748 = tpu.vector_load %arg9[%swap3A_746, %swap3A_747] {strides = array<i32>} : memref<8x2048xf32, #tpu.memory_space<vmem>>, vector<1x16xf32>,
        %swap3A_749 = vector.shape_cast %swap3A_748 : vector<1x16xf32> to vector<16xf32>
        %swap3A_750 = vector.shape_cast %get3A_745 : vector<16xf32> to vector<1x16xf32>
        tpu.vector_store %arg9[%swap3A_746, %swap3A_747], %swap3A_750 {strides = array<i32>} : memref<8x2048xf32, #tpu.memory_space<vmem>>, vector<1x16xf32>,
        %get3A_751 = arith.constant 1 : i32
        %get3A_752 = arith.index_cast %scan3A_70 : i32 to index
        %get3A_753 = arith.index_cast %get3A_751 : i32 to index
        %get3A_754 = arith.constant 480 : index
        %get3A_755 = tpu.vector_load %arg8[%get3A_752, %get3A_753, %get3A_754] {strides = array<i32>} : memref<8x4x512xf32, #tpu.memory_space<vmem>>, vector<1x1x16xf32>,
        %get3A_756 = vector.shape_cast %get3A_755 : vector<1x1x16xf32> to vector<16xf32>
        %swap3A_757 = arith.index_cast %scan3A_70 : i32 to index
        %swap3A_758 = arith.constant 992 : index
        %swap3A_759 = tpu.vector_load %arg9[%swap3A_757, %swap3A_758] {strides = array<i32>} : memref<8x2048xf32, #tpu.memory_space<vmem>>, vector<1x16xf32>,
        %swap3A_760 = vector.shape_cast %swap3A_759 : vector<1x16xf32> to vector<16xf32>
        %swap3A_761 = vector.shape_cast %get3A_756 : vector<16xf32> to vector<1x16xf32>
        tpu.vector_store %arg9[%swap3A_757, %swap3A_758], %swap3A_761 {strides = array<i32>} : memref<8x2048xf32, #tpu.memory_space<vmem>>, vector<1x16xf32>,
        %get3A_762 = arith.constant 1 : i32
        %get3A_763 = arith.index_cast %scan3A_70 : i32 to index
        %get3A_764 = arith.index_cast %get3A_762 : i32 to index
        %get3A_765 = arith.constant 496 : index
        %get3A_766 = tpu.vector_load %arg8[%get3A_763, %get3A_764, %get3A_765] {strides = array<i32>} : memref<8x4x512xf32, #tpu.memory_space<vmem>>, vector<1x1x16xf32>,
        %get3A_767 = vector.shape_cast %get3A_766 : vector<1x1x16xf32> to vector<16xf32>
        %swap3A_768 = arith.index_cast %scan3A_70 : i32 to index
        %swap3A_769 = arith.constant 1008 : index
        %swap3A_770 = tpu.vector_load %arg9[%swap3A_768, %swap3A_769] {strides = array<i32>} : memref<8x2048xf32, #tpu.memory_space<vmem>>, vector<1x16xf32>,
        %swap3A_771 = vector.shape_cast %swap3A_770 : vector<1x16xf32> to vector<16xf32>
        %swap3A_772 = vector.shape_cast %get3A_767 : vector<16xf32> to vector<1x16xf32>
        tpu.vector_store %arg9[%swap3A_768, %swap3A_769], %swap3A_772 {strides = array<i32>} : memref<8x2048xf32, #tpu.memory_space<vmem>>, vector<1x16xf32>,
        %get3A_773 = arith.constant 2 : i32
        %get3A_774 = arith.index_cast %scan3A_70 : i32 to index
        %get3A_775 = arith.index_cast %get3A_773 : i32 to index
        %get3A_776 = arith.constant 0 : index
        %get3A_777 = tpu.vector_load %arg8[%get3A_774, %get3A_775, %get3A_776] {strides = array<i32>} : memref<8x4x512xf32, #tpu.memory_space<vmem>>, vector<1x1x16xf32>,
        %get3A_778 = vector.shape_cast %get3A_777 : vector<1x1x16xf32> to vector<16xf32>
        %swap3A_779 = arith.index_cast %scan3A_70 : i32 to index
        %swap3A_780 = arith.constant 1024 : index
        %swap3A_781 = tpu.vector_load %arg9[%swap3A_779, %swap3A_780] {strides = array<i32>} : memref<8x2048xf32, #tpu.memory_space<vmem>>, vector<1x16xf32>,
        %swap3A_782 = vector.shape_cast %swap3A_781 : vector<1x16xf32> to vector<16xf32>
        %swap3A_783 = vector.shape_cast %get3A_778 : vector<16xf32> to vector<1x16xf32>
        tpu.vector_store %arg9[%swap3A_779, %swap3A_780], %swap3A_783 {strides = array<i32>} : memref<8x2048xf32, #tpu.memory_space<vmem>>, vector<1x16xf32>,
        %get3A_784 = arith.constant 2 : i32
        %get3A_785 = arith.index_cast %scan3A_70 : i32 to index
        %get3A_786 = arith.index_cast %get3A_784 : i32 to index
        %get3A_787 = arith.constant 16 : index
        %get3A_788 = tpu.vector_load %arg8[%get3A_785, %get3A_786, %get3A_787] {strides = array<i32>} : memref<8x4x512xf32, #tpu.memory_space<vmem>>, vector<1x1x16xf32>,
        %get3A_789 = vector.shape_cast %get3A_788 : vector<1x1x16xf32> to vector<16xf32>
        %swap3A_790 = arith.index_cast %scan3A_70 : i32 to index
        %swap3A_791 = arith.constant 1040 : index
        %swap3A_792 = tpu.vector_load %arg9[%swap3A_790, %swap3A_791] {strides = array<i32>} : memref<8x2048xf32, #tpu.memory_space<vmem>>, vector<1x16xf32>,
        %swap3A_793 = vector.shape_cast %swap3A_792 : vector<1x16xf32> to vector<16xf32>
        %swap3A_794 = vector.shape_cast %get3A_789 : vector<16xf32> to vector<1x16xf32>
        tpu.vector_store %arg9[%swap3A_790, %swap3A_791], %swap3A_794 {strides = array<i32>} : memref<8x2048xf32, #tpu.memory_space<vmem>>, vector<1x16xf32>,
        %get3A_795 = arith.constant 2 : i32
        %get3A_796 = arith.index_cast %scan3A_70 : i32 to index
        %get3A_797 = arith.index_cast %get3A_795 : i32 to index
        %get3A_798 = arith.constant 32 : index
        %get3A_799 = tpu.vector_load %arg8[%get3A_796, %get3A_797, %get3A_798] {strides = array<i32>} : memref<8x4x512xf32, #tpu.memory_space<vmem>>, vector<1x1x16xf32>,
        %get3A_800 = vector.shape_cast %get3A_799 : vector<1x1x16xf32> to vector<16xf32>
        %swap3A_801 = arith.index_cast %scan3A_70 : i32 to index
        %swap3A_802 = arith.constant 1056 : index
        %swap3A_803 = tpu.vector_load %arg9[%swap3A_801, %swap3A_802] {strides = array<i32>} : memref<8x2048xf32, #tpu.memory_space<vmem>>, vector<1x16xf32>,
        %swap3A_804 = vector.shape_cast %swap3A_803 : vector<1x16xf32> to vector<16xf32>
        %swap3A_805 = vector.shape_cast %get3A_800 : vector<16xf32> to vector<1x16xf32>
        tpu.vector_store %arg9[%swap3A_801, %swap3A_802], %swap3A_805 {strides = array<i32>} : memref<8x2048xf32, #tpu.memory_space<vmem>>, vector<1x16xf32>,
        %get3A_806 = arith.constant 2 : i32
        %get3A_807 = arith.index_cast %scan3A_70 : i32 to index
        %get3A_808 = arith.index_cast %get3A_806 : i32 to index
        %get3A_809 = arith.constant 48 : index
        %get3A_810 = tpu.vector_load %arg8[%get3A_807, %get3A_808, %get3A_809] {strides = array<i32>} : memref<8x4x512xf32, #tpu.memory_space<vmem>>, vector<1x1x16xf32>,
        %get3A_811 = vector.shape_cast %get3A_810 : vector<1x1x16xf32> to vector<16xf32>
        %swap3A_812 = arith.index_cast %scan3A_70 : i32 to index
        %swap3A_813 = arith.constant 1072 : index
        %swap3A_814 = tpu.vector_load %arg9[%swap3A_812, %swap3A_813] {strides = array<i32>} : memref<8x2048xf32, #tpu.memory_space<vmem>>, vector<1x16xf32>,
        %swap3A_815 = vector.shape_cast %swap3A_814 : vector<1x16xf32> to vector<16xf32>
        %swap3A_816 = vector.shape_cast %get3A_811 : vector<16xf32> to vector<1x16xf32>
        tpu.vector_store %arg9[%swap3A_812, %swap3A_813], %swap3A_816 {strides = array<i32>} : memref<8x2048xf32, #tpu.memory_space<vmem>>, vector<1x16xf32>,
        %get3A_817 = arith.constant 2 : i32
        %get3A_818 = arith.index_cast %scan3A_70 : i32 to index
        %get3A_819 = arith.index_cast %get3A_817 : i32 to index
        %get3A_820 = arith.constant 64 : index
        %get3A_821 = tpu.vector_load %arg8[%get3A_818, %get3A_819, %get3A_820] {strides = array<i32>} : memref<8x4x512xf32, #tpu.memory_space<vmem>>, vector<1x1x16xf32>,
        %get3A_822 = vector.shape_cast %get3A_821 : vector<1x1x16xf32> to vector<16xf32>
        %swap3A_823 = arith.index_cast %scan3A_70 : i32 to index
        %swap3A_824 = arith.constant 1088 : index
        %swap3A_825 = tpu.vector_load %arg9[%swap3A_823, %swap3A_824] {strides = array<i32>} : memref<8x2048xf32, #tpu.memory_space<vmem>>, vector<1x16xf32>,
        %swap3A_826 = vector.shape_cast %swap3A_825 : vector<1x16xf32> to vector<16xf32>
        %swap3A_827 = vector.shape_cast %get3A_822 : vector<16xf32> to vector<1x16xf32>
        tpu.vector_store %arg9[%swap3A_823, %swap3A_824], %swap3A_827 {strides = array<i32>} : memref<8x2048xf32, #tpu.memory_space<vmem>>, vector<1x16xf32>,
        %get3A_828 = arith.constant 2 : i32
        %get3A_829 = arith.index_cast %scan3A_70 : i32 to index
        %get3A_830 = arith.index_cast %get3A_828 : i32 to index
        %get3A_831 = arith.constant 80 : index
        %get3A_832 = tpu.vector_load %arg8[%get3A_829, %get3A_830, %get3A_831] {strides = array<i32>} : memref<8x4x512xf32, #tpu.memory_space<vmem>>, vector<1x1x16xf32>,
        %get3A_833 = vector.shape_cast %get3A_832 : vector<1x1x16xf32> to vector<16xf32>
        %swap3A_834 = arith.index_cast %scan3A_70 : i32 to index
        %swap3A_835 = arith.constant 1104 : index
        %swap3A_836 = tpu.vector_load %arg9[%swap3A_834, %swap3A_835] {strides = array<i32>} : memref<8x2048xf32, #tpu.memory_space<vmem>>, vector<1x16xf32>,
        %swap3A_837 = vector.shape_cast %swap3A_836 : vector<1x16xf32> to vector<16xf32>
        %swap3A_838 = vector.shape_cast %get3A_833 : vector<16xf32> to vector<1x16xf32>
        tpu.vector_store %arg9[%swap3A_834, %swap3A_835], %swap3A_838 {strides = array<i32>} : memref<8x2048xf32, #tpu.memory_space<vmem>>, vector<1x16xf32>,
        %get3A_839 = arith.constant 2 : i32
        %get3A_840 = arith.index_cast %scan3A_70 : i32 to index
        %get3A_841 = arith.index_cast %get3A_839 : i32 to index
        %get3A_842 = arith.constant 96 : index
        %get3A_843 = tpu.vector_load %arg8[%get3A_840, %get3A_841, %get3A_842] {strides = array<i32>} : memref<8x4x512xf32, #tpu.memory_space<vmem>>, vector<1x1x16xf32>,
        %get3A_844 = vector.shape_cast %get3A_843 : vector<1x1x16xf32> to vector<16xf32>
        %swap3A_845 = arith.index_cast %scan3A_70 : i32 to index
        %swap3A_846 = arith.constant 1120 : index
        %swap3A_847 = tpu.vector_load %arg9[%swap3A_845, %swap3A_846] {strides = array<i32>} : memref<8x2048xf32, #tpu.memory_space<vmem>>, vector<1x16xf32>,
        %swap3A_848 = vector.shape_cast %swap3A_847 : vector<1x16xf32> to vector<16xf32>
        %swap3A_849 = vector.shape_cast %get3A_844 : vector<16xf32> to vector<1x16xf32>
        tpu.vector_store %arg9[%swap3A_845, %swap3A_846], %swap3A_849 {strides = array<i32>} : memref<8x2048xf32, #tpu.memory_space<vmem>>, vector<1x16xf32>,
        %get3A_850 = arith.constant 2 : i32
        %get3A_851 = arith.index_cast %scan3A_70 : i32 to index
        %get3A_852 = arith.index_cast %get3A_850 : i32 to index
        %get3A_853 = arith.constant 112 : index
        %get3A_854 = tpu.vector_load %arg8[%get3A_851, %get3A_852, %get3A_853] {strides = array<i32>} : memref<8x4x512xf32, #tpu.memory_space<vmem>>, vector<1x1x16xf32>,
        %get3A_855 = vector.shape_cast %get3A_854 : vector<1x1x16xf32> to vector<16xf32>
        %swap3A_856 = arith.index_cast %scan3A_70 : i32 to index
        %swap3A_857 = arith.constant 1136 : index
        %swap3A_858 = tpu.vector_load %arg9[%swap3A_856, %swap3A_857] {strides = array<i32>} : memref<8x2048xf32, #tpu.memory_space<vmem>>, vector<1x16xf32>,
        %swap3A_859 = vector.shape_cast %swap3A_858 : vector<1x16xf32> to vector<16xf32>
        %swap3A_860 = vector.shape_cast %get3A_855 : vector<16xf32> to vector<1x16xf32>
        tpu.vector_store %arg9[%swap3A_856, %swap3A_857], %swap3A_860 {strides = array<i32>} : memref<8x2048xf32, #tpu.memory_space<vmem>>, vector<1x16xf32>,
        %get3A_861 = arith.constant 2 : i32
        %get3A_862 = arith.index_cast %scan3A_70 : i32 to index
        %get3A_863 = arith.index_cast %get3A_861 : i32 to index
        %get3A_864 = arith.constant 128 : index
        %get3A_865 = tpu.vector_load %arg8[%get3A_862, %get3A_863, %get3A_864] {strides = array<i32>} : memref<8x4x512xf32, #tpu.memory_space<vmem>>, vector<1x1x16xf32>,
        %get3A_866 = vector.shape_cast %get3A_865 : vector<1x1x16xf32> to vector<16xf32>
        %swap3A_867 = arith.index_cast %scan3A_70 : i32 to index
        %swap3A_868 = arith.constant 1152 : index
        %swap3A_869 = tpu.vector_load %arg9[%swap3A_867, %swap3A_868] {strides = array<i32>} : memref<8x2048xf32, #tpu.memory_space<vmem>>, vector<1x16xf32>,
        %swap3A_870 = vector.shape_cast %swap3A_869 : vector<1x16xf32> to vector<16xf32>
        %swap3A_871 = vector.shape_cast %get3A_866 : vector<16xf32> to vector<1x16xf32>
        tpu.vector_store %arg9[%swap3A_867, %swap3A_868], %swap3A_871 {strides = array<i32>} : memref<8x2048xf32, #tpu.memory_space<vmem>>, vector<1x16xf32>,
        %get3A_872 = arith.constant 2 : i32
        %get3A_873 = arith.index_cast %scan3A_70 : i32 to index
        %get3A_874 = arith.index_cast %get3A_872 : i32 to index
        %get3A_875 = arith.constant 144 : index
        %get3A_876 = tpu.vector_load %arg8[%get3A_873, %get3A_874, %get3A_875] {strides = array<i32>} : memref<8x4x512xf32, #tpu.memory_space<vmem>>, vector<1x1x16xf32>,
        %get3A_877 = vector.shape_cast %get3A_876 : vector<1x1x16xf32> to vector<16xf32>
        %swap3A_878 = arith.index_cast %scan3A_70 : i32 to index
        %swap3A_879 = arith.constant 1168 : index
        %swap3A_880 = tpu.vector_load %arg9[%swap3A_878, %swap3A_879] {strides = array<i32>} : memref<8x2048xf32, #tpu.memory_space<vmem>>, vector<1x16xf32>,
        %swap3A_881 = vector.shape_cast %swap3A_880 : vector<1x16xf32> to vector<16xf32>
        %swap3A_882 = vector.shape_cast %get3A_877 : vector<16xf32> to vector<1x16xf32>
        tpu.vector_store %arg9[%swap3A_878, %swap3A_879], %swap3A_882 {strides = array<i32>} : memref<8x2048xf32, #tpu.memory_space<vmem>>, vector<1x16xf32>,
        %get3A_883 = arith.constant 2 : i32
        %get3A_884 = arith.index_cast %scan3A_70 : i32 to index
        %get3A_885 = arith.index_cast %get3A_883 : i32 to index
        %get3A_886 = arith.constant 160 : index
        %get3A_887 = tpu.vector_load %arg8[%get3A_884, %get3A_885, %get3A_886] {strides = array<i32>} : memref<8x4x512xf32, #tpu.memory_space<vmem>>, vector<1x1x16xf32>,
        %get3A_888 = vector.shape_cast %get3A_887 : vector<1x1x16xf32> to vector<16xf32>
        %swap3A_889 = arith.index_cast %scan3A_70 : i32 to index
        %swap3A_890 = arith.constant 1184 : index
        %swap3A_891 = tpu.vector_load %arg9[%swap3A_889, %swap3A_890] {strides = array<i32>} : memref<8x2048xf32, #tpu.memory_space<vmem>>, vector<1x16xf32>,
        %swap3A_892 = vector.shape_cast %swap3A_891 : vector<1x16xf32> to vector<16xf32>
        %swap3A_893 = vector.shape_cast %get3A_888 : vector<16xf32> to vector<1x16xf32>
        tpu.vector_store %arg9[%swap3A_889, %swap3A_890], %swap3A_893 {strides = array<i32>} : memref<8x2048xf32, #tpu.memory_space<vmem>>, vector<1x16xf32>,
        %get3A_894 = arith.constant 2 : i32
        %get3A_895 = arith.index_cast %scan3A_70 : i32 to index
        %get3A_896 = arith.index_cast %get3A_894 : i32 to index
        %get3A_897 = arith.constant 176 : index
        %get3A_898 = tpu.vector_load %arg8[%get3A_895, %get3A_896, %get3A_897] {strides = array<i32>} : memref<8x4x512xf32, #tpu.memory_space<vmem>>, vector<1x1x16xf32>,
        %get3A_899 = vector.shape_cast %get3A_898 : vector<1x1x16xf32> to vector<16xf32>
        %swap3A_900 = arith.index_cast %scan3A_70 : i32 to index
        %swap3A_901 = arith.constant 1200 : index
        %swap3A_902 = tpu.vector_load %arg9[%swap3A_900, %swap3A_901] {strides = array<i32>} : memref<8x2048xf32, #tpu.memory_space<vmem>>, vector<1x16xf32>,
        %swap3A_903 = vector.shape_cast %swap3A_902 : vector<1x16xf32> to vector<16xf32>
        %swap3A_904 = vector.shape_cast %get3A_899 : vector<16xf32> to vector<1x16xf32>
        tpu.vector_store %arg9[%swap3A_900, %swap3A_901], %swap3A_904 {strides = array<i32>} : memref<8x2048xf32, #tpu.memory_space<vmem>>, vector<1x16xf32>,
        %get3A_905 = arith.constant 2 : i32
        %get3A_906 = arith.index_cast %scan3A_70 : i32 to index
        %get3A_907 = arith.index_cast %get3A_905 : i32 to index
        %get3A_908 = arith.constant 192 : index
        %get3A_909 = tpu.vector_load %arg8[%get3A_906, %get3A_907, %get3A_908] {strides = array<i32>} : memref<8x4x512xf32, #tpu.memory_space<vmem>>, vector<1x1x16xf32>,
        %get3A_910 = vector.shape_cast %get3A_909 : vector<1x1x16xf32> to vector<16xf32>
        %swap3A_911 = arith.index_cast %scan3A_70 : i32 to index
        %swap3A_912 = arith.constant 1216 : index
        %swap3A_913 = tpu.vector_load %arg9[%swap3A_911, %swap3A_912] {strides = array<i32>} : memref<8x2048xf32, #tpu.memory_space<vmem>>, vector<1x16xf32>,
        %swap3A_914 = vector.shape_cast %swap3A_913 : vector<1x16xf32> to vector<16xf32>
        %swap3A_915 = vector.shape_cast %get3A_910 : vector<16xf32> to vector<1x16xf32>
        tpu.vector_store %arg9[%swap3A_911, %swap3A_912], %swap3A_915 {strides = array<i32>} : memref<8x2048xf32, #tpu.memory_space<vmem>>, vector<1x16xf32>,
        %get3A_916 = arith.constant 2 : i32
        %get3A_917 = arith.index_cast %scan3A_70 : i32 to index
        %get3A_918 = arith.index_cast %get3A_916 : i32 to index
        %get3A_919 = arith.constant 208 : index
        %get3A_920 = tpu.vector_load %arg8[%get3A_917, %get3A_918, %get3A_919] {strides = array<i32>} : memref<8x4x512xf32, #tpu.memory_space<vmem>>, vector<1x1x16xf32>,
        %get3A_921 = vector.shape_cast %get3A_920 : vector<1x1x16xf32> to vector<16xf32>
        %swap3A_922 = arith.index_cast %scan3A_70 : i32 to index
        %swap3A_923 = arith.constant 1232 : index
        %swap3A_924 = tpu.vector_load %arg9[%swap3A_922, %swap3A_923] {strides = array<i32>} : memref<8x2048xf32, #tpu.memory_space<vmem>>, vector<1x16xf32>,
        %swap3A_925 = vector.shape_cast %swap3A_924 : vector<1x16xf32> to vector<16xf32>
        %swap3A_926 = vector.shape_cast %get3A_921 : vector<16xf32> to vector<1x16xf32>
        tpu.vector_store %arg9[%swap3A_922, %swap3A_923], %swap3A_926 {strides = array<i32>} : memref<8x2048xf32, #tpu.memory_space<vmem>>, vector<1x16xf32>,
        %get3A_927 = arith.constant 2 : i32
        %get3A_928 = arith.index_cast %scan3A_70 : i32 to index
        %get3A_929 = arith.index_cast %get3A_927 : i32 to index
        %get3A_930 = arith.constant 224 : index
        %get3A_931 = tpu.vector_load %arg8[%get3A_928, %get3A_929, %get3A_930] {strides = array<i32>} : memref<8x4x512xf32, #tpu.memory_space<vmem>>, vector<1x1x16xf32>,
        %get3A_932 = vector.shape_cast %get3A_931 : vector<1x1x16xf32> to vector<16xf32>
        %swap3A_933 = arith.index_cast %scan3A_70 : i32 to index
        %swap3A_934 = arith.constant 1248 : index
        %swap3A_935 = tpu.vector_load %arg9[%swap3A_933, %swap3A_934] {strides = array<i32>} : memref<8x2048xf32, #tpu.memory_space<vmem>>, vector<1x16xf32>,
        %swap3A_936 = vector.shape_cast %swap3A_935 : vector<1x16xf32> to vector<16xf32>
        %swap3A_937 = vector.shape_cast %get3A_932 : vector<16xf32> to vector<1x16xf32>
        tpu.vector_store %arg9[%swap3A_933, %swap3A_934], %swap3A_937 {strides = array<i32>} : memref<8x2048xf32, #tpu.memory_space<vmem>>, vector<1x16xf32>,
        %get3A_938 = arith.constant 2 : i32
        %get3A_939 = arith.index_cast %scan3A_70 : i32 to index
        %get3A_940 = arith.index_cast %get3A_938 : i32 to index
        %get3A_941 = arith.constant 240 : index
        %get3A_942 = tpu.vector_load %arg8[%get3A_939, %get3A_940, %get3A_941] {strides = array<i32>} : memref<8x4x512xf32, #tpu.memory_space<vmem>>, vector<1x1x16xf32>,
        %get3A_943 = vector.shape_cast %get3A_942 : vector<1x1x16xf32> to vector<16xf32>
        %swap3A_944 = arith.index_cast %scan3A_70 : i32 to index
        %swap3A_945 = arith.constant 1264 : index
        %swap3A_946 = tpu.vector_load %arg9[%swap3A_944, %swap3A_945] {strides = array<i32>} : memref<8x2048xf32, #tpu.memory_space<vmem>>, vector<1x16xf32>,
        %swap3A_947 = vector.shape_cast %swap3A_946 : vector<1x16xf32> to vector<16xf32>
        %swap3A_948 = vector.shape_cast %get3A_943 : vector<16xf32> to vector<1x16xf32>
        tpu.vector_store %arg9[%swap3A_944, %swap3A_945], %swap3A_948 {strides = array<i32>} : memref<8x2048xf32, #tpu.memory_space<vmem>>, vector<1x16xf32>,
        %get3A_949 = arith.constant 2 : i32
        %get3A_950 = arith.index_cast %scan3A_70 : i32 to index
        %get3A_951 = arith.index_cast %get3A_949 : i32 to index
        %get3A_952 = arith.constant 256 : index
        %get3A_953 = tpu.vector_load %arg8[%get3A_950, %get3A_951, %get3A_952] {strides = array<i32>} : memref<8x4x512xf32, #tpu.memory_space<vmem>>, vector<1x1x16xf32>,
        %get3A_954 = vector.shape_cast %get3A_953 : vector<1x1x16xf32> to vector<16xf32>
        %swap3A_955 = arith.index_cast %scan3A_70 : i32 to index
        %swap3A_956 = arith.constant 1280 : index
        %swap3A_957 = tpu.vector_load %arg9[%swap3A_955, %swap3A_956] {strides = array<i32>} : memref<8x2048xf32, #tpu.memory_space<vmem>>, vector<1x16xf32>,
        %swap3A_958 = vector.shape_cast %swap3A_957 : vector<1x16xf32> to vector<16xf32>
        %swap3A_959 = vector.shape_cast %get3A_954 : vector<16xf32> to vector<1x16xf32>
        tpu.vector_store %arg9[%swap3A_955, %swap3A_956], %swap3A_959 {strides = array<i32>} : memref<8x2048xf32, #tpu.memory_space<vmem>>, vector<1x16xf32>,
        %get3A_960 = arith.constant 2 : i32
        %get3A_961 = arith.index_cast %scan3A_70 : i32 to index
        %get3A_962 = arith.index_cast %get3A_960 : i32 to index
        %get3A_963 = arith.constant 272 : index
        %get3A_964 = tpu.vector_load %arg8[%get3A_961, %get3A_962, %get3A_963] {strides = array<i32>} : memref<8x4x512xf32, #tpu.memory_space<vmem>>, vector<1x1x16xf32>,
        %get3A_965 = vector.shape_cast %get3A_964 : vector<1x1x16xf32> to vector<16xf32>
        %swap3A_966 = arith.index_cast %scan3A_70 : i32 to index
        %swap3A_967 = arith.constant 1296 : index
        %swap3A_968 = tpu.vector_load %arg9[%swap3A_966, %swap3A_967] {strides = array<i32>} : memref<8x2048xf32, #tpu.memory_space<vmem>>, vector<1x16xf32>,
        %swap3A_969 = vector.shape_cast %swap3A_968 : vector<1x16xf32> to vector<16xf32>
        %swap3A_970 = vector.shape_cast %get3A_965 : vector<16xf32> to vector<1x16xf32>
        tpu.vector_store %arg9[%swap3A_966, %swap3A_967], %swap3A_970 {strides = array<i32>} : memref<8x2048xf32, #tpu.memory_space<vmem>>, vector<1x16xf32>,
        %get3A_971 = arith.constant 2 : i32
        %get3A_972 = arith.index_cast %scan3A_70 : i32 to index
        %get3A_973 = arith.index_cast %get3A_971 : i32 to index
        %get3A_974 = arith.constant 288 : index
        %get3A_975 = tpu.vector_load %arg8[%get3A_972, %get3A_973, %get3A_974] {strides = array<i32>} : memref<8x4x512xf32, #tpu.memory_space<vmem>>, vector<1x1x16xf32>,
        %get3A_976 = vector.shape_cast %get3A_975 : vector<1x1x16xf32> to vector<16xf32>
        %swap3A_977 = arith.index_cast %scan3A_70 : i32 to index
        %swap3A_978 = arith.constant 1312 : index
        %swap3A_979 = tpu.vector_load %arg9[%swap3A_977, %swap3A_978] {strides = array<i32>} : memref<8x2048xf32, #tpu.memory_space<vmem>>, vector<1x16xf32>,
        %swap3A_980 = vector.shape_cast %swap3A_979 : vector<1x16xf32> to vector<16xf32>
        %swap3A_981 = vector.shape_cast %get3A_976 : vector<16xf32> to vector<1x16xf32>
        tpu.vector_store %arg9[%swap3A_977, %swap3A_978], %swap3A_981 {strides = array<i32>} : memref<8x2048xf32, #tpu.memory_space<vmem>>, vector<1x16xf32>,
        %get3A_982 = arith.constant 2 : i32
        %get3A_983 = arith.index_cast %scan3A_70 : i32 to index
        %get3A_984 = arith.index_cast %get3A_982 : i32 to index
        %get3A_985 = arith.constant 304 : index
        %get3A_986 = tpu.vector_load %arg8[%get3A_983, %get3A_984, %get3A_985] {strides = array<i32>} : memref<8x4x512xf32, #tpu.memory_space<vmem>>, vector<1x1x16xf32>,
        %get3A_987 = vector.shape_cast %get3A_986 : vector<1x1x16xf32> to vector<16xf32>
        %swap3A_988 = arith.index_cast %scan3A_70 : i32 to index
        %swap3A_989 = arith.constant 1328 : index
        %swap3A_990 = tpu.vector_load %arg9[%swap3A_988, %swap3A_989] {strides = array<i32>} : memref<8x2048xf32, #tpu.memory_space<vmem>>, vector<1x16xf32>,
        %swap3A_991 = vector.shape_cast %swap3A_990 : vector<1x16xf32> to vector<16xf32>
        %swap3A_992 = vector.shape_cast %get3A_987 : vector<16xf32> to vector<1x16xf32>
        tpu.vector_store %arg9[%swap3A_988, %swap3A_989], %swap3A_992 {strides = array<i32>} : memref<8x2048xf32, #tpu.memory_space<vmem>>, vector<1x16xf32>,
        %get3A_993 = arith.constant 2 : i32
        %get3A_994 = arith.index_cast %scan3A_70 : i32 to index
        %get3A_995 = arith.index_cast %get3A_993 : i32 to index
        %get3A_996 = arith.constant 320 : index
        %get3A_997 = tpu.vector_load %arg8[%get3A_994, %get3A_995, %get3A_996] {strides = array<i32>} : memref<8x4x512xf32, #tpu.memory_space<vmem>>, vector<1x1x16xf32>,
        %get3A_998 = vector.shape_cast %get3A_997 : vector<1x1x16xf32> to vector<16xf32>
        %swap3A_999 = arith.index_cast %scan3A_70 : i32 to index
        %swap3A_1000 = arith.constant 1344 : index
        %swap3A_1001 = tpu.vector_load %arg9[%swap3A_999, %swap3A_1000] {strides = array<i32>} : memref<8x2048xf32, #tpu.memory_space<vmem>>, vector<1x16xf32>,
        %swap3A_1002 = vector.shape_cast %swap3A_1001 : vector<1x16xf32> to vector<16xf32>
        %swap3A_1003 = vector.shape_cast %get3A_998 : vector<16xf32> to vector<1x16xf32>
        tpu.vector_store %arg9[%swap3A_999, %swap3A_1000], %swap3A_1003 {strides = array<i32>} : memref<8x2048xf32, #tpu.memory_space<vmem>>, vector<1x16xf32>,
        %get3A_1004 = arith.constant 2 : i32
        %get3A_1005 = arith.index_cast %scan3A_70 : i32 to index
        %get3A_1006 = arith.index_cast %get3A_1004 : i32 to index
        %get3A_1007 = arith.constant 336 : index
        %get3A_1008 = tpu.vector_load %arg8[%get3A_1005, %get3A_1006, %get3A_1007] {strides = array<i32>} : memref<8x4x512xf32, #tpu.memory_space<vmem>>, vector<1x1x16xf32>,
        %get3A_1009 = vector.shape_cast %get3A_1008 : vector<1x1x16xf32> to vector<16xf32>
        %swap3A_1010 = arith.index_cast %scan3A_70 : i32 to index
        %swap3A_1011 = arith.constant 1360 : index
        %swap3A_1012 = tpu.vector_load %arg9[%swap3A_1010, %swap3A_1011] {strides = array<i32>} : memref<8x2048xf32, #tpu.memory_space<vmem>>, vector<1x16xf32>,
        %swap3A_1013 = vector.shape_cast %swap3A_1012 : vector<1x16xf32> to vector<16xf32>
        %swap3A_1014 = vector.shape_cast %get3A_1009 : vector<16xf32> to vector<1x16xf32>
        tpu.vector_store %arg9[%swap3A_1010, %swap3A_1011], %swap3A_1014 {strides = array<i32>} : memref<8x2048xf32, #tpu.memory_space<vmem>>, vector<1x16xf32>,
        %get3A_1015 = arith.constant 2 : i32
        %get3A_1016 = arith.index_cast %scan3A_70 : i32 to index
        %get3A_1017 = arith.index_cast %get3A_1015 : i32 to index
        %get3A_1018 = arith.constant 352 : index
        %get3A_1019 = tpu.vector_load %arg8[%get3A_1016, %get3A_1017, %get3A_1018] {strides = array<i32>} : memref<8x4x512xf32, #tpu.memory_space<vmem>>, vector<1x1x16xf32>,
        %get3A_1020 = vector.shape_cast %get3A_1019 : vector<1x1x16xf32> to vector<16xf32>
        %swap3A_1021 = arith.index_cast %scan3A_70 : i32 to index
        %swap3A_1022 = arith.constant 1376 : index
        %swap3A_1023 = tpu.vector_load %arg9[%swap3A_1021, %swap3A_1022] {strides = array<i32>} : memref<8x2048xf32, #tpu.memory_space<vmem>>, vector<1x16xf32>,
        %swap3A_1024 = vector.shape_cast %swap3A_1023 : vector<1x16xf32> to vector<16xf32>
        %swap3A_1025 = vector.shape_cast %get3A_1020 : vector<16xf32> to vector<1x16xf32>
        tpu.vector_store %arg9[%swap3A_1021, %swap3A_1022], %swap3A_1025 {strides = array<i32>} : memref<8x2048xf32, #tpu.memory_space<vmem>>, vector<1x16xf32>,
        %get3A_1026 = arith.constant 2 : i32
        %get3A_1027 = arith.index_cast %scan3A_70 : i32 to index
        %get3A_1028 = arith.index_cast %get3A_1026 : i32 to index
        %get3A_1029 = arith.constant 368 : index
        %get3A_1030 = tpu.vector_load %arg8[%get3A_1027, %get3A_1028, %get3A_1029] {strides = array<i32>} : memref<8x4x512xf32, #tpu.memory_space<vmem>>, vector<1x1x16xf32>,
        %get3A_1031 = vector.shape_cast %get3A_1030 : vector<1x1x16xf32> to vector<16xf32>
        %swap3A_1032 = arith.index_cast %scan3A_70 : i32 to index
        %swap3A_1033 = arith.constant 1392 : index
        %swap3A_1034 = tpu.vector_load %arg9[%swap3A_1032, %swap3A_1033] {strides = array<i32>} : memref<8x2048xf32, #tpu.memory_space<vmem>>, vector<1x16xf32>,
        %swap3A_1035 = vector.shape_cast %swap3A_1034 : vector<1x16xf32> to vector<16xf32>
        %swap3A_1036 = vector.shape_cast %get3A_1031 : vector<16xf32> to vector<1x16xf32>
        tpu.vector_store %arg9[%swap3A_1032, %swap3A_1033], %swap3A_1036 {strides = array<i32>} : memref<8x2048xf32, #tpu.memory_space<vmem>>, vector<1x16xf32>,
        %get3A_1037 = arith.constant 2 : i32
        %get3A_1038 = arith.index_cast %scan3A_70 : i32 to index
        %get3A_1039 = arith.index_cast %get3A_1037 : i32 to index
        %get3A_1040 = arith.constant 384 : index
        %get3A_1041 = tpu.vector_load %arg8[%get3A_1038, %get3A_1039, %get3A_1040] {strides = array<i32>} : memref<8x4x512xf32, #tpu.memory_space<vmem>>, vector<1x1x16xf32>,
        %get3A_1042 = vector.shape_cast %get3A_1041 : vector<1x1x16xf32> to vector<16xf32>
        %swap3A_1043 = arith.index_cast %scan3A_70 : i32 to index
        %swap3A_1044 = arith.constant 1408 : index
        %swap3A_1045 = tpu.vector_load %arg9[%swap3A_1043, %swap3A_1044] {strides = array<i32>} : memref<8x2048xf32, #tpu.memory_space<vmem>>, vector<1x16xf32>,
        %swap3A_1046 = vector.shape_cast %swap3A_1045 : vector<1x16xf32> to vector<16xf32>
        %swap3A_1047 = vector.shape_cast %get3A_1042 : vector<16xf32> to vector<1x16xf32>
        tpu.vector_store %arg9[%swap3A_1043, %swap3A_1044], %swap3A_1047 {strides = array<i32>} : memref<8x2048xf32, #tpu.memory_space<vmem>>, vector<1x16xf32>,
        %get3A_1048 = arith.constant 2 : i32
        %get3A_1049 = arith.index_cast %scan3A_70 : i32 to index
        %get3A_1050 = arith.index_cast %get3A_1048 : i32 to index
        %get3A_1051 = arith.constant 400 : index
        %get3A_1052 = tpu.vector_load %arg8[%get3A_1049, %get3A_1050, %get3A_1051] {strides = array<i32>} : memref<8x4x512xf32, #tpu.memory_space<vmem>>, vector<1x1x16xf32>,
        %get3A_1053 = vector.shape_cast %get3A_1052 : vector<1x1x16xf32> to vector<16xf32>
        %swap3A_1054 = arith.index_cast %scan3A_70 : i32 to index
        %swap3A_1055 = arith.constant 1424 : index
        %swap3A_1056 = tpu.vector_load %arg9[%swap3A_1054, %swap3A_1055] {strides = array<i32>} : memref<8x2048xf32, #tpu.memory_space<vmem>>, vector<1x16xf32>,
        %swap3A_1057 = vector.shape_cast %swap3A_1056 : vector<1x16xf32> to vector<16xf32>
        %swap3A_1058 = vector.shape_cast %get3A_1053 : vector<16xf32> to vector<1x16xf32>
        tpu.vector_store %arg9[%swap3A_1054, %swap3A_1055], %swap3A_1058 {strides = array<i32>} : memref<8x2048xf32, #tpu.memory_space<vmem>>, vector<1x16xf32>,
        %get3A_1059 = arith.constant 2 : i32
        %get3A_1060 = arith.index_cast %scan3A_70 : i32 to index
        %get3A_1061 = arith.index_cast %get3A_1059 : i32 to index
        %get3A_1062 = arith.constant 416 : index
        %get3A_1063 = tpu.vector_load %arg8[%get3A_1060, %get3A_1061, %get3A_1062] {strides = array<i32>} : memref<8x4x512xf32, #tpu.memory_space<vmem>>, vector<1x1x16xf32>,
        %get3A_1064 = vector.shape_cast %get3A_1063 : vector<1x1x16xf32> to vector<16xf32>
        %swap3A_1065 = arith.index_cast %scan3A_70 : i32 to index
        %swap3A_1066 = arith.constant 1440 : index
        %swap3A_1067 = tpu.vector_load %arg9[%swap3A_1065, %swap3A_1066] {strides = array<i32>} : memref<8x2048xf32, #tpu.memory_space<vmem>>, vector<1x16xf32>,
        %swap3A_1068 = vector.shape_cast %swap3A_1067 : vector<1x16xf32> to vector<16xf32>
        %swap3A_1069 = vector.shape_cast %get3A_1064 : vector<16xf32> to vector<1x16xf32>
        tpu.vector_store %arg9[%swap3A_1065, %swap3A_1066], %swap3A_1069 {strides = array<i32>} : memref<8x2048xf32, #tpu.memory_space<vmem>>, vector<1x16xf32>,
        %get3A_1070 = arith.constant 2 : i32
        %get3A_1071 = arith.index_cast %scan3A_70 : i32 to index
        %get3A_1072 = arith.index_cast %get3A_1070 : i32 to index
        %get3A_1073 = arith.constant 432 : index
        %get3A_1074 = tpu.vector_load %arg8[%get3A_1071, %get3A_1072, %get3A_1073] {strides = array<i32>} : memref<8x4x512xf32, #tpu.memory_space<vmem>>, vector<1x1x16xf32>,
        %get3A_1075 = vector.shape_cast %get3A_1074 : vector<1x1x16xf32> to vector<16xf32>
        %swap3A_1076 = arith.index_cast %scan3A_70 : i32 to index
        %swap3A_1077 = arith.constant 1456 : index
        %swap3A_1078 = tpu.vector_load %arg9[%swap3A_1076, %swap3A_1077] {strides = array<i32>} : memref<8x2048xf32, #tpu.memory_space<vmem>>, vector<1x16xf32>,
        %swap3A_1079 = vector.shape_cast %swap3A_1078 : vector<1x16xf32> to vector<16xf32>
        %swap3A_1080 = vector.shape_cast %get3A_1075 : vector<16xf32> to vector<1x16xf32>
        tpu.vector_store %arg9[%swap3A_1076, %swap3A_1077], %swap3A_1080 {strides = array<i32>} : memref<8x2048xf32, #tpu.memory_space<vmem>>, vector<1x16xf32>,
        %get3A_1081 = arith.constant 2 : i32
        %get3A_1082 = arith.index_cast %scan3A_70 : i32 to index
        %get3A_1083 = arith.index_cast %get3A_1081 : i32 to index
        %get3A_1084 = arith.constant 448 : index
        %get3A_1085 = tpu.vector_load %arg8[%get3A_1082, %get3A_1083, %get3A_1084] {strides = array<i32>} : memref<8x4x512xf32, #tpu.memory_space<vmem>>, vector<1x1x16xf32>,
        %get3A_1086 = vector.shape_cast %get3A_1085 : vector<1x1x16xf32> to vector<16xf32>
        %swap3A_1087 = arith.index_cast %scan3A_70 : i32 to index
        %swap3A_1088 = arith.constant 1472 : index
        %swap3A_1089 = tpu.vector_load %arg9[%swap3A_1087, %swap3A_1088] {strides = array<i32>} : memref<8x2048xf32, #tpu.memory_space<vmem>>, vector<1x16xf32>,
        %swap3A_1090 = vector.shape_cast %swap3A_1089 : vector<1x16xf32> to vector<16xf32>
        %swap3A_1091 = vector.shape_cast %get3A_1086 : vector<16xf32> to vector<1x16xf32>
        tpu.vector_store %arg9[%swap3A_1087, %swap3A_1088], %swap3A_1091 {strides = array<i32>} : memref<8x2048xf32, #tpu.memory_space<vmem>>, vector<1x16xf32>,
        %get3A_1092 = arith.constant 2 : i32
        %get3A_1093 = arith.index_cast %scan3A_70 : i32 to index
        %get3A_1094 = arith.index_cast %get3A_1092 : i32 to index
        %get3A_1095 = arith.constant 464 : index
        %get3A_1096 = tpu.vector_load %arg8[%get3A_1093, %get3A_1094, %get3A_1095] {strides = array<i32>} : memref<8x4x512xf32, #tpu.memory_space<vmem>>, vector<1x1x16xf32>,
        %get3A_1097 = vector.shape_cast %get3A_1096 : vector<1x1x16xf32> to vector<16xf32>
        %swap3A_1098 = arith.index_cast %scan3A_70 : i32 to index
        %swap3A_1099 = arith.constant 1488 : index
        %swap3A_1100 = tpu.vector_load %arg9[%swap3A_1098, %swap3A_1099] {strides = array<i32>} : memref<8x2048xf32, #tpu.memory_space<vmem>>, vector<1x16xf32>,
        %swap3A_1101 = vector.shape_cast %swap3A_1100 : vector<1x16xf32> to vector<16xf32>
        %swap3A_1102 = vector.shape_cast %get3A_1097 : vector<16xf32> to vector<1x16xf32>
        tpu.vector_store %arg9[%swap3A_1098, %swap3A_1099], %swap3A_1102 {strides = array<i32>} : memref<8x2048xf32, #tpu.memory_space<vmem>>, vector<1x16xf32>,
        %get3A_1103 = arith.constant 2 : i32
        %get3A_1104 = arith.index_cast %scan3A_70 : i32 to index
        %get3A_1105 = arith.index_cast %get3A_1103 : i32 to index
        %get3A_1106 = arith.constant 480 : index
        %get3A_1107 = tpu.vector_load %arg8[%get3A_1104, %get3A_1105, %get3A_1106] {strides = array<i32>} : memref<8x4x512xf32, #tpu.memory_space<vmem>>, vector<1x1x16xf32>,
        %get3A_1108 = vector.shape_cast %get3A_1107 : vector<1x1x16xf32> to vector<16xf32>
        %swap3A_1109 = arith.index_cast %scan3A_70 : i32 to index
        %swap3A_1110 = arith.constant 1504 : index
        %swap3A_1111 = tpu.vector_load %arg9[%swap3A_1109, %swap3A_1110] {strides = array<i32>} : memref<8x2048xf32, #tpu.memory_space<vmem>>, vector<1x16xf32>,
        %swap3A_1112 = vector.shape_cast %swap3A_1111 : vector<1x16xf32> to vector<16xf32>
        %swap3A_1113 = vector.shape_cast %get3A_1108 : vector<16xf32> to vector<1x16xf32>
        tpu.vector_store %arg9[%swap3A_1109, %swap3A_1110], %swap3A_1113 {strides = array<i32>} : memref<8x2048xf32, #tpu.memory_space<vmem>>, vector<1x16xf32>,
        %get3A_1114 = arith.constant 2 : i32
        %get3A_1115 = arith.index_cast %scan3A_70 : i32 to index
        %get3A_1116 = arith.index_cast %get3A_1114 : i32 to index
        %get3A_1117 = arith.constant 496 : index
        %get3A_1118 = tpu.vector_load %arg8[%get3A_1115, %get3A_1116, %get3A_1117] {strides = array<i32>} : memref<8x4x512xf32, #tpu.memory_space<vmem>>, vector<1x1x16xf32>,
        %get3A_1119 = vector.shape_cast %get3A_1118 : vector<1x1x16xf32> to vector<16xf32>
        %swap3A_1120 = arith.index_cast %scan3A_70 : i32 to index
        %swap3A_1121 = arith.constant 1520 : index
        %swap3A_1122 = tpu.vector_load %arg9[%swap3A_1120, %swap3A_1121] {strides = array<i32>} : memref<8x2048xf32, #tpu.memory_space<vmem>>, vector<1x16xf32>,
        %swap3A_1123 = vector.shape_cast %swap3A_1122 : vector<1x16xf32> to vector<16xf32>
        %swap3A_1124 = vector.shape_cast %get3A_1119 : vector<16xf32> to vector<1x16xf32>
        tpu.vector_store %arg9[%swap3A_1120, %swap3A_1121], %swap3A_1124 {strides = array<i32>} : memref<8x2048xf32, #tpu.memory_space<vmem>>, vector<1x16xf32>,
        %get3A_1125 = arith.constant 3 : i32
        %get3A_1126 = arith.index_cast %scan3A_70 : i32 to index
        %get3A_1127 = arith.index_cast %get3A_1125 : i32 to index
        %get3A_1128 = arith.constant 0 : index
        %get3A_1129 = tpu.vector_load %arg8[%get3A_1126, %get3A_1127, %get3A_1128] {strides = array<i32>} : memref<8x4x512xf32, #tpu.memory_space<vmem>>, vector<1x1x16xf32>,
        %get3A_1130 = vector.shape_cast %get3A_1129 : vector<1x1x16xf32> to vector<16xf32>
        %swap3A_1131 = arith.index_cast %scan3A_70 : i32 to index
        %swap3A_1132 = arith.constant 1536 : index
        %swap3A_1133 = tpu.vector_load %arg9[%swap3A_1131, %swap3A_1132] {strides = array<i32>} : memref<8x2048xf32, #tpu.memory_space<vmem>>, vector<1x16xf32>,
        %swap3A_1134 = vector.shape_cast %swap3A_1133 : vector<1x16xf32> to vector<16xf32>
        %swap3A_1135 = vector.shape_cast %get3A_1130 : vector<16xf32> to vector<1x16xf32>
        tpu.vector_store %arg9[%swap3A_1131, %swap3A_1132], %swap3A_1135 {strides = array<i32>} : memref<8x2048xf32, #tpu.memory_space<vmem>>, vector<1x16xf32>,
        %get3A_1136 = arith.constant 3 : i32
        %get3A_1137 = arith.index_cast %scan3A_70 : i32 to index
        %get3A_1138 = arith.index_cast %get3A_1136 : i32 to index
        %get3A_1139 = arith.constant 16 : index
        %get3A_1140 = tpu.vector_load %arg8[%get3A_1137, %get3A_1138, %get3A_1139] {strides = array<i32>} : memref<8x4x512xf32, #tpu.memory_space<vmem>>, vector<1x1x16xf32>,
        %get3A_1141 = vector.shape_cast %get3A_1140 : vector<1x1x16xf32> to vector<16xf32>
        %swap3A_1142 = arith.index_cast %scan3A_70 : i32 to index
        %swap3A_1143 = arith.constant 1552 : index
        %swap3A_1144 = tpu.vector_load %arg9[%swap3A_1142, %swap3A_1143] {strides = array<i32>} : memref<8x2048xf32, #tpu.memory_space<vmem>>, vector<1x16xf32>,
        %swap3A_1145 = vector.shape_cast %swap3A_1144 : vector<1x16xf32> to vector<16xf32>
        %swap3A_1146 = vector.shape_cast %get3A_1141 : vector<16xf32> to vector<1x16xf32>
        tpu.vector_store %arg9[%swap3A_1142, %swap3A_1143], %swap3A_1146 {strides = array<i32>} : memref<8x2048xf32, #tpu.memory_space<vmem>>, vector<1x16xf32>,
        %get3A_1147 = arith.constant 3 : i32
        %get3A_1148 = arith.index_cast %scan3A_70 : i32 to index
        %get3A_1149 = arith.index_cast %get3A_1147 : i32 to index
        %get3A_1150 = arith.constant 32 : index
        %get3A_1151 = tpu.vector_load %arg8[%get3A_1148, %get3A_1149, %get3A_1150] {strides = array<i32>} : memref<8x4x512xf32, #tpu.memory_space<vmem>>, vector<1x1x16xf32>,
        %get3A_1152 = vector.shape_cast %get3A_1151 : vector<1x1x16xf32> to vector<16xf32>
        %swap3A_1153 = arith.index_cast %scan3A_70 : i32 to index
        %swap3A_1154 = arith.constant 1568 : index
        %swap3A_1155 = tpu.vector_load %arg9[%swap3A_1153, %swap3A_1154] {strides = array<i32>} : memref<8x2048xf32, #tpu.memory_space<vmem>>, vector<1x16xf32>,
        %swap3A_1156 = vector.shape_cast %swap3A_1155 : vector<1x16xf32> to vector<16xf32>
        %swap3A_1157 = vector.shape_cast %get3A_1152 : vector<16xf32> to vector<1x16xf32>
        tpu.vector_store %arg9[%swap3A_1153, %swap3A_1154], %swap3A_1157 {strides = array<i32>} : memref<8x2048xf32, #tpu.memory_space<vmem>>, vector<1x16xf32>,
        %get3A_1158 = arith.constant 3 : i32
        %get3A_1159 = arith.index_cast %scan3A_70 : i32 to index
        %get3A_1160 = arith.index_cast %get3A_1158 : i32 to index
        %get3A_1161 = arith.constant 48 : index
        %get3A_1162 = tpu.vector_load %arg8[%get3A_1159, %get3A_1160, %get3A_1161] {strides = array<i32>} : memref<8x4x512xf32, #tpu.memory_space<vmem>>, vector<1x1x16xf32>,
        %get3A_1163 = vector.shape_cast %get3A_1162 : vector<1x1x16xf32> to vector<16xf32>
        %swap3A_1164 = arith.index_cast %scan3A_70 : i32 to index
        %swap3A_1165 = arith.constant 1584 : index
        %swap3A_1166 = tpu.vector_load %arg9[%swap3A_1164, %swap3A_1165] {strides = array<i32>} : memref<8x2048xf32, #tpu.memory_space<vmem>>, vector<1x16xf32>,
        %swap3A_1167 = vector.shape_cast %swap3A_1166 : vector<1x16xf32> to vector<16xf32>
        %swap3A_1168 = vector.shape_cast %get3A_1163 : vector<16xf32> to vector<1x16xf32>
        tpu.vector_store %arg9[%swap3A_1164, %swap3A_1165], %swap3A_1168 {strides = array<i32>} : memref<8x2048xf32, #tpu.memory_space<vmem>>, vector<1x16xf32>,
        %get3A_1169 = arith.constant 3 : i32
        %get3A_1170 = arith.index_cast %scan3A_70 : i32 to index
        %get3A_1171 = arith.index_cast %get3A_1169 : i32 to index
        %get3A_1172 = arith.constant 64 : index
        %get3A_1173 = tpu.vector_load %arg8[%get3A_1170, %get3A_1171, %get3A_1172] {strides = array<i32>} : memref<8x4x512xf32, #tpu.memory_space<vmem>>, vector<1x1x16xf32>,
        %get3A_1174 = vector.shape_cast %get3A_1173 : vector<1x1x16xf32> to vector<16xf32>
        %swap3A_1175 = arith.index_cast %scan3A_70 : i32 to index
        %swap3A_1176 = arith.constant 1600 : index
        %swap3A_1177 = tpu.vector_load %arg9[%swap3A_1175, %swap3A_1176] {strides = array<i32>} : memref<8x2048xf32, #tpu.memory_space<vmem>>, vector<1x16xf32>,
        %swap3A_1178 = vector.shape_cast %swap3A_1177 : vector<1x16xf32> to vector<16xf32>
        %swap3A_1179 = vector.shape_cast %get3A_1174 : vector<16xf32> to vector<1x16xf32>
        tpu.vector_store %arg9[%swap3A_1175, %swap3A_1176], %swap3A_1179 {strides = array<i32>} : memref<8x2048xf32, #tpu.memory_space<vmem>>, vector<1x16xf32>,
        %get3A_1180 = arith.constant 3 : i32
        %get3A_1181 = arith.index_cast %scan3A_70 : i32 to index
        %get3A_1182 = arith.index_cast %get3A_1180 : i32 to index
        %get3A_1183 = arith.constant 80 : index
        %get3A_1184 = tpu.vector_load %arg8[%get3A_1181, %get3A_1182, %get3A_1183] {strides = array<i32>} : memref<8x4x512xf32, #tpu.memory_space<vmem>>, vector<1x1x16xf32>,
        %get3A_1185 = vector.shape_cast %get3A_1184 : vector<1x1x16xf32> to vector<16xf32>
        %swap3A_1186 = arith.index_cast %scan3A_70 : i32 to index
        %swap3A_1187 = arith.constant 1616 : index
        %swap3A_1188 = tpu.vector_load %arg9[%swap3A_1186, %swap3A_1187] {strides = array<i32>} : memref<8x2048xf32, #tpu.memory_space<vmem>>, vector<1x16xf32>,
        %swap3A_1189 = vector.shape_cast %swap3A_1188 : vector<1x16xf32> to vector<16xf32>
        %swap3A_1190 = vector.shape_cast %get3A_1185 : vector<16xf32> to vector<1x16xf32>
        tpu.vector_store %arg9[%swap3A_1186, %swap3A_1187], %swap3A_1190 {strides = array<i32>} : memref<8x2048xf32, #tpu.memory_space<vmem>>, vector<1x16xf32>,
        %get3A_1191 = arith.constant 3 : i32
        %get3A_1192 = arith.index_cast %scan3A_70 : i32 to index
        %get3A_1193 = arith.index_cast %get3A_1191 : i32 to index
        %get3A_1194 = arith.constant 96 : index
        %get3A_1195 = tpu.vector_load %arg8[%get3A_1192, %get3A_1193, %get3A_1194] {strides = array<i32>} : memref<8x4x512xf32, #tpu.memory_space<vmem>>, vector<1x1x16xf32>,
        %get3A_1196 = vector.shape_cast %get3A_1195 : vector<1x1x16xf32> to vector<16xf32>
        %swap3A_1197 = arith.index_cast %scan3A_70 : i32 to index
        %swap3A_1198 = arith.constant 1632 : index
        %swap3A_1199 = tpu.vector_load %arg9[%swap3A_1197, %swap3A_1198] {strides = array<i32>} : memref<8x2048xf32, #tpu.memory_space<vmem>>, vector<1x16xf32>,
        %swap3A_1200 = vector.shape_cast %swap3A_1199 : vector<1x16xf32> to vector<16xf32>
        %swap3A_1201 = vector.shape_cast %get3A_1196 : vector<16xf32> to vector<1x16xf32>
        tpu.vector_store %arg9[%swap3A_1197, %swap3A_1198], %swap3A_1201 {strides = array<i32>} : memref<8x2048xf32, #tpu.memory_space<vmem>>, vector<1x16xf32>,
        %get3A_1202 = arith.constant 3 : i32
        %get3A_1203 = arith.index_cast %scan3A_70 : i32 to index
        %get3A_1204 = arith.index_cast %get3A_1202 : i32 to index
        %get3A_1205 = arith.constant 112 : index
        %get3A_1206 = tpu.vector_load %arg8[%get3A_1203, %get3A_1204, %get3A_1205] {strides = array<i32>} : memref<8x4x512xf32, #tpu.memory_space<vmem>>, vector<1x1x16xf32>,
        %get3A_1207 = vector.shape_cast %get3A_1206 : vector<1x1x16xf32> to vector<16xf32>
        %swap3A_1208 = arith.index_cast %scan3A_70 : i32 to index
        %swap3A_1209 = arith.constant 1648 : index
        %swap3A_1210 = tpu.vector_load %arg9[%swap3A_1208, %swap3A_1209] {strides = array<i32>} : memref<8x2048xf32, #tpu.memory_space<vmem>>, vector<1x16xf32>,
        %swap3A_1211 = vector.shape_cast %swap3A_1210 : vector<1x16xf32> to vector<16xf32>
        %swap3A_1212 = vector.shape_cast %get3A_1207 : vector<16xf32> to vector<1x16xf32>
        tpu.vector_store %arg9[%swap3A_1208, %swap3A_1209], %swap3A_1212 {strides = array<i32>} : memref<8x2048xf32, #tpu.memory_space<vmem>>, vector<1x16xf32>,
        %get3A_1213 = arith.constant 3 : i32
        %get3A_1214 = arith.index_cast %scan3A_70 : i32 to index
        %get3A_1215 = arith.index_cast %get3A_1213 : i32 to index
        %get3A_1216 = arith.constant 128 : index
        %get3A_1217 = tpu.vector_load %arg8[%get3A_1214, %get3A_1215, %get3A_1216] {strides = array<i32>} : memref<8x4x512xf32, #tpu.memory_space<vmem>>, vector<1x1x16xf32>,
        %get3A_1218 = vector.shape_cast %get3A_1217 : vector<1x1x16xf32> to vector<16xf32>
        %swap3A_1219 = arith.index_cast %scan3A_70 : i32 to index
        %swap3A_1220 = arith.constant 1664 : index
        %swap3A_1221 = tpu.vector_load %arg9[%swap3A_1219, %swap3A_1220] {strides = array<i32>} : memref<8x2048xf32, #tpu.memory_space<vmem>>, vector<1x16xf32>,
        %swap3A_1222 = vector.shape_cast %swap3A_1221 : vector<1x16xf32> to vector<16xf32>
        %swap3A_1223 = vector.shape_cast %get3A_1218 : vector<16xf32> to vector<1x16xf32>
        tpu.vector_store %arg9[%swap3A_1219, %swap3A_1220], %swap3A_1223 {strides = array<i32>} : memref<8x2048xf32, #tpu.memory_space<vmem>>, vector<1x16xf32>,
        %get3A_1224 = arith.constant 3 : i32
        %get3A_1225 = arith.index_cast %scan3A_70 : i32 to index
        %get3A_1226 = arith.index_cast %get3A_1224 : i32 to index
        %get3A_1227 = arith.constant 144 : index
        %get3A_1228 = tpu.vector_load %arg8[%get3A_1225, %get3A_1226, %get3A_1227] {strides = array<i32>} : memref<8x4x512xf32, #tpu.memory_space<vmem>>, vector<1x1x16xf32>,
        %get3A_1229 = vector.shape_cast %get3A_1228 : vector<1x1x16xf32> to vector<16xf32>
        %swap3A_1230 = arith.index_cast %scan3A_70 : i32 to index
        %swap3A_1231 = arith.constant 1680 : index
        %swap3A_1232 = tpu.vector_load %arg9[%swap3A_1230, %swap3A_1231] {strides = array<i32>} : memref<8x2048xf32, #tpu.memory_space<vmem>>, vector<1x16xf32>,
        %swap3A_1233 = vector.shape_cast %swap3A_1232 : vector<1x16xf32> to vector<16xf32>
        %swap3A_1234 = vector.shape_cast %get3A_1229 : vector<16xf32> to vector<1x16xf32>
        tpu.vector_store %arg9[%swap3A_1230, %swap3A_1231], %swap3A_1234 {strides = array<i32>} : memref<8x2048xf32, #tpu.memory_space<vmem>>, vector<1x16xf32>,
        %get3A_1235 = arith.constant 3 : i32
        %get3A_1236 = arith.index_cast %scan3A_70 : i32 to index
        %get3A_1237 = arith.index_cast %get3A_1235 : i32 to index
        %get3A_1238 = arith.constant 160 : index
        %get3A_1239 = tpu.vector_load %arg8[%get3A_1236, %get3A_1237, %get3A_1238] {strides = array<i32>} : memref<8x4x512xf32, #tpu.memory_space<vmem>>, vector<1x1x16xf32>,
        %get3A_1240 = vector.shape_cast %get3A_1239 : vector<1x1x16xf32> to vector<16xf32>
        %swap3A_1241 = arith.index_cast %scan3A_70 : i32 to index
        %swap3A_1242 = arith.constant 1696 : index
        %swap3A_1243 = tpu.vector_load %arg9[%swap3A_1241, %swap3A_1242] {strides = array<i32>} : memref<8x2048xf32, #tpu.memory_space<vmem>>, vector<1x16xf32>,
        %swap3A_1244 = vector.shape_cast %swap3A_1243 : vector<1x16xf32> to vector<16xf32>
        %swap3A_1245 = vector.shape_cast %get3A_1240 : vector<16xf32> to vector<1x16xf32>
        tpu.vector_store %arg9[%swap3A_1241, %swap3A_1242], %swap3A_1245 {strides = array<i32>} : memref<8x2048xf32, #tpu.memory_space<vmem>>, vector<1x16xf32>,
        %get3A_1246 = arith.constant 3 : i32
        %get3A_1247 = arith.index_cast %scan3A_70 : i32 to index
        %get3A_1248 = arith.index_cast %get3A_1246 : i32 to index
        %get3A_1249 = arith.constant 176 : index
        %get3A_1250 = tpu.vector_load %arg8[%get3A_1247, %get3A_1248, %get3A_1249] {strides = array<i32>} : memref<8x4x512xf32, #tpu.memory_space<vmem>>, vector<1x1x16xf32>,
        %get3A_1251 = vector.shape_cast %get3A_1250 : vector<1x1x16xf32> to vector<16xf32>
        %swap3A_1252 = arith.index_cast %scan3A_70 : i32 to index
        %swap3A_1253 = arith.constant 1712 : index
        %swap3A_1254 = tpu.vector_load %arg9[%swap3A_1252, %swap3A_1253] {strides = array<i32>} : memref<8x2048xf32, #tpu.memory_space<vmem>>, vector<1x16xf32>,
        %swap3A_1255 = vector.shape_cast %swap3A_1254 : vector<1x16xf32> to vector<16xf32>
        %swap3A_1256 = vector.shape_cast %get3A_1251 : vector<16xf32> to vector<1x16xf32>
        tpu.vector_store %arg9[%swap3A_1252, %swap3A_1253], %swap3A_1256 {strides = array<i32>} : memref<8x2048xf32, #tpu.memory_space<vmem>>, vector<1x16xf32>,
        %get3A_1257 = arith.constant 3 : i32
        %get3A_1258 = arith.index_cast %scan3A_70 : i32 to index
        %get3A_1259 = arith.index_cast %get3A_1257 : i32 to index
        %get3A_1260 = arith.constant 192 : index
        %get3A_1261 = tpu.vector_load %arg8[%get3A_1258, %get3A_1259, %get3A_1260] {strides = array<i32>} : memref<8x4x512xf32, #tpu.memory_space<vmem>>, vector<1x1x16xf32>,
        %get3A_1262 = vector.shape_cast %get3A_1261 : vector<1x1x16xf32> to vector<16xf32>
        %swap3A_1263 = arith.index_cast %scan3A_70 : i32 to index
        %swap3A_1264 = arith.constant 1728 : index
        %swap3A_1265 = tpu.vector_load %arg9[%swap3A_1263, %swap3A_1264] {strides = array<i32>} : memref<8x2048xf32, #tpu.memory_space<vmem>>, vector<1x16xf32>,
        %swap3A_1266 = vector.shape_cast %swap3A_1265 : vector<1x16xf32> to vector<16xf32>
        %swap3A_1267 = vector.shape_cast %get3A_1262 : vector<16xf32> to vector<1x16xf32>
        tpu.vector_store %arg9[%swap3A_1263, %swap3A_1264], %swap3A_1267 {strides = array<i32>} : memref<8x2048xf32, #tpu.memory_space<vmem>>, vector<1x16xf32>,
        %get3A_1268 = arith.constant 3 : i32
        %get3A_1269 = arith.index_cast %scan3A_70 : i32 to index
        %get3A_1270 = arith.index_cast %get3A_1268 : i32 to index
        %get3A_1271 = arith.constant 208 : index
        %get3A_1272 = tpu.vector_load %arg8[%get3A_1269, %get3A_1270, %get3A_1271] {strides = array<i32>} : memref<8x4x512xf32, #tpu.memory_space<vmem>>, vector<1x1x16xf32>,
        %get3A_1273 = vector.shape_cast %get3A_1272 : vector<1x1x16xf32> to vector<16xf32>
        %swap3A_1274 = arith.index_cast %scan3A_70 : i32 to index
        %swap3A_1275 = arith.constant 1744 : index
        %swap3A_1276 = tpu.vector_load %arg9[%swap3A_1274, %swap3A_1275] {strides = array<i32>} : memref<8x2048xf32, #tpu.memory_space<vmem>>, vector<1x16xf32>,
        %swap3A_1277 = vector.shape_cast %swap3A_1276 : vector<1x16xf32> to vector<16xf32>
        %swap3A_1278 = vector.shape_cast %get3A_1273 : vector<16xf32> to vector<1x16xf32>
        tpu.vector_store %arg9[%swap3A_1274, %swap3A_1275], %swap3A_1278 {strides = array<i32>} : memref<8x2048xf32, #tpu.memory_space<vmem>>, vector<1x16xf32>,
        %get3A_1279 = arith.constant 3 : i32
        %get3A_1280 = arith.index_cast %scan3A_70 : i32 to index
        %get3A_1281 = arith.index_cast %get3A_1279 : i32 to index
        %get3A_1282 = arith.constant 224 : index
        %get3A_1283 = tpu.vector_load %arg8[%get3A_1280, %get3A_1281, %get3A_1282] {strides = array<i32>} : memref<8x4x512xf32, #tpu.memory_space<vmem>>, vector<1x1x16xf32>,
        %get3A_1284 = vector.shape_cast %get3A_1283 : vector<1x1x16xf32> to vector<16xf32>
        %swap3A_1285 = arith.index_cast %scan3A_70 : i32 to index
        %swap3A_1286 = arith.constant 1760 : index
        %swap3A_1287 = tpu.vector_load %arg9[%swap3A_1285, %swap3A_1286] {strides = array<i32>} : memref<8x2048xf32, #tpu.memory_space<vmem>>, vector<1x16xf32>,
        %swap3A_1288 = vector.shape_cast %swap3A_1287 : vector<1x16xf32> to vector<16xf32>
        %swap3A_1289 = vector.shape_cast %get3A_1284 : vector<16xf32> to vector<1x16xf32>
        tpu.vector_store %arg9[%swap3A_1285, %swap3A_1286], %swap3A_1289 {strides = array<i32>} : memref<8x2048xf32, #tpu.memory_space<vmem>>, vector<1x16xf32>,
        %get3A_1290 = arith.constant 3 : i32
        %get3A_1291 = arith.index_cast %scan3A_70 : i32 to index
        %get3A_1292 = arith.index_cast %get3A_1290 : i32 to index
        %get3A_1293 = arith.constant 240 : index
        %get3A_1294 = tpu.vector_load %arg8[%get3A_1291, %get3A_1292, %get3A_1293] {strides = array<i32>} : memref<8x4x512xf32, #tpu.memory_space<vmem>>, vector<1x1x16xf32>,
        %get3A_1295 = vector.shape_cast %get3A_1294 : vector<1x1x16xf32> to vector<16xf32>
        %swap3A_1296 = arith.index_cast %scan3A_70 : i32 to index
        %swap3A_1297 = arith.constant 1776 : index
        %swap3A_1298 = tpu.vector_load %arg9[%swap3A_1296, %swap3A_1297] {strides = array<i32>} : memref<8x2048xf32, #tpu.memory_space<vmem>>, vector<1x16xf32>,
        %swap3A_1299 = vector.shape_cast %swap3A_1298 : vector<1x16xf32> to vector<16xf32>
        %swap3A_1300 = vector.shape_cast %get3A_1295 : vector<16xf32> to vector<1x16xf32>
        tpu.vector_store %arg9[%swap3A_1296, %swap3A_1297], %swap3A_1300 {strides = array<i32>} : memref<8x2048xf32, #tpu.memory_space<vmem>>, vector<1x16xf32>,
        %get3A_1301 = arith.constant 3 : i32
        %get3A_1302 = arith.index_cast %scan3A_70 : i32 to index
        %get3A_1303 = arith.index_cast %get3A_1301 : i32 to index
        %get3A_1304 = arith.constant 256 : index
        %get3A_1305 = tpu.vector_load %arg8[%get3A_1302, %get3A_1303, %get3A_1304] {strides = array<i32>} : memref<8x4x512xf32, #tpu.memory_space<vmem>>, vector<1x1x16xf32>,
        %get3A_1306 = vector.shape_cast %get3A_1305 : vector<1x1x16xf32> to vector<16xf32>
        %swap3A_1307 = arith.index_cast %scan3A_70 : i32 to index
        %swap3A_1308 = arith.constant 1792 : index
        %swap3A_1309 = tpu.vector_load %arg9[%swap3A_1307, %swap3A_1308] {strides = array<i32>} : memref<8x2048xf32, #tpu.memory_space<vmem>>, vector<1x16xf32>,
        %swap3A_1310 = vector.shape_cast %swap3A_1309 : vector<1x16xf32> to vector<16xf32>
        %swap3A_1311 = vector.shape_cast %get3A_1306 : vector<16xf32> to vector<1x16xf32>
        tpu.vector_store %arg9[%swap3A_1307, %swap3A_1308], %swap3A_1311 {strides = array<i32>} : memref<8x2048xf32, #tpu.memory_space<vmem>>, vector<1x16xf32>,
        %get3A_1312 = arith.constant 3 : i32
        %get3A_1313 = arith.index_cast %scan3A_70 : i32 to index
        %get3A_1314 = arith.index_cast %get3A_1312 : i32 to index
        %get3A_1315 = arith.constant 272 : index
        %get3A_1316 = tpu.vector_load %arg8[%get3A_1313, %get3A_1314, %get3A_1315] {strides = array<i32>} : memref<8x4x512xf32, #tpu.memory_space<vmem>>, vector<1x1x16xf32>,
        %get3A_1317 = vector.shape_cast %get3A_1316 : vector<1x1x16xf32> to vector<16xf32>
        %swap3A_1318 = arith.index_cast %scan3A_70 : i32 to index
        %swap3A_1319 = arith.constant 1808 : index
        %swap3A_1320 = tpu.vector_load %arg9[%swap3A_1318, %swap3A_1319] {strides = array<i32>} : memref<8x2048xf32, #tpu.memory_space<vmem>>, vector<1x16xf32>,
        %swap3A_1321 = vector.shape_cast %swap3A_1320 : vector<1x16xf32> to vector<16xf32>
        %swap3A_1322 = vector.shape_cast %get3A_1317 : vector<16xf32> to vector<1x16xf32>
        tpu.vector_store %arg9[%swap3A_1318, %swap3A_1319], %swap3A_1322 {strides = array<i32>} : memref<8x2048xf32, #tpu.memory_space<vmem>>, vector<1x16xf32>,
        %get3A_1323 = arith.constant 3 : i32
        %get3A_1324 = arith.index_cast %scan3A_70 : i32 to index
        %get3A_1325 = arith.index_cast %get3A_1323 : i32 to index
        %get3A_1326 = arith.constant 288 : index
        %get3A_1327 = tpu.vector_load %arg8[%get3A_1324, %get3A_1325, %get3A_1326] {strides = array<i32>} : memref<8x4x512xf32, #tpu.memory_space<vmem>>, vector<1x1x16xf32>,
        %get3A_1328 = vector.shape_cast %get3A_1327 : vector<1x1x16xf32> to vector<16xf32>
        %swap3A_1329 = arith.index_cast %scan3A_70 : i32 to index
        %swap3A_1330 = arith.constant 1824 : index
        %swap3A_1331 = tpu.vector_load %arg9[%swap3A_1329, %swap3A_1330] {strides = array<i32>} : memref<8x2048xf32, #tpu.memory_space<vmem>>, vector<1x16xf32>,
        %swap3A_1332 = vector.shape_cast %swap3A_1331 : vector<1x16xf32> to vector<16xf32>
        %swap3A_1333 = vector.shape_cast %get3A_1328 : vector<16xf32> to vector<1x16xf32>
        tpu.vector_store %arg9[%swap3A_1329, %swap3A_1330], %swap3A_1333 {strides = array<i32>} : memref<8x2048xf32, #tpu.memory_space<vmem>>, vector<1x16xf32>,
        %get3A_1334 = arith.constant 3 : i32
        %get3A_1335 = arith.index_cast %scan3A_70 : i32 to index
        %get3A_1336 = arith.index_cast %get3A_1334 : i32 to index
        %get3A_1337 = arith.constant 304 : index
        %get3A_1338 = tpu.vector_load %arg8[%get3A_1335, %get3A_1336, %get3A_1337] {strides = array<i32>} : memref<8x4x512xf32, #tpu.memory_space<vmem>>, vector<1x1x16xf32>,
        %get3A_1339 = vector.shape_cast %get3A_1338 : vector<1x1x16xf32> to vector<16xf32>
        %swap3A_1340 = arith.index_cast %scan3A_70 : i32 to index
        %swap3A_1341 = arith.constant 1840 : index
        %swap3A_1342 = tpu.vector_load %arg9[%swap3A_1340, %swap3A_1341] {strides = array<i32>} : memref<8x2048xf32, #tpu.memory_space<vmem>>, vector<1x16xf32>,
        %swap3A_1343 = vector.shape_cast %swap3A_1342 : vector<1x16xf32> to vector<16xf32>
        %swap3A_1344 = vector.shape_cast %get3A_1339 : vector<16xf32> to vector<1x16xf32>
        tpu.vector_store %arg9[%swap3A_1340, %swap3A_1341], %swap3A_1344 {strides = array<i32>} : memref<8x2048xf32, #tpu.memory_space<vmem>>, vector<1x16xf32>,
        %get3A_1345 = arith.constant 3 : i32
        %get3A_1346 = arith.index_cast %scan3A_70 : i32 to index
        %get3A_1347 = arith.index_cast %get3A_1345 : i32 to index
        %get3A_1348 = arith.constant 320 : index
        %get3A_1349 = tpu.vector_load %arg8[%get3A_1346, %get3A_1347, %get3A_1348] {strides = array<i32>} : memref<8x4x512xf32, #tpu.memory_space<vmem>>, vector<1x1x16xf32>,
        %get3A_1350 = vector.shape_cast %get3A_1349 : vector<1x1x16xf32> to vector<16xf32>
        %swap3A_1351 = arith.index_cast %scan3A_70 : i32 to index
        %swap3A_1352 = arith.constant 1856 : index
        %swap3A_1353 = tpu.vector_load %arg9[%swap3A_1351, %swap3A_1352] {strides = array<i32>} : memref<8x2048xf32, #tpu.memory_space<vmem>>, vector<1x16xf32>,
        %swap3A_1354 = vector.shape_cast %swap3A_1353 : vector<1x16xf32> to vector<16xf32>
        %swap3A_1355 = vector.shape_cast %get3A_1350 : vector<16xf32> to vector<1x16xf32>
        tpu.vector_store %arg9[%swap3A_1351, %swap3A_1352], %swap3A_1355 {strides = array<i32>} : memref<8x2048xf32, #tpu.memory_space<vmem>>, vector<1x16xf32>,
        %get3A_1356 = arith.constant 3 : i32
        %get3A_1357 = arith.index_cast %scan3A_70 : i32 to index
        %get3A_1358 = arith.index_cast %get3A_1356 : i32 to index
        %get3A_1359 = arith.constant 336 : index
        %get3A_1360 = tpu.vector_load %arg8[%get3A_1357, %get3A_1358, %get3A_1359] {strides = array<i32>} : memref<8x4x512xf32, #tpu.memory_space<vmem>>, vector<1x1x16xf32>,
        %get3A_1361 = vector.shape_cast %get3A_1360 : vector<1x1x16xf32> to vector<16xf32>
        %swap3A_1362 = arith.index_cast %scan3A_70 : i32 to index
        %swap3A_1363 = arith.constant 1872 : index
        %swap3A_1364 = tpu.vector_load %arg9[%swap3A_1362, %swap3A_1363] {strides = array<i32>} : memref<8x2048xf32, #tpu.memory_space<vmem>>, vector<1x16xf32>,
        %swap3A_1365 = vector.shape_cast %swap3A_1364 : vector<1x16xf32> to vector<16xf32>
        %swap3A_1366 = vector.shape_cast %get3A_1361 : vector<16xf32> to vector<1x16xf32>
        tpu.vector_store %arg9[%swap3A_1362, %swap3A_1363], %swap3A_1366 {strides = array<i32>} : memref<8x2048xf32, #tpu.memory_space<vmem>>, vector<1x16xf32>,
        %get3A_1367 = arith.constant 3 : i32
        %get3A_1368 = arith.index_cast %scan3A_70 : i32 to index
        %get3A_1369 = arith.index_cast %get3A_1367 : i32 to index
        %get3A_1370 = arith.constant 352 : index
        %get3A_1371 = tpu.vector_load %arg8[%get3A_1368, %get3A_1369, %get3A_1370] {strides = array<i32>} : memref<8x4x512xf32, #tpu.memory_space<vmem>>, vector<1x1x16xf32>,
        %get3A_1372 = vector.shape_cast %get3A_1371 : vector<1x1x16xf32> to vector<16xf32>
        %swap3A_1373 = arith.index_cast %scan3A_70 : i32 to index
        %swap3A_1374 = arith.constant 1888 : index
        %swap3A_1375 = tpu.vector_load %arg9[%swap3A_1373, %swap3A_1374] {strides = array<i32>} : memref<8x2048xf32, #tpu.memory_space<vmem>>, vector<1x16xf32>,
        %swap3A_1376 = vector.shape_cast %swap3A_1375 : vector<1x16xf32> to vector<16xf32>
        %swap3A_1377 = vector.shape_cast %get3A_1372 : vector<16xf32> to vector<1x16xf32>
        tpu.vector_store %arg9[%swap3A_1373, %swap3A_1374], %swap3A_1377 {strides = array<i32>} : memref<8x2048xf32, #tpu.memory_space<vmem>>, vector<1x16xf32>,
        %get3A_1378 = arith.constant 3 : i32
        %get3A_1379 = arith.index_cast %scan3A_70 : i32 to index
        %get3A_1380 = arith.index_cast %get3A_1378 : i32 to index
        %get3A_1381 = arith.constant 368 : index
        %get3A_1382 = tpu.vector_load %arg8[%get3A_1379, %get3A_1380, %get3A_1381] {strides = array<i32>} : memref<8x4x512xf32, #tpu.memory_space<vmem>>, vector<1x1x16xf32>,
        %get3A_1383 = vector.shape_cast %get3A_1382 : vector<1x1x16xf32> to vector<16xf32>
        %swap3A_1384 = arith.index_cast %scan3A_70 : i32 to index
        %swap3A_1385 = arith.constant 1904 : index
        %swap3A_1386 = tpu.vector_load %arg9[%swap3A_1384, %swap3A_1385] {strides = array<i32>} : memref<8x2048xf32, #tpu.memory_space<vmem>>, vector<1x16xf32>,
        %swap3A_1387 = vector.shape_cast %swap3A_1386 : vector<1x16xf32> to vector<16xf32>
        %swap3A_1388 = vector.shape_cast %get3A_1383 : vector<16xf32> to vector<1x16xf32>
        tpu.vector_store %arg9[%swap3A_1384, %swap3A_1385], %swap3A_1388 {strides = array<i32>} : memref<8x2048xf32, #tpu.memory_space<vmem>>, vector<1x16xf32>,
        %get3A_1389 = arith.constant 3 : i32
        %get3A_1390 = arith.index_cast %scan3A_70 : i32 to index
        %get3A_1391 = arith.index_cast %get3A_1389 : i32 to index
        %get3A_1392 = arith.constant 384 : index
        %get3A_1393 = tpu.vector_load %arg8[%get3A_1390, %get3A_1391, %get3A_1392] {strides = array<i32>} : memref<8x4x512xf32, #tpu.memory_space<vmem>>, vector<1x1x16xf32>,
        %get3A_1394 = vector.shape_cast %get3A_1393 : vector<1x1x16xf32> to vector<16xf32>
        %swap3A_1395 = arith.index_cast %scan3A_70 : i32 to index
        %swap3A_1396 = arith.constant 1920 : index
        %swap3A_1397 = tpu.vector_load %arg9[%swap3A_1395, %swap3A_1396] {strides = array<i32>} : memref<8x2048xf32, #tpu.memory_space<vmem>>, vector<1x16xf32>,
        %swap3A_1398 = vector.shape_cast %swap3A_1397 : vector<1x16xf32> to vector<16xf32>
        %swap3A_1399 = vector.shape_cast %get3A_1394 : vector<16xf32> to vector<1x16xf32>
        tpu.vector_store %arg9[%swap3A_1395, %swap3A_1396], %swap3A_1399 {strides = array<i32>} : memref<8x2048xf32, #tpu.memory_space<vmem>>, vector<1x16xf32>,
        %get3A_1400 = arith.constant 3 : i32
        %get3A_1401 = arith.index_cast %scan3A_70 : i32 to index
        %get3A_1402 = arith.index_cast %get3A_1400 : i32 to index
        %get3A_1403 = arith.constant 400 : index
        %get3A_1404 = tpu.vector_load %arg8[%get3A_1401, %get3A_1402, %get3A_1403] {strides = array<i32>} : memref<8x4x512xf32, #tpu.memory_space<vmem>>, vector<1x1x16xf32>,
        %get3A_1405 = vector.shape_cast %get3A_1404 : vector<1x1x16xf32> to vector<16xf32>
        %swap3A_1406 = arith.index_cast %scan3A_70 : i32 to index
        %swap3A_1407 = arith.constant 1936 : index
        %swap3A_1408 = tpu.vector_load %arg9[%swap3A_1406, %swap3A_1407] {strides = array<i32>} : memref<8x2048xf32, #tpu.memory_space<vmem>>, vector<1x16xf32>,
        %swap3A_1409 = vector.shape_cast %swap3A_1408 : vector<1x16xf32> to vector<16xf32>
        %swap3A_1410 = vector.shape_cast %get3A_1405 : vector<16xf32> to vector<1x16xf32>
        tpu.vector_store %arg9[%swap3A_1406, %swap3A_1407], %swap3A_1410 {strides = array<i32>} : memref<8x2048xf32, #tpu.memory_space<vmem>>, vector<1x16xf32>,
        %get3A_1411 = arith.constant 3 : i32
        %get3A_1412 = arith.index_cast %scan3A_70 : i32 to index
        %get3A_1413 = arith.index_cast %get3A_1411 : i32 to index
        %get3A_1414 = arith.constant 416 : index
        %get3A_1415 = tpu.vector_load %arg8[%get3A_1412, %get3A_1413, %get3A_1414] {strides = array<i32>} : memref<8x4x512xf32, #tpu.memory_space<vmem>>, vector<1x1x16xf32>,
        %get3A_1416 = vector.shape_cast %get3A_1415 : vector<1x1x16xf32> to vector<16xf32>
        %swap3A_1417 = arith.index_cast %scan3A_70 : i32 to index
        %swap3A_1418 = arith.constant 1952 : index
        %swap3A_1419 = tpu.vector_load %arg9[%swap3A_1417, %swap3A_1418] {strides = array<i32>} : memref<8x2048xf32, #tpu.memory_space<vmem>>, vector<1x16xf32>,
        %swap3A_1420 = vector.shape_cast %swap3A_1419 : vector<1x16xf32> to vector<16xf32>
        %swap3A_1421 = vector.shape_cast %get3A_1416 : vector<16xf32> to vector<1x16xf32>
        tpu.vector_store %arg9[%swap3A_1417, %swap3A_1418], %swap3A_1421 {strides = array<i32>} : memref<8x2048xf32, #tpu.memory_space<vmem>>, vector<1x16xf32>,
        %get3A_1422 = arith.constant 3 : i32
        %get3A_1423 = arith.index_cast %scan3A_70 : i32 to index
        %get3A_1424 = arith.index_cast %get3A_1422 : i32 to index
        %get3A_1425 = arith.constant 432 : index
        %get3A_1426 = tpu.vector_load %arg8[%get3A_1423, %get3A_1424, %get3A_1425] {strides = array<i32>} : memref<8x4x512xf32, #tpu.memory_space<vmem>>, vector<1x1x16xf32>,
        %get3A_1427 = vector.shape_cast %get3A_1426 : vector<1x1x16xf32> to vector<16xf32>
        %swap3A_1428 = arith.index_cast %scan3A_70 : i32 to index
        %swap3A_1429 = arith.constant 1968 : index
        %swap3A_1430 = tpu.vector_load %arg9[%swap3A_1428, %swap3A_1429] {strides = array<i32>} : memref<8x2048xf32, #tpu.memory_space<vmem>>, vector<1x16xf32>,
        %swap3A_1431 = vector.shape_cast %swap3A_1430 : vector<1x16xf32> to vector<16xf32>
        %swap3A_1432 = vector.shape_cast %get3A_1427 : vector<16xf32> to vector<1x16xf32>
        tpu.vector_store %arg9[%swap3A_1428, %swap3A_1429], %swap3A_1432 {strides = array<i32>} : memref<8x2048xf32, #tpu.memory_space<vmem>>, vector<1x16xf32>,
        %get3A_1433 = arith.constant 3 : i32
        %get3A_1434 = arith.index_cast %scan3A_70 : i32 to index
        %get3A_1435 = arith.index_cast %get3A_1433 : i32 to index
        %get3A_1436 = arith.constant 448 : index
        %get3A_1437 = tpu.vector_load %arg8[%get3A_1434, %get3A_1435, %get3A_1436] {strides = array<i32>} : memref<8x4x512xf32, #tpu.memory_space<vmem>>, vector<1x1x16xf32>,
        %get3A_1438 = vector.shape_cast %get3A_1437 : vector<1x1x16xf32> to vector<16xf32>
        %swap3A_1439 = arith.index_cast %scan3A_70 : i32 to index
        %swap3A_1440 = arith.constant 1984 : index
        %swap3A_1441 = tpu.vector_load %arg9[%swap3A_1439, %swap3A_1440] {strides = array<i32>} : memref<8x2048xf32, #tpu.memory_space<vmem>>, vector<1x16xf32>,
        %swap3A_1442 = vector.shape_cast %swap3A_1441 : vector<1x16xf32> to vector<16xf32>
        %swap3A_1443 = vector.shape_cast %get3A_1438 : vector<16xf32> to vector<1x16xf32>
        tpu.vector_store %arg9[%swap3A_1439, %swap3A_1440], %swap3A_1443 {strides = array<i32>} : memref<8x2048xf32, #tpu.memory_space<vmem>>, vector<1x16xf32>,
        %get3A_1444 = arith.constant 3 : i32
        %get3A_1445 = arith.index_cast %scan3A_70 : i32 to index
        %get3A_1446 = arith.index_cast %get3A_1444 : i32 to index
        %get3A_1447 = arith.constant 464 : index
        %get3A_1448 = tpu.vector_load %arg8[%get3A_1445, %get3A_1446, %get3A_1447] {strides = array<i32>} : memref<8x4x512xf32, #tpu.memory_space<vmem>>, vector<1x1x16xf32>,
        %get3A_1449 = vector.shape_cast %get3A_1448 : vector<1x1x16xf32> to vector<16xf32>
        %swap3A_1450 = arith.index_cast %scan3A_70 : i32 to index
        %swap3A_1451 = arith.constant 2000 : index
        %swap3A_1452 = tpu.vector_load %arg9[%swap3A_1450, %swap3A_1451] {strides = array<i32>} : memref<8x2048xf32, #tpu.memory_space<vmem>>, vector<1x16xf32>,
        %swap3A_1453 = vector.shape_cast %swap3A_1452 : vector<1x16xf32> to vector<16xf32>
        %swap3A_1454 = vector.shape_cast %get3A_1449 : vector<16xf32> to vector<1x16xf32>
        tpu.vector_store %arg9[%swap3A_1450, %swap3A_1451], %swap3A_1454 {strides = array<i32>} : memref<8x2048xf32, #tpu.memory_space<vmem>>, vector<1x16xf32>,
        %get3A_1455 = arith.constant 3 : i32
        %get3A_1456 = arith.index_cast %scan3A_70 : i32 to index
        %get3A_1457 = arith.index_cast %get3A_1455 : i32 to index
        %get3A_1458 = arith.constant 480 : index
        %get3A_1459 = tpu.vector_load %arg8[%get3A_1456, %get3A_1457, %get3A_1458] {strides = array<i32>} : memref<8x4x512xf32, #tpu.memory_space<vmem>>, vector<1x1x16xf32>,
        %get3A_1460 = vector.shape_cast %get3A_1459 : vector<1x1x16xf32> to vector<16xf32>
        %swap3A_1461 = arith.index_cast %scan3A_70 : i32 to index
        %swap3A_1462 = arith.constant 2016 : index
        %swap3A_1463 = tpu.vector_load %arg9[%swap3A_1461, %swap3A_1462] {strides = array<i32>} : memref<8x2048xf32, #tpu.memory_space<vmem>>, vector<1x16xf32>,
        %swap3A_1464 = vector.shape_cast %swap3A_1463 : vector<1x16xf32> to vector<16xf32>
        %swap3A_1465 = vector.shape_cast %get3A_1460 : vector<16xf32> to vector<1x16xf32>
        tpu.vector_store %arg9[%swap3A_1461, %swap3A_1462], %swap3A_1465 {strides = array<i32>} : memref<8x2048xf32, #tpu.memory_space<vmem>>, vector<1x16xf32>,
        %get3A_1466 = arith.constant 3 : i32
        %get3A_1467 = arith.index_cast %scan3A_70 : i32 to index
        %get3A_1468 = arith.index_cast %get3A_1466 : i32 to index
        %get3A_1469 = arith.constant 496 : index
        %get3A_1470 = tpu.vector_load %arg8[%get3A_1467, %get3A_1468, %get3A_1469] {strides = array<i32>} : memref<8x4x512xf32, #tpu.memory_space<vmem>>, vector<1x1x16xf32>,
        %get3A_1471 = vector.shape_cast %get3A_1470 : vector<1x1x16xf32> to vector<16xf32>
        %swap3A_1472 = arith.index_cast %scan3A_70 : i32 to index
        %swap3A_1473 = arith.constant 2032 : index
        %swap3A_1474 = tpu.vector_load %arg9[%swap3A_1472, %swap3A_1473] {strides = array<i32>} : memref<8x2048xf32, #tpu.memory_space<vmem>>, vector<1x16xf32>,
        %swap3A_1475 = vector.shape_cast %swap3A_1474 : vector<1x16xf32> to vector<16xf32>
        %swap3A_1476 = vector.shape_cast %get3A_1471 : vector<16xf32> to vector<1x16xf32>
        tpu.vector_store %arg9[%swap3A_1472, %swap3A_1473], %swap3A_1476 {strides = array<i32>} : memref<8x2048xf32, #tpu.memory_space<vmem>>, vector<1x16xf32>,
      }
      %scan3A_66 = arith.constant 8 : i32
      "tpu.region"() ({
        %run_scoped3A_70 = tpu.sem_alloc : memref<!tpu.dma_semaphore, #tpu.memory_space<semaphore_mem>>
        %dma_start3A_71 = arith.constant 0 : i32
        %dma_start3A_72 = tpu.memref_slice %arg6[%add3A_50, %dma_start3A_71] : memref<4096x2048xf32, #tpu.memory_space<hbm>> -> memref<8x2048xf32, #tpu.memory_space<hbm>>
        %dma_start3A_73 = arith.constant 0 : i32
        %dma_start3A_74 = tpu.memref_slice %arg6[%add3A_50, %dma_start3A_73] : memref<4096x2048xf32, #tpu.memory_space<hbm>> -> memref<8x2048xf32, #tpu.memory_space<hbm>>
        tpu.enqueue_dma source(%arg9 : memref<8x2048xf32, #tpu.memory_space<vmem>>) target(%dma_start3A_74 : memref<8x2048xf32, #tpu.memory_space<hbm>>) target_semaphore(%run_scoped3A_70 : memref<!tpu.dma_semaphore, #tpu.memory_space<semaphore_mem>>)
        %dma_wait3A_75 = arith.constant 0 : i32
        %dma_wait3A_76 = tpu.memref_slice %arg6[%add3A_50, %dma_wait3A_75] : memref<4096x2048xf32, #tpu.memory_space<hbm>> -> memref<8x2048xf32, #tpu.memory_space<hbm>>
        %dma_wait3A_77 = arith.constant 0 : i32
        %dma_wait3A_78 = tpu.memref_slice %arg6[%add3A_50, %dma_wait3A_77] : memref<4096x2048xf32, #tpu.memory_space<hbm>> -> memref<8x2048xf32, #tpu.memory_space<hbm>>
        tpu.wait_dma2 semaphore(%run_scoped3A_70 : memref<!tpu.dma_semaphore, #tpu.memory_space<semaphore_mem>>) src(%arg9 : memref<8x2048xf32, #tpu.memory_space<vmem>>) dst(%dma_wait3A_78 : memref<8x2048xf32, #tpu.memory_space<hbm>>)
        tpu.yield
      }) : () -> ()
      %run_scoped3A = arith.constant 5 : i32
      "tpu.region"() ({
        %run_scoped3A_70 = tpu.sem_alloc : memref<!tpu.dma_semaphore, #tpu.memory_space<semaphore_mem>>
        %dma_start3A_71 = arith.constant 0 : i32
        %dma_start3A_72 = arith.constant 0 : i32
        %dma_start3A_73 = tpu.memref_slice %arg9[%dma_start3A_71, %dma_start3A_72] : memref<8x2048xf32, #tpu.memory_space<vmem>> -> memref<8x512xf32, #tpu.memory_space<vmem>>
        %dma_start3A_74 = arith.constant 0 : i32
        %dma_start3A_75 = tpu.memref_slice %arg5[%run_scoped3A, %add3A_50, %dma_start3A_74] : memref<77x4096x512xf32, #tpu.memory_space<hbm>> -> memref<1x8x512xf32, #tpu.memory_space<hbm>>
        %dma_start3A_76 = tpu.memref_squeeze %dma_start3A_75 : memref<1x8x512xf32, #tpu.memory_space<hbm>> -> memref<8x512xf32, #tpu.memory_space<hbm>>
        %dma_start3A_77 = arith.constant 0 : i32
        %dma_start3A_78 = tpu.memref_slice %arg5[%run_scoped3A, %add3A_50, %dma_start3A_77] : memref<77x4096x512xf32, #tpu.memory_space<hbm>> -> memref<1x8x512xf32, #tpu.memory_space<hbm>>
        %dma_start3A_79 = tpu.memref_squeeze %dma_start3A_78 : memref<1x8x512xf32, #tpu.memory_space<hbm>> -> memref<8x512xf32, #tpu.memory_space<hbm>>
        %dma_start3A_80 = arith.constant 0 : i32
        %dma_start3A_81 = arith.constant 0 : i32
        %dma_start3A_82 = tpu.memref_slice %arg9[%dma_start3A_80, %dma_start3A_81] : memref<8x2048xf32, #tpu.memory_space<vmem>> -> memref<8x512xf32, #tpu.memory_space<vmem>>
        tpu.enqueue_dma source(%dma_start3A_82 : memref<8x512xf32, #tpu.memory_space<vmem>>) target(%dma_start3A_79 : memref<8x512xf32, #tpu.memory_space<hbm>>) target_semaphore(%run_scoped3A_70 : memref<!tpu.dma_semaphore, #tpu.memory_space<semaphore_mem>>)
        %dma_wait3A_83 = arith.constant 0 : i32
        %dma_wait3A_84 = arith.constant 0 : i32
        %dma_wait3A_85 = tpu.memref_slice %arg9[%dma_wait3A_83, %dma_wait3A_84] : memref<8x2048xf32, #tpu.memory_space<vmem>> -> memref<8x512xf32, #tpu.memory_space<vmem>>
        %dma_wait3A_86 = arith.constant 0 : i32
        %dma_wait3A_87 = tpu.memref_slice %arg5[%run_scoped3A, %add3A_50, %dma_wait3A_86] : memref<77x4096x512xf32, #tpu.memory_space<hbm>> -> memref<1x8x512xf32, #tpu.memory_space<hbm>>
        %dma_wait3A_88 = tpu.memref_squeeze %dma_wait3A_87 : memref<1x8x512xf32, #tpu.memory_space<hbm>> -> memref<8x512xf32, #tpu.memory_space<hbm>>
        %dma_wait3A_89 = arith.constant 0 : i32
        %dma_wait3A_90 = tpu.memref_slice %arg5[%run_scoped3A, %add3A_50, %dma_wait3A_89] : memref<77x4096x512xf32, #tpu.memory_space<hbm>> -> memref<1x8x512xf32, #tpu.memory_space<hbm>>
        %dma_wait3A_91 = tpu.memref_squeeze %dma_wait3A_90 : memref<1x8x512xf32, #tpu.memory_space<hbm>> -> memref<8x512xf32, #tpu.memory_space<hbm>>
        %dma_wait3A_92 = arith.constant 0 : i32
        %dma_wait3A_93 = arith.constant 0 : i32
        %dma_wait3A_94 = tpu.memref_slice %arg9[%dma_wait3A_92, %dma_wait3A_93] : memref<8x2048xf32, #tpu.memory_space<vmem>> -> memref<8x512xf32, #tpu.memory_space<vmem>>
        tpu.wait_dma2 semaphore(%run_scoped3A_70 : memref<!tpu.dma_semaphore, #tpu.memory_space<semaphore_mem>>) src(%dma_wait3A_94 : memref<8x512xf32, #tpu.memory_space<vmem>>) dst(%dma_wait3A_91 : memref<8x512xf32, #tpu.memory_space<hbm>>)
        tpu.yield
      }) : () -> ()
      %run_scoped3A_67 = arith.constant 6 : i32
      "tpu.region"() ({
        %run_scoped3A_70 = tpu.sem_alloc : memref<!tpu.dma_semaphore, #tpu.memory_space<semaphore_mem>>
        %dma_start3A_71 = arith.constant 0 : i32
        %dma_start3A_72 = arith.constant 512 : i32
        %dma_start3A_73 = tpu.memref_slice %arg9[%dma_start3A_71, %dma_start3A_72] : memref<8x2048xf32, #tpu.memory_space<vmem>> -> memref<8x512xf32, #tpu.memory_space<vmem>>
        %dma_start3A_74 = arith.constant 0 : i32
        %dma_start3A_75 = tpu.memref_slice %arg5[%run_scoped3A_67, %add3A_50, %dma_start3A_74] : memref<77x4096x512xf32, #tpu.memory_space<hbm>> -> memref<1x8x512xf32, #tpu.memory_space<hbm>>
        %dma_start3A_76 = tpu.memref_squeeze %dma_start3A_75 : memref<1x8x512xf32, #tpu.memory_space<hbm>> -> memref<8x512xf32, #tpu.memory_space<hbm>>
        %dma_start3A_77 = arith.constant 0 : i32
        %dma_start3A_78 = tpu.memref_slice %arg5[%run_scoped3A_67, %add3A_50, %dma_start3A_77] : memref<77x4096x512xf32, #tpu.memory_space<hbm>> -> memref<1x8x512xf32, #tpu.memory_space<hbm>>
        %dma_start3A_79 = tpu.memref_squeeze %dma_start3A_78 : memref<1x8x512xf32, #tpu.memory_space<hbm>> -> memref<8x512xf32, #tpu.memory_space<hbm>>
        %dma_start3A_80 = arith.constant 0 : i32
        %dma_start3A_81 = arith.constant 512 : i32
        %dma_start3A_82 = tpu.memref_slice %arg9[%dma_start3A_80, %dma_start3A_81] : memref<8x2048xf32, #tpu.memory_space<vmem>> -> memref<8x512xf32, #tpu.memory_space<vmem>>
        tpu.enqueue_dma source(%dma_start3A_82 : memref<8x512xf32, #tpu.memory_space<vmem>>) target(%dma_start3A_79 : memref<8x512xf32, #tpu.memory_space<hbm>>) target_semaphore(%run_scoped3A_70 : memref<!tpu.dma_semaphore, #tpu.memory_space<semaphore_mem>>)
        %dma_wait3A_83 = arith.constant 0 : i32
        %dma_wait3A_84 = arith.constant 512 : i32
        %dma_wait3A_85 = tpu.memref_slice %arg9[%dma_wait3A_83, %dma_wait3A_84] : memref<8x2048xf32, #tpu.memory_space<vmem>> -> memref<8x512xf32, #tpu.memory_space<vmem>>
        %dma_wait3A_86 = arith.constant 0 : i32
        %dma_wait3A_87 = tpu.memref_slice %arg5[%run_scoped3A_67, %add3A_50, %dma_wait3A_86] : memref<77x4096x512xf32, #tpu.memory_space<hbm>> -> memref<1x8x512xf32, #tpu.memory_space<hbm>>
        %dma_wait3A_88 = tpu.memref_squeeze %dma_wait3A_87 : memref<1x8x512xf32, #tpu.memory_space<hbm>> -> memref<8x512xf32, #tpu.memory_space<hbm>>
        %dma_wait3A_89 = arith.constant 0 : i32
        %dma_wait3A_90 = tpu.memref_slice %arg5[%run_scoped3A_67, %add3A_50, %dma_wait3A_89] : memref<77x4096x512xf32, #tpu.memory_space<hbm>> -> memref<1x8x512xf32, #tpu.memory_space<hbm>>
        %dma_wait3A_91 = tpu.memref_squeeze %dma_wait3A_90 : memref<1x8x512xf32, #tpu.memory_space<hbm>> -> memref<8x512xf32, #tpu.memory_space<hbm>>
        %dma_wait3A_92 = arith.constant 0 : i32
        %dma_wait3A_93 = arith.constant 512 : i32
        %dma_wait3A_94 = tpu.memref_slice %arg9[%dma_wait3A_92, %dma_wait3A_93] : memref<8x2048xf32, #tpu.memory_space<vmem>> -> memref<8x512xf32, #tpu.memory_space<vmem>>
        tpu.wait_dma2 semaphore(%run_scoped3A_70 : memref<!tpu.dma_semaphore, #tpu.memory_space<semaphore_mem>>) src(%dma_wait3A_94 : memref<8x512xf32, #tpu.memory_space<vmem>>) dst(%dma_wait3A_91 : memref<8x512xf32, #tpu.memory_space<hbm>>)
        tpu.yield
      }) : () -> ()
      %run_scoped3A_68 = arith.constant 7 : i32
      "tpu.region"() ({
        %run_scoped3A_70 = tpu.sem_alloc : memref<!tpu.dma_semaphore, #tpu.memory_space<semaphore_mem>>
        %dma_start3A_71 = arith.constant 0 : i32
        %dma_start3A_72 = arith.constant 1024 : i32
        %dma_start3A_73 = tpu.memref_slice %arg9[%dma_start3A_71, %dma_start3A_72] : memref<8x2048xf32, #tpu.memory_space<vmem>> -> memref<8x512xf32, #tpu.memory_space<vmem>>
        %dma_start3A_74 = arith.constant 0 : i32
        %dma_start3A_75 = tpu.memref_slice %arg5[%run_scoped3A_68, %add3A_50, %dma_start3A_74] : memref<77x4096x512xf32, #tpu.memory_space<hbm>> -> memref<1x8x512xf32, #tpu.memory_space<hbm>>
        %dma_start3A_76 = tpu.memref_squeeze %dma_start3A_75 : memref<1x8x512xf32, #tpu.memory_space<hbm>> -> memref<8x512xf32, #tpu.memory_space<hbm>>
        %dma_start3A_77 = arith.constant 0 : i32
        %dma_start3A_78 = tpu.memref_slice %arg5[%run_scoped3A_68, %add3A_50, %dma_start3A_77] : memref<77x4096x512xf32, #tpu.memory_space<hbm>> -> memref<1x8x512xf32, #tpu.memory_space<hbm>>
        %dma_start3A_79 = tpu.memref_squeeze %dma_start3A_78 : memref<1x8x512xf32, #tpu.memory_space<hbm>> -> memref<8x512xf32, #tpu.memory_space<hbm>>
        %dma_start3A_80 = arith.constant 0 : i32
        %dma_start3A_81 = arith.constant 1024 : i32
        %dma_start3A_82 = tpu.memref_slice %arg9[%dma_start3A_80, %dma_start3A_81] : memref<8x2048xf32, #tpu.memory_space<vmem>> -> memref<8x512xf32, #tpu.memory_space<vmem>>
        tpu.enqueue_dma source(%dma_start3A_82 : memref<8x512xf32, #tpu.memory_space<vmem>>) target(%dma_start3A_79 : memref<8x512xf32, #tpu.memory_space<hbm>>) target_semaphore(%run_scoped3A_70 : memref<!tpu.dma_semaphore, #tpu.memory_space<semaphore_mem>>)
        %dma_wait3A_83 = arith.constant 0 : i32
        %dma_wait3A_84 = arith.constant 1024 : i32
        %dma_wait3A_85 = tpu.memref_slice %arg9[%dma_wait3A_83, %dma_wait3A_84] : memref<8x2048xf32, #tpu.memory_space<vmem>> -> memref<8x512xf32, #tpu.memory_space<vmem>>
        %dma_wait3A_86 = arith.constant 0 : i32
        %dma_wait3A_87 = tpu.memref_slice %arg5[%run_scoped3A_68, %add3A_50, %dma_wait3A_86] : memref<77x4096x512xf32, #tpu.memory_space<hbm>> -> memref<1x8x512xf32, #tpu.memory_space<hbm>>
        %dma_wait3A_88 = tpu.memref_squeeze %dma_wait3A_87 : memref<1x8x512xf32, #tpu.memory_space<hbm>> -> memref<8x512xf32, #tpu.memory_space<hbm>>
        %dma_wait3A_89 = arith.constant 0 : i32
        %dma_wait3A_90 = tpu.memref_slice %arg5[%run_scoped3A_68, %add3A_50, %dma_wait3A_89] : memref<77x4096x512xf32, #tpu.memory_space<hbm>> -> memref<1x8x512xf32, #tpu.memory_space<hbm>>
        %dma_wait3A_91 = tpu.memref_squeeze %dma_wait3A_90 : memref<1x8x512xf32, #tpu.memory_space<hbm>> -> memref<8x512xf32, #tpu.memory_space<hbm>>
        %dma_wait3A_92 = arith.constant 0 : i32
        %dma_wait3A_93 = arith.constant 1024 : i32
        %dma_wait3A_94 = tpu.memref_slice %arg9[%dma_wait3A_92, %dma_wait3A_93] : memref<8x2048xf32, #tpu.memory_space<vmem>> -> memref<8x512xf32, #tpu.memory_space<vmem>>
        tpu.wait_dma2 semaphore(%run_scoped3A_70 : memref<!tpu.dma_semaphore, #tpu.memory_space<semaphore_mem>>) src(%dma_wait3A_94 : memref<8x512xf32, #tpu.memory_space<vmem>>) dst(%dma_wait3A_91 : memref<8x512xf32, #tpu.memory_space<hbm>>)
        tpu.yield
      }) : () -> ()
      %run_scoped3A_69 = arith.constant 8 : i32
      "tpu.region"() ({
        %run_scoped3A_70 = tpu.sem_alloc : memref<!tpu.dma_semaphore, #tpu.memory_space<semaphore_mem>>
        %dma_start3A_71 = arith.constant 0 : i32
        %dma_start3A_72 = arith.constant 1536 : i32
        %dma_start3A_73 = tpu.memref_slice %arg9[%dma_start3A_71, %dma_start3A_72] : memref<8x2048xf32, #tpu.memory_space<vmem>> -> memref<8x512xf32, #tpu.memory_space<vmem>>
        %dma_start3A_74 = arith.constant 0 : i32
        %dma_start3A_75 = tpu.memref_slice %arg5[%run_scoped3A_69, %add3A_50, %dma_start3A_74] : memref<77x4096x512xf32, #tpu.memory_space<hbm>> -> memref<1x8x512xf32, #tpu.memory_space<hbm>>
        %dma_start3A_76 = tpu.memref_squeeze %dma_start3A_75 : memref<1x8x512xf32, #tpu.memory_space<hbm>> -> memref<8x512xf32, #tpu.memory_space<hbm>>
        %dma_start3A_77 = arith.constant 0 : i32
        %dma_start3A_78 = tpu.memref_slice %arg5[%run_scoped3A_69, %add3A_50, %dma_start3A_77] : memref<77x4096x512xf32, #tpu.memory_space<hbm>> -> memref<1x8x512xf32, #tpu.memory_space<hbm>>
        %dma_start3A_79 = tpu.memref_squeeze %dma_start3A_78 : memref<1x8x512xf32, #tpu.memory_space<hbm>> -> memref<8x512xf32, #tpu.memory_space<hbm>>
        %dma_start3A_80 = arith.constant 0 : i32
        %dma_start3A_81 = arith.constant 1536 : i32
        %dma_start3A_82 = tpu.memref_slice %arg9[%dma_start3A_80, %dma_start3A_81] : memref<8x2048xf32, #tpu.memory_space<vmem>> -> memref<8x512xf32, #tpu.memory_space<vmem>>
        tpu.enqueue_dma source(%dma_start3A_82 : memref<8x512xf32, #tpu.memory_space<vmem>>) target(%dma_start3A_79 : memref<8x512xf32, #tpu.memory_space<hbm>>) target_semaphore(%run_scoped3A_70 : memref<!tpu.dma_semaphore, #tpu.memory_space<semaphore_mem>>)
        %dma_wait3A_83 = arith.constant 0 : i32
        %dma_wait3A_84 = arith.constant 1536 : i32
        %dma_wait3A_85 = tpu.memref_slice %arg9[%dma_wait3A_83, %dma_wait3A_84] : memref<8x2048xf32, #tpu.memory_space<vmem>> -> memref<8x512xf32, #tpu.memory_space<vmem>>
        %dma_wait3A_86 = arith.constant 0 : i32
        %dma_wait3A_87 = tpu.memref_slice %arg5[%run_scoped3A_69, %add3A_50, %dma_wait3A_86] : memref<77x4096x512xf32, #tpu.memory_space<hbm>> -> memref<1x8x512xf32, #tpu.memory_space<hbm>>
        %dma_wait3A_88 = tpu.memref_squeeze %dma_wait3A_87 : memref<1x8x512xf32, #tpu.memory_space<hbm>> -> memref<8x512xf32, #tpu.memory_space<hbm>>
        %dma_wait3A_89 = arith.constant 0 : i32
        %dma_wait3A_90 = tpu.memref_slice %arg5[%run_scoped3A_69, %add3A_50, %dma_wait3A_89] : memref<77x4096x512xf32, #tpu.memory_space<hbm>> -> memref<1x8x512xf32, #tpu.memory_space<hbm>>
        %dma_wait3A_91 = tpu.memref_squeeze %dma_wait3A_90 : memref<1x8x512xf32, #tpu.memory_space<hbm>> -> memref<8x512xf32, #tpu.memory_space<hbm>>
        %dma_wait3A_92 = arith.constant 0 : i32
        %dma_wait3A_93 = arith.constant 1536 : i32
        %dma_wait3A_94 = tpu.memref_slice %arg9[%dma_wait3A_92, %dma_wait3A_93] : memref<8x2048xf32, #tpu.memory_space<vmem>> -> memref<8x512xf32, #tpu.memory_space<vmem>>
        tpu.wait_dma2 semaphore(%run_scoped3A_70 : memref<!tpu.dma_semaphore, #tpu.memory_space<semaphore_mem>>) src(%dma_wait3A_94 : memref<8x512xf32, #tpu.memory_space<vmem>>) dst(%dma_wait3A_91 : memref<8x512xf32, #tpu.memory_space<hbm>>)
        tpu.yield
      }) : () -> ()
    }
    %scan3A_46 = arith.constant 16 : i32
    return
  }
}

</mosaic_0001>

<sc_bundles>
// kernel: kernel.3.cloned.1.call-start
scs
__scs_entry_jumppad:
0x0: {  	(pc) =	sbr.rel $0x88, $3  }
0x1: {  	(tag) =	ssettag $0x0;
	lr =	simm.s32 $0x1  }
0x2: {  	[smem:$0x3F9D] =	sst lr;
	_ =	strace $0xD0000000  }
0x3: {  	_ = 	snop  }
0x4: {  	_ = 	snop  }
0x5: {  	_ = 	snop  }
0x6: {  	_ = 	snop  }
0x7: {  	_ = 	snop  }
__scs_overlays_trampoline_lowered:
0x8: {  	[smem:$0x3FAC] =	sst s0  }
0x9: {  	[smem:$0x3FAD] =	sst s1  }
0xa: {  	[smem:$0x3FAE] =	sst s2  }
0xb: {  	[smem:$0x3FAF] =	sst s3  }
0xc: {  	[smem:$0x3FB0] =	sst s4  }
0xd: {  	[smem:$0x3FB1] =	sst s5  }
0xe: {  	[smem:$0x3FB2] =	sst s6  }
0xf: {  	[smem:$0x3FB3] =	sst s7  }
0x10: {  	[smem:$0x3FB4] =	sst s8  }
0x11: {  	[smem:$0x3FB5] =	sst s9;
	s0 =	simm.s32 @!p0 $0x0  }
0x12: {  	s1 =	sld [smem:$0x3F9B];
	s0 =	simm.s32 @p0 $0x1  }
0x13: {  	[smem:$0x3FB6] =	sst s0;
	s0 =	simm.s32 @!p1 $0x0  }
0x14: {  	s2 =	sld [smem:$0x3F9A];
	s0 =	simm.s32 @p1 $0x1  }
0x15: {  	[smem:$0x3FB7] =	sst s0;
	s0 =	simm.s32 @!p2 $0x0  }
0x16: {  	s3 =	sld [smem:$0x3FDB];
	s0 =	simm.s32 @p2 $0x1  }
0x17: {  	s4 =	simm.s32 $0x1BF5;
	[smem:$0x3FB9] =	sst s0  }
0x18: {  	s0 =	sld [smem:$0x3F9C];
	_ =	swait.ge [sflag:s4], $0x0  }
0x19: {  	s7 =	sld [smem:$0x3F9D]  }
0x1a: {  	s8 =	sadd.s32 $0xFFFFE003, lr  }
0x1b: {  	s9 =	sadd.s32 $0xFFFFFEF7, lr;
	s5 =	simm.s32 $0xFFFFFFFF;
	p2 =	slt.u32 s8, $0xFFFFF086  }
0x1c: {  	p1 =	slt.u32 s9, $0xF7A;
	s5 =	simm.s32 @!p2 $0x0  }
0x1d: {  	s5 =	simm.s32 @p1 $0x1;
	p0 =	seq.s32 s7, s2  }
0x1e: {  	s7 =	smul.u32 @!p0 $0xF7A, s2;
	p2 =	seq.s32 @!p0 s5, $0x0  }
0x1f: {  	s9 =	smul.u32 $0xF7A, s1;
	s8 =	simm.s32 @!p0 $0x1BF5;
	p2 =	por !p2, p0  }
0x20: {  	[sflag:s8] =	ssyncset.s32 @!p0 $0xFFFFF086;
	s6 =	sadd.s32 @!p0 s3, s7;
	s7 =	simm.s32 @!p0 $0x108  }
0x21: {  	s3 =	sadd.s32 s3, s9;
	s6 =	sadd.s32 @!p0 $0x88, s6;
	s7 =	simm.s32 @p2 $0x1082  }
0x22: {  	[simem:s7], [sflag:s8] =	dma.local @!p0 [hbm:s6], $0xF7A  }
0x23: {  	s9 =	sor.u32 $0xD0000000, s2;
	s6 =	simm.s32 $0x108;
	_ =	swait.ge @!p0 [sflag:s8], $0x0  }
0x24: {  	s3 =	sadd.s32 $0x88, s3;
	s6 =	simm.s32 @!p1 $0x1082;
	[sflag:s4] =	ssyncset.s32 $0xFFFFF086  }
0x25: {  	[simem:s6], [sflag:s4] =	dma.local [hbm:s3], $0xF7A  }
0x26: {  	[smem:$0x3F9D] =	sst s1;
	(tag) =	ssettag s2;
	_ =	strace s9  }
0x27: {  	s1 =	sld [smem:$0x3FAD]  }
0x28: {  	s2 =	sld [smem:$0x3FAE]  }
0x29: {  	s4 =	sld [smem:$0x3FB0]  }
0x2a: {  	p0 =	seq.s32 s5, $0x0;
	s5 =	sld [smem:$0x3FB1]  }
0x2b: {  	s6 =	sld [smem:$0x3FB2]  }
0x2c: {  	s7 =	sld [smem:$0x3FB3]  }
0x2d: {  	s3 =	simm.s32 $0x108;
	s8 =	sld [smem:$0x3FB4]  }
0x2e: {  	s3 =	simm.s32 @!p0 $0x1082;
	s9 =	sld [smem:$0x3FB5]  }
0x2f: {  	lr =	sadd.s32 s0, s3;
	s0 =	sld [smem:$0x3FAC]  }
0x30: {  	s3 =	sld [smem:$0x3FAF]  }
0x31: {  	[smem:$0x3FB8] =	sst s10  }
0x32: {  	s10 =	sld [smem:$0x3FB6];
	_ =	sdelay $0x3  }
0x33: {  	p0 =	seq.s32 s10, $0x1;
	s10 =	sld [smem:$0x3FB8];
	_ =	sdelay $0x3  }
0x34: {  	[smem:$0x3FB8] =	sst s10  }
0x35: {  	s10 =	sld [smem:$0x3FB7];
	_ =	sdelay $0x3  }
0x36: {  	p1 =	seq.s32 s10, $0x1;
	s10 =	sld [smem:$0x3FB8];
	_ =	sdelay $0x3  }
0x37: {  	[smem:$0x3FB8] =	sst s10  }
0x38: {  	s10 =	sld [smem:$0x3FB9]  }
0x39: {  	_ = 	snop;
	(pc) =	sbr.ind lr, $3  }
0x3a: {  	_ = 	snop  }
0x3b: {  	_ = 	snop  }
0x3c: {  	p2 =	seq.s32 s10, $0x1;
	s10 =	sld [smem:$0x3FB8]  }
0x3d: {  	_ =	shalt  }
0x3e: {  	_ =	shalt  }
0x3f: {  	_ =	shalt  }
0x40: {  	_ =	shalt  }
0x41: {  	_ =	shalt  }
0x42: {  	_ =	shalt  }
0x43: {  	_ =	shalt  }
0x44: {  	_ =	shalt  }
0x45: {  	_ =	shalt  }
0x46: {  	_ =	shalt  }
0x47: {  	_ =	shalt  }
0x48: {  	_ =	shalt  }
0x49: {  	_ =	shalt  }
0x4a: {  	_ =	shalt  }
0x4b: {  	_ =	shalt  }
0x4c: {  	_ =	shalt  }
0x4d: {  	_ =	shalt  }
0x4e: {  	_ =	shalt  }
0x4f: {  	_ =	shalt  }
0x50: {  	_ =	shalt  }
0x51: {  	_ =	shalt  }
0x52: {  	_ =	shalt  }
0x53: {  	_ =	shalt  }
0x54: {  	_ =	shalt  }
0x55: {  	_ =	shalt  }
0x56: {  	_ =	shalt  }
0x57: {  	_ =	shalt  }
0x58: {  	_ =	shalt  }
0x59: {  	_ =	shalt  }
0x5a: {  	_ =	shalt  }
0x5b: {  	_ =	shalt  }
0x5c: {  	_ =	shalt  }
0x5d: {  	_ =	shalt  }
0x5e: {  	_ =	shalt  }
0x5f: {  	_ =	shalt  }
0x60: {  	_ =	shalt  }
0x61: {  	_ =	shalt  }
0x62: {  	_ =	shalt  }
0x63: {  	_ =	shalt  }
0x64: {  	_ =	shalt  }
0x65: {  	_ =	shalt  }
0x66: {  	_ =	shalt  }
0x67: {  	_ =	shalt  }
0x68: {  	_ =	shalt  }
0x69: {  	_ =	shalt  }
0x6a: {  	_ =	shalt  }
0x6b: {  	_ =	shalt  }
0x6c: {  	_ =	shalt  }
0x6d: {  	_ =	shalt  }
0x6e: {  	_ =	shalt  }
0x6f: {  	_ =	shalt  }
0x70: {  	_ =	shalt  }
0x71: {  	_ =	shalt  }
0x72: {  	_ =	shalt  }
0x73: {  	_ =	shalt  }
0x74: {  	_ =	shalt  }
0x75: {  	_ =	shalt  }
0x76: {  	_ =	shalt  }
0x77: {  	_ =	shalt  }
0x78: {  	_ =	shalt  }
0x79: {  	_ =	shalt  }
0x7a: {  	_ =	shalt  }
0x7b: {  	_ =	shalt  }
0x7c: {  	_ =	shalt  }
0x7d: {  	_ =	shalt  }
0x7e: {  	_ =	shalt  }
0x7f: {  	_ =	shalt  }
0x80: {  	_ =	shalt  }
0x81: {  	_ =	shalt  }
0x82: {  	_ =	shalt  }
0x83: {  	_ =	shalt  }
0x84: {  	_ =	shalt  }
0x85: {  	_ =	shalt  }
0x86: {  	_ =	shalt  }
0x87: {  	_ =	shalt  }
.Lfunc_end0:
.L_simem_size_0:
called_computation_lowered:
.L_overlay_start_0:
0x88: {  	s2 =	sld [smem:$0x3FD9]  }
0x89: {  	s3 =	sld [smem:$0x3FFE];
	_ =	sdelay $0x1  }
0x8a: {  	s1 =	srdreg.scid  }
0x8b: {  	s0 =	sand.u32 $0x1, s1  }
0x8c: {  	s14 =	sshll.u32 s0, $0xA;
	s2 =	sadd.s32 s3, s2  }
0x8d: {  	s2 =	sadd.s32 s2, s14  }
0x8e: {  	[smem:$0x3FC4] =	sst s2  }
0x8f: {  	_ = 	snop  }
0x90: {  	s2 =	sld [smem:$0x3FD0];
	_ =	sdelay $0x1  }
0x91: {  	s15 =	sld [smem:$0x3FC9]  }
0x92: {  	s5 =	simm.s32 $0xA;
	s6 =	simm.s32 $0x10;
	s4 =	sld [smem:$0x3FC8]  }
0x93: {  	[smem:s6], [sflag:s5] =	dma.local [hbm:s2], $0x1  }
0x94: {  	_ =	swait.eq [sflag:s5], $0x1  }
0x95: {  	[sflag:s5] =	ssyncset.done $0x0  }
0x96: {  	s16 =	sld [smem:$0x10];
	[sflag:s5] =	ssyncadd.s32 $0xFFFFFFFF  }
0x97: {  	s17 =	sld [smem:$0x11];
	(tm) =	ssettm $0x1  }
0x98: {  	s18 =	sld [smem:$0x3FFB];
	_ =	sdelay $0x3  }
0x99: {  	_ =	strace s18  }
0x9a: {  	s6 =	sld [smem:$0x3FFC];
	_ =	sdelay $0x3  }
0x9b: {  	_ =	strace s6  }
0x9c: {  	s6 =	sld [smem:$0x3FFD];
	_ =	sdelay $0x3  }
0x9d: {  	_ =	strace s6  }
0x9e: {  	_ =	strace $0x8FFFFFFF  }
0x9f: {  	s19 =	sld [smem:$0x3FDB];
	_ =	sdelay $0x1  }
0xa0: {  	s7 =	simm.s32 $_scs_section_size  }
0xa1: {  	s8 =	simm.s32 $_size__tile_overlayer_lowered;
	s9 =	simm.s32 $_tile_overlayer_lowered  }
0xa2: {  	s22 =	simm.s32 $0x1BFF;
	s21 =	sshll.u32 s9, $0x1;
	s6 =	sadd.s32 s7, s19  }
0xa3: {  	s10 =	simm.s32 $0x0;
	s20 =	sshll.u32 s8, $0x1;
	s8 =	sadd.s32 s21, s6  }
0xa4: {  	[timem:s10], [sflag:s22] =	dma.local [hbm:s8], s20  }
0xa5: {  	_ =	swait.ge [sflag:s22], s20  }
0xa6: {  	s7 =	ssub.s32 $0x0, s20;
	[sflag:s22] =	ssyncset.done $0x0  }
0xa7: {  	[sflag:s22] =	ssyncadd.s32 s7;
	_ =	sdelay $0x1  }
0xa8: {  	s23 =	simm.s32 $0x1B8B  }
0xa9: {  	_ =	swait.ge [sflag:s23], $0x1  }
0xaa: {  	[sflag:s23] =	ssyncset.done $0x0  }
0xab: {  	s25 =	simm.s32 $0x1B8E;
	s24 =	sld [smem:$0x3FFE];
	[sflag:s23] =	ssyncadd.s32 $0xFFFFFFFF  }
0xac: {  	s26 =	simm.s32 $execute0_lowered;
	[smem:$0x3FD2] =	sst s25  }
0xad: {  	s8 =	sshll.u32 s26, $0x1;
	_ =	strace $0x80000046;
	[dreg:$0x1] =	wrdreg $0xFFFFFFFF  }
0xae: {  	s28 =	simm.s32 $_size_execute0_lowered;
	s6 =	sadd.s32 s6, s8;
	[dreg:$0x0] =	wrdreg $0x0  }
0xaf: {  	s8 =	sshll.u32 s28, $0x1;
	[dreg:$0x2] =	wrdreg s6  }
0xb0: {  	[dreg:$0x3] =	wrdreg s8  }
0xb1: {  	[dreg:$0x4] =	wrdreg $0xC0  }
0xb2: {  	_ =	task [dreg:s10], $0x5FFFF  }
0xb3: {  	[dreg:$0x1] =	wrdreg $0xFFFFFFFF  }
0xb4: {  	[dreg:$0x0] =	wrdreg $0x60  }
0xb5: {  	[dreg:$0x2] =	wrdreg s15  }
0xb6: {  	[dreg:$0x3] =	wrdreg s4  }
0xb7: {  	[dreg:$0x4] =	wrdreg s24  }
0xb8: {  	[dreg:$0x5] =	wrdreg s16  }
0xb9: {  	[dreg:$0x6] =	wrdreg s17  }
0xba: {  	[dreg:$0x7] =	wrdreg $0x9  }
0xbb: {  	_ =	task.clear_ibuf [dreg:s10], $0x8FFFF;
	_ =	strace $0x90000046  }
0xbc: {  	s29 =	simm.s32 $0x9;
	_ =	strace $0x80000048  }
0xbd: {  	_ =	swait.ge [sflag:s29], $0x1  }
0xbe: {  	[sflag:s29] =	ssyncadd.s32 $0xFFFFFFFF  }
0xbf: {  	_ =	strace $0x90000048  }
0xc0: {  	_ =	sfence  }
0xc1: {  	s30 =	sld [smem:$0x0];
	_ =	sdelay $0x2  }
0xc2: {  	s31 =	sshll.u32 s1, $0xD;
	s1 =	sshrl.u32 s1, $0x2  }
0xc3: {  	s3 =	sand.u32 $0x4000, s31;
	s1 =	sadd.s32 s1, s30  }
0xc4: {  	s0 =	sor.u32 s3, s0;
	s1 =	sshll.u32 s1, $0x11  }
0xc5: {  	s0 =	sor.u32 s1, s0  }
0xc6: {  	s0 =	sadd.s32 $0x8F2B, s0  }
0xc7: {  	[sflag:s0] =	ssyncadd.remote.s32 $0x1  }
0xc8: {  	_ =	sfence.sel $0xFFFF  }
0xc9: {  	[dreg:$0x0] =	wrdreg $0xFFFFFFFF;
	(pc) =	sbr.abs _section_cstart, $3  }
0xca: {  	[dreg:$0x1] =	wrdreg $0xFFFFFFFF  }
0xcb: {  	_ =	task.clear_ibuf [dreg:s10], $0x2FFFF;
	_ =	strace $0x9FFFFFFF  }
0xcc: {  	(tm) =	ssettm $0x7FFFFFFF  }
0xcd: {  	_ =	shalt  }
tec
execute0_lowered:
.L_overlay_start_1:
0x0: {  	(tag) =	ssettag $0x1  }
0x1: {  	s0 =	rddreg [dreg:$0x0]  }
0x2: {  	s1 =	rddreg [dreg:$0x1]  }
0x3: {  	s3 =	rddreg [dreg:$0x2]  }
0x4: {  	s2 =	rddreg [dreg:$0x3]  }
0x5: {  	s4 =	rddreg [dreg:$0x4];
	s5 =	simm.s32 $0x0;
	s6 =	srdreg.scid  }
0x6: {  	s14 =	stileid.u32;
	s15 =	simm.s32 $0x4;
	s28 =	simm.s32 $0x7080  }
0x7: {  	s29 =	simm.s32 $0x0;
	[smem:$0x7FF] =	sst s5;
	s6 =	sand.u32 $0x1, s6  }
0x8: {  	s7 =	sshll.u32 s14, $0x1;
	s3 =	sadd.s32 $0x800, s3;
	s14 =	sshll.u32 s14, $0x13  }
0x9: {  	_ =	strace $0x80000047;
	s8 =	sor.u32 s6, s7;
	s20 =	ssub.s32 $0x2, s6  }
0xa: {  	[dreg:$0x6] =	wrdreg s3;
	s31 =	sadd.s32 s14, s2;
	s6 =	sshll.u32 s6, $0x12  }
0xb: {  	p0 =	sgt.u32 s8, $0x4;
	s21 =	sshrl.u32 s20, $0x1;
	s9 =	sshll.u32 s8, $0x4  }
0xc: {  	s7 =	sshll.u32 s8, $0x7;
	s24 =	sadd.s32 $0x24, s8;
	s30 =	sadd.s32 $0x44, s8  }
0xd: {  	s15 =	simm.s32 @!p0 $0x0;
	s3 =	ssub.s32 s20, s21;
	s0 =	sadd.s32 s0, s9  }
0xe: {  	s11 =	sshll.u32 s24, $0x9;
	s13 =	sshll.u32 s30, $0x9;
	p0 =	sgt.u32 s8, $0x8  }
0xf: {  	s20 =	simm.s32 $0x2;
	s21 =	simm.s32 $0x8080;
	s10 =	sadd.s32 s8, s15  }
0x10: {  	[dreg:$0x7] =	wrdreg s0;
	s25 =	sand.u32 $0xF000, s11;
	s13 =	sand.u32 $0xB000, s13  }
0x11: {  	s16 =	sshll.u32 s15, $0x12;
	s15 =	sadd.s32 $0x200000, s2;
	s3 =	smax.u32 s3, $0x1  }
0x12: {  	s22 =	sshll.u32 s10, $0x9;
	s23 =	sshll.u32 s10, $0x7;
	s10 =	sshll.u32 s24, $0x7  }
0x13: {  	[dreg:$0x8] =	wrdreg s3;
	s24 =	simm.s32 $0x4080;
	s0 =	sand.u32 $0x7000, s22  }
0x14: {  	s9 =	sand.u32 $0x380, s23;
	s26 =	sand.u32 $0x380, s10;
	s22 =	simm.s32 $0x80  }
0x15: {  	s23 =	simm.s32 $0x1;
	s9 =	sor.u32 s9, s0;
	s0 =	sshll.u32 s30, $0x7  }
0x16: {  	s11 =	sor.u32 s26, s25;
	s25 =	simm.s32 $0x5080;
	s0 =	sand.u32 $0x380, s0  }
0x17: {  	s26 =	simm.s32 $0x6080;
	s10 =	sadd.s32 $0x8080, s9;
	s13 =	sor.u32 s0, s13  }
0x18: {  	s12 =	sadd.s32 $0x8080, s11;
	s0 =	sadd.s32 s6, s31;
	s14 =	sadd.s32 $0x8080, s13  }
0x19: {  	vm0 =	vmmov $0xff;
	v0 =	vlaneseq.u32;
	s17 =	sadd.s32 s16, s0;
	s18 =	sadd.s32 $0x900000, s0;
	s19 =	sadd.s32 $0x1100000, s0  }
.LBB2_1:
0x1a: {  	s0 =	rddreg [dreg:$0x7]  }
0x1b: {  	[tilespmem:s5], [sflag:$0x2] =	stream.linear.gather [hbm4b:s0+s5], $0x80, $0x38;
	[tilespmem:$0x18880] =	vst v63  }
0x1c: {  	_ =	swait.ge [sflag:s20], $0x80  }
0x1d: {  	[sflag:s20] =	ssyncset.done $0x0  }
0x1e: {  	s30 =	rddreg [dreg:$0x6];
	[sflag:s20] =	ssyncadd.s32 $0xFFFFFF80  }
0x1f: {  	[tilespmem:s21], [sflag:$0x2] =	stream.linear.gather [hbm4b:s30+s5], $0xA000, $0x38;
	[tilespmem:$0x18880] =	vst v63  }
0x20: {  	_ =	swait.ge [sflag:s20], $0xA000  }
0x21: {  	[sflag:s20] =	ssyncset.done $0x0  }
0x22: {  	[sflag:s20] =	ssyncadd.s32 $0xFFFF6000  }
0x23: {  	v1 =	vld [tilespmem:s9+$0x8080];
	_ =	sdelay $0x4  }
0x24: {  	[tilespmem:$0x18080] =	vst v1  }
0x25: {  	v1 =	vld [tilespmem:s10+$0x10];
	_ =	sdelay $0x4  }
0x26: {  	[tilespmem:$0x18090] =	vst v1  }
0x27: {  	v1 =	vld [tilespmem:s10+$0x20];
	_ =	sdelay $0x4  }
0x28: {  	[tilespmem:$0x180A0] =	vst v1  }
0x29: {  	v1 =	vld [tilespmem:s10+$0x30];
	_ =	sdelay $0x4  }
0x2a: {  	[tilespmem:$0x180B0] =	vst v1  }
0x2b: {  	v1 =	vld [tilespmem:s10+$0x40];
	_ =	sdelay $0x4  }
0x2c: {  	[tilespmem:$0x180C0] =	vst v1  }
0x2d: {  	v1 =	vld [tilespmem:s10+$0x50];
	_ =	sdelay $0x4  }
0x2e: {  	[tilespmem:$0x180D0] =	vst v1  }
0x2f: {  	v1 =	vld [tilespmem:s10+$0x60];
	_ =	sdelay $0x4  }
0x30: {  	[tilespmem:$0x180E0] =	vst v1  }
0x31: {  	v1 =	vld [tilespmem:s10+$0x70];
	_ =	sdelay $0x4  }
0x32: {  	[tilespmem:$0x180F0] =	vst v1  }
0x33: {  	v1 =	vld [tilespmem:s10+$0x400];
	_ =	sdelay $0x4  }
0x34: {  	[tilespmem:$0x18280] =	vst v1  }
0x35: {  	v1 =	vld [tilespmem:s10+$0x410];
	_ =	sdelay $0x4  }
0x36: {  	[tilespmem:$0x18290] =	vst v1  }
0x37: {  	v1 =	vld [tilespmem:s10+$0x420];
	_ =	sdelay $0x4  }
0x38: {  	[tilespmem:$0x182A0] =	vst v1  }
0x39: {  	v1 =	vld [tilespmem:s10+$0x430];
	_ =	sdelay $0x4  }
0x3a: {  	[tilespmem:$0x182B0] =	vst v1  }
0x3b: {  	v1 =	vld [tilespmem:s10+$0x440];
	_ =	sdelay $0x4  }
0x3c: {  	[tilespmem:$0x182C0] =	vst v1  }
0x3d: {  	v1 =	vld [tilespmem:s10+$0x450];
	_ =	sdelay $0x4  }
0x3e: {  	[tilespmem:$0x182D0] =	vst v1  }
0x3f: {  	v1 =	vld [tilespmem:s10+$0x460];
	_ =	sdelay $0x4  }
0x40: {  	[tilespmem:$0x182E0] =	vst v1  }
0x41: {  	v1 =	vld [tilespmem:s10+$0x470];
	_ =	sdelay $0x4  }
0x42: {  	[tilespmem:$0x182F0] =	vst v1  }
0x43: {  	v1 =	vld [tilespmem:s10+$0x800];
	_ =	sdelay $0x4  }
0x44: {  	[tilespmem:$0x18480] =	vst v1  }
0x45: {  	v1 =	vld [tilespmem:s10+$0x810];
	_ =	sdelay $0x4  }
0x46: {  	[tilespmem:$0x18490] =	vst v1  }
0x47: {  	v1 =	vld [tilespmem:s10+$0x820];
	_ =	sdelay $0x4  }
0x48: {  	[tilespmem:$0x184A0] =	vst v1  }
0x49: {  	v1 =	vld [tilespmem:s10+$0x830];
	_ =	sdelay $0x4  }
0x4a: {  	[tilespmem:$0x184B0] =	vst v1  }
0x4b: {  	v1 =	vld [tilespmem:s10+$0x840];
	_ =	sdelay $0x4  }
0x4c: {  	[tilespmem:$0x184C0] =	vst v1  }
0x4d: {  	v1 =	vld [tilespmem:s10+$0x850];
	_ =	sdelay $0x4  }
0x4e: {  	[tilespmem:$0x184D0] =	vst v1  }
0x4f: {  	v1 =	vld [tilespmem:s10+$0x860];
	_ =	sdelay $0x4  }
0x50: {  	[tilespmem:$0x184E0] =	vst v1  }
0x51: {  	v1 =	vld [tilespmem:s10+$0x870];
	_ =	sdelay $0x4  }
0x52: {  	[tilespmem:$0x184F0] =	vst v1  }
0x53: {  	v1 =	vld [tilespmem:s10+$0xC00];
	_ =	sdelay $0x4  }
0x54: {  	[tilespmem:$0x18680] =	vst v1  }
0x55: {  	v1 =	vld [tilespmem:s10+$0xC10];
	_ =	sdelay $0x4  }
0x56: {  	[tilespmem:$0x18690] =	vst v1  }
0x57: {  	v1 =	vld [tilespmem:s10+$0xC20];
	_ =	sdelay $0x4  }
0x58: {  	[tilespmem:$0x186A0] =	vst v1  }
0x59: {  	v1 =	vld [tilespmem:s10+$0xC30];
	_ =	sdelay $0x4  }
0x5a: {  	[tilespmem:$0x186B0] =	vst v1  }
0x5b: {  	v1 =	vld [tilespmem:s10+$0xC40];
	_ =	sdelay $0x4  }
0x5c: {  	[tilespmem:$0x186C0] =	vst v1  }
0x5d: {  	v1 =	vld [tilespmem:s10+$0xC50];
	_ =	sdelay $0x4  }
0x5e: {  	[tilespmem:$0x186D0] =	vst v1  }
0x5f: {  	v1 =	vld [tilespmem:s10+$0xC60];
	_ =	sdelay $0x4  }
0x60: {  	[tilespmem:$0x186E0] =	vst v1  }
0x61: {  	v1 =	vld [tilespmem:s10+$0xC70];
	_ =	sdelay $0x4  }
0x62: {  	[tilespmem:$0x186F0] =	vst v1  }
0x63: {  	v1 =	vld [tilespmem:s11+$0x8080];
	_ =	sdelay $0x4  }
0x64: {  	[tilespmem:$0x18100] =	vst v1  }
0x65: {  	v1 =	vld [tilespmem:s12+$0x10];
	_ =	sdelay $0x4  }
0x66: {  	[tilespmem:$0x18110] =	vst v1  }
0x67: {  	v1 =	vld [tilespmem:s12+$0x20];
	_ =	sdelay $0x4  }
0x68: {  	[tilespmem:$0x18120] =	vst v1  }
0x69: {  	v1 =	vld [tilespmem:s12+$0x30];
	_ =	sdelay $0x4  }
0x6a: {  	[tilespmem:$0x18130] =	vst v1  }
0x6b: {  	v1 =	vld [tilespmem:s12+$0x40];
	_ =	sdelay $0x4  }
0x6c: {  	[tilespmem:$0x18140] =	vst v1  }
0x6d: {  	v1 =	vld [tilespmem:s12+$0x50];
	_ =	sdelay $0x4  }
0x6e: {  	[tilespmem:$0x18150] =	vst v1  }
0x6f: {  	v1 =	vld [tilespmem:s12+$0x60];
	_ =	sdelay $0x4  }
0x70: {  	[tilespmem:$0x18160] =	vst v1  }
0x71: {  	v1 =	vld [tilespmem:s12+$0x70];
	_ =	sdelay $0x4  }
0x72: {  	[tilespmem:$0x18170] =	vst v1  }
0x73: {  	v1 =	vld [tilespmem:s12+$0x400];
	_ =	sdelay $0x4  }
0x74: {  	[tilespmem:$0x18300] =	vst v1  }
0x75: {  	v1 =	vld [tilespmem:s12+$0x410];
	_ =	sdelay $0x4  }
0x76: {  	[tilespmem:$0x18310] =	vst v1  }
0x77: {  	v1 =	vld [tilespmem:s12+$0x420];
	_ =	sdelay $0x4  }
0x78: {  	[tilespmem:$0x18320] =	vst v1  }
0x79: {  	v1 =	vld [tilespmem:s12+$0x430];
	_ =	sdelay $0x4  }
0x7a: {  	[tilespmem:$0x18330] =	vst v1  }
0x7b: {  	v1 =	vld [tilespmem:s12+$0x440];
	_ =	sdelay $0x4  }
0x7c: {  	[tilespmem:$0x18340] =	vst v1  }
0x7d: {  	v1 =	vld [tilespmem:s12+$0x450];
	_ =	sdelay $0x4  }
0x7e: {  	[tilespmem:$0x18350] =	vst v1  }
0x7f: {  	v1 =	vld [tilespmem:s12+$0x460];
	_ =	sdelay $0x4  }
0x80: {  	[tilespmem:$0x18360] =	vst v1  }
0x81: {  	v1 =	vld [tilespmem:s12+$0x470];
	_ =	sdelay $0x4  }
0x82: {  	[tilespmem:$0x18370] =	vst v1  }
0x83: {  	v1 =	vld [tilespmem:s12+$0x800];
	_ =	sdelay $0x4  }
0x84: {  	[tilespmem:$0x18500] =	vst v1  }
0x85: {  	v1 =	vld [tilespmem:s12+$0x810];
	_ =	sdelay $0x4  }
0x86: {  	[tilespmem:$0x18510] =	vst v1  }
0x87: {  	v1 =	vld [tilespmem:s12+$0x820];
	_ =	sdelay $0x4  }
0x88: {  	[tilespmem:$0x18520] =	vst v1  }
0x89: {  	v1 =	vld [tilespmem:s12+$0x830];
	_ =	sdelay $0x4  }
0x8a: {  	[tilespmem:$0x18530] =	vst v1  }
0x8b: {  	v1 =	vld [tilespmem:s12+$0x840];
	_ =	sdelay $0x4  }
0x8c: {  	[tilespmem:$0x18540] =	vst v1  }
0x8d: {  	v1 =	vld [tilespmem:s12+$0x850];
	_ =	sdelay $0x4  }
0x8e: {  	[tilespmem:$0x18550] =	vst v1  }
0x8f: {  	v1 =	vld [tilespmem:s12+$0x860];
	_ =	sdelay $0x4  }
0x90: {  	[tilespmem:$0x18560] =	vst v1  }
0x91: {  	v1 =	vld [tilespmem:s12+$0x870];
	_ =	sdelay $0x4  }
0x92: {  	[tilespmem:$0x18570] =	vst v1  }
0x93: {  	v1 =	vld [tilespmem:s12+$0xC00];
	_ =	sdelay $0x4  }
0x94: {  	[tilespmem:$0x18700] =	vst v1  }
0x95: {  	v1 =	vld [tilespmem:s12+$0xC10];
	_ =	sdelay $0x4  }
0x96: {  	[tilespmem:$0x18710] =	vst v1  }
0x97: {  	v1 =	vld [tilespmem:s12+$0xC20];
	_ =	sdelay $0x4  }
0x98: {  	[tilespmem:$0x18720] =	vst v1  }
0x99: {  	v1 =	vld [tilespmem:s12+$0xC30];
	_ =	sdelay $0x4  }
0x9a: {  	[tilespmem:$0x18730] =	vst v1  }
0x9b: {  	v1 =	vld [tilespmem:s12+$0xC40];
	_ =	sdelay $0x4  }
0x9c: {  	[tilespmem:$0x18740] =	vst v1  }
0x9d: {  	v1 =	vld [tilespmem:s12+$0xC50];
	_ =	sdelay $0x4  }
0x9e: {  	[tilespmem:$0x18750] =	vst v1  }
0x9f: {  	v1 =	vld [tilespmem:s12+$0xC60];
	_ =	sdelay $0x4  }
0xa0: {  	[tilespmem:$0x18760] =	vst v1  }
0xa1: {  	v1 =	vld [tilespmem:s12+$0xC70];
	_ =	sdelay $0x4  }
0xa2: {  	[tilespmem:$0x18770] =	vst v1  }
0xa3: {  	v1 =	vld @!p0 [tilespmem:s13+$0x8080];
	_ =	sdelay $0x4  }
0xa4: {  	[tilespmem:$0x18180] =	vst @!p0 v1  }
0xa5: {  	v1 =	vld @!p0 [tilespmem:s14+$0x10];
	_ =	sdelay $0x4  }
0xa6: {  	[tilespmem:$0x18190] =	vst @!p0 v1  }
0xa7: {  	v1 =	vld @!p0 [tilespmem:s14+$0x20];
	_ =	sdelay $0x4  }
0xa8: {  	[tilespmem:$0x181A0] =	vst @!p0 v1  }
0xa9: {  	v1 =	vld @!p0 [tilespmem:s14+$0x30];
	_ =	sdelay $0x4  }
0xaa: {  	[tilespmem:$0x181B0] =	vst @!p0 v1  }
0xab: {  	v1 =	vld @!p0 [tilespmem:s14+$0x40];
	_ =	sdelay $0x4  }
0xac: {  	[tilespmem:$0x181C0] =	vst @!p0 v1  }
0xad: {  	v1 =	vld @!p0 [tilespmem:s14+$0x50];
	_ =	sdelay $0x4  }
0xae: {  	[tilespmem:$0x181D0] =	vst @!p0 v1  }
0xaf: {  	v1 =	vld @!p0 [tilespmem:s14+$0x60];
	_ =	sdelay $0x4  }
0xb0: {  	[tilespmem:$0x181E0] =	vst @!p0 v1  }
0xb1: {  	v1 =	vld @!p0 [tilespmem:s14+$0x70];
	_ =	sdelay $0x4  }
0xb2: {  	[tilespmem:$0x181F0] =	vst @!p0 v1  }
0xb3: {  	v1 =	vld @!p0 [tilespmem:s14+$0x400];
	_ =	sdelay $0x4  }
0xb4: {  	[tilespmem:$0x18380] =	vst @!p0 v1  }
0xb5: {  	v1 =	vld @!p0 [tilespmem:s14+$0x410];
	_ =	sdelay $0x4  }
0xb6: {  	[tilespmem:$0x18390] =	vst @!p0 v1  }
0xb7: {  	v1 =	vld @!p0 [tilespmem:s14+$0x420];
	_ =	sdelay $0x4  }
0xb8: {  	[tilespmem:$0x183A0] =	vst @!p0 v1  }
0xb9: {  	v1 =	vld @!p0 [tilespmem:s14+$0x430];
	_ =	sdelay $0x4  }
0xba: {  	[tilespmem:$0x183B0] =	vst @!p0 v1  }
0xbb: {  	v1 =	vld @!p0 [tilespmem:s14+$0x440];
	_ =	sdelay $0x4  }
0xbc: {  	[tilespmem:$0x183C0] =	vst @!p0 v1  }
0xbd: {  	v1 =	vld @!p0 [tilespmem:s14+$0x450];
	_ =	sdelay $0x4  }
0xbe: {  	[tilespmem:$0x183D0] =	vst @!p0 v1  }
0xbf: {  	v1 =	vld @!p0 [tilespmem:s14+$0x460];
	_ =	sdelay $0x4  }
0xc0: {  	[tilespmem:$0x183E0] =	vst @!p0 v1  }
0xc1: {  	v1 =	vld @!p0 [tilespmem:s14+$0x470];
	_ =	sdelay $0x4  }
0xc2: {  	[tilespmem:$0x183F0] =	vst @!p0 v1  }
0xc3: {  	v1 =	vld @!p0 [tilespmem:s14+$0x800];
	_ =	sdelay $0x4  }
0xc4: {  	[tilespmem:$0x18580] =	vst @!p0 v1  }
0xc5: {  	v1 =	vld @!p0 [tilespmem:s14+$0x810];
	_ =	sdelay $0x4  }
0xc6: {  	[tilespmem:$0x18590] =	vst @!p0 v1  }
0xc7: {  	v1 =	vld @!p0 [tilespmem:s14+$0x820];
	_ =	sdelay $0x4  }
0xc8: {  	[tilespmem:$0x185A0] =	vst @!p0 v1  }
0xc9: {  	v1 =	vld @!p0 [tilespmem:s14+$0x830];
	_ =	sdelay $0x4  }
0xca: {  	[tilespmem:$0x185B0] =	vst @!p0 v1  }
0xcb: {  	v1 =	vld @!p0 [tilespmem:s14+$0x840];
	_ =	sdelay $0x4  }
0xcc: {  	[tilespmem:$0x185C0] =	vst @!p0 v1  }
0xcd: {  	v1 =	vld @!p0 [tilespmem:s14+$0x850];
	_ =	sdelay $0x4  }
0xce: {  	[tilespmem:$0x185D0] =	vst @!p0 v1  }
0xcf: {  	v1 =	vld @!p0 [tilespmem:s14+$0x860];
	_ =	sdelay $0x4  }
0xd0: {  	[tilespmem:$0x185E0] =	vst @!p0 v1  }
0xd1: {  	v1 =	vld @!p0 [tilespmem:s14+$0x870];
	_ =	sdelay $0x4  }
0xd2: {  	[tilespmem:$0x185F0] =	vst @!p0 v1  }
0xd3: {  	v1 =	vld @!p0 [tilespmem:s14+$0xC00];
	_ =	sdelay $0x4  }
0xd4: {  	[tilespmem:$0x18780] =	vst @!p0 v1  }
0xd5: {  	v1 =	vld @!p0 [tilespmem:s14+$0xC10];
	_ =	sdelay $0x4  }
0xd6: {  	[tilespmem:$0x18790] =	vst @!p0 v1  }
0xd7: {  	v1 =	vld @!p0 [tilespmem:s14+$0xC20];
	_ =	sdelay $0x4  }
0xd8: {  	[tilespmem:$0x187A0] =	vst @!p0 v1  }
0xd9: {  	v1 =	vld @!p0 [tilespmem:s14+$0xC30];
	_ =	sdelay $0x4  }
0xda: {  	[tilespmem:$0x187B0] =	vst @!p0 v1  }
0xdb: {  	v1 =	vld @!p0 [tilespmem:s14+$0xC40];
	_ =	sdelay $0x4  }
0xdc: {  	[tilespmem:$0x187C0] =	vst @!p0 v1  }
0xdd: {  	v1 =	vld @!p0 [tilespmem:s14+$0xC50];
	_ =	sdelay $0x4  }
0xde: {  	[tilespmem:$0x187D0] =	vst @!p0 v1  }
0xdf: {  	v1 =	vld @!p0 [tilespmem:s14+$0xC60];
	_ =	sdelay $0x4  }
0xe0: {  	[tilespmem:$0x187E0] =	vst @!p0 v1  }
0xe1: {  	v1 =	vld @!p0 [tilespmem:s14+$0xC70]  }
0xe2: {  	v2 =	vld [tilespmem:$0x18080];
	_ =	sdelay $0x2  }
0xe3: {  	s31 =	sand.u32 $0xF000, s5;
	s3 =	sand.u32 $0x380, s5  }
0xe4: {  	s0 =	sor.u32 s3, s31;
	[tilespmem:$0x187F0] =	vst @!p0 v1  }
0xe5: {  	[tilespmem:s0+$0x8080] =	vst v2  }
0xe6: {  	v1 =	vld [tilespmem:$0x18090];
	_ =	sdelay $0x4  }
0xe7: {  	[tilespmem:s0+$0x8090] =	vst v1  }
0xe8: {  	v1 =	vld [tilespmem:$0x180A0];
	_ =	sdelay $0x4  }
0xe9: {  	[tilespmem:s0+$0x80A0] =	vst v1  }
0xea: {  	v1 =	vld [tilespmem:$0x180B0];
	_ =	sdelay $0x4  }
0xeb: {  	[tilespmem:s0+$0x80B0] =	vst v1  }
0xec: {  	v1 =	vld [tilespmem:$0x180C0];
	_ =	sdelay $0x4  }
0xed: {  	[tilespmem:s0+$0x80C0] =	vst v1  }
0xee: {  	v1 =	vld [tilespmem:$0x180D0];
	_ =	sdelay $0x4  }
0xef: {  	[tilespmem:s0+$0x80D0] =	vst v1  }
0xf0: {  	v1 =	vld [tilespmem:$0x180E0];
	_ =	sdelay $0x4  }
0xf1: {  	[tilespmem:s0+$0x80E0] =	vst v1  }
0xf2: {  	v1 =	vld [tilespmem:$0x180F0];
	_ =	sdelay $0x4  }
0xf3: {  	[tilespmem:s0+$0x80F0] =	vst v1  }
0xf4: {  	v1 =	vld [tilespmem:$0x18280];
	_ =	sdelay $0x4  }
0xf5: {  	[tilespmem:s0+$0x8480] =	vst v1  }
0xf6: {  	v1 =	vld [tilespmem:$0x18290];
	_ =	sdelay $0x4  }
0xf7: {  	[tilespmem:s0+$0x8490] =	vst v1  }
0xf8: {  	v1 =	vld [tilespmem:$0x182A0];
	_ =	sdelay $0x4  }
0xf9: {  	[tilespmem:s0+$0x84A0] =	vst v1  }
0xfa: {  	v1 =	vld [tilespmem:$0x182B0];
	_ =	sdelay $0x4  }
0xfb: {  	[tilespmem:s0+$0x84B0] =	vst v1  }
0xfc: {  	v1 =	vld [tilespmem:$0x182C0];
	_ =	sdelay $0x4  }
0xfd: {  	[tilespmem:s0+$0x84C0] =	vst v1  }
0xfe: {  	v1 =	vld [tilespmem:$0x182D0];
	_ =	sdelay $0x4  }
0xff: {  	[tilespmem:s0+$0x84D0] =	vst v1  }
0x100: {  	v1 =	vld [tilespmem:$0x182E0];
	_ =	sdelay $0x4  }
0x101: {  	[tilespmem:s0+$0x84E0] =	vst v1  }
0x102: {  	v1 =	vld [tilespmem:$0x182F0];
	_ =	sdelay $0x4  }
0x103: {  	[tilespmem:s0+$0x84F0] =	vst v1  }
0x104: {  	v1 =	vld [tilespmem:$0x18480];
	_ =	sdelay $0x4  }
0x105: {  	[tilespmem:s0+$0x8880] =	vst v1  }
0x106: {  	v1 =	vld [tilespmem:$0x18490];
	_ =	sdelay $0x4  }
0x107: {  	[tilespmem:s0+$0x8890] =	vst v1  }
0x108: {  	v1 =	vld [tilespmem:$0x184A0];
	_ =	sdelay $0x4  }
0x109: {  	[tilespmem:s0+$0x88A0] =	vst v1  }
0x10a: {  	v1 =	vld [tilespmem:$0x184B0];
	_ =	sdelay $0x4  }
0x10b: {  	[tilespmem:s0+$0x88B0] =	vst v1  }
0x10c: {  	v1 =	vld [tilespmem:$0x184C0];
	_ =	sdelay $0x4  }
0x10d: {  	[tilespmem:s0+$0x88C0] =	vst v1  }
0x10e: {  	v1 =	vld [tilespmem:$0x184D0];
	_ =	sdelay $0x4  }
0x10f: {  	[tilespmem:s0+$0x88D0] =	vst v1  }
0x110: {  	v1 =	vld [tilespmem:$0x184E0];
	_ =	sdelay $0x4  }
0x111: {  	[tilespmem:s0+$0x88E0] =	vst v1  }
0x112: {  	v1 =	vld [tilespmem:$0x184F0];
	_ =	sdelay $0x4  }
0x113: {  	[tilespmem:s0+$0x88F0] =	vst v1  }
0x114: {  	v1 =	vld [tilespmem:$0x18680];
	_ =	sdelay $0x4  }
0x115: {  	[tilespmem:s0+$0x8C80] =	vst v1  }
0x116: {  	v1 =	vld [tilespmem:$0x18690];
	_ =	sdelay $0x4  }
0x117: {  	[tilespmem:s0+$0x8C90] =	vst v1  }
0x118: {  	v1 =	vld [tilespmem:$0x186A0];
	_ =	sdelay $0x4  }
0x119: {  	[tilespmem:s0+$0x8CA0] =	vst v1  }
0x11a: {  	v1 =	vld [tilespmem:$0x186B0];
	_ =	sdelay $0x4  }
0x11b: {  	[tilespmem:s0+$0x8CB0] =	vst v1  }
0x11c: {  	v1 =	vld [tilespmem:$0x186C0];
	_ =	sdelay $0x4  }
0x11d: {  	[tilespmem:s0+$0x8CC0] =	vst v1  }
0x11e: {  	v1 =	vld [tilespmem:$0x186D0];
	_ =	sdelay $0x4  }
0x11f: {  	[tilespmem:s0+$0x8CD0] =	vst v1  }
0x120: {  	v1 =	vld [tilespmem:$0x186E0];
	_ =	sdelay $0x4  }
0x121: {  	[tilespmem:s0+$0x8CE0] =	vst v1  }
0x122: {  	v1 =	vld [tilespmem:$0x186F0];
	_ =	sdelay $0x4  }
0x123: {  	[tilespmem:s0+$0x8CF0] =	vst v1  }
0x124: {  	s6 =	simm.s32 $0x400;
	s3 =	simm.s32 $0x0;
	s0 =	simm.s32 $0x200;
	v1 =	vld [tilespmem:$0x18080]  }
.LBB2_2:
0x125: {  	p1 =	sne.s32 s6, $0xFE00  }
0x126: {  	s3 =	sadd.s32 $0x80, s3  }
0x127: {  	s8 =	sand.u32 $0xF000, s0;
	s0 =	smov.u32 s6;
	s16 =	sand.u32 $0x380, s3  }
0x128: {  	s8 =	sor.u32 s16, s8  }
0x129: {  	[tilespmem:s8+$0x8080] =	vst v1  }
0x12a: {  	v1 =	vld [tilespmem:$0x18090];
	_ =	sdelay $0x4  }
0x12b: {  	[tilespmem:s8+$0x8090] =	vst v1  }
0x12c: {  	v1 =	vld [tilespmem:$0x180A0];
	_ =	sdelay $0x4  }
0x12d: {  	[tilespmem:s8+$0x80A0] =	vst v1  }
0x12e: {  	v1 =	vld [tilespmem:$0x180B0];
	_ =	sdelay $0x4  }
0x12f: {  	[tilespmem:s8+$0x80B0] =	vst v1  }
0x130: {  	v1 =	vld [tilespmem:$0x180C0];
	_ =	sdelay $0x4  }
0x131: {  	[tilespmem:s8+$0x80C0] =	vst v1  }
0x132: {  	v1 =	vld [tilespmem:$0x180D0];
	_ =	sdelay $0x4  }
0x133: {  	[tilespmem:s8+$0x80D0] =	vst v1  }
0x134: {  	v1 =	vld [tilespmem:$0x180E0];
	_ =	sdelay $0x4  }
0x135: {  	[tilespmem:s8+$0x80E0] =	vst v1  }
0x136: {  	v1 =	vld [tilespmem:$0x180F0];
	_ =	sdelay $0x4  }
0x137: {  	[tilespmem:s8+$0x80F0] =	vst v1  }
0x138: {  	v1 =	vld [tilespmem:$0x18280];
	_ =	sdelay $0x4  }
0x139: {  	[tilespmem:s8+$0x8480] =	vst v1  }
0x13a: {  	v1 =	vld [tilespmem:$0x18290];
	_ =	sdelay $0x4  }
0x13b: {  	[tilespmem:s8+$0x8490] =	vst v1  }
0x13c: {  	v1 =	vld [tilespmem:$0x182A0];
	_ =	sdelay $0x4  }
0x13d: {  	[tilespmem:s8+$0x84A0] =	vst v1  }
0x13e: {  	v1 =	vld [tilespmem:$0x182B0];
	_ =	sdelay $0x4  }
0x13f: {  	[tilespmem:s8+$0x84B0] =	vst v1  }
0x140: {  	v1 =	vld [tilespmem:$0x182C0];
	_ =	sdelay $0x4  }
0x141: {  	[tilespmem:s8+$0x84C0] =	vst v1  }
0x142: {  	v1 =	vld [tilespmem:$0x182D0];
	_ =	sdelay $0x4  }
0x143: {  	[tilespmem:s8+$0x84D0] =	vst v1  }
0x144: {  	v1 =	vld [tilespmem:$0x182E0];
	_ =	sdelay $0x4  }
0x145: {  	[tilespmem:s8+$0x84E0] =	vst v1  }
0x146: {  	v1 =	vld [tilespmem:$0x182F0];
	_ =	sdelay $0x4  }
0x147: {  	[tilespmem:s8+$0x84F0] =	vst v1  }
0x148: {  	v1 =	vld [tilespmem:$0x18480];
	_ =	sdelay $0x4  }
0x149: {  	[tilespmem:s8+$0x8880] =	vst v1  }
0x14a: {  	v1 =	vld [tilespmem:$0x18490];
	_ =	sdelay $0x4  }
0x14b: {  	[tilespmem:s8+$0x8890] =	vst v1  }
0x14c: {  	v1 =	vld [tilespmem:$0x184A0];
	_ =	sdelay $0x4  }
0x14d: {  	[tilespmem:s8+$0x88A0] =	vst v1  }
0x14e: {  	v1 =	vld [tilespmem:$0x184B0];
	_ =	sdelay $0x4  }
0x14f: {  	[tilespmem:s8+$0x88B0] =	vst v1  }
0x150: {  	v1 =	vld [tilespmem:$0x184C0];
	_ =	sdelay $0x4  }
0x151: {  	[tilespmem:s8+$0x88C0] =	vst v1  }
0x152: {  	v1 =	vld [tilespmem:$0x184D0];
	_ =	sdelay $0x4  }
0x153: {  	[tilespmem:s8+$0x88D0] =	vst v1  }
0x154: {  	v1 =	vld [tilespmem:$0x184E0];
	_ =	sdelay $0x4  }
0x155: {  	[tilespmem:s8+$0x88E0] =	vst v1  }
0x156: {  	v1 =	vld [tilespmem:$0x184F0];
	_ =	sdelay $0x4  }
0x157: {  	[tilespmem:s8+$0x88F0] =	vst v1  }
0x158: {  	v1 =	vld [tilespmem:$0x18680];
	_ =	sdelay $0x4  }
0x159: {  	[tilespmem:s8+$0x8C80] =	vst v1  }
0x15a: {  	v1 =	vld [tilespmem:$0x18690];
	_ =	sdelay $0x4  }
0x15b: {  	[tilespmem:s8+$0x8C90] =	vst v1  }
0x15c: {  	v1 =	vld [tilespmem:$0x186A0];
	_ =	sdelay $0x4  }
0x15d: {  	[tilespmem:s8+$0x8CA0] =	vst v1  }
0x15e: {  	v1 =	vld [tilespmem:$0x186B0];
	_ =	sdelay $0x4  }
0x15f: {  	[tilespmem:s8+$0x8CB0] =	vst v1  }
0x160: {  	v1 =	vld [tilespmem:$0x186C0];
	_ =	sdelay $0x4  }
0x161: {  	[tilespmem:s8+$0x8CC0] =	vst v1  }
0x162: {  	v1 =	vld [tilespmem:$0x186D0];
	_ =	sdelay $0x4  }
0x163: {  	[tilespmem:s8+$0x8CD0] =	vst v1  }
0x164: {  	v1 =	vld [tilespmem:$0x186E0];
	_ =	sdelay $0x4  }
0x165: {  	[tilespmem:s8+$0x8CE0] =	vst v1  }
0x166: {  	v1 =	vld [tilespmem:$0x186F0];
	_ =	sdelay $0x1  }
.Ltmp0:
0x167: {  	(pc) =	sbr.rel @p1 .LBB2_2-.Ltmp0, $3  }
0x168: {  	_ =	sdelay $0x1  }
0x169: {  	[tilespmem:s8+$0x8CF0] =	vst v1  }
0x16a: {  	s6 =	sadd.s32 $0x200, s6;
	v1 =	vld [tilespmem:$0x18080]  }
0x16b: {  	_ = 	snop  }
0x16c: {  	s3 =	sadd.s32 $0x80, s3  }
0x16d: {  	s0 =	sand.u32 $0xF000, s0;
	s3 =	sand.u32 $0x380, s3  }
0x16e: {  	s0 =	sor.u32 s3, s0  }
0x16f: {  	[tilespmem:s0+$0x8080] =	vst v1  }
0x170: {  	v1 =	vld [tilespmem:$0x18090];
	_ =	sdelay $0x4  }
0x171: {  	[tilespmem:s0+$0x8090] =	vst v1  }
0x172: {  	v1 =	vld [tilespmem:$0x180A0];
	_ =	sdelay $0x4  }
0x173: {  	[tilespmem:s0+$0x80A0] =	vst v1  }
0x174: {  	v1 =	vld [tilespmem:$0x180B0];
	_ =	sdelay $0x4  }
0x175: {  	[tilespmem:s0+$0x80B0] =	vst v1  }
0x176: {  	v1 =	vld [tilespmem:$0x180C0];
	_ =	sdelay $0x4  }
0x177: {  	[tilespmem:s0+$0x80C0] =	vst v1  }
0x178: {  	v1 =	vld [tilespmem:$0x180D0];
	_ =	sdelay $0x4  }
0x179: {  	[tilespmem:s0+$0x80D0] =	vst v1  }
0x17a: {  	v1 =	vld [tilespmem:$0x180E0];
	_ =	sdelay $0x4  }
0x17b: {  	[tilespmem:s0+$0x80E0] =	vst v1  }
0x17c: {  	v1 =	vld [tilespmem:$0x180F0];
	_ =	sdelay $0x4  }
0x17d: {  	[tilespmem:s0+$0x80F0] =	vst v1  }
0x17e: {  	v1 =	vld [tilespmem:$0x18280];
	_ =	sdelay $0x4  }
0x17f: {  	[tilespmem:s0+$0x8480] =	vst v1  }
0x180: {  	v1 =	vld [tilespmem:$0x18290];
	_ =	sdelay $0x4  }
0x181: {  	[tilespmem:s0+$0x8490] =	vst v1  }
0x182: {  	v1 =	vld [tilespmem:$0x182A0];
	_ =	sdelay $0x4  }
0x183: {  	[tilespmem:s0+$0x84A0] =	vst v1  }
0x184: {  	v1 =	vld [tilespmem:$0x182B0];
	_ =	sdelay $0x4  }
0x185: {  	[tilespmem:s0+$0x84B0] =	vst v1  }
0x186: {  	v1 =	vld [tilespmem:$0x182C0];
	_ =	sdelay $0x4  }
0x187: {  	[tilespmem:s0+$0x84C0] =	vst v1  }
0x188: {  	v1 =	vld [tilespmem:$0x182D0];
	_ =	sdelay $0x4  }
0x189: {  	[tilespmem:s0+$0x84D0] =	vst v1  }
0x18a: {  	v1 =	vld [tilespmem:$0x182E0];
	_ =	sdelay $0x4  }
0x18b: {  	[tilespmem:s0+$0x84E0] =	vst v1  }
0x18c: {  	v1 =	vld [tilespmem:$0x182F0];
	_ =	sdelay $0x4  }
0x18d: {  	[tilespmem:s0+$0x84F0] =	vst v1  }
0x18e: {  	v1 =	vld [tilespmem:$0x18480];
	_ =	sdelay $0x4  }
0x18f: {  	[tilespmem:s0+$0x8880] =	vst v1  }
0x190: {  	v1 =	vld [tilespmem:$0x18490];
	_ =	sdelay $0x4  }
0x191: {  	[tilespmem:s0+$0x8890] =	vst v1  }
0x192: {  	v1 =	vld [tilespmem:$0x184A0];
	_ =	sdelay $0x4  }
0x193: {  	[tilespmem:s0+$0x88A0] =	vst v1  }
0x194: {  	v1 =	vld [tilespmem:$0x184B0];
	_ =	sdelay $0x4  }
0x195: {  	[tilespmem:s0+$0x88B0] =	vst v1  }
0x196: {  	v1 =	vld [tilespmem:$0x184C0];
	_ =	sdelay $0x4  }
0x197: {  	[tilespmem:s0+$0x88C0] =	vst v1  }
0x198: {  	v1 =	vld [tilespmem:$0x184D0];
	_ =	sdelay $0x4  }
0x199: {  	[tilespmem:s0+$0x88D0] =	vst v1  }
0x19a: {  	v1 =	vld [tilespmem:$0x184E0];
	_ =	sdelay $0x4  }
0x19b: {  	[tilespmem:s0+$0x88E0] =	vst v1  }
0x19c: {  	v1 =	vld [tilespmem:$0x184F0];
	_ =	sdelay $0x4  }
0x19d: {  	[tilespmem:s0+$0x88F0] =	vst v1  }
0x19e: {  	v1 =	vld [tilespmem:$0x18680];
	_ =	sdelay $0x4  }
0x19f: {  	[tilespmem:s0+$0x8C80] =	vst v1  }
0x1a0: {  	v1 =	vld [tilespmem:$0x18690];
	_ =	sdelay $0x4  }
0x1a1: {  	[tilespmem:s0+$0x8C90] =	vst v1  }
0x1a2: {  	v1 =	vld [tilespmem:$0x186A0];
	_ =	sdelay $0x4  }
0x1a3: {  	[tilespmem:s0+$0x8CA0] =	vst v1  }
0x1a4: {  	v1 =	vld [tilespmem:$0x186B0];
	_ =	sdelay $0x4  }
0x1a5: {  	[tilespmem:s0+$0x8CB0] =	vst v1  }
0x1a6: {  	v1 =	vld [tilespmem:$0x186C0];
	_ =	sdelay $0x4  }
0x1a7: {  	[tilespmem:s0+$0x8CC0] =	vst v1  }
0x1a8: {  	v1 =	vld [tilespmem:$0x186D0];
	_ =	sdelay $0x4  }
0x1a9: {  	[tilespmem:s0+$0x8CD0] =	vst v1  }
0x1aa: {  	v1 =	vld [tilespmem:$0x186E0];
	_ =	sdelay $0x4  }
0x1ab: {  	[tilespmem:s0+$0x8CE0] =	vst v1  }
0x1ac: {  	v1 =	vld [tilespmem:$0x186F0];
	_ =	sdelay $0x2  }
0x1ad: {  	p1 =	por $0x1, $0x1  }
.Ltmp1:
0x1ae: {  	_ = 	snop;
	(pc) =	sbr.rel @!p1 .LBB2_5-.Ltmp1, $4  }
0x1af: {  	s31 =	sadd.s32 $0x0, s17;
	[tilespmem:s0+$0x8CF0] =	vst v1;
	s0 =	simm.s32 $0x0  }
0x1b0: {  	[hbm4b:s31+s0] =	stream.linear.scatter [tilespmem:s21], [sflag:$0x2], $0x10000, $0x38;
	[tilespmem:$0x18880] =	vst v63  }
0x1b1: {  	_ =	swait.ge [sflag:s20], $0x10000  }
0x1b2: {  	s3 =	simm.s32 $0x2000;
	[sflag:s20] =	ssyncset.done $0x0  }
.LBB2_4:
0x1b3: {  	s6 =	sadd.s32 s3, s17;
	[sflag:s20] =	ssyncadd.s32 $0xFFFF0000;
	p1 =	sne.s32 s3, $0x3E000  }
0x1b4: {  	[hbm4b:s6+s0] =	stream.linear.scatter [tilespmem:s21], [sflag:$0x2], $0x10000, $0x38;
	[tilespmem:$0x18880] =	vst v63  }
.Ltmp2:
0x1b5: {  	_ = 	snop;
	(pc) =	sbr.rel @p1 .LBB2_4-.Ltmp2, $4  }
0x1b6: {  	_ = 	snop  }
0x1b7: {  	s3 =	sadd.s32 $0x2000, s3  }
0x1b8: {  	_ =	swait.ge [sflag:s20], $0x10000  }
0x1b9: {  	[sflag:s20] =	ssyncset.done $0x0  }
.LBB2_5:
0x1ba: {  	p2 =	por $0x1, $0x1  }
.Ltmp3:
0x1bb: {  	_ = 	snop;
	(pc) =	sbr.rel @!p2 .LBB2_6-.Ltmp3, $3  }
0x1bc: {  	_ =	sdelay $0x1  }
0x1bd: {  	[sflag:s20] =	ssyncadd.s32 $0xFFFF0000  }
0x1be: {  	s3 =	simm.s32 $0x200;
	p1 =	por $0x0, $0x0;
	v1 =	vld [tilespmem:$0x18100]  }
0x1bf: {  	_ =	sdelay $0x1  }
0x1c0: {  	s6 =	sand.u32 $0xF000, s0;
	s8 =	sand.u32 $0x380, s0  }
0x1c1: {  	s6 =	sor.u32 s8, s6  }
0x1c2: {  	[tilespmem:s6+$0x8080] =	vst v1  }
0x1c3: {  	v1 =	vld [tilespmem:$0x18110];
	_ =	sdelay $0x4  }
0x1c4: {  	[tilespmem:s6+$0x8090] =	vst v1  }
0x1c5: {  	v1 =	vld [tilespmem:$0x18120];
	_ =	sdelay $0x4  }
0x1c6: {  	[tilespmem:s6+$0x80A0] =	vst v1  }
0x1c7: {  	v1 =	vld [tilespmem:$0x18130];
	_ =	sdelay $0x4  }
0x1c8: {  	[tilespmem:s6+$0x80B0] =	vst v1  }
0x1c9: {  	v1 =	vld [tilespmem:$0x18140];
	_ =	sdelay $0x4  }
0x1ca: {  	[tilespmem:s6+$0x80C0] =	vst v1  }
0x1cb: {  	v1 =	vld [tilespmem:$0x18150];
	_ =	sdelay $0x4  }
0x1cc: {  	[tilespmem:s6+$0x80D0] =	vst v1  }
0x1cd: {  	v1 =	vld [tilespmem:$0x18160];
	_ =	sdelay $0x4  }
0x1ce: {  	[tilespmem:s6+$0x80E0] =	vst v1  }
0x1cf: {  	v1 =	vld [tilespmem:$0x18170];
	_ =	sdelay $0x4  }
0x1d0: {  	[tilespmem:s6+$0x80F0] =	vst v1  }
0x1d1: {  	v1 =	vld [tilespmem:$0x18300];
	_ =	sdelay $0x4  }
0x1d2: {  	[tilespmem:s6+$0x8480] =	vst v1  }
0x1d3: {  	v1 =	vld [tilespmem:$0x18310];
	_ =	sdelay $0x4  }
0x1d4: {  	[tilespmem:s6+$0x8490] =	vst v1  }
0x1d5: {  	v1 =	vld [tilespmem:$0x18320];
	_ =	sdelay $0x4  }
0x1d6: {  	[tilespmem:s6+$0x84A0] =	vst v1  }
0x1d7: {  	v1 =	vld [tilespmem:$0x18330];
	_ =	sdelay $0x4  }
0x1d8: {  	[tilespmem:s6+$0x84B0] =	vst v1  }
0x1d9: {  	v1 =	vld [tilespmem:$0x18340];
	_ =	sdelay $0x4  }
0x1da: {  	[tilespmem:s6+$0x84C0] =	vst v1  }
0x1db: {  	v1 =	vld [tilespmem:$0x18350];
	_ =	sdelay $0x4  }
0x1dc: {  	[tilespmem:s6+$0x84D0] =	vst v1  }
0x1dd: {  	v1 =	vld [tilespmem:$0x18360];
	_ =	sdelay $0x4  }
0x1de: {  	[tilespmem:s6+$0x84E0] =	vst v1  }
0x1df: {  	v1 =	vld [tilespmem:$0x18370];
	_ =	sdelay $0x4  }
0x1e0: {  	[tilespmem:s6+$0x84F0] =	vst v1  }
0x1e1: {  	v1 =	vld [tilespmem:$0x18500];
	_ =	sdelay $0x4  }
0x1e2: {  	[tilespmem:s6+$0x8880] =	vst v1  }
0x1e3: {  	v1 =	vld [tilespmem:$0x18510];
	_ =	sdelay $0x4  }
0x1e4: {  	[tilespmem:s6+$0x8890] =	vst v1  }
0x1e5: {  	v1 =	vld [tilespmem:$0x18520];
	_ =	sdelay $0x4  }
0x1e6: {  	[tilespmem:s6+$0x88A0] =	vst v1  }
0x1e7: {  	v1 =	vld [tilespmem:$0x18530];
	_ =	sdelay $0x4  }
0x1e8: {  	[tilespmem:s6+$0x88B0] =	vst v1  }
0x1e9: {  	v1 =	vld [tilespmem:$0x18540];
	_ =	sdelay $0x4  }
0x1ea: {  	[tilespmem:s6+$0x88C0] =	vst v1  }
0x1eb: {  	v1 =	vld [tilespmem:$0x18550];
	_ =	sdelay $0x4  }
0x1ec: {  	[tilespmem:s6+$0x88D0] =	vst v1  }
0x1ed: {  	v1 =	vld [tilespmem:$0x18560];
	_ =	sdelay $0x4  }
0x1ee: {  	[tilespmem:s6+$0x88E0] =	vst v1  }
0x1ef: {  	v1 =	vld [tilespmem:$0x18570];
	_ =	sdelay $0x4  }
0x1f0: {  	[tilespmem:s6+$0x88F0] =	vst v1  }
0x1f1: {  	v1 =	vld [tilespmem:$0x18700];
	_ =	sdelay $0x4  }
0x1f2: {  	[tilespmem:s6+$0x8C80] =	vst v1  }
0x1f3: {  	v1 =	vld [tilespmem:$0x18710];
	_ =	sdelay $0x4  }
0x1f4: {  	[tilespmem:s6+$0x8C90] =	vst v1  }
0x1f5: {  	v1 =	vld [tilespmem:$0x18720];
	_ =	sdelay $0x4  }
0x1f6: {  	[tilespmem:s6+$0x8CA0] =	vst v1  }
0x1f7: {  	v1 =	vld [tilespmem:$0x18730];
	_ =	sdelay $0x4  }
0x1f8: {  	[tilespmem:s6+$0x8CB0] =	vst v1  }
0x1f9: {  	v1 =	vld [tilespmem:$0x18740];
	_ =	sdelay $0x4  }
0x1fa: {  	[tilespmem:s6+$0x8CC0] =	vst v1  }
0x1fb: {  	v1 =	vld [tilespmem:$0x18750];
	_ =	sdelay $0x4  }
0x1fc: {  	[tilespmem:s6+$0x8CD0] =	vst v1  }
0x1fd: {  	v1 =	vld [tilespmem:$0x18760];
	_ =	sdelay $0x4  }
0x1fe: {  	[tilespmem:s6+$0x8CE0] =	vst v1  }
0x1ff: {  	v1 =	vld [tilespmem:$0x18770]  }
0x200: {  	p2 =	por $0x1, $0x1  }
.Ltmp4:
0x201: {  	_ = 	snop;
	(pc) =	sbr.rel @!p2 .LBB2_8-.Ltmp4, $3  }
0x202: {  	_ =	sdelay $0x1  }
0x203: {  	[tilespmem:s6+$0x8CF0] =	vst v1  }
0x204: {  	p1 =	por $0x1, $0x1;
	s8 =	simm.s32 $0x400;
	s6 =	simm.s32 $0x0;
	v1 =	vld [tilespmem:$0x18100]  }
.LBB2_9:
0x205: {  	p2 =	sne.s32 s8, $0xFE00  }
0x206: {  	s6 =	sadd.s32 $0x80, s6  }
0x207: {  	s16 =	sand.u32 $0xF000, s3;
	s3 =	smov.u32 s8;
	s30 =	sand.u32 $0x380, s6  }
0x208: {  	s16 =	sor.u32 s30, s16  }
0x209: {  	[tilespmem:s16+$0x8080] =	vst v1  }
0x20a: {  	v1 =	vld [tilespmem:$0x18110];
	_ =	sdelay $0x4  }
0x20b: {  	[tilespmem:s16+$0x8090] =	vst v1  }
0x20c: {  	v1 =	vld [tilespmem:$0x18120];
	_ =	sdelay $0x4  }
0x20d: {  	[tilespmem:s16+$0x80A0] =	vst v1  }
0x20e: {  	v1 =	vld [tilespmem:$0x18130];
	_ =	sdelay $0x4  }
0x20f: {  	[tilespmem:s16+$0x80B0] =	vst v1  }
0x210: {  	v1 =	vld [tilespmem:$0x18140];
	_ =	sdelay $0x4  }
0x211: {  	[tilespmem:s16+$0x80C0] =	vst v1  }
0x212: {  	v1 =	vld [tilespmem:$0x18150];
	_ =	sdelay $0x4  }
0x213: {  	[tilespmem:s16+$0x80D0] =	vst v1  }
0x214: {  	v1 =	vld [tilespmem:$0x18160];
	_ =	sdelay $0x4  }
0x215: {  	[tilespmem:s16+$0x80E0] =	vst v1  }
0x216: {  	v1 =	vld [tilespmem:$0x18170];
	_ =	sdelay $0x4  }
0x217: {  	[tilespmem:s16+$0x80F0] =	vst v1  }
0x218: {  	v1 =	vld [tilespmem:$0x18300];
	_ =	sdelay $0x4  }
0x219: {  	[tilespmem:s16+$0x8480] =	vst v1  }
0x21a: {  	v1 =	vld [tilespmem:$0x18310];
	_ =	sdelay $0x4  }
0x21b: {  	[tilespmem:s16+$0x8490] =	vst v1  }
0x21c: {  	v1 =	vld [tilespmem:$0x18320];
	_ =	sdelay $0x4  }
0x21d: {  	[tilespmem:s16+$0x84A0] =	vst v1  }
0x21e: {  	v1 =	vld [tilespmem:$0x18330];
	_ =	sdelay $0x4  }
0x21f: {  	[tilespmem:s16+$0x84B0] =	vst v1  }
0x220: {  	v1 =	vld [tilespmem:$0x18340];
	_ =	sdelay $0x4  }
0x221: {  	[tilespmem:s16+$0x84C0] =	vst v1  }
0x222: {  	v1 =	vld [tilespmem:$0x18350];
	_ =	sdelay $0x4  }
0x223: {  	[tilespmem:s16+$0x84D0] =	vst v1  }
0x224: {  	v1 =	vld [tilespmem:$0x18360];
	_ =	sdelay $0x4  }
0x225: {  	[tilespmem:s16+$0x84E0] =	vst v1  }
0x226: {  	v1 =	vld [tilespmem:$0x18370];
	_ =	sdelay $0x4  }
0x227: {  	[tilespmem:s16+$0x84F0] =	vst v1  }
0x228: {  	v1 =	vld [tilespmem:$0x18500];
	_ =	sdelay $0x4  }
0x229: {  	[tilespmem:s16+$0x8880] =	vst v1  }
0x22a: {  	v1 =	vld [tilespmem:$0x18510];
	_ =	sdelay $0x4  }
0x22b: {  	[tilespmem:s16+$0x8890] =	vst v1  }
0x22c: {  	v1 =	vld [tilespmem:$0x18520];
	_ =	sdelay $0x4  }
0x22d: {  	[tilespmem:s16+$0x88A0] =	vst v1  }
0x22e: {  	v1 =	vld [tilespmem:$0x18530];
	_ =	sdelay $0x4  }
0x22f: {  	[tilespmem:s16+$0x88B0] =	vst v1  }
0x230: {  	v1 =	vld [tilespmem:$0x18540];
	_ =	sdelay $0x4  }
0x231: {  	[tilespmem:s16+$0x88C0] =	vst v1  }
0x232: {  	v1 =	vld [tilespmem:$0x18550];
	_ =	sdelay $0x4  }
0x233: {  	[tilespmem:s16+$0x88D0] =	vst v1  }
0x234: {  	v1 =	vld [tilespmem:$0x18560];
	_ =	sdelay $0x4  }
0x235: {  	[tilespmem:s16+$0x88E0] =	vst v1  }
0x236: {  	v1 =	vld [tilespmem:$0x18570];
	_ =	sdelay $0x4  }
0x237: {  	[tilespmem:s16+$0x88F0] =	vst v1  }
0x238: {  	v1 =	vld [tilespmem:$0x18700];
	_ =	sdelay $0x4  }
0x239: {  	[tilespmem:s16+$0x8C80] =	vst v1  }
0x23a: {  	v1 =	vld [tilespmem:$0x18710];
	_ =	sdelay $0x4  }
0x23b: {  	[tilespmem:s16+$0x8C90] =	vst v1  }
0x23c: {  	v1 =	vld [tilespmem:$0x18720];
	_ =	sdelay $0x4  }
0x23d: {  	[tilespmem:s16+$0x8CA0] =	vst v1  }
0x23e: {  	v1 =	vld [tilespmem:$0x18730];
	_ =	sdelay $0x4  }
0x23f: {  	[tilespmem:s16+$0x8CB0] =	vst v1  }
0x240: {  	v1 =	vld [tilespmem:$0x18740];
	_ =	sdelay $0x4  }
0x241: {  	[tilespmem:s16+$0x8CC0] =	vst v1  }
0x242: {  	v1 =	vld [tilespmem:$0x18750];
	_ =	sdelay $0x4  }
0x243: {  	[tilespmem:s16+$0x8CD0] =	vst v1  }
0x244: {  	v1 =	vld [tilespmem:$0x18760];
	_ =	sdelay $0x4  }
0x245: {  	[tilespmem:s16+$0x8CE0] =	vst v1  }
0x246: {  	v1 =	vld [tilespmem:$0x18770];
	_ =	sdelay $0x1  }
.Ltmp5:
0x247: {  	(pc) =	sbr.rel @p2 .LBB2_9-.Ltmp5, $3  }
0x248: {  	_ =	sdelay $0x1  }
0x249: {  	[tilespmem:s16+$0x8CF0] =	vst v1  }
0x24a: {  	s8 =	sadd.s32 $0x200, s8;
	v1 =	vld [tilespmem:$0x18100]  }
.LBB2_10:
0x24b: {  	s6 =	sadd.s32 @p1 $0x80, s6  }
0x24c: {  	s0 =	smov.u32 @p1 s6  }
0x24d: {  	s3 =	sand.u32 $0xF000, s3;
	s0 =	sand.u32 $0x380, s0  }
0x24e: {  	s0 =	sor.u32 s0, s3  }
0x24f: {  	[tilespmem:s0+$0x8080] =	vst v1  }
0x250: {  	v1 =	vld [tilespmem:$0x18110];
	_ =	sdelay $0x4  }
0x251: {  	[tilespmem:s0+$0x8090] =	vst v1  }
0x252: {  	v1 =	vld [tilespmem:$0x18120];
	_ =	sdelay $0x4  }
0x253: {  	[tilespmem:s0+$0x80A0] =	vst v1  }
0x254: {  	v1 =	vld [tilespmem:$0x18130];
	_ =	sdelay $0x4  }
0x255: {  	[tilespmem:s0+$0x80B0] =	vst v1  }
0x256: {  	v1 =	vld [tilespmem:$0x18140];
	_ =	sdelay $0x4  }
0x257: {  	[tilespmem:s0+$0x80C0] =	vst v1  }
0x258: {  	v1 =	vld [tilespmem:$0x18150];
	_ =	sdelay $0x4  }
0x259: {  	[tilespmem:s0+$0x80D0] =	vst v1  }
0x25a: {  	v1 =	vld [tilespmem:$0x18160];
	_ =	sdelay $0x4  }
0x25b: {  	[tilespmem:s0+$0x80E0] =	vst v1  }
0x25c: {  	v1 =	vld [tilespmem:$0x18170];
	_ =	sdelay $0x4  }
0x25d: {  	[tilespmem:s0+$0x80F0] =	vst v1  }
0x25e: {  	v1 =	vld [tilespmem:$0x18300];
	_ =	sdelay $0x4  }
0x25f: {  	[tilespmem:s0+$0x8480] =	vst v1  }
0x260: {  	v1 =	vld [tilespmem:$0x18310];
	_ =	sdelay $0x4  }
0x261: {  	[tilespmem:s0+$0x8490] =	vst v1  }
0x262: {  	v1 =	vld [tilespmem:$0x18320];
	_ =	sdelay $0x4  }
0x263: {  	[tilespmem:s0+$0x84A0] =	vst v1  }
0x264: {  	v1 =	vld [tilespmem:$0x18330];
	_ =	sdelay $0x4  }
0x265: {  	[tilespmem:s0+$0x84B0] =	vst v1  }
0x266: {  	v1 =	vld [tilespmem:$0x18340];
	_ =	sdelay $0x4  }
0x267: {  	[tilespmem:s0+$0x84C0] =	vst v1  }
0x268: {  	v1 =	vld [tilespmem:$0x18350];
	_ =	sdelay $0x4  }
0x269: {  	[tilespmem:s0+$0x84D0] =	vst v1  }
0x26a: {  	v1 =	vld [tilespmem:$0x18360];
	_ =	sdelay $0x4  }
0x26b: {  	[tilespmem:s0+$0x84E0] =	vst v1  }
0x26c: {  	v1 =	vld [tilespmem:$0x18370];
	_ =	sdelay $0x4  }
0x26d: {  	[tilespmem:s0+$0x84F0] =	vst v1  }
0x26e: {  	v1 =	vld [tilespmem:$0x18500];
	_ =	sdelay $0x4  }
0x26f: {  	[tilespmem:s0+$0x8880] =	vst v1  }
0x270: {  	v1 =	vld [tilespmem:$0x18510];
	_ =	sdelay $0x4  }
0x271: {  	[tilespmem:s0+$0x8890] =	vst v1  }
0x272: {  	v1 =	vld [tilespmem:$0x18520];
	_ =	sdelay $0x4  }
0x273: {  	[tilespmem:s0+$0x88A0] =	vst v1  }
0x274: {  	v1 =	vld [tilespmem:$0x18530];
	_ =	sdelay $0x4  }
0x275: {  	[tilespmem:s0+$0x88B0] =	vst v1  }
0x276: {  	v1 =	vld [tilespmem:$0x18540];
	_ =	sdelay $0x4  }
0x277: {  	[tilespmem:s0+$0x88C0] =	vst v1  }
0x278: {  	v1 =	vld [tilespmem:$0x18550];
	_ =	sdelay $0x4  }
0x279: {  	[tilespmem:s0+$0x88D0] =	vst v1  }
0x27a: {  	v1 =	vld [tilespmem:$0x18560];
	_ =	sdelay $0x4  }
0x27b: {  	[tilespmem:s0+$0x88E0] =	vst v1  }
0x27c: {  	v1 =	vld [tilespmem:$0x18570];
	_ =	sdelay $0x4  }
0x27d: {  	[tilespmem:s0+$0x88F0] =	vst v1  }
0x27e: {  	v1 =	vld [tilespmem:$0x18700];
	_ =	sdelay $0x4  }
0x27f: {  	[tilespmem:s0+$0x8C80] =	vst v1  }
0x280: {  	v1 =	vld [tilespmem:$0x18710];
	_ =	sdelay $0x4  }
0x281: {  	[tilespmem:s0+$0x8C90] =	vst v1  }
0x282: {  	v1 =	vld [tilespmem:$0x18720];
	_ =	sdelay $0x4  }
0x283: {  	[tilespmem:s0+$0x8CA0] =	vst v1  }
0x284: {  	v1 =	vld [tilespmem:$0x18730];
	_ =	sdelay $0x4  }
0x285: {  	[tilespmem:s0+$0x8CB0] =	vst v1  }
0x286: {  	v1 =	vld [tilespmem:$0x18740];
	_ =	sdelay $0x4  }
0x287: {  	[tilespmem:s0+$0x8CC0] =	vst v1  }
0x288: {  	v1 =	vld [tilespmem:$0x18750];
	_ =	sdelay $0x4  }
0x289: {  	[tilespmem:s0+$0x8CD0] =	vst v1  }
0x28a: {  	v1 =	vld [tilespmem:$0x18760];
	_ =	sdelay $0x4  }
0x28b: {  	[tilespmem:s0+$0x8CE0] =	vst v1  }
0x28c: {  	v1 =	vld [tilespmem:$0x18770];
	_ =	sdelay $0x4  }
0x28d: {  	s31 =	sadd.s32 $0x0, s18;
	[tilespmem:s0+$0x8CF0] =	vst v1  }
0x28e: {  	[hbm4b:s31+s5] =	stream.linear.scatter [tilespmem:s21], [sflag:$0x2], $0x10000, $0x38;
	[tilespmem:$0x18880] =	vst v63  }
0x28f: {  	_ =	swait.ge [sflag:s20], $0x10000  }
0x290: {  	s0 =	simm.s32 $0x2000;
	[sflag:s20] =	ssyncset.done $0x0  }
.LBB2_11:
0x291: {  	s3 =	sadd.s32 s0, s18;
	[sflag:s20] =	ssyncadd.s32 $0xFFFF0000;
	p1 =	sne.s32 s0, $0x3E000  }
0x292: {  	[hbm4b:s3+s5] =	stream.linear.scatter [tilespmem:s21], [sflag:$0x2], $0x10000, $0x38;
	[tilespmem:$0x18880] =	vst v63  }
.Ltmp6:
0x293: {  	_ = 	snop;
	(pc) =	sbr.rel @p1 .LBB2_11-.Ltmp6, $4  }
0x294: {  	_ = 	snop  }
0x295: {  	s0 =	sadd.s32 $0x2000, s0  }
0x296: {  	_ =	swait.ge [sflag:s20], $0x10000  }
0x297: {  	[sflag:s20] =	ssyncset.done $0x0  }
.Ltmp7:
0x298: {  	(pc) =	sbr.rel @p0 .LBB2_18-.Ltmp7, $2  }
0x299: {  	_ =	sdelay $0x2  }
0x29a: {  	[sflag:s20] =	ssyncadd.s32 $0xFFFF0000;
	s0 =	simm.s32 $0x0  }
0x29b: {  	v1 =	vld [tilespmem:$0x18180];
	_ =	sdelay $0x2  }
0x29c: {  	s3 =	sand.u32 $0xF000, s0;
	s6 =	sand.u32 $0x380, s0  }
0x29d: {  	s3 =	sor.u32 s6, s3  }
0x29e: {  	[tilespmem:s3+$0x8080] =	vst v1  }
0x29f: {  	v1 =	vld [tilespmem:$0x18190];
	_ =	sdelay $0x4  }
0x2a0: {  	[tilespmem:s3+$0x8090] =	vst v1  }
0x2a1: {  	v1 =	vld [tilespmem:$0x181A0];
	_ =	sdelay $0x4  }
0x2a2: {  	[tilespmem:s3+$0x80A0] =	vst v1  }
0x2a3: {  	v1 =	vld [tilespmem:$0x181B0];
	_ =	sdelay $0x4  }
0x2a4: {  	[tilespmem:s3+$0x80B0] =	vst v1  }
0x2a5: {  	v1 =	vld [tilespmem:$0x181C0];
	_ =	sdelay $0x4  }
0x2a6: {  	[tilespmem:s3+$0x80C0] =	vst v1  }
0x2a7: {  	v1 =	vld [tilespmem:$0x181D0];
	_ =	sdelay $0x4  }
0x2a8: {  	[tilespmem:s3+$0x80D0] =	vst v1  }
0x2a9: {  	v1 =	vld [tilespmem:$0x181E0];
	_ =	sdelay $0x4  }
0x2aa: {  	[tilespmem:s3+$0x80E0] =	vst v1  }
0x2ab: {  	v1 =	vld [tilespmem:$0x181F0];
	_ =	sdelay $0x4  }
0x2ac: {  	[tilespmem:s3+$0x80F0] =	vst v1  }
0x2ad: {  	v1 =	vld [tilespmem:$0x18380];
	_ =	sdelay $0x4  }
0x2ae: {  	[tilespmem:s3+$0x8480] =	vst v1  }
0x2af: {  	v1 =	vld [tilespmem:$0x18390];
	_ =	sdelay $0x4  }
0x2b0: {  	[tilespmem:s3+$0x8490] =	vst v1  }
0x2b1: {  	v1 =	vld [tilespmem:$0x183A0];
	_ =	sdelay $0x4  }
0x2b2: {  	[tilespmem:s3+$0x84A0] =	vst v1  }
0x2b3: {  	v1 =	vld [tilespmem:$0x183B0];
	_ =	sdelay $0x4  }
0x2b4: {  	[tilespmem:s3+$0x84B0] =	vst v1  }
0x2b5: {  	v1 =	vld [tilespmem:$0x183C0];
	_ =	sdelay $0x4  }
0x2b6: {  	[tilespmem:s3+$0x84C0] =	vst v1  }
0x2b7: {  	v1 =	vld [tilespmem:$0x183D0];
	_ =	sdelay $0x4  }
0x2b8: {  	[tilespmem:s3+$0x84D0] =	vst v1  }
0x2b9: {  	v1 =	vld [tilespmem:$0x183E0];
	_ =	sdelay $0x4  }
0x2ba: {  	[tilespmem:s3+$0x84E0] =	vst v1  }
0x2bb: {  	v1 =	vld [tilespmem:$0x183F0];
	_ =	sdelay $0x4  }
0x2bc: {  	[tilespmem:s3+$0x84F0] =	vst v1  }
0x2bd: {  	v1 =	vld [tilespmem:$0x18580];
	_ =	sdelay $0x4  }
0x2be: {  	[tilespmem:s3+$0x8880] =	vst v1  }
0x2bf: {  	v1 =	vld [tilespmem:$0x18590];
	_ =	sdelay $0x4  }
0x2c0: {  	[tilespmem:s3+$0x8890] =	vst v1  }
0x2c1: {  	v1 =	vld [tilespmem:$0x185A0];
	_ =	sdelay $0x4  }
0x2c2: {  	[tilespmem:s3+$0x88A0] =	vst v1  }
0x2c3: {  	v1 =	vld [tilespmem:$0x185B0];
	_ =	sdelay $0x4  }
0x2c4: {  	[tilespmem:s3+$0x88B0] =	vst v1  }
0x2c5: {  	v1 =	vld [tilespmem:$0x185C0];
	_ =	sdelay $0x4  }
0x2c6: {  	[tilespmem:s3+$0x88C0] =	vst v1  }
0x2c7: {  	v1 =	vld [tilespmem:$0x185D0];
	_ =	sdelay $0x4  }
0x2c8: {  	[tilespmem:s3+$0x88D0] =	vst v1  }
0x2c9: {  	v1 =	vld [tilespmem:$0x185E0];
	_ =	sdelay $0x4  }
0x2ca: {  	[tilespmem:s3+$0x88E0] =	vst v1  }
0x2cb: {  	v1 =	vld [tilespmem:$0x185F0];
	_ =	sdelay $0x4  }
0x2cc: {  	[tilespmem:s3+$0x88F0] =	vst v1  }
0x2cd: {  	v1 =	vld [tilespmem:$0x18780];
	_ =	sdelay $0x4  }
0x2ce: {  	[tilespmem:s3+$0x8C80] =	vst v1  }
0x2cf: {  	v1 =	vld [tilespmem:$0x18790];
	_ =	sdelay $0x4  }
0x2d0: {  	[tilespmem:s3+$0x8C90] =	vst v1  }
0x2d1: {  	v1 =	vld [tilespmem:$0x187A0];
	_ =	sdelay $0x4  }
0x2d2: {  	[tilespmem:s3+$0x8CA0] =	vst v1  }
0x2d3: {  	v1 =	vld [tilespmem:$0x187B0];
	_ =	sdelay $0x4  }
0x2d4: {  	[tilespmem:s3+$0x8CB0] =	vst v1  }
0x2d5: {  	v1 =	vld [tilespmem:$0x187C0];
	_ =	sdelay $0x4  }
0x2d6: {  	[tilespmem:s3+$0x8CC0] =	vst v1  }
0x2d7: {  	v1 =	vld [tilespmem:$0x187D0];
	_ =	sdelay $0x4  }
0x2d8: {  	[tilespmem:s3+$0x8CD0] =	vst v1  }
0x2d9: {  	v1 =	vld [tilespmem:$0x187E0];
	_ =	sdelay $0x4  }
0x2da: {  	[tilespmem:s3+$0x8CE0] =	vst v1  }
0x2db: {  	v1 =	vld [tilespmem:$0x187F0];
	_ =	sdelay $0x4  }
0x2dc: {  	[tilespmem:s3+$0x8CF0] =	vst v1  }
0x2dd: {  	s6 =	simm.s32 $0x400;
	s3 =	simm.s32 $0x200;
	v1 =	vld [tilespmem:$0x18180]  }
.LBB2_14:
0x2de: {  	p1 =	sne.s32 s6, $0xFE00  }
0x2df: {  	s0 =	sadd.s32 $0x80, s0  }
0x2e0: {  	s8 =	sand.u32 $0xF000, s3;
	s3 =	smov.u32 s6;
	s16 =	sand.u32 $0x380, s0  }
0x2e1: {  	s8 =	sor.u32 s16, s8  }
0x2e2: {  	[tilespmem:s8+$0x8080] =	vst v1  }
0x2e3: {  	v1 =	vld [tilespmem:$0x18190];
	_ =	sdelay $0x4  }
0x2e4: {  	[tilespmem:s8+$0x8090] =	vst v1  }
0x2e5: {  	v1 =	vld [tilespmem:$0x181A0];
	_ =	sdelay $0x4  }
0x2e6: {  	[tilespmem:s8+$0x80A0] =	vst v1  }
0x2e7: {  	v1 =	vld [tilespmem:$0x181B0];
	_ =	sdelay $0x4  }
0x2e8: {  	[tilespmem:s8+$0x80B0] =	vst v1  }
0x2e9: {  	v1 =	vld [tilespmem:$0x181C0];
	_ =	sdelay $0x4  }
0x2ea: {  	[tilespmem:s8+$0x80C0] =	vst v1  }
0x2eb: {  	v1 =	vld [tilespmem:$0x181D0];
	_ =	sdelay $0x4  }
0x2ec: {  	[tilespmem:s8+$0x80D0] =	vst v1  }
0x2ed: {  	v1 =	vld [tilespmem:$0x181E0];
	_ =	sdelay $0x4  }
0x2ee: {  	[tilespmem:s8+$0x80E0] =	vst v1  }
0x2ef: {  	v1 =	vld [tilespmem:$0x181F0];
	_ =	sdelay $0x4  }
0x2f0: {  	[tilespmem:s8+$0x80F0] =	vst v1  }
0x2f1: {  	v1 =	vld [tilespmem:$0x18380];
	_ =	sdelay $0x4  }
0x2f2: {  	[tilespmem:s8+$0x8480] =	vst v1  }
0x2f3: {  	v1 =	vld [tilespmem:$0x18390];
	_ =	sdelay $0x4  }
0x2f4: {  	[tilespmem:s8+$0x8490] =	vst v1  }
0x2f5: {  	v1 =	vld [tilespmem:$0x183A0];
	_ =	sdelay $0x4  }
0x2f6: {  	[tilespmem:s8+$0x84A0] =	vst v1  }
0x2f7: {  	v1 =	vld [tilespmem:$0x183B0];
	_ =	sdelay $0x4  }
0x2f8: {  	[tilespmem:s8+$0x84B0] =	vst v1  }
0x2f9: {  	v1 =	vld [tilespmem:$0x183C0];
	_ =	sdelay $0x4  }
0x2fa: {  	[tilespmem:s8+$0x84C0] =	vst v1  }
0x2fb: {  	v1 =	vld [tilespmem:$0x183D0];
	_ =	sdelay $0x4  }
0x2fc: {  	[tilespmem:s8+$0x84D0] =	vst v1  }
0x2fd: {  	v1 =	vld [tilespmem:$0x183E0];
	_ =	sdelay $0x4  }
0x2fe: {  	[tilespmem:s8+$0x84E0] =	vst v1  }
0x2ff: {  	v1 =	vld [tilespmem:$0x183F0];
	_ =	sdelay $0x4  }
0x300: {  	[tilespmem:s8+$0x84F0] =	vst v1  }
0x301: {  	v1 =	vld [tilespmem:$0x18580];
	_ =	sdelay $0x4  }
0x302: {  	[tilespmem:s8+$0x8880] =	vst v1  }
0x303: {  	v1 =	vld [tilespmem:$0x18590];
	_ =	sdelay $0x4  }
0x304: {  	[tilespmem:s8+$0x8890] =	vst v1  }
0x305: {  	v1 =	vld [tilespmem:$0x185A0];
	_ =	sdelay $0x4  }
0x306: {  	[tilespmem:s8+$0x88A0] =	vst v1  }
0x307: {  	v1 =	vld [tilespmem:$0x185B0];
	_ =	sdelay $0x4  }
0x308: {  	[tilespmem:s8+$0x88B0] =	vst v1  }
0x309: {  	v1 =	vld [tilespmem:$0x185C0];
	_ =	sdelay $0x4  }
0x30a: {  	[tilespmem:s8+$0x88C0] =	vst v1  }
0x30b: {  	v1 =	vld [tilespmem:$0x185D0];
	_ =	sdelay $0x4  }
0x30c: {  	[tilespmem:s8+$0x88D0] =	vst v1  }
0x30d: {  	v1 =	vld [tilespmem:$0x185E0];
	_ =	sdelay $0x4  }
0x30e: {  	[tilespmem:s8+$0x88E0] =	vst v1  }
0x30f: {  	v1 =	vld [tilespmem:$0x185F0];
	_ =	sdelay $0x4  }
0x310: {  	[tilespmem:s8+$0x88F0] =	vst v1  }
0x311: {  	v1 =	vld [tilespmem:$0x18780];
	_ =	sdelay $0x4  }
0x312: {  	[tilespmem:s8+$0x8C80] =	vst v1  }
0x313: {  	v1 =	vld [tilespmem:$0x18790];
	_ =	sdelay $0x4  }
0x314: {  	[tilespmem:s8+$0x8C90] =	vst v1  }
0x315: {  	v1 =	vld [tilespmem:$0x187A0];
	_ =	sdelay $0x4  }
0x316: {  	[tilespmem:s8+$0x8CA0] =	vst v1  }
0x317: {  	v1 =	vld [tilespmem:$0x187B0];
	_ =	sdelay $0x4  }
0x318: {  	[tilespmem:s8+$0x8CB0] =	vst v1  }
0x319: {  	v1 =	vld [tilespmem:$0x187C0];
	_ =	sdelay $0x4  }
0x31a: {  	[tilespmem:s8+$0x8CC0] =	vst v1  }
0x31b: {  	v1 =	vld [tilespmem:$0x187D0];
	_ =	sdelay $0x4  }
0x31c: {  	[tilespmem:s8+$0x8CD0] =	vst v1  }
0x31d: {  	v1 =	vld [tilespmem:$0x187E0];
	_ =	sdelay $0x4  }
0x31e: {  	[tilespmem:s8+$0x8CE0] =	vst v1  }
0x31f: {  	v1 =	vld [tilespmem:$0x187F0];
	_ =	sdelay $0x1  }
.Ltmp8:
0x320: {  	(pc) =	sbr.rel @p1 .LBB2_14-.Ltmp8, $3  }
0x321: {  	_ =	sdelay $0x1  }
0x322: {  	[tilespmem:s8+$0x8CF0] =	vst v1  }
0x323: {  	s6 =	sadd.s32 $0x200, s6;
	v1 =	vld [tilespmem:$0x18180]  }
0x324: {  	_ = 	snop  }
0x325: {  	s0 =	sadd.s32 $0x80, s0  }
0x326: {  	s3 =	sand.u32 $0xF000, s3;
	s0 =	sand.u32 $0x380, s0  }
0x327: {  	s0 =	sor.u32 s0, s3  }
0x328: {  	[tilespmem:s0+$0x8080] =	vst v1  }
0x329: {  	v1 =	vld [tilespmem:$0x18190];
	_ =	sdelay $0x4  }
0x32a: {  	[tilespmem:s0+$0x8090] =	vst v1  }
0x32b: {  	v1 =	vld [tilespmem:$0x181A0];
	_ =	sdelay $0x4  }
0x32c: {  	[tilespmem:s0+$0x80A0] =	vst v1  }
0x32d: {  	v1 =	vld [tilespmem:$0x181B0];
	_ =	sdelay $0x4  }
0x32e: {  	[tilespmem:s0+$0x80B0] =	vst v1  }
0x32f: {  	v1 =	vld [tilespmem:$0x181C0];
	_ =	sdelay $0x4  }
0x330: {  	[tilespmem:s0+$0x80C0] =	vst v1  }
0x331: {  	v1 =	vld [tilespmem:$0x181D0];
	_ =	sdelay $0x4  }
0x332: {  	[tilespmem:s0+$0x80D0] =	vst v1  }
0x333: {  	v1 =	vld [tilespmem:$0x181E0];
	_ =	sdelay $0x4  }
0x334: {  	[tilespmem:s0+$0x80E0] =	vst v1  }
0x335: {  	v1 =	vld [tilespmem:$0x181F0];
	_ =	sdelay $0x4  }
0x336: {  	[tilespmem:s0+$0x80F0] =	vst v1  }
0x337: {  	v1 =	vld [tilespmem:$0x18380];
	_ =	sdelay $0x4  }
0x338: {  	[tilespmem:s0+$0x8480] =	vst v1  }
0x339: {  	v1 =	vld [tilespmem:$0x18390];
	_ =	sdelay $0x4  }
0x33a: {  	[tilespmem:s0+$0x8490] =	vst v1  }
0x33b: {  	v1 =	vld [tilespmem:$0x183A0];
	_ =	sdelay $0x4  }
0x33c: {  	[tilespmem:s0+$0x84A0] =	vst v1  }
0x33d: {  	v1 =	vld [tilespmem:$0x183B0];
	_ =	sdelay $0x4  }
0x33e: {  	[tilespmem:s0+$0x84B0] =	vst v1  }
0x33f: {  	v1 =	vld [tilespmem:$0x183C0];
	_ =	sdelay $0x4  }
0x340: {  	[tilespmem:s0+$0x84C0] =	vst v1  }
0x341: {  	v1 =	vld [tilespmem:$0x183D0];
	_ =	sdelay $0x4  }
0x342: {  	[tilespmem:s0+$0x84D0] =	vst v1  }
0x343: {  	v1 =	vld [tilespmem:$0x183E0];
	_ =	sdelay $0x4  }
0x344: {  	[tilespmem:s0+$0x84E0] =	vst v1  }
0x345: {  	v1 =	vld [tilespmem:$0x183F0];
	_ =	sdelay $0x4  }
0x346: {  	[tilespmem:s0+$0x84F0] =	vst v1  }
0x347: {  	v1 =	vld [tilespmem:$0x18580];
	_ =	sdelay $0x4  }
0x348: {  	[tilespmem:s0+$0x8880] =	vst v1  }
0x349: {  	v1 =	vld [tilespmem:$0x18590];
	_ =	sdelay $0x4  }
0x34a: {  	[tilespmem:s0+$0x8890] =	vst v1  }
0x34b: {  	v1 =	vld [tilespmem:$0x185A0];
	_ =	sdelay $0x4  }
0x34c: {  	[tilespmem:s0+$0x88A0] =	vst v1  }
0x34d: {  	v1 =	vld [tilespmem:$0x185B0];
	_ =	sdelay $0x4  }
0x34e: {  	[tilespmem:s0+$0x88B0] =	vst v1  }
0x34f: {  	v1 =	vld [tilespmem:$0x185C0];
	_ =	sdelay $0x4  }
0x350: {  	[tilespmem:s0+$0x88C0] =	vst v1  }
0x351: {  	v1 =	vld [tilespmem:$0x185D0];
	_ =	sdelay $0x4  }
0x352: {  	[tilespmem:s0+$0x88D0] =	vst v1  }
0x353: {  	v1 =	vld [tilespmem:$0x185E0];
	_ =	sdelay $0x4  }
0x354: {  	[tilespmem:s0+$0x88E0] =	vst v1  }
0x355: {  	v1 =	vld [tilespmem:$0x185F0];
	_ =	sdelay $0x4  }
0x356: {  	[tilespmem:s0+$0x88F0] =	vst v1  }
0x357: {  	v1 =	vld [tilespmem:$0x18780];
	_ =	sdelay $0x4  }
0x358: {  	[tilespmem:s0+$0x8C80] =	vst v1  }
0x359: {  	v1 =	vld [tilespmem:$0x18790];
	_ =	sdelay $0x4  }
0x35a: {  	[tilespmem:s0+$0x8C90] =	vst v1  }
0x35b: {  	v1 =	vld [tilespmem:$0x187A0];
	_ =	sdelay $0x4  }
0x35c: {  	[tilespmem:s0+$0x8CA0] =	vst v1  }
0x35d: {  	v1 =	vld [tilespmem:$0x187B0];
	_ =	sdelay $0x4  }
0x35e: {  	[tilespmem:s0+$0x8CB0] =	vst v1  }
0x35f: {  	v1 =	vld [tilespmem:$0x187C0];
	_ =	sdelay $0x4  }
0x360: {  	[tilespmem:s0+$0x8CC0] =	vst v1  }
0x361: {  	v1 =	vld [tilespmem:$0x187D0];
	_ =	sdelay $0x4  }
0x362: {  	[tilespmem:s0+$0x8CD0] =	vst v1  }
0x363: {  	v1 =	vld [tilespmem:$0x187E0];
	_ =	sdelay $0x4  }
0x364: {  	[tilespmem:s0+$0x8CE0] =	vst v1  }
0x365: {  	v1 =	vld [tilespmem:$0x187F0];
	_ =	sdelay $0x4  }
0x366: {  	s31 =	sadd.s32 $0x0, s19;
	[tilespmem:s0+$0x8CF0] =	vst v1  }
0x367: {  	[hbm4b:s31+s5] =	stream.linear.scatter [tilespmem:s21], [sflag:$0x2], $0x10000, $0x38;
	[tilespmem:$0x18880] =	vst v63  }
0x368: {  	_ =	swait.ge [sflag:s20], $0x10000  }
0x369: {  	s0 =	simm.s32 $0x2000;
	[sflag:s20] =	ssyncset.done $0x0  }
.LBB2_16:
0x36a: {  	s3 =	sadd.s32 s0, s19;
	[sflag:s20] =	ssyncadd.s32 $0xFFFF0000;
	p1 =	sne.s32 s0, $0x3E000  }
0x36b: {  	[hbm4b:s3+s5] =	stream.linear.scatter [tilespmem:s21], [sflag:$0x2], $0x10000, $0x38;
	[tilespmem:$0x18880] =	vst v63  }
.Ltmp9:
0x36c: {  	_ = 	snop;
	(pc) =	sbr.rel @p1 .LBB2_16-.Ltmp9, $4  }
0x36d: {  	_ = 	snop  }
0x36e: {  	s0 =	sadd.s32 $0x2000, s0  }
0x36f: {  	_ =	swait.ge [sflag:s20], $0x10000  }
0x370: {  	[sflag:s20] =	ssyncset.done $0x0  }
0x371: {  	[sflag:s20] =	ssyncadd.s32 $0xFFFF0000  }
.LBB2_18:
0x372: {  	s30 =	simm.s32 $0x0;
	s31 =	simm.s32 $0x0  }
.LBB2_19:
0x373: {  	s0 =	sshll.u32 s31, $0x3  }
0x374: {  	v1 =	vld.msk [tilespmem:s0+$0x0], $0xff;
	_ =	sdelay $0x4  }
0x375: {  	v1 =	vshll.u32 v1, $0xB  }
0x376: {  	v1 =	vperm.xlane v1, v0;
	_ =	sdelay $0x5  }
0x377: {  	[tilespmem:s22], [sflag:$0x1] =	stream.indirect_vreg.gather [hbm4b:s1+s30], $0x800, v1, vm0, $0x38;
	[tilespmem:$0x18880] =	vst v63  }
0x378: {  	_ =	swait.ge [sflag:s23], $0x4000  }
0x379: {  	s3 =	simm.s32 $0x0;
	[sflag:s23] =	ssyncset.done $0x0  }
0x37a: {  	s8 =	sand.u32 $0x3FFFF800, s3;
	[sflag:s23] =	ssyncadd.s32 $0xFFFFC000  }
0x37b: {  	v1 =	vld [tilespmem:s8+$0x80];
	_ =	sdelay $0x2  }
0x37c: {  	s16 =	simm.s32 $0x0  }
0x37d: {  	s3 =	sand.u32 $0x3FFFFF80, s16  }
0x37e: {  	[tilespmem:s3+$0x4080] =	vst v1  }
0x37f: {  	v1 =	vld [tilespmem:s8+$0x90];
	_ =	sdelay $0x4  }
0x380: {  	[tilespmem:s3+$0x4090] =	vst v1  }
0x381: {  	v1 =	vld [tilespmem:s8+$0xA0];
	_ =	sdelay $0x4  }
0x382: {  	[tilespmem:s3+$0x40A0] =	vst v1  }
0x383: {  	v1 =	vld [tilespmem:s8+$0xB0];
	_ =	sdelay $0x4  }
0x384: {  	[tilespmem:s3+$0x40B0] =	vst v1  }
0x385: {  	v1 =	vld [tilespmem:s8+$0xC0];
	_ =	sdelay $0x4  }
0x386: {  	[tilespmem:s3+$0x40C0] =	vst v1  }
0x387: {  	v1 =	vld [tilespmem:s8+$0xD0];
	_ =	sdelay $0x4  }
0x388: {  	[tilespmem:s3+$0x40D0] =	vst v1  }
0x389: {  	v1 =	vld [tilespmem:s8+$0xE0];
	_ =	sdelay $0x4  }
0x38a: {  	[tilespmem:s3+$0x40E0] =	vst v1  }
0x38b: {  	v1 =	vld [tilespmem:s8+$0xF0];
	_ =	sdelay $0x4  }
0x38c: {  	[tilespmem:s3+$0x40F0] =	vst v1  }
0x38d: {  	v1 =	vld [tilespmem:s8+$0x280];
	_ =	sdelay $0x4  }
0x38e: {  	[tilespmem:s3+$0x4480] =	vst v1  }
0x38f: {  	v1 =	vld [tilespmem:s8+$0x290];
	_ =	sdelay $0x4  }
0x390: {  	[tilespmem:s3+$0x4490] =	vst v1  }
0x391: {  	v1 =	vld [tilespmem:s8+$0x2A0];
	_ =	sdelay $0x4  }
0x392: {  	[tilespmem:s3+$0x44A0] =	vst v1  }
0x393: {  	v1 =	vld [tilespmem:s8+$0x2B0];
	_ =	sdelay $0x4  }
0x394: {  	[tilespmem:s3+$0x44B0] =	vst v1  }
0x395: {  	v1 =	vld [tilespmem:s8+$0x2C0];
	_ =	sdelay $0x4  }
0x396: {  	[tilespmem:s3+$0x44C0] =	vst v1  }
0x397: {  	v1 =	vld [tilespmem:s8+$0x2D0];
	_ =	sdelay $0x4  }
0x398: {  	[tilespmem:s3+$0x44D0] =	vst v1  }
0x399: {  	v1 =	vld [tilespmem:s8+$0x2E0];
	_ =	sdelay $0x4  }
0x39a: {  	[tilespmem:s3+$0x44E0] =	vst v1  }
0x39b: {  	v1 =	vld [tilespmem:s8+$0x2F0];
	_ =	sdelay $0x4  }
0x39c: {  	[tilespmem:s3+$0x44F0] =	vst v1  }
0x39d: {  	v1 =	vld [tilespmem:s8+$0x480];
	_ =	sdelay $0x4  }
0x39e: {  	[tilespmem:s3+$0x4880] =	vst v1  }
0x39f: {  	v1 =	vld [tilespmem:s8+$0x490];
	_ =	sdelay $0x4  }
0x3a0: {  	[tilespmem:s3+$0x4890] =	vst v1  }
0x3a1: {  	v1 =	vld [tilespmem:s8+$0x4A0];
	_ =	sdelay $0x4  }
0x3a2: {  	[tilespmem:s3+$0x48A0] =	vst v1  }
0x3a3: {  	v1 =	vld [tilespmem:s8+$0x4B0];
	_ =	sdelay $0x4  }
0x3a4: {  	[tilespmem:s3+$0x48B0] =	vst v1  }
0x3a5: {  	v1 =	vld [tilespmem:s8+$0x4C0];
	_ =	sdelay $0x4  }
0x3a6: {  	[tilespmem:s3+$0x48C0] =	vst v1  }
0x3a7: {  	v1 =	vld [tilespmem:s8+$0x4D0];
	_ =	sdelay $0x4  }
0x3a8: {  	[tilespmem:s3+$0x48D0] =	vst v1  }
0x3a9: {  	v1 =	vld [tilespmem:s8+$0x4E0];
	_ =	sdelay $0x4  }
0x3aa: {  	[tilespmem:s3+$0x48E0] =	vst v1  }
0x3ab: {  	v1 =	vld [tilespmem:s8+$0x4F0];
	_ =	sdelay $0x4  }
0x3ac: {  	[tilespmem:s3+$0x48F0] =	vst v1  }
0x3ad: {  	v1 =	vld [tilespmem:s8+$0x680];
	_ =	sdelay $0x4  }
0x3ae: {  	[tilespmem:s3+$0x4C80] =	vst v1  }
0x3af: {  	v1 =	vld [tilespmem:s8+$0x690];
	_ =	sdelay $0x4  }
0x3b0: {  	[tilespmem:s3+$0x4C90] =	vst v1  }
0x3b1: {  	v1 =	vld [tilespmem:s8+$0x6A0];
	_ =	sdelay $0x4  }
0x3b2: {  	[tilespmem:s3+$0x4CA0] =	vst v1  }
0x3b3: {  	v1 =	vld [tilespmem:s8+$0x6B0];
	_ =	sdelay $0x4  }
0x3b4: {  	[tilespmem:s3+$0x4CB0] =	vst v1  }
0x3b5: {  	v1 =	vld [tilespmem:s8+$0x6C0];
	_ =	sdelay $0x4  }
0x3b6: {  	[tilespmem:s3+$0x4CC0] =	vst v1  }
0x3b7: {  	v1 =	vld [tilespmem:s8+$0x6D0];
	_ =	sdelay $0x4  }
0x3b8: {  	[tilespmem:s3+$0x4CD0] =	vst v1  }
0x3b9: {  	v1 =	vld [tilespmem:s8+$0x6E0];
	_ =	sdelay $0x4  }
0x3ba: {  	[tilespmem:s3+$0x4CE0] =	vst v1  }
0x3bb: {  	v1 =	vld [tilespmem:s8+$0x6F0];
	_ =	sdelay $0x4  }
0x3bc: {  	[tilespmem:s3+$0x4CF0] =	vst v1  }
0x3bd: {  	v1 =	vld [tilespmem:s8+$0x100];
	_ =	sdelay $0x4  }
0x3be: {  	[tilespmem:s3+$0x5080] =	vst v1  }
0x3bf: {  	v1 =	vld [tilespmem:s8+$0x110];
	_ =	sdelay $0x4  }
0x3c0: {  	[tilespmem:s3+$0x5090] =	vst v1  }
0x3c1: {  	v1 =	vld [tilespmem:s8+$0x120];
	_ =	sdelay $0x4  }
0x3c2: {  	[tilespmem:s3+$0x50A0] =	vst v1  }
0x3c3: {  	v1 =	vld [tilespmem:s8+$0x130];
	_ =	sdelay $0x4  }
0x3c4: {  	[tilespmem:s3+$0x50B0] =	vst v1  }
0x3c5: {  	v1 =	vld [tilespmem:s8+$0x140];
	_ =	sdelay $0x4  }
0x3c6: {  	[tilespmem:s3+$0x50C0] =	vst v1  }
0x3c7: {  	v1 =	vld [tilespmem:s8+$0x150];
	_ =	sdelay $0x4  }
0x3c8: {  	[tilespmem:s3+$0x50D0] =	vst v1  }
0x3c9: {  	v1 =	vld [tilespmem:s8+$0x160];
	_ =	sdelay $0x4  }
0x3ca: {  	[tilespmem:s3+$0x50E0] =	vst v1  }
0x3cb: {  	v1 =	vld [tilespmem:s8+$0x170];
	_ =	sdelay $0x4  }
0x3cc: {  	[tilespmem:s3+$0x50F0] =	vst v1  }
0x3cd: {  	v1 =	vld [tilespmem:s8+$0x300];
	_ =	sdelay $0x4  }
0x3ce: {  	[tilespmem:s3+$0x5480] =	vst v1  }
0x3cf: {  	v1 =	vld [tilespmem:s8+$0x310];
	_ =	sdelay $0x4  }
0x3d0: {  	[tilespmem:s3+$0x5490] =	vst v1  }
0x3d1: {  	v1 =	vld [tilespmem:s8+$0x320];
	_ =	sdelay $0x4  }
0x3d2: {  	[tilespmem:s3+$0x54A0] =	vst v1  }
0x3d3: {  	v1 =	vld [tilespmem:s8+$0x330];
	_ =	sdelay $0x4  }
0x3d4: {  	[tilespmem:s3+$0x54B0] =	vst v1  }
0x3d5: {  	v1 =	vld [tilespmem:s8+$0x340];
	_ =	sdelay $0x4  }
0x3d6: {  	[tilespmem:s3+$0x54C0] =	vst v1  }
0x3d7: {  	v1 =	vld [tilespmem:s8+$0x350];
	_ =	sdelay $0x4  }
0x3d8: {  	[tilespmem:s3+$0x54D0] =	vst v1  }
0x3d9: {  	v1 =	vld [tilespmem:s8+$0x360];
	_ =	sdelay $0x4  }
0x3da: {  	[tilespmem:s3+$0x54E0] =	vst v1  }
0x3db: {  	v1 =	vld [tilespmem:s8+$0x370];
	_ =	sdelay $0x4  }
0x3dc: {  	[tilespmem:s3+$0x54F0] =	vst v1  }
0x3dd: {  	v1 =	vld [tilespmem:s8+$0x500];
	_ =	sdelay $0x4  }
0x3de: {  	[tilespmem:s3+$0x5880] =	vst v1  }
0x3df: {  	v1 =	vld [tilespmem:s8+$0x510];
	_ =	sdelay $0x4  }
0x3e0: {  	[tilespmem:s3+$0x5890] =	vst v1  }
0x3e1: {  	v1 =	vld [tilespmem:s8+$0x520];
	_ =	sdelay $0x4  }
0x3e2: {  	[tilespmem:s3+$0x58A0] =	vst v1  }
0x3e3: {  	v1 =	vld [tilespmem:s8+$0x530];
	_ =	sdelay $0x4  }
0x3e4: {  	[tilespmem:s3+$0x58B0] =	vst v1  }
0x3e5: {  	v1 =	vld [tilespmem:s8+$0x540];
	_ =	sdelay $0x4  }
0x3e6: {  	[tilespmem:s3+$0x58C0] =	vst v1  }
0x3e7: {  	v1 =	vld [tilespmem:s8+$0x550];
	_ =	sdelay $0x4  }
0x3e8: {  	[tilespmem:s3+$0x58D0] =	vst v1  }
0x3e9: {  	v1 =	vld [tilespmem:s8+$0x560];
	_ =	sdelay $0x4  }
0x3ea: {  	[tilespmem:s3+$0x58E0] =	vst v1  }
0x3eb: {  	v1 =	vld [tilespmem:s8+$0x570];
	_ =	sdelay $0x4  }
0x3ec: {  	[tilespmem:s3+$0x58F0] =	vst v1  }
0x3ed: {  	v1 =	vld [tilespmem:s8+$0x700];
	_ =	sdelay $0x4  }
0x3ee: {  	[tilespmem:s3+$0x5C80] =	vst v1  }
0x3ef: {  	v1 =	vld [tilespmem:s8+$0x710];
	_ =	sdelay $0x4  }
0x3f0: {  	[tilespmem:s3+$0x5C90] =	vst v1  }
0x3f1: {  	v1 =	vld [tilespmem:s8+$0x720];
	_ =	sdelay $0x4  }
0x3f2: {  	[tilespmem:s3+$0x5CA0] =	vst v1  }
0x3f3: {  	v1 =	vld [tilespmem:s8+$0x730];
	_ =	sdelay $0x4  }
0x3f4: {  	[tilespmem:s3+$0x5CB0] =	vst v1  }
0x3f5: {  	v1 =	vld [tilespmem:s8+$0x740];
	_ =	sdelay $0x4  }
0x3f6: {  	[tilespmem:s3+$0x5CC0] =	vst v1  }
0x3f7: {  	v1 =	vld [tilespmem:s8+$0x750];
	_ =	sdelay $0x4  }
0x3f8: {  	[tilespmem:s3+$0x5CD0] =	vst v1  }
0x3f9: {  	v1 =	vld [tilespmem:s8+$0x760];
	_ =	sdelay $0x4  }
0x3fa: {  	[tilespmem:s3+$0x5CE0] =	vst v1  }
0x3fb: {  	v1 =	vld [tilespmem:s8+$0x770];
	_ =	sdelay $0x4  }
0x3fc: {  	[tilespmem:s3+$0x5CF0] =	vst v1  }
0x3fd: {  	v1 =	vld [tilespmem:s8+$0x180];
	_ =	sdelay $0x4  }
0x3fe: {  	[tilespmem:s3+$0x6080] =	vst v1  }
0x3ff: {  	v1 =	vld [tilespmem:s8+$0x190];
	_ =	sdelay $0x4  }
0x400: {  	[tilespmem:s3+$0x6090] =	vst v1  }
0x401: {  	v1 =	vld [tilespmem:s8+$0x1A0];
	_ =	sdelay $0x4  }
0x402: {  	[tilespmem:s3+$0x60A0] =	vst v1  }
0x403: {  	v1 =	vld [tilespmem:s8+$0x1B0];
	_ =	sdelay $0x4  }
0x404: {  	[tilespmem:s3+$0x60B0] =	vst v1  }
0x405: {  	v1 =	vld [tilespmem:s8+$0x1C0];
	_ =	sdelay $0x4  }
0x406: {  	[tilespmem:s3+$0x60C0] =	vst v1  }
0x407: {  	v1 =	vld [tilespmem:s8+$0x1D0];
	_ =	sdelay $0x4  }
0x408: {  	[tilespmem:s3+$0x60D0] =	vst v1  }
0x409: {  	v1 =	vld [tilespmem:s8+$0x1E0];
	_ =	sdelay $0x4  }
0x40a: {  	[tilespmem:s3+$0x60E0] =	vst v1  }
0x40b: {  	v1 =	vld [tilespmem:s8+$0x1F0];
	_ =	sdelay $0x4  }
0x40c: {  	[tilespmem:s3+$0x60F0] =	vst v1  }
0x40d: {  	v1 =	vld [tilespmem:s8+$0x380];
	_ =	sdelay $0x4  }
0x40e: {  	[tilespmem:s3+$0x6480] =	vst v1  }
0x40f: {  	v1 =	vld [tilespmem:s8+$0x390];
	_ =	sdelay $0x4  }
0x410: {  	[tilespmem:s3+$0x6490] =	vst v1  }
0x411: {  	v1 =	vld [tilespmem:s8+$0x3A0];
	_ =	sdelay $0x4  }
0x412: {  	[tilespmem:s3+$0x64A0] =	vst v1  }
0x413: {  	v1 =	vld [tilespmem:s8+$0x3B0];
	_ =	sdelay $0x4  }
0x414: {  	[tilespmem:s3+$0x64B0] =	vst v1  }
0x415: {  	v1 =	vld [tilespmem:s8+$0x3C0];
	_ =	sdelay $0x4  }
0x416: {  	[tilespmem:s3+$0x64C0] =	vst v1  }
0x417: {  	v1 =	vld [tilespmem:s8+$0x3D0];
	_ =	sdelay $0x4  }
0x418: {  	[tilespmem:s3+$0x64D0] =	vst v1  }
0x419: {  	v1 =	vld [tilespmem:s8+$0x3E0];
	_ =	sdelay $0x4  }
0x41a: {  	[tilespmem:s3+$0x64E0] =	vst v1  }
0x41b: {  	v1 =	vld [tilespmem:s8+$0x3F0];
	_ =	sdelay $0x4  }
0x41c: {  	[tilespmem:s3+$0x64F0] =	vst v1  }
0x41d: {  	v1 =	vld [tilespmem:s8+$0x580];
	_ =	sdelay $0x4  }
0x41e: {  	[tilespmem:s3+$0x6880] =	vst v1  }
0x41f: {  	v1 =	vld [tilespmem:s8+$0x590];
	_ =	sdelay $0x4  }
0x420: {  	[tilespmem:s3+$0x6890] =	vst v1  }
0x421: {  	v1 =	vld [tilespmem:s8+$0x5A0];
	_ =	sdelay $0x4  }
0x422: {  	[tilespmem:s3+$0x68A0] =	vst v1  }
0x423: {  	v1 =	vld [tilespmem:s8+$0x5B0];
	_ =	sdelay $0x4  }
0x424: {  	[tilespmem:s3+$0x68B0] =	vst v1  }
0x425: {  	v1 =	vld [tilespmem:s8+$0x5C0];
	_ =	sdelay $0x4  }
0x426: {  	[tilespmem:s3+$0x68C0] =	vst v1  }
0x427: {  	v1 =	vld [tilespmem:s8+$0x5D0];
	_ =	sdelay $0x4  }
0x428: {  	[tilespmem:s3+$0x68D0] =	vst v1  }
0x429: {  	v1 =	vld [tilespmem:s8+$0x5E0];
	_ =	sdelay $0x4  }
0x42a: {  	[tilespmem:s3+$0x68E0] =	vst v1  }
0x42b: {  	v1 =	vld [tilespmem:s8+$0x5F0];
	_ =	sdelay $0x4  }
0x42c: {  	[tilespmem:s3+$0x68F0] =	vst v1  }
0x42d: {  	v1 =	vld [tilespmem:s8+$0x780];
	_ =	sdelay $0x4  }
0x42e: {  	[tilespmem:s3+$0x6C80] =	vst v1  }
0x42f: {  	v1 =	vld [tilespmem:s8+$0x790];
	_ =	sdelay $0x4  }
0x430: {  	[tilespmem:s3+$0x6C90] =	vst v1  }
0x431: {  	v1 =	vld [tilespmem:s8+$0x7A0];
	_ =	sdelay $0x4  }
0x432: {  	[tilespmem:s3+$0x6CA0] =	vst v1  }
0x433: {  	v1 =	vld [tilespmem:s8+$0x7B0];
	_ =	sdelay $0x4  }
0x434: {  	[tilespmem:s3+$0x6CB0] =	vst v1  }
0x435: {  	v1 =	vld [tilespmem:s8+$0x7C0];
	_ =	sdelay $0x4  }
0x436: {  	[tilespmem:s3+$0x6CC0] =	vst v1  }
0x437: {  	v1 =	vld [tilespmem:s8+$0x7D0];
	_ =	sdelay $0x4  }
0x438: {  	[tilespmem:s3+$0x6CD0] =	vst v1  }
0x439: {  	v1 =	vld [tilespmem:s8+$0x7E0];
	_ =	sdelay $0x4  }
0x43a: {  	[tilespmem:s3+$0x6CE0] =	vst v1  }
0x43b: {  	v1 =	vld [tilespmem:s8+$0x7F0];
	_ =	sdelay $0x4  }
0x43c: {  	[tilespmem:s3+$0x6CF0] =	vst v1  }
0x43d: {  	v1 =	vld [tilespmem:s8+$0x200];
	_ =	sdelay $0x4  }
0x43e: {  	[tilespmem:s3+$0x7080] =	vst v1  }
0x43f: {  	v1 =	vld [tilespmem:s8+$0x210];
	_ =	sdelay $0x4  }
0x440: {  	[tilespmem:s3+$0x7090] =	vst v1  }
0x441: {  	v1 =	vld [tilespmem:s8+$0x220];
	_ =	sdelay $0x4  }
0x442: {  	[tilespmem:s3+$0x70A0] =	vst v1  }
0x443: {  	v1 =	vld [tilespmem:s8+$0x230];
	_ =	sdelay $0x4  }
0x444: {  	[tilespmem:s3+$0x70B0] =	vst v1  }
0x445: {  	v1 =	vld [tilespmem:s8+$0x240];
	_ =	sdelay $0x4  }
0x446: {  	[tilespmem:s3+$0x70C0] =	vst v1  }
0x447: {  	v1 =	vld [tilespmem:s8+$0x250];
	_ =	sdelay $0x4  }
0x448: {  	[tilespmem:s3+$0x70D0] =	vst v1  }
0x449: {  	v1 =	vld [tilespmem:s8+$0x260];
	_ =	sdelay $0x4  }
0x44a: {  	[tilespmem:s3+$0x70E0] =	vst v1  }
0x44b: {  	v1 =	vld [tilespmem:s8+$0x270];
	_ =	sdelay $0x4  }
0x44c: {  	[tilespmem:s3+$0x70F0] =	vst v1  }
0x44d: {  	v1 =	vld [tilespmem:s8+$0x400];
	_ =	sdelay $0x4  }
0x44e: {  	[tilespmem:s3+$0x7480] =	vst v1  }
0x44f: {  	v1 =	vld [tilespmem:s8+$0x410];
	_ =	sdelay $0x4  }
0x450: {  	[tilespmem:s3+$0x7490] =	vst v1  }
0x451: {  	v1 =	vld [tilespmem:s8+$0x420];
	_ =	sdelay $0x4  }
0x452: {  	[tilespmem:s3+$0x74A0] =	vst v1  }
0x453: {  	v1 =	vld [tilespmem:s8+$0x430];
	_ =	sdelay $0x4  }
0x454: {  	[tilespmem:s3+$0x74B0] =	vst v1  }
0x455: {  	v1 =	vld [tilespmem:s8+$0x440];
	_ =	sdelay $0x4  }
0x456: {  	[tilespmem:s3+$0x74C0] =	vst v1  }
0x457: {  	v1 =	vld [tilespmem:s8+$0x450];
	_ =	sdelay $0x4  }
0x458: {  	[tilespmem:s3+$0x74D0] =	vst v1  }
0x459: {  	v1 =	vld [tilespmem:s8+$0x460];
	_ =	sdelay $0x4  }
0x45a: {  	[tilespmem:s3+$0x74E0] =	vst v1  }
0x45b: {  	v1 =	vld [tilespmem:s8+$0x470];
	_ =	sdelay $0x4  }
0x45c: {  	[tilespmem:s3+$0x74F0] =	vst v1  }
0x45d: {  	v1 =	vld [tilespmem:s8+$0x600];
	_ =	sdelay $0x4  }
0x45e: {  	[tilespmem:s3+$0x7880] =	vst v1  }
0x45f: {  	v1 =	vld [tilespmem:s8+$0x610];
	_ =	sdelay $0x4  }
0x460: {  	[tilespmem:s3+$0x7890] =	vst v1  }
0x461: {  	v1 =	vld [tilespmem:s8+$0x620];
	_ =	sdelay $0x4  }
0x462: {  	[tilespmem:s3+$0x78A0] =	vst v1  }
0x463: {  	v1 =	vld [tilespmem:s8+$0x630];
	_ =	sdelay $0x4  }
0x464: {  	[tilespmem:s3+$0x78B0] =	vst v1  }
0x465: {  	v1 =	vld [tilespmem:s8+$0x640];
	_ =	sdelay $0x4  }
0x466: {  	[tilespmem:s3+$0x78C0] =	vst v1  }
0x467: {  	v1 =	vld [tilespmem:s8+$0x650];
	_ =	sdelay $0x4  }
0x468: {  	[tilespmem:s3+$0x78D0] =	vst v1  }
0x469: {  	v1 =	vld [tilespmem:s8+$0x660];
	_ =	sdelay $0x4  }
0x46a: {  	[tilespmem:s3+$0x78E0] =	vst v1  }
0x46b: {  	v1 =	vld [tilespmem:s8+$0x670];
	_ =	sdelay $0x4  }
0x46c: {  	[tilespmem:s3+$0x78F0] =	vst v1  }
0x46d: {  	v1 =	vld [tilespmem:s8+$0x800];
	_ =	sdelay $0x4  }
0x46e: {  	[tilespmem:s3+$0x7C80] =	vst v1  }
0x46f: {  	v1 =	vld [tilespmem:s8+$0x810];
	_ =	sdelay $0x4  }
0x470: {  	[tilespmem:s3+$0x7C90] =	vst v1  }
0x471: {  	v1 =	vld [tilespmem:s8+$0x820];
	_ =	sdelay $0x4  }
0x472: {  	[tilespmem:s3+$0x7CA0] =	vst v1  }
0x473: {  	v1 =	vld [tilespmem:s8+$0x830];
	_ =	sdelay $0x4  }
0x474: {  	[tilespmem:s3+$0x7CB0] =	vst v1  }
0x475: {  	v1 =	vld [tilespmem:s8+$0x840];
	_ =	sdelay $0x4  }
0x476: {  	[tilespmem:s3+$0x7CC0] =	vst v1  }
0x477: {  	v1 =	vld [tilespmem:s8+$0x850];
	_ =	sdelay $0x4  }
0x478: {  	[tilespmem:s3+$0x7CD0] =	vst v1  }
0x479: {  	v1 =	vld [tilespmem:s8+$0x860];
	_ =	sdelay $0x4  }
0x47a: {  	[tilespmem:s3+$0x7CE0] =	vst v1  }
0x47b: {  	v1 =	vld [tilespmem:s8+$0x870];
	_ =	sdelay $0x3  }
0x47c: {  	s6 =	simm.s32 $0x1;
	s16 =	simm.s32 $0x800;
	s8 =	simm.s32 $0x2  }
.LBB2_20:
0x47d: {  	p1 =	sne.s32 s8, $0x7;
	s16 =	sand.u32 $0x3FFFF800, s16;
	[tilespmem:s3+$0x7CF0] =	vst v1  }
0x47e: {  	v1 =	vld [tilespmem:s16+$0x80];
	_ =	sdelay $0x2  }
0x47f: {  	s3 =	sshll.u32 s6, $0x7;
	s6 =	smov.u32 s8  }
0x480: {  	s3 =	sand.u32 $0x3FFFFF80, s3  }
0x481: {  	[tilespmem:s3+$0x4080] =	vst v1  }
0x482: {  	v1 =	vld [tilespmem:s16+$0x90];
	_ =	sdelay $0x4  }
0x483: {  	[tilespmem:s3+$0x4090] =	vst v1  }
0x484: {  	v1 =	vld [tilespmem:s16+$0xA0];
	_ =	sdelay $0x4  }
0x485: {  	[tilespmem:s3+$0x40A0] =	vst v1  }
0x486: {  	v1 =	vld [tilespmem:s16+$0xB0];
	_ =	sdelay $0x4  }
0x487: {  	[tilespmem:s3+$0x40B0] =	vst v1  }
0x488: {  	v1 =	vld [tilespmem:s16+$0xC0];
	_ =	sdelay $0x4  }
0x489: {  	[tilespmem:s3+$0x40C0] =	vst v1  }
0x48a: {  	v1 =	vld [tilespmem:s16+$0xD0];
	_ =	sdelay $0x4  }
0x48b: {  	[tilespmem:s3+$0x40D0] =	vst v1  }
0x48c: {  	v1 =	vld [tilespmem:s16+$0xE0];
	_ =	sdelay $0x4  }
0x48d: {  	[tilespmem:s3+$0x40E0] =	vst v1  }
0x48e: {  	v1 =	vld [tilespmem:s16+$0xF0];
	_ =	sdelay $0x4  }
0x48f: {  	[tilespmem:s3+$0x40F0] =	vst v1  }
0x490: {  	v1 =	vld [tilespmem:s16+$0x280];
	_ =	sdelay $0x4  }
0x491: {  	[tilespmem:s3+$0x4480] =	vst v1  }
0x492: {  	v1 =	vld [tilespmem:s16+$0x290];
	_ =	sdelay $0x4  }
0x493: {  	[tilespmem:s3+$0x4490] =	vst v1  }
0x494: {  	v1 =	vld [tilespmem:s16+$0x2A0];
	_ =	sdelay $0x4  }
0x495: {  	[tilespmem:s3+$0x44A0] =	vst v1  }
0x496: {  	v1 =	vld [tilespmem:s16+$0x2B0];
	_ =	sdelay $0x4  }
0x497: {  	[tilespmem:s3+$0x44B0] =	vst v1  }
0x498: {  	v1 =	vld [tilespmem:s16+$0x2C0];
	_ =	sdelay $0x4  }
0x499: {  	[tilespmem:s3+$0x44C0] =	vst v1  }
0x49a: {  	v1 =	vld [tilespmem:s16+$0x2D0];
	_ =	sdelay $0x4  }
0x49b: {  	[tilespmem:s3+$0x44D0] =	vst v1  }
0x49c: {  	v1 =	vld [tilespmem:s16+$0x2E0];
	_ =	sdelay $0x4  }
0x49d: {  	[tilespmem:s3+$0x44E0] =	vst v1  }
0x49e: {  	v1 =	vld [tilespmem:s16+$0x2F0];
	_ =	sdelay $0x4  }
0x49f: {  	[tilespmem:s3+$0x44F0] =	vst v1  }
0x4a0: {  	v1 =	vld [tilespmem:s16+$0x480];
	_ =	sdelay $0x4  }
0x4a1: {  	[tilespmem:s3+$0x4880] =	vst v1  }
0x4a2: {  	v1 =	vld [tilespmem:s16+$0x490];
	_ =	sdelay $0x4  }
0x4a3: {  	[tilespmem:s3+$0x4890] =	vst v1  }
0x4a4: {  	v1 =	vld [tilespmem:s16+$0x4A0];
	_ =	sdelay $0x4  }
0x4a5: {  	[tilespmem:s3+$0x48A0] =	vst v1  }
0x4a6: {  	v1 =	vld [tilespmem:s16+$0x4B0];
	_ =	sdelay $0x4  }
0x4a7: {  	[tilespmem:s3+$0x48B0] =	vst v1  }
0x4a8: {  	v1 =	vld [tilespmem:s16+$0x4C0];
	_ =	sdelay $0x4  }
0x4a9: {  	[tilespmem:s3+$0x48C0] =	vst v1  }
0x4aa: {  	v1 =	vld [tilespmem:s16+$0x4D0];
	_ =	sdelay $0x4  }
0x4ab: {  	[tilespmem:s3+$0x48D0] =	vst v1  }
0x4ac: {  	v1 =	vld [tilespmem:s16+$0x4E0];
	_ =	sdelay $0x4  }
0x4ad: {  	[tilespmem:s3+$0x48E0] =	vst v1  }
0x4ae: {  	v1 =	vld [tilespmem:s16+$0x4F0];
	_ =	sdelay $0x4  }
0x4af: {  	[tilespmem:s3+$0x48F0] =	vst v1  }
0x4b0: {  	v1 =	vld [tilespmem:s16+$0x680];
	_ =	sdelay $0x4  }
0x4b1: {  	[tilespmem:s3+$0x4C80] =	vst v1  }
0x4b2: {  	v1 =	vld [tilespmem:s16+$0x690];
	_ =	sdelay $0x4  }
0x4b3: {  	[tilespmem:s3+$0x4C90] =	vst v1  }
0x4b4: {  	v1 =	vld [tilespmem:s16+$0x6A0];
	_ =	sdelay $0x4  }
0x4b5: {  	[tilespmem:s3+$0x4CA0] =	vst v1  }
0x4b6: {  	v1 =	vld [tilespmem:s16+$0x6B0];
	_ =	sdelay $0x4  }
0x4b7: {  	[tilespmem:s3+$0x4CB0] =	vst v1  }
0x4b8: {  	v1 =	vld [tilespmem:s16+$0x6C0];
	_ =	sdelay $0x4  }
0x4b9: {  	[tilespmem:s3+$0x4CC0] =	vst v1  }
0x4ba: {  	v1 =	vld [tilespmem:s16+$0x6D0];
	_ =	sdelay $0x4  }
0x4bb: {  	[tilespmem:s3+$0x4CD0] =	vst v1  }
0x4bc: {  	v1 =	vld [tilespmem:s16+$0x6E0];
	_ =	sdelay $0x4  }
0x4bd: {  	[tilespmem:s3+$0x4CE0] =	vst v1  }
0x4be: {  	v1 =	vld [tilespmem:s16+$0x6F0];
	_ =	sdelay $0x4  }
0x4bf: {  	[tilespmem:s3+$0x4CF0] =	vst v1  }
0x4c0: {  	v1 =	vld [tilespmem:s16+$0x100];
	_ =	sdelay $0x4  }
0x4c1: {  	[tilespmem:s3+$0x5080] =	vst v1  }
0x4c2: {  	v1 =	vld [tilespmem:s16+$0x110];
	_ =	sdelay $0x4  }
0x4c3: {  	[tilespmem:s3+$0x5090] =	vst v1  }
0x4c4: {  	v1 =	vld [tilespmem:s16+$0x120];
	_ =	sdelay $0x4  }
0x4c5: {  	[tilespmem:s3+$0x50A0] =	vst v1  }
0x4c6: {  	v1 =	vld [tilespmem:s16+$0x130];
	_ =	sdelay $0x4  }
0x4c7: {  	[tilespmem:s3+$0x50B0] =	vst v1  }
0x4c8: {  	v1 =	vld [tilespmem:s16+$0x140];
	_ =	sdelay $0x4  }
0x4c9: {  	[tilespmem:s3+$0x50C0] =	vst v1  }
0x4ca: {  	v1 =	vld [tilespmem:s16+$0x150];
	_ =	sdelay $0x4  }
0x4cb: {  	[tilespmem:s3+$0x50D0] =	vst v1  }
0x4cc: {  	v1 =	vld [tilespmem:s16+$0x160];
	_ =	sdelay $0x4  }
0x4cd: {  	[tilespmem:s3+$0x50E0] =	vst v1  }
0x4ce: {  	v1 =	vld [tilespmem:s16+$0x170];
	_ =	sdelay $0x4  }
0x4cf: {  	[tilespmem:s3+$0x50F0] =	vst v1  }
0x4d0: {  	v1 =	vld [tilespmem:s16+$0x300];
	_ =	sdelay $0x4  }
0x4d1: {  	[tilespmem:s3+$0x5480] =	vst v1  }
0x4d2: {  	v1 =	vld [tilespmem:s16+$0x310];
	_ =	sdelay $0x4  }
0x4d3: {  	[tilespmem:s3+$0x5490] =	vst v1  }
0x4d4: {  	v1 =	vld [tilespmem:s16+$0x320];
	_ =	sdelay $0x4  }
0x4d5: {  	[tilespmem:s3+$0x54A0] =	vst v1  }
0x4d6: {  	v1 =	vld [tilespmem:s16+$0x330];
	_ =	sdelay $0x4  }
0x4d7: {  	[tilespmem:s3+$0x54B0] =	vst v1  }
0x4d8: {  	v1 =	vld [tilespmem:s16+$0x340];
	_ =	sdelay $0x4  }
0x4d9: {  	[tilespmem:s3+$0x54C0] =	vst v1  }
0x4da: {  	v1 =	vld [tilespmem:s16+$0x350];
	_ =	sdelay $0x4  }
0x4db: {  	[tilespmem:s3+$0x54D0] =	vst v1  }
0x4dc: {  	v1 =	vld [tilespmem:s16+$0x360];
	_ =	sdelay $0x4  }
0x4dd: {  	[tilespmem:s3+$0x54E0] =	vst v1  }
0x4de: {  	v1 =	vld [tilespmem:s16+$0x370];
	_ =	sdelay $0x4  }
0x4df: {  	[tilespmem:s3+$0x54F0] =	vst v1  }
0x4e0: {  	v1 =	vld [tilespmem:s16+$0x500];
	_ =	sdelay $0x4  }
0x4e1: {  	[tilespmem:s3+$0x5880] =	vst v1  }
0x4e2: {  	v1 =	vld [tilespmem:s16+$0x510];
	_ =	sdelay $0x4  }
0x4e3: {  	[tilespmem:s3+$0x5890] =	vst v1  }
0x4e4: {  	v1 =	vld [tilespmem:s16+$0x520];
	_ =	sdelay $0x4  }
0x4e5: {  	[tilespmem:s3+$0x58A0] =	vst v1  }
0x4e6: {  	v1 =	vld [tilespmem:s16+$0x530];
	_ =	sdelay $0x4  }
0x4e7: {  	[tilespmem:s3+$0x58B0] =	vst v1  }
0x4e8: {  	v1 =	vld [tilespmem:s16+$0x540];
	_ =	sdelay $0x4  }
0x4e9: {  	[tilespmem:s3+$0x58C0] =	vst v1  }
0x4ea: {  	v1 =	vld [tilespmem:s16+$0x550];
	_ =	sdelay $0x4  }
0x4eb: {  	[tilespmem:s3+$0x58D0] =	vst v1  }
0x4ec: {  	v1 =	vld [tilespmem:s16+$0x560];
	_ =	sdelay $0x4  }
0x4ed: {  	[tilespmem:s3+$0x58E0] =	vst v1  }
0x4ee: {  	v1 =	vld [tilespmem:s16+$0x570];
	_ =	sdelay $0x4  }
0x4ef: {  	[tilespmem:s3+$0x58F0] =	vst v1  }
0x4f0: {  	v1 =	vld [tilespmem:s16+$0x700];
	_ =	sdelay $0x4  }
0x4f1: {  	[tilespmem:s3+$0x5C80] =	vst v1  }
0x4f2: {  	v1 =	vld [tilespmem:s16+$0x710];
	_ =	sdelay $0x4  }
0x4f3: {  	[tilespmem:s3+$0x5C90] =	vst v1  }
0x4f4: {  	v1 =	vld [tilespmem:s16+$0x720];
	_ =	sdelay $0x4  }
0x4f5: {  	[tilespmem:s3+$0x5CA0] =	vst v1  }
0x4f6: {  	v1 =	vld [tilespmem:s16+$0x730];
	_ =	sdelay $0x4  }
0x4f7: {  	[tilespmem:s3+$0x5CB0] =	vst v1  }
0x4f8: {  	v1 =	vld [tilespmem:s16+$0x740];
	_ =	sdelay $0x4  }
0x4f9: {  	[tilespmem:s3+$0x5CC0] =	vst v1  }
0x4fa: {  	v1 =	vld [tilespmem:s16+$0x750];
	_ =	sdelay $0x4  }
0x4fb: {  	[tilespmem:s3+$0x5CD0] =	vst v1  }
0x4fc: {  	v1 =	vld [tilespmem:s16+$0x760];
	_ =	sdelay $0x4  }
0x4fd: {  	[tilespmem:s3+$0x5CE0] =	vst v1  }
0x4fe: {  	v1 =	vld [tilespmem:s16+$0x770];
	_ =	sdelay $0x4  }
0x4ff: {  	[tilespmem:s3+$0x5CF0] =	vst v1  }
0x500: {  	v1 =	vld [tilespmem:s16+$0x180];
	_ =	sdelay $0x4  }
0x501: {  	[tilespmem:s3+$0x6080] =	vst v1  }
0x502: {  	v1 =	vld [tilespmem:s16+$0x190];
	_ =	sdelay $0x4  }
0x503: {  	[tilespmem:s3+$0x6090] =	vst v1  }
0x504: {  	v1 =	vld [tilespmem:s16+$0x1A0];
	_ =	sdelay $0x4  }
0x505: {  	[tilespmem:s3+$0x60A0] =	vst v1  }
0x506: {  	v1 =	vld [tilespmem:s16+$0x1B0];
	_ =	sdelay $0x4  }
0x507: {  	[tilespmem:s3+$0x60B0] =	vst v1  }
0x508: {  	v1 =	vld [tilespmem:s16+$0x1C0];
	_ =	sdelay $0x4  }
0x509: {  	[tilespmem:s3+$0x60C0] =	vst v1  }
0x50a: {  	v1 =	vld [tilespmem:s16+$0x1D0];
	_ =	sdelay $0x4  }
0x50b: {  	[tilespmem:s3+$0x60D0] =	vst v1  }
0x50c: {  	v1 =	vld [tilespmem:s16+$0x1E0];
	_ =	sdelay $0x4  }
0x50d: {  	[tilespmem:s3+$0x60E0] =	vst v1  }
0x50e: {  	v1 =	vld [tilespmem:s16+$0x1F0];
	_ =	sdelay $0x4  }
0x50f: {  	[tilespmem:s3+$0x60F0] =	vst v1  }
0x510: {  	v1 =	vld [tilespmem:s16+$0x380];
	_ =	sdelay $0x4  }
0x511: {  	[tilespmem:s3+$0x6480] =	vst v1  }
0x512: {  	v1 =	vld [tilespmem:s16+$0x390];
	_ =	sdelay $0x4  }
0x513: {  	[tilespmem:s3+$0x6490] =	vst v1  }
0x514: {  	v1 =	vld [tilespmem:s16+$0x3A0];
	_ =	sdelay $0x4  }
0x515: {  	[tilespmem:s3+$0x64A0] =	vst v1  }
0x516: {  	v1 =	vld [tilespmem:s16+$0x3B0];
	_ =	sdelay $0x4  }
0x517: {  	[tilespmem:s3+$0x64B0] =	vst v1  }
0x518: {  	v1 =	vld [tilespmem:s16+$0x3C0];
	_ =	sdelay $0x4  }
0x519: {  	[tilespmem:s3+$0x64C0] =	vst v1  }
0x51a: {  	v1 =	vld [tilespmem:s16+$0x3D0];
	_ =	sdelay $0x4  }
0x51b: {  	[tilespmem:s3+$0x64D0] =	vst v1  }
0x51c: {  	v1 =	vld [tilespmem:s16+$0x3E0];
	_ =	sdelay $0x4  }
0x51d: {  	[tilespmem:s3+$0x64E0] =	vst v1  }
0x51e: {  	v1 =	vld [tilespmem:s16+$0x3F0];
	_ =	sdelay $0x4  }
0x51f: {  	[tilespmem:s3+$0x64F0] =	vst v1  }
0x520: {  	v1 =	vld [tilespmem:s16+$0x580];
	_ =	sdelay $0x4  }
0x521: {  	[tilespmem:s3+$0x6880] =	vst v1  }
0x522: {  	v1 =	vld [tilespmem:s16+$0x590];
	_ =	sdelay $0x4  }
0x523: {  	[tilespmem:s3+$0x6890] =	vst v1  }
0x524: {  	v1 =	vld [tilespmem:s16+$0x5A0];
	_ =	sdelay $0x4  }
0x525: {  	[tilespmem:s3+$0x68A0] =	vst v1  }
0x526: {  	v1 =	vld [tilespmem:s16+$0x5B0];
	_ =	sdelay $0x4  }
0x527: {  	[tilespmem:s3+$0x68B0] =	vst v1  }
0x528: {  	v1 =	vld [tilespmem:s16+$0x5C0];
	_ =	sdelay $0x4  }
0x529: {  	[tilespmem:s3+$0x68C0] =	vst v1  }
0x52a: {  	v1 =	vld [tilespmem:s16+$0x5D0];
	_ =	sdelay $0x4  }
0x52b: {  	[tilespmem:s3+$0x68D0] =	vst v1  }
0x52c: {  	v1 =	vld [tilespmem:s16+$0x5E0];
	_ =	sdelay $0x4  }
0x52d: {  	[tilespmem:s3+$0x68E0] =	vst v1  }
0x52e: {  	v1 =	vld [tilespmem:s16+$0x5F0];
	_ =	sdelay $0x4  }
0x52f: {  	[tilespmem:s3+$0x68F0] =	vst v1  }
0x530: {  	v1 =	vld [tilespmem:s16+$0x780];
	_ =	sdelay $0x4  }
0x531: {  	[tilespmem:s3+$0x6C80] =	vst v1  }
0x532: {  	v1 =	vld [tilespmem:s16+$0x790];
	_ =	sdelay $0x4  }
0x533: {  	[tilespmem:s3+$0x6C90] =	vst v1  }
0x534: {  	v1 =	vld [tilespmem:s16+$0x7A0];
	_ =	sdelay $0x4  }
0x535: {  	[tilespmem:s3+$0x6CA0] =	vst v1  }
0x536: {  	v1 =	vld [tilespmem:s16+$0x7B0];
	_ =	sdelay $0x4  }
0x537: {  	[tilespmem:s3+$0x6CB0] =	vst v1  }
0x538: {  	v1 =	vld [tilespmem:s16+$0x7C0];
	_ =	sdelay $0x4  }
0x539: {  	[tilespmem:s3+$0x6CC0] =	vst v1  }
0x53a: {  	v1 =	vld [tilespmem:s16+$0x7D0];
	_ =	sdelay $0x4  }
0x53b: {  	[tilespmem:s3+$0x6CD0] =	vst v1  }
0x53c: {  	v1 =	vld [tilespmem:s16+$0x7E0];
	_ =	sdelay $0x4  }
0x53d: {  	[tilespmem:s3+$0x6CE0] =	vst v1  }
0x53e: {  	v1 =	vld [tilespmem:s16+$0x7F0];
	_ =	sdelay $0x4  }
0x53f: {  	[tilespmem:s3+$0x6CF0] =	vst v1  }
0x540: {  	v1 =	vld [tilespmem:s16+$0x200];
	_ =	sdelay $0x4  }
0x541: {  	[tilespmem:s3+$0x7080] =	vst v1  }
0x542: {  	v1 =	vld [tilespmem:s16+$0x210];
	_ =	sdelay $0x4  }
0x543: {  	[tilespmem:s3+$0x7090] =	vst v1  }
0x544: {  	v1 =	vld [tilespmem:s16+$0x220];
	_ =	sdelay $0x4  }
0x545: {  	[tilespmem:s3+$0x70A0] =	vst v1  }
0x546: {  	v1 =	vld [tilespmem:s16+$0x230];
	_ =	sdelay $0x4  }
0x547: {  	[tilespmem:s3+$0x70B0] =	vst v1  }
0x548: {  	v1 =	vld [tilespmem:s16+$0x240];
	_ =	sdelay $0x4  }
0x549: {  	[tilespmem:s3+$0x70C0] =	vst v1  }
0x54a: {  	v1 =	vld [tilespmem:s16+$0x250];
	_ =	sdelay $0x4  }
0x54b: {  	[tilespmem:s3+$0x70D0] =	vst v1  }
0x54c: {  	v1 =	vld [tilespmem:s16+$0x260];
	_ =	sdelay $0x4  }
0x54d: {  	[tilespmem:s3+$0x70E0] =	vst v1  }
0x54e: {  	v1 =	vld [tilespmem:s16+$0x270];
	_ =	sdelay $0x4  }
0x54f: {  	[tilespmem:s3+$0x70F0] =	vst v1  }
0x550: {  	v1 =	vld [tilespmem:s16+$0x400];
	_ =	sdelay $0x4  }
0x551: {  	[tilespmem:s3+$0x7480] =	vst v1  }
0x552: {  	v1 =	vld [tilespmem:s16+$0x410];
	_ =	sdelay $0x4  }
0x553: {  	[tilespmem:s3+$0x7490] =	vst v1  }
0x554: {  	v1 =	vld [tilespmem:s16+$0x420];
	_ =	sdelay $0x4  }
0x555: {  	[tilespmem:s3+$0x74A0] =	vst v1  }
0x556: {  	v1 =	vld [tilespmem:s16+$0x430];
	_ =	sdelay $0x4  }
0x557: {  	[tilespmem:s3+$0x74B0] =	vst v1  }
0x558: {  	v1 =	vld [tilespmem:s16+$0x440];
	_ =	sdelay $0x4  }
0x559: {  	[tilespmem:s3+$0x74C0] =	vst v1  }
0x55a: {  	v1 =	vld [tilespmem:s16+$0x450];
	_ =	sdelay $0x4  }
0x55b: {  	[tilespmem:s3+$0x74D0] =	vst v1  }
0x55c: {  	v1 =	vld [tilespmem:s16+$0x460];
	_ =	sdelay $0x4  }
0x55d: {  	[tilespmem:s3+$0x74E0] =	vst v1  }
0x55e: {  	v1 =	vld [tilespmem:s16+$0x470];
	_ =	sdelay $0x4  }
0x55f: {  	[tilespmem:s3+$0x74F0] =	vst v1  }
0x560: {  	v1 =	vld [tilespmem:s16+$0x600];
	_ =	sdelay $0x4  }
0x561: {  	[tilespmem:s3+$0x7880] =	vst v1  }
0x562: {  	v1 =	vld [tilespmem:s16+$0x610];
	_ =	sdelay $0x4  }
0x563: {  	[tilespmem:s3+$0x7890] =	vst v1  }
0x564: {  	v1 =	vld [tilespmem:s16+$0x620];
	_ =	sdelay $0x4  }
0x565: {  	[tilespmem:s3+$0x78A0] =	vst v1  }
0x566: {  	v1 =	vld [tilespmem:s16+$0x630];
	_ =	sdelay $0x4  }
0x567: {  	[tilespmem:s3+$0x78B0] =	vst v1  }
0x568: {  	v1 =	vld [tilespmem:s16+$0x640];
	_ =	sdelay $0x4  }
0x569: {  	[tilespmem:s3+$0x78C0] =	vst v1  }
0x56a: {  	v1 =	vld [tilespmem:s16+$0x650];
	_ =	sdelay $0x4  }
0x56b: {  	[tilespmem:s3+$0x78D0] =	vst v1  }
0x56c: {  	v1 =	vld [tilespmem:s16+$0x660];
	_ =	sdelay $0x4  }
0x56d: {  	[tilespmem:s3+$0x78E0] =	vst v1  }
0x56e: {  	v1 =	vld [tilespmem:s16+$0x670];
	_ =	sdelay $0x4  }
0x56f: {  	[tilespmem:s3+$0x78F0] =	vst v1  }
0x570: {  	v1 =	vld [tilespmem:s16+$0x800];
	_ =	sdelay $0x4  }
0x571: {  	[tilespmem:s3+$0x7C80] =	vst v1  }
0x572: {  	v1 =	vld [tilespmem:s16+$0x810];
	_ =	sdelay $0x4  }
0x573: {  	[tilespmem:s3+$0x7C90] =	vst v1  }
0x574: {  	v1 =	vld [tilespmem:s16+$0x820];
	_ =	sdelay $0x4  }
0x575: {  	[tilespmem:s3+$0x7CA0] =	vst v1  }
0x576: {  	v1 =	vld [tilespmem:s16+$0x830];
	_ =	sdelay $0x4  }
0x577: {  	[tilespmem:s3+$0x7CB0] =	vst v1  }
0x578: {  	v1 =	vld [tilespmem:s16+$0x840];
	_ =	sdelay $0x4  }
0x579: {  	[tilespmem:s3+$0x7CC0] =	vst v1  }
0x57a: {  	v1 =	vld [tilespmem:s16+$0x850];
	_ =	sdelay $0x4  }
0x57b: {  	[tilespmem:s3+$0x7CD0] =	vst v1  }
0x57c: {  	v1 =	vld [tilespmem:s16+$0x860];
	_ =	sdelay $0x4  }
0x57d: {  	[tilespmem:s3+$0x7CE0] =	vst v1  }
.Ltmp10:
0x57e: {  	v1 =	vld [tilespmem:s16+$0x870];
	(pc) =	sbr.rel @p1 .LBB2_20-.Ltmp10, $2  }
0x57f: {  	_ =	sdelay $0x2  }
0x580: {  	s8 =	sadd.s32 $0x1, s8;
	s16 =	sshll.u32 s6, $0xB  }
0x581: {  	s8 =	sand.u32 $0x3FFFF800, s16;
	[tilespmem:s3+$0x7CF0] =	vst v1  }
0x582: {  	v1 =	vld [tilespmem:s8+$0x80];
	_ =	sdelay $0x2  }
0x583: {  	s6 =	sshll.u32 s6, $0x7  }
0x584: {  	s3 =	sand.u32 $0x3FFFFF80, s6  }
0x585: {  	[tilespmem:s3+$0x4080] =	vst v1  }
0x586: {  	v1 =	vld [tilespmem:s8+$0x90];
	_ =	sdelay $0x4  }
0x587: {  	[tilespmem:s3+$0x4090] =	vst v1  }
0x588: {  	v1 =	vld [tilespmem:s8+$0xA0];
	_ =	sdelay $0x4  }
0x589: {  	[tilespmem:s3+$0x40A0] =	vst v1  }
0x58a: {  	v1 =	vld [tilespmem:s8+$0xB0];
	_ =	sdelay $0x4  }
0x58b: {  	[tilespmem:s3+$0x40B0] =	vst v1  }
0x58c: {  	v1 =	vld [tilespmem:s8+$0xC0];
	_ =	sdelay $0x4  }
0x58d: {  	[tilespmem:s3+$0x40C0] =	vst v1  }
0x58e: {  	v1 =	vld [tilespmem:s8+$0xD0];
	_ =	sdelay $0x4  }
0x58f: {  	[tilespmem:s3+$0x40D0] =	vst v1  }
0x590: {  	v1 =	vld [tilespmem:s8+$0xE0];
	_ =	sdelay $0x4  }
0x591: {  	[tilespmem:s3+$0x40E0] =	vst v1  }
0x592: {  	v1 =	vld [tilespmem:s8+$0xF0];
	_ =	sdelay $0x4  }
0x593: {  	[tilespmem:s3+$0x40F0] =	vst v1  }
0x594: {  	v1 =	vld [tilespmem:s8+$0x280];
	_ =	sdelay $0x4  }
0x595: {  	[tilespmem:s3+$0x4480] =	vst v1  }
0x596: {  	v1 =	vld [tilespmem:s8+$0x290];
	_ =	sdelay $0x4  }
0x597: {  	[tilespmem:s3+$0x4490] =	vst v1  }
0x598: {  	v1 =	vld [tilespmem:s8+$0x2A0];
	_ =	sdelay $0x4  }
0x599: {  	[tilespmem:s3+$0x44A0] =	vst v1  }
0x59a: {  	v1 =	vld [tilespmem:s8+$0x2B0];
	_ =	sdelay $0x4  }
0x59b: {  	[tilespmem:s3+$0x44B0] =	vst v1  }
0x59c: {  	v1 =	vld [tilespmem:s8+$0x2C0];
	_ =	sdelay $0x4  }
0x59d: {  	[tilespmem:s3+$0x44C0] =	vst v1  }
0x59e: {  	v1 =	vld [tilespmem:s8+$0x2D0];
	_ =	sdelay $0x4  }
0x59f: {  	[tilespmem:s3+$0x44D0] =	vst v1  }
0x5a0: {  	v1 =	vld [tilespmem:s8+$0x2E0];
	_ =	sdelay $0x4  }
0x5a1: {  	[tilespmem:s3+$0x44E0] =	vst v1  }
0x5a2: {  	v1 =	vld [tilespmem:s8+$0x2F0];
	_ =	sdelay $0x4  }
0x5a3: {  	[tilespmem:s3+$0x44F0] =	vst v1  }
0x5a4: {  	v1 =	vld [tilespmem:s8+$0x480];
	_ =	sdelay $0x4  }
0x5a5: {  	[tilespmem:s3+$0x4880] =	vst v1  }
0x5a6: {  	v1 =	vld [tilespmem:s8+$0x490];
	_ =	sdelay $0x4  }
0x5a7: {  	[tilespmem:s3+$0x4890] =	vst v1  }
0x5a8: {  	v1 =	vld [tilespmem:s8+$0x4A0];
	_ =	sdelay $0x4  }
0x5a9: {  	[tilespmem:s3+$0x48A0] =	vst v1  }
0x5aa: {  	v1 =	vld [tilespmem:s8+$0x4B0];
	_ =	sdelay $0x4  }
0x5ab: {  	[tilespmem:s3+$0x48B0] =	vst v1  }
0x5ac: {  	v1 =	vld [tilespmem:s8+$0x4C0];
	_ =	sdelay $0x4  }
0x5ad: {  	[tilespmem:s3+$0x48C0] =	vst v1  }
0x5ae: {  	v1 =	vld [tilespmem:s8+$0x4D0];
	_ =	sdelay $0x4  }
0x5af: {  	[tilespmem:s3+$0x48D0] =	vst v1  }
0x5b0: {  	v1 =	vld [tilespmem:s8+$0x4E0];
	_ =	sdelay $0x4  }
0x5b1: {  	[tilespmem:s3+$0x48E0] =	vst v1  }
0x5b2: {  	v1 =	vld [tilespmem:s8+$0x4F0];
	_ =	sdelay $0x4  }
0x5b3: {  	[tilespmem:s3+$0x48F0] =	vst v1  }
0x5b4: {  	v1 =	vld [tilespmem:s8+$0x680];
	_ =	sdelay $0x4  }
0x5b5: {  	[tilespmem:s3+$0x4C80] =	vst v1  }
0x5b6: {  	v1 =	vld [tilespmem:s8+$0x690];
	_ =	sdelay $0x4  }
0x5b7: {  	[tilespmem:s3+$0x4C90] =	vst v1  }
0x5b8: {  	v1 =	vld [tilespmem:s8+$0x6A0];
	_ =	sdelay $0x4  }
0x5b9: {  	[tilespmem:s3+$0x4CA0] =	vst v1  }
0x5ba: {  	v1 =	vld [tilespmem:s8+$0x6B0];
	_ =	sdelay $0x4  }
0x5bb: {  	[tilespmem:s3+$0x4CB0] =	vst v1  }
0x5bc: {  	v1 =	vld [tilespmem:s8+$0x6C0];
	_ =	sdelay $0x4  }
0x5bd: {  	[tilespmem:s3+$0x4CC0] =	vst v1  }
0x5be: {  	v1 =	vld [tilespmem:s8+$0x6D0];
	_ =	sdelay $0x4  }
0x5bf: {  	[tilespmem:s3+$0x4CD0] =	vst v1  }
0x5c0: {  	v1 =	vld [tilespmem:s8+$0x6E0];
	_ =	sdelay $0x4  }
0x5c1: {  	[tilespmem:s3+$0x4CE0] =	vst v1  }
0x5c2: {  	v1 =	vld [tilespmem:s8+$0x6F0];
	_ =	sdelay $0x4  }
0x5c3: {  	[tilespmem:s3+$0x4CF0] =	vst v1  }
0x5c4: {  	v1 =	vld [tilespmem:s8+$0x100];
	_ =	sdelay $0x4  }
0x5c5: {  	[tilespmem:s3+$0x5080] =	vst v1  }
0x5c6: {  	v1 =	vld [tilespmem:s8+$0x110];
	_ =	sdelay $0x4  }
0x5c7: {  	[tilespmem:s3+$0x5090] =	vst v1  }
0x5c8: {  	v1 =	vld [tilespmem:s8+$0x120];
	_ =	sdelay $0x4  }
0x5c9: {  	[tilespmem:s3+$0x50A0] =	vst v1  }
0x5ca: {  	v1 =	vld [tilespmem:s8+$0x130];
	_ =	sdelay $0x4  }
0x5cb: {  	[tilespmem:s3+$0x50B0] =	vst v1  }
0x5cc: {  	v1 =	vld [tilespmem:s8+$0x140];
	_ =	sdelay $0x4  }
0x5cd: {  	[tilespmem:s3+$0x50C0] =	vst v1  }
0x5ce: {  	v1 =	vld [tilespmem:s8+$0x150];
	_ =	sdelay $0x4  }
0x5cf: {  	[tilespmem:s3+$0x50D0] =	vst v1  }
0x5d0: {  	v1 =	vld [tilespmem:s8+$0x160];
	_ =	sdelay $0x4  }
0x5d1: {  	[tilespmem:s3+$0x50E0] =	vst v1  }
0x5d2: {  	v1 =	vld [tilespmem:s8+$0x170];
	_ =	sdelay $0x4  }
0x5d3: {  	[tilespmem:s3+$0x50F0] =	vst v1  }
0x5d4: {  	v1 =	vld [tilespmem:s8+$0x300];
	_ =	sdelay $0x4  }
0x5d5: {  	[tilespmem:s3+$0x5480] =	vst v1  }
0x5d6: {  	v1 =	vld [tilespmem:s8+$0x310];
	_ =	sdelay $0x4  }
0x5d7: {  	[tilespmem:s3+$0x5490] =	vst v1  }
0x5d8: {  	v1 =	vld [tilespmem:s8+$0x320];
	_ =	sdelay $0x4  }
0x5d9: {  	[tilespmem:s3+$0x54A0] =	vst v1  }
0x5da: {  	v1 =	vld [tilespmem:s8+$0x330];
	_ =	sdelay $0x4  }
0x5db: {  	[tilespmem:s3+$0x54B0] =	vst v1  }
0x5dc: {  	v1 =	vld [tilespmem:s8+$0x340];
	_ =	sdelay $0x4  }
0x5dd: {  	[tilespmem:s3+$0x54C0] =	vst v1  }
0x5de: {  	v1 =	vld [tilespmem:s8+$0x350];
	_ =	sdelay $0x4  }
0x5df: {  	[tilespmem:s3+$0x54D0] =	vst v1  }
0x5e0: {  	v1 =	vld [tilespmem:s8+$0x360];
	_ =	sdelay $0x4  }
0x5e1: {  	[tilespmem:s3+$0x54E0] =	vst v1  }
0x5e2: {  	v1 =	vld [tilespmem:s8+$0x370];
	_ =	sdelay $0x4  }
0x5e3: {  	[tilespmem:s3+$0x54F0] =	vst v1  }
0x5e4: {  	v1 =	vld [tilespmem:s8+$0x500];
	_ =	sdelay $0x4  }
0x5e5: {  	[tilespmem:s3+$0x5880] =	vst v1  }
0x5e6: {  	v1 =	vld [tilespmem:s8+$0x510];
	_ =	sdelay $0x4  }
0x5e7: {  	[tilespmem:s3+$0x5890] =	vst v1  }
0x5e8: {  	v1 =	vld [tilespmem:s8+$0x520];
	_ =	sdelay $0x4  }
0x5e9: {  	[tilespmem:s3+$0x58A0] =	vst v1  }
0x5ea: {  	v1 =	vld [tilespmem:s8+$0x530];
	_ =	sdelay $0x4  }
0x5eb: {  	[tilespmem:s3+$0x58B0] =	vst v1  }
0x5ec: {  	v1 =	vld [tilespmem:s8+$0x540];
	_ =	sdelay $0x4  }
0x5ed: {  	[tilespmem:s3+$0x58C0] =	vst v1  }
0x5ee: {  	v1 =	vld [tilespmem:s8+$0x550];
	_ =	sdelay $0x4  }
0x5ef: {  	[tilespmem:s3+$0x58D0] =	vst v1  }
0x5f0: {  	v1 =	vld [tilespmem:s8+$0x560];
	_ =	sdelay $0x4  }
0x5f1: {  	[tilespmem:s3+$0x58E0] =	vst v1  }
0x5f2: {  	v1 =	vld [tilespmem:s8+$0x570];
	_ =	sdelay $0x4  }
0x5f3: {  	[tilespmem:s3+$0x58F0] =	vst v1  }
0x5f4: {  	v1 =	vld [tilespmem:s8+$0x700];
	_ =	sdelay $0x4  }
0x5f5: {  	[tilespmem:s3+$0x5C80] =	vst v1  }
0x5f6: {  	v1 =	vld [tilespmem:s8+$0x710];
	_ =	sdelay $0x4  }
0x5f7: {  	[tilespmem:s3+$0x5C90] =	vst v1  }
0x5f8: {  	v1 =	vld [tilespmem:s8+$0x720];
	_ =	sdelay $0x4  }
0x5f9: {  	[tilespmem:s3+$0x5CA0] =	vst v1  }
0x5fa: {  	v1 =	vld [tilespmem:s8+$0x730];
	_ =	sdelay $0x4  }
0x5fb: {  	[tilespmem:s3+$0x5CB0] =	vst v1  }
0x5fc: {  	v1 =	vld [tilespmem:s8+$0x740];
	_ =	sdelay $0x4  }
0x5fd: {  	[tilespmem:s3+$0x5CC0] =	vst v1  }
0x5fe: {  	v1 =	vld [tilespmem:s8+$0x750];
	_ =	sdelay $0x4  }
0x5ff: {  	[tilespmem:s3+$0x5CD0] =	vst v1  }
0x600: {  	v1 =	vld [tilespmem:s8+$0x760];
	_ =	sdelay $0x4  }
0x601: {  	[tilespmem:s3+$0x5CE0] =	vst v1  }
0x602: {  	v1 =	vld [tilespmem:s8+$0x770];
	_ =	sdelay $0x4  }
0x603: {  	[tilespmem:s3+$0x5CF0] =	vst v1  }
0x604: {  	v1 =	vld [tilespmem:s8+$0x180];
	_ =	sdelay $0x4  }
0x605: {  	[tilespmem:s3+$0x6080] =	vst v1  }
0x606: {  	v1 =	vld [tilespmem:s8+$0x190];
	_ =	sdelay $0x4  }
0x607: {  	[tilespmem:s3+$0x6090] =	vst v1  }
0x608: {  	v1 =	vld [tilespmem:s8+$0x1A0];
	_ =	sdelay $0x4  }
0x609: {  	[tilespmem:s3+$0x60A0] =	vst v1  }
0x60a: {  	v1 =	vld [tilespmem:s8+$0x1B0];
	_ =	sdelay $0x4  }
0x60b: {  	[tilespmem:s3+$0x60B0] =	vst v1  }
0x60c: {  	v1 =	vld [tilespmem:s8+$0x1C0];
	_ =	sdelay $0x4  }
0x60d: {  	[tilespmem:s3+$0x60C0] =	vst v1  }
0x60e: {  	v1 =	vld [tilespmem:s8+$0x1D0];
	_ =	sdelay $0x4  }
0x60f: {  	[tilespmem:s3+$0x60D0] =	vst v1  }
0x610: {  	v1 =	vld [tilespmem:s8+$0x1E0];
	_ =	sdelay $0x4  }
0x611: {  	[tilespmem:s3+$0x60E0] =	vst v1  }
0x612: {  	v1 =	vld [tilespmem:s8+$0x1F0];
	_ =	sdelay $0x4  }
0x613: {  	[tilespmem:s3+$0x60F0] =	vst v1  }
0x614: {  	v1 =	vld [tilespmem:s8+$0x380];
	_ =	sdelay $0x4  }
0x615: {  	[tilespmem:s3+$0x6480] =	vst v1  }
0x616: {  	v1 =	vld [tilespmem:s8+$0x390];
	_ =	sdelay $0x4  }
0x617: {  	[tilespmem:s3+$0x6490] =	vst v1  }
0x618: {  	v1 =	vld [tilespmem:s8+$0x3A0];
	_ =	sdelay $0x4  }
0x619: {  	[tilespmem:s3+$0x64A0] =	vst v1  }
0x61a: {  	v1 =	vld [tilespmem:s8+$0x3B0];
	_ =	sdelay $0x4  }
0x61b: {  	[tilespmem:s3+$0x64B0] =	vst v1  }
0x61c: {  	v1 =	vld [tilespmem:s8+$0x3C0];
	_ =	sdelay $0x4  }
0x61d: {  	[tilespmem:s3+$0x64C0] =	vst v1  }
0x61e: {  	v1 =	vld [tilespmem:s8+$0x3D0];
	_ =	sdelay $0x4  }
0x61f: {  	[tilespmem:s3+$0x64D0] =	vst v1  }
0x620: {  	v1 =	vld [tilespmem:s8+$0x3E0];
	_ =	sdelay $0x4  }
0x621: {  	[tilespmem:s3+$0x64E0] =	vst v1  }
0x622: {  	v1 =	vld [tilespmem:s8+$0x3F0];
	_ =	sdelay $0x4  }
0x623: {  	[tilespmem:s3+$0x64F0] =	vst v1  }
0x624: {  	v1 =	vld [tilespmem:s8+$0x580];
	_ =	sdelay $0x4  }
0x625: {  	[tilespmem:s3+$0x6880] =	vst v1  }
0x626: {  	v1 =	vld [tilespmem:s8+$0x590];
	_ =	sdelay $0x4  }
0x627: {  	[tilespmem:s3+$0x6890] =	vst v1  }
0x628: {  	v1 =	vld [tilespmem:s8+$0x5A0];
	_ =	sdelay $0x4  }
0x629: {  	[tilespmem:s3+$0x68A0] =	vst v1  }
0x62a: {  	v1 =	vld [tilespmem:s8+$0x5B0];
	_ =	sdelay $0x4  }
0x62b: {  	[tilespmem:s3+$0x68B0] =	vst v1  }
0x62c: {  	v1 =	vld [tilespmem:s8+$0x5C0];
	_ =	sdelay $0x4  }
0x62d: {  	[tilespmem:s3+$0x68C0] =	vst v1  }
0x62e: {  	v1 =	vld [tilespmem:s8+$0x5D0];
	_ =	sdelay $0x4  }
0x62f: {  	[tilespmem:s3+$0x68D0] =	vst v1  }
0x630: {  	v1 =	vld [tilespmem:s8+$0x5E0];
	_ =	sdelay $0x4  }
0x631: {  	[tilespmem:s3+$0x68E0] =	vst v1  }
0x632: {  	v1 =	vld [tilespmem:s8+$0x5F0];
	_ =	sdelay $0x4  }
0x633: {  	[tilespmem:s3+$0x68F0] =	vst v1  }
0x634: {  	v1 =	vld [tilespmem:s8+$0x780];
	_ =	sdelay $0x4  }
0x635: {  	[tilespmem:s3+$0x6C80] =	vst v1  }
0x636: {  	v1 =	vld [tilespmem:s8+$0x790];
	_ =	sdelay $0x4  }
0x637: {  	[tilespmem:s3+$0x6C90] =	vst v1  }
0x638: {  	v1 =	vld [tilespmem:s8+$0x7A0];
	_ =	sdelay $0x4  }
0x639: {  	[tilespmem:s3+$0x6CA0] =	vst v1  }
0x63a: {  	v1 =	vld [tilespmem:s8+$0x7B0];
	_ =	sdelay $0x4  }
0x63b: {  	[tilespmem:s3+$0x6CB0] =	vst v1  }
0x63c: {  	v1 =	vld [tilespmem:s8+$0x7C0];
	_ =	sdelay $0x4  }
0x63d: {  	[tilespmem:s3+$0x6CC0] =	vst v1  }
0x63e: {  	v1 =	vld [tilespmem:s8+$0x7D0];
	_ =	sdelay $0x4  }
0x63f: {  	[tilespmem:s3+$0x6CD0] =	vst v1  }
0x640: {  	v1 =	vld [tilespmem:s8+$0x7E0];
	_ =	sdelay $0x4  }
0x641: {  	[tilespmem:s3+$0x6CE0] =	vst v1  }
0x642: {  	v1 =	vld [tilespmem:s8+$0x7F0];
	_ =	sdelay $0x4  }
0x643: {  	[tilespmem:s3+$0x6CF0] =	vst v1  }
0x644: {  	v1 =	vld [tilespmem:s8+$0x200];
	_ =	sdelay $0x4  }
0x645: {  	[tilespmem:s3+$0x7080] =	vst v1  }
0x646: {  	v1 =	vld [tilespmem:s8+$0x210];
	_ =	sdelay $0x4  }
0x647: {  	[tilespmem:s3+$0x7090] =	vst v1  }
0x648: {  	v1 =	vld [tilespmem:s8+$0x220];
	_ =	sdelay $0x4  }
0x649: {  	[tilespmem:s3+$0x70A0] =	vst v1  }
0x64a: {  	v1 =	vld [tilespmem:s8+$0x230];
	_ =	sdelay $0x4  }
0x64b: {  	[tilespmem:s3+$0x70B0] =	vst v1  }
0x64c: {  	v1 =	vld [tilespmem:s8+$0x240];
	_ =	sdelay $0x4  }
0x64d: {  	[tilespmem:s3+$0x70C0] =	vst v1  }
0x64e: {  	v1 =	vld [tilespmem:s8+$0x250];
	_ =	sdelay $0x4  }
0x64f: {  	[tilespmem:s3+$0x70D0] =	vst v1  }
0x650: {  	v1 =	vld [tilespmem:s8+$0x260];
	_ =	sdelay $0x4  }
0x651: {  	[tilespmem:s3+$0x70E0] =	vst v1  }
0x652: {  	v1 =	vld [tilespmem:s8+$0x270];
	_ =	sdelay $0x4  }
0x653: {  	[tilespmem:s3+$0x70F0] =	vst v1  }
0x654: {  	v1 =	vld [tilespmem:s8+$0x400];
	_ =	sdelay $0x4  }
0x655: {  	[tilespmem:s3+$0x7480] =	vst v1  }
0x656: {  	v1 =	vld [tilespmem:s8+$0x410];
	_ =	sdelay $0x4  }
0x657: {  	[tilespmem:s3+$0x7490] =	vst v1  }
0x658: {  	v1 =	vld [tilespmem:s8+$0x420];
	_ =	sdelay $0x4  }
0x659: {  	[tilespmem:s3+$0x74A0] =	vst v1  }
0x65a: {  	v1 =	vld [tilespmem:s8+$0x430];
	_ =	sdelay $0x4  }
0x65b: {  	[tilespmem:s3+$0x74B0] =	vst v1  }
0x65c: {  	v1 =	vld [tilespmem:s8+$0x440];
	_ =	sdelay $0x4  }
0x65d: {  	[tilespmem:s3+$0x74C0] =	vst v1  }
0x65e: {  	v1 =	vld [tilespmem:s8+$0x450];
	_ =	sdelay $0x4  }
0x65f: {  	[tilespmem:s3+$0x74D0] =	vst v1  }
0x660: {  	v1 =	vld [tilespmem:s8+$0x460];
	_ =	sdelay $0x4  }
0x661: {  	[tilespmem:s3+$0x74E0] =	vst v1  }
0x662: {  	v1 =	vld [tilespmem:s8+$0x470];
	_ =	sdelay $0x4  }
0x663: {  	[tilespmem:s3+$0x74F0] =	vst v1  }
0x664: {  	v1 =	vld [tilespmem:s8+$0x600];
	_ =	sdelay $0x4  }
0x665: {  	[tilespmem:s3+$0x7880] =	vst v1  }
0x666: {  	v1 =	vld [tilespmem:s8+$0x610];
	_ =	sdelay $0x4  }
0x667: {  	[tilespmem:s3+$0x7890] =	vst v1  }
0x668: {  	v1 =	vld [tilespmem:s8+$0x620];
	_ =	sdelay $0x4  }
0x669: {  	[tilespmem:s3+$0x78A0] =	vst v1  }
0x66a: {  	v1 =	vld [tilespmem:s8+$0x630];
	_ =	sdelay $0x4  }
0x66b: {  	[tilespmem:s3+$0x78B0] =	vst v1  }
0x66c: {  	v1 =	vld [tilespmem:s8+$0x640];
	_ =	sdelay $0x4  }
0x66d: {  	[tilespmem:s3+$0x78C0] =	vst v1  }
0x66e: {  	v1 =	vld [tilespmem:s8+$0x650];
	_ =	sdelay $0x4  }
0x66f: {  	[tilespmem:s3+$0x78D0] =	vst v1  }
0x670: {  	v1 =	vld [tilespmem:s8+$0x660];
	_ =	sdelay $0x4  }
0x671: {  	[tilespmem:s3+$0x78E0] =	vst v1  }
0x672: {  	v1 =	vld [tilespmem:s8+$0x670];
	_ =	sdelay $0x4  }
0x673: {  	[tilespmem:s3+$0x78F0] =	vst v1  }
0x674: {  	v1 =	vld [tilespmem:s8+$0x800];
	_ =	sdelay $0x4  }
0x675: {  	[tilespmem:s3+$0x7C80] =	vst v1  }
0x676: {  	v1 =	vld [tilespmem:s8+$0x810];
	_ =	sdelay $0x4  }
0x677: {  	[tilespmem:s3+$0x7C90] =	vst v1  }
0x678: {  	v1 =	vld [tilespmem:s8+$0x820];
	_ =	sdelay $0x4  }
0x679: {  	[tilespmem:s3+$0x7CA0] =	vst v1  }
0x67a: {  	v1 =	vld [tilespmem:s8+$0x830];
	_ =	sdelay $0x4  }
0x67b: {  	[tilespmem:s3+$0x7CB0] =	vst v1  }
0x67c: {  	v1 =	vld [tilespmem:s8+$0x840];
	_ =	sdelay $0x4  }
0x67d: {  	[tilespmem:s3+$0x7CC0] =	vst v1  }
0x67e: {  	v1 =	vld [tilespmem:s8+$0x850];
	_ =	sdelay $0x4  }
0x67f: {  	[tilespmem:s3+$0x7CD0] =	vst v1  }
0x680: {  	v1 =	vld [tilespmem:s8+$0x860];
	_ =	sdelay $0x4  }
0x681: {  	[tilespmem:s3+$0x7CE0] =	vst v1  }
0x682: {  	v1 =	vld [tilespmem:s8+$0x870];
	_ =	sdelay $0x2  }
0x683: {  	s0 =	sadd.s32 s7, s0  }
0x684: {  	s8 =	sshll.u32 s0, $0x8  }
0x685: {  	s16 =	sadd.s32 s4, s8;
	[tilespmem:s3+$0x7CF0] =	vst v1  }
0x686: {  	[hbm4b:s16+s5] =	stream.linear.scatter [tilespmem:s24], [sflag:$0x2], $0x4000, $0x38;
	[tilespmem:$0x18880] =	vst v63  }
0x687: {  	s0 =	sshll.u32 s0, $0x6;
	_ =	swait.ge [sflag:s20], $0x4000  }
0x688: {  	s6 =	sor.u32 $0x140000, s0;
	[sflag:s20] =	ssyncset.done $0x0  }
0x689: {  	s3 =	sadd.s32 s2, s6;
	[sflag:s20] =	ssyncadd.s32 $0xFFFFC000  }
0x68a: {  	[hbm4b:s3+s5] =	stream.linear.scatter [tilespmem:s24], [sflag:$0x2], $0x1000, $0x38;
	[tilespmem:$0x18880] =	vst v63  }
0x68b: {  	_ =	swait.ge [sflag:s20], $0x1000  }
0x68c: {  	s8 =	sor.u32 $0x180000, s0;
	[sflag:s20] =	ssyncset.done $0x0  }
0x68d: {  	s3 =	sadd.s32 s2, s8;
	[sflag:s20] =	ssyncadd.s32 $0xFFFFF000  }
0x68e: {  	[hbm4b:s3+s5] =	stream.linear.scatter [tilespmem:s25], [sflag:$0x2], $0x1000, $0x38;
	[tilespmem:$0x18880] =	vst v63  }
0x68f: {  	_ =	swait.ge [sflag:s20], $0x1000  }
0x690: {  	s16 =	sor.u32 $0x1C0000, s0;
	[sflag:s20] =	ssyncset.done $0x0  }
0x691: {  	s3 =	sadd.s32 s2, s16;
	[sflag:s20] =	ssyncadd.s32 $0xFFFFF000  }
0x692: {  	[hbm4b:s3+s5] =	stream.linear.scatter [tilespmem:s26], [sflag:$0x2], $0x1000, $0x38;
	[tilespmem:$0x18880] =	vst v63  }
0x693: {  	s31 =	sadd.s32 $0x1, s31;
	_ =	swait.ge [sflag:s20], $0x1000  }
0x694: {  	p1 =	sne.s32 s31, $0x10;
	[sflag:s20] =	ssyncset.done $0x0  }
.Ltmp11:
0x695: {  	s0 =	sadd.s32 s0, s15;
	[sflag:s20] =	ssyncadd.s32 $0xFFFFF000;
	(pc) =	sbr.rel @p1 .LBB2_19-.Ltmp11, $4  }
0x696: {  	[hbm4b:s0+s5] =	stream.linear.scatter [tilespmem:s28], [sflag:$0x2], $0x1000, $0x38;
	[tilespmem:$0x18880] =	vst v63  }
0x697: {  	_ =	swait.ge [sflag:s20], $0x1000  }
0x698: {  	[sflag:s20] =	ssyncset.done $0x0  }
0x699: {  	[sflag:s20] =	ssyncadd.s32 $0xFFFFF000  }
0x69a: {  	s29 =	sadd.s32 $0x1, s29;
	s0 =	rddreg [dreg:$0x8]  }
0x69b: {  	p1 =	sne.s32 s29, s0  }
.Ltmp12:
0x69c: {  	_ = 	snop;
	(pc) =	sbr.rel @p1 .LBB2_1-.Ltmp12, $4  }
.Ltmp13:
0x69d: {  	_ = 	snop;
	(pc) =	sbr.rel @!p1 .LBB2_23-.Ltmp13, $4  }
0x69e: {  	_ = 	snop  }
0x69f: {  	_ = 	snop  }
0x6a0: {  	_ = 	snop  }
0x6a1: {  	_ = 	snop  }
.LBB2_6:
.Ltmp14:
0x6a2: {  	(pc) =	sbr.rel .LBB2_10-.Ltmp14, $2  }
0x6a3: {  	_ =	sdelay $0x2  }
0x6a4: {  	s6 =	simm.s32 $0x0;
	s3 =	simm.s32 $0x0  }
.LBB2_8:
.Ltmp15:
0x6a5: {  	(pc) =	sbr.rel .LBB2_10-.Ltmp15, $2  }
0x6a6: {  	_ =	sdelay $0x2  }
0x6a7: {  	s6 =	simm.s32 $0x0  }
.LBB2_23:
0x6a8: {  	_ =	sfence.sel $0x180000  }
0x6a9: {  	[bflag:$0x0] =	sbarrier.arrive $0xFFFF  }
0x6aa: {  	_ =	strace $0x90000047  }
0x6ab: {  	s0 =	stileid.u32;
	[bflag:$0x2] =	sbarrier.arrive $0xFFFF  }
0x6ac: {  	p0 =	sne.s32 s0, $0x0;
	s0 =	rddreg [dreg:$0x5]  }
0x6ad: {  	s0 =	sadd.s32 @!p0 $0x100000, s0  }
0x6ae: {  	[sflag:s0] =	ssyncadd.tile.s32 @!p0 $0x1;
	_ =	shalt  }
.Lfunc_end2:
_tile_overlayer_lowered:
.L_overlay_start_2:
0x6af: {  	(tag) =	ssettag $0x2  }
0x6b0: {  	s0 =	rddreg [dreg:$0x0];
	s2 =	stileid.u32  }
0x6b1: {  	s1 =	rddreg [dreg:$0x1];
	p0 =	sne.s32 s2, $0x0  }
0x6b2: {  	s3 =	rddreg [dreg:$0x2];
	[bflag:$0x3] =	sbarrier.arrive $0xFFFF;
	s2 =	simm.s32 @!p0 $0x1C02  }
0x6b3: {  	[timem:s3], [sflag:s2] =	dma.local @!p0 [hbm:s0], s1  }
0x6b4: {  	s0 =	simm.s32 @!p0 $0x2  }
0x6b5: {  	_ =	swait.ge @!p0 [sflag:s0], s1  }
0x6b6: {  	s1 =	ssub.s32 @!p0 $0x0, s1;
	[sflag:s0] =	ssyncset.done @!p0 $0x0  }
0x6b7: {  	[sflag:s0] =	ssyncadd.s32 @!p0 s1  }
0x6b8: {  	[bflag:$0x3] =	sbarrier.arrive $0xFFFF  }
0x6b9: {  	_ =	shalt  }

</sc_bundles>
